<compile_context>
chip_gen: v7x
topology: tpu7x:2x2x1
jax: 0.10.2.dev20260603
libtpu: 0.0.44.dev20260713+nightly
codegen_flags: <defaults>
</compile_context>

<pallas_src>
import jax
import jax.numpy as jnp
from jax import lax
from jax.experimental import pallas as pl
from jax.experimental.pallas import tpu as pltpu
from jax.experimental.pallas import tpu_sc as plsc

NN = 10000
EE = 320000
DIN = 70
HH = 128
HC = HH // 2
GG = 256

NC = 2
NS = 16
NP = 10240
RPS = NP // NS
EPW = 20480
EP = NS * EPW
CHUNK = 128
NCH = EPW // CHUNK
KB2 = 2
NR = NCH // KB2
DEGW = 16

BM = 1280
GRID = NP // BM

_MESH = plsc.VectorSubcoreMesh(core_axis_name="c", subcore_axis_name="s",
                               num_cores=NC, num_subcores=NS)
_SC_PARAMS = pltpu.CompilerParams(use_tc_tiling_on_sc=False)
_PREC = lax.Precision.DEFAULT



def _sc_deg_body(eidx, zeros_d, ones_d, out, dst_v, ones_v, acc):
    cid = lax.axis_index("c")
    sid = lax.axis_index("s")
    pltpu.sync_copy(zeros_d, acc.at[pl.ds(sid * RPS, RPS)])
    pltpu.sync_copy(ones_d, ones_v)
    pltpu.sync_copy(eidx.at[1, sid], dst_v)
    plsc.subcore_barrier()

    def body(j, c):
        pltpu.sync_copy(ones_v, acc.at[dst_v.at[j]], add=True)
        return c

    lax.fori_loop(cid * (NR // 2), (cid + 1) * (NR // 2), body, 0)
    plsc.subcore_barrier()

    @pl.when(cid == 0)
    def _():
        pltpu.sync_copy(acc.at[pl.ds(sid * RPS, RPS)],
                        out.at[pl.ds(sid * RPS, RPS), pl.ds(0, DEGW)])

    @pl.when(cid == 1)
    def _():
        pltpu.sync_copy(acc.at[pl.ds(sid * RPS, RPS)],
                        out.at[pl.ds(sid * RPS, RPS), pl.ds(DEGW, DEGW)])


_sc_deg = pl.kernel(
    _sc_deg_body,
    out_type=jax.ShapeDtypeStruct((NP, HH), jnp.float32),
    mesh=_MESH,
    compiler_params=_SC_PARAMS,
    scratch_types=[
        pltpu.VMEM((NR, KB2 * CHUNK), jnp.int32),
        pltpu.VMEM((KB2 * CHUNK, DEGW), jnp.float32),
        pltpu.VMEM_SHARED((NP, DEGW), jnp.float32),
    ],
)


def _sc_gs_body(ht, eidx, zeros_c, out, *scratch):
    sidx, didx = scratch[0], scratch[1]
    rows = scratch[2:4]
    tsh = scratch[4]
    acc = scratch[5]
    gsems = scratch[6:8]
    ssems = scratch[8:10]
    isems = scratch[10:14]
    cid = lax.axis_index("c")
    sid = lax.axis_index("s")

    pltpu.sync_copy(zeros_c, acc.at[pl.ds(sid * RPS, RPS)])

    @pl.when(cid == 0)
    def _():
        pltpu.sync_copy(ht.at[pl.ds(sid * RPS, RPS), pl.ds(0, HC)],
                        tsh.at[pl.ds(sid * RPS, RPS)])

    @pl.when(cid == 1)
    def _():
        pltpu.sync_copy(ht.at[pl.ds(sid * RPS, RPS), pl.ds(HC, HC)],
                        tsh.at[pl.ds(sid * RPS, RPS)])

    plsc.subcore_barrier()

    def prefetch(r, slot):
        pltpu.async_copy(eidx.at[0, sid, r], sidx.at[slot], isems[slot])
        pltpu.async_copy(eidx.at[1, sid, r], didx.at[slot], isems[slot])

    def wait_idx(r, slot):
        pltpu.make_async_copy(eidx.at[0, sid, r], sidx.at[slot],
                              isems[slot]).wait()
        pltpu.make_async_copy(eidx.at[1, sid, r], didx.at[slot],
                              isems[slot]).wait()

    prefetch(0, 0)
    prefetch(1, 1)

    def body(q, c):
        for rr in range(4):
            r = q * 4 + rr
            p = rr % 2
            pslot = (rr + 2) % 4
            @pl.when(r >= 2)
            def _():
                pltpu.make_async_copy(rows[p], acc.at[didx.at[pslot]],
                                      ssems[p]).wait()

            @pl.when(r + 2 < NR)
            def _():
                prefetch(r + 2, pslot)

            wait_idx(r, rr)
            pltpu.async_copy(tsh.at[sidx.at[rr]], rows[p], gsems[p])
            pltpu.make_async_copy(tsh.at[sidx.at[rr]], rows[p],
                                  gsems[p]).wait()
            pltpu.async_copy(rows[p], acc.at[didx.at[rr]], ssems[p],
                             add=True)
        return c

    lax.fori_loop(0, NR // 4, body, 0)
    for rr in (NR - 2) % 4, (NR - 1) % 4:
        p = rr % 2
        pltpu.make_async_copy(rows[p], acc.at[didx.at[rr]],
                              ssems[p]).wait()
    plsc.subcore_barrier()

    @pl.when(cid == 0)
    def _():
        pltpu.sync_copy(acc.at[pl.ds(sid * RPS, RPS)],
                        out.at[pl.ds(sid * RPS, RPS), pl.ds(0, HC)])

    @pl.when(cid == 1)
    def _():
        pltpu.sync_copy(acc.at[pl.ds(sid * RPS, RPS)],
                        out.at[pl.ds(sid * RPS, RPS), pl.ds(HC, HC)])


_sc_gs = pl.kernel(
    _sc_gs_body,
    out_type=jax.ShapeDtypeStruct((NP, HH), jnp.float32),
    mesh=_MESH,
    compiler_params=_SC_PARAMS,
    scratch_types=(
        [pltpu.VMEM((4, KB2 * CHUNK), jnp.int32),
         pltpu.VMEM((4, KB2 * CHUNK), jnp.int32)]
        + [pltpu.VMEM((KB2 * CHUNK, HC), jnp.float32) for _ in range(2)]
        + [pltpu.VMEM_SHARED((NP, HC), jnp.float32),
           pltpu.VMEM_SHARED((NP, HC), jnp.float32)]
        + [pltpu.SemaphoreType.DMA for _ in range(8)]
    ),
)



def _tc_pad_body(ei_ref, out_ref):
    out_ref[:, :EE] = ei_ref[...]
    out_ref[:, EE:] = jnp.full((2, EP - EE), NN, jnp.int32)


_tc_pad = pl.pallas_call(
    _tc_pad_body,
    out_shape=jax.ShapeDtypeStruct((2, EP), jnp.int32),
)


def _dinv_block(deg_ref):
    return lax.rsqrt(1.0 + deg_ref[:, 0:1] + deg_ref[:, DEGW:DEGW + 1])


def _tc_m_body(x_ref, w0_ref, b0_ref, w1_ref, b1_ref, out_ref):
    h0 = jnp.dot(x_ref[...], w0_ref[...], precision=_PREC,
                 preferred_element_type=jnp.float32) + b0_ref[...]
    out_ref[...] = (jnp.dot(h0, w1_ref[...], precision=_PREC,
                            preferred_element_type=jnp.float32)
                    + b1_ref[...])


def _tc_scale_body(h_ref, deg_ref, out_ref):
    out_ref[...] = _dinv_block(deg_ref) * h_ref[...]


def _tc_b_body(s_ref, ht_ref, deg_ref, w_ref, b_ref, out_ref):
    dinv = _dinv_block(deg_ref)
    t = jnp.maximum(dinv * (s_ref[...] + ht_ref[...]), 0.0)
    out_ref[...] = dinv * (jnp.dot(t, w_ref[...], precision=_PREC,
                                   preferred_element_type=jnp.float32)
                           + b_ref[...])


def _tc_c_body(s_ref, ht_ref, deg_ref, batch_ref, out_ref):
    dinv = _dinv_block(deg_ref)
    agg = jnp.where(batch_ref[...] < GG,
                    dinv * (s_ref[...] + ht_ref[...]), 0.0)
    onehot = (batch_ref[...] ==
              lax.broadcasted_iota(jnp.int32, (BM, GG), 1)).astype(jnp.float32)
    contrib = lax.dot_general(onehot, agg, (((0,), (0,)), ((), ())),
                              precision=_PREC,
                              preferred_element_type=jnp.float32)

    @pl.when(pl.program_id(0) == 0)
    def _():
        out_ref[...] = jnp.zeros_like(out_ref)

    out_ref[...] += contrib


_rows_spec = pl.BlockSpec((BM, HH), lambda i: (i, 0))
_x_spec = pl.BlockSpec((BM, DIN), lambda i: (i, 0))
_w0_spec = pl.BlockSpec((DIN, HH), lambda i: (0, 0))
_w_spec = pl.BlockSpec((HH, HH), lambda i: (0, 0))
_b_spec = pl.BlockSpec((1, HH), lambda i: (0, 0))
_batch_spec = pl.BlockSpec((BM, 1), lambda i: (i, 0))
_rows_shape = jax.ShapeDtypeStruct((NP, HH), jnp.float32)

_tc_m = pl.pallas_call(
    _tc_m_body,
    grid=(GRID,),
    in_specs=[_x_spec, _w0_spec, _b_spec, _w_spec, _b_spec],
    out_specs=_rows_spec,
    out_shape=_rows_shape,
)

_tc_scale = pl.pallas_call(
    _tc_scale_body,
    grid=(GRID,),
    in_specs=[_rows_spec, _rows_spec],
    out_specs=_rows_spec,
    out_shape=_rows_shape,
)

_tc_b = pl.pallas_call(
    _tc_b_body,
    grid=(GRID,),
    in_specs=[_rows_spec, _rows_spec, _rows_spec, _w_spec, _b_spec],
    out_specs=_rows_spec,
    out_shape=_rows_shape,
)

_tc_c = pl.pallas_call(
    _tc_c_body,
    grid=(GRID,),
    in_specs=[_rows_spec, _rows_spec, _rows_spec, _batch_spec],
    out_specs=pl.BlockSpec((GG, HH), lambda i: (0, 0)),
    out_shape=jax.ShapeDtypeStruct((GG, HH), jnp.float32),
)



def kernel(x, edge_index, batch, W0, b0, W1, b1, W2, b2, W3, b3):
    f32 = jnp.float32
    b0r = b0.reshape(1, HH)
    b1r = b1.reshape(1, HH)
    b2r = b2.reshape(1, HH)
    b3r = b3.reshape(1, HH)

    e4 = _tc_pad(edge_index).reshape(2, NS, NR, KB2 * CHUNK)
    batchp = jnp.concatenate(
        [batch, jnp.full((NP - NN,), GG, jnp.int32)]).reshape(NP, 1)

    zeros_c = jnp.zeros((RPS, HC), f32)
    zeros_d = jnp.zeros((RPS, DEGW), f32)
    ones_d = jnp.ones((KB2 * CHUNK, DEGW), f32)

    deg2 = _sc_deg(e4, zeros_d, ones_d)
    hh1 = _tc_m(x, W0, b0r, W1, b1r)
    ht1 = _tc_scale(hh1, deg2)
    s1 = _sc_gs(ht1, e4, zeros_c)
    ht2 = _tc_b(s1, ht1, deg2, W2, b2r)
    s2 = _sc_gs(ht2, e4, zeros_c)
    ht3 = _tc_b(s2, ht2, deg2, W3, b3r)
    s3 = _sc_gs(ht3, e4, zeros_c)
    pooled = _tc_c(s3, ht3, deg2, batchp)
    return pooled

# --- scband reference (transcript-rebuilt; emitter-appended) ---
"""Pipeline reference for scband-interaction-predictor-274877907002 (READ-ONLY COPY).

The authoritative reference and input builder live on the scoring server;
editing this copy changes nothing except your own understanding.
"""

import jax, jax.numpy as jnp
import numpy as np

N = 10000
E = 320000
D_IN = 70
H = 128
L = 3
G = 256


def setup_inputs(seed: int = 0) -> dict:
    key = jax.random.key(seed)
    ks = jax.random.split(key, 4 + 2 * (L + 1))
    x = jax.random.normal(ks[0], (N, D_IN), dtype=jnp.float32)
    edge_index = jax.random.randint(ks[1], (2, E), 0, N, dtype=jnp.int32)
    batch = jnp.sort(jax.random.randint(ks[2], (N,), 0, G, dtype=jnp.int32))
    # node_fc: Linear(num_node_feats, hidden_dim)
    W0 = jax.random.normal(ks[3], (D_IN, H), dtype=jnp.float32) * (1.0 / np.sqrt(D_IN))
    b0 = jnp.zeros((H,), dtype=jnp.float32)
    params = {"W0": W0, "b0": b0}
    # GCN layers: Linear(hidden_dim, hidden_dim) each
    for i in range(L):
        params[f"W{i+1}"] = jax.random.normal(ks[4 + 2 * i], (H, H), dtype=jnp.float32) * (1.0 / np.sqrt(H))
        params[f"b{i+1}"] = jnp.zeros((H,), dtype=jnp.float32)
    out = {"x": x, "edge_index": edge_index, "batch": batch}
    out.update(params)
    return out


def _gcn_layer(h, src, dst, W, b):
    # h' = D^{-1/2} (A + I) D^{-1/2} (h W + b)  (PyG GCNConv with self-loops)
    h = h @ W + b
    deg = jnp.ones((N,), dtype=jnp.float32).at[dst].add(jnp.ones((E,), dtype=jnp.float32))
    dinv = jax.lax.rsqrt(deg)
    norm = dinv[src] * dinv[dst]
    msg = jnp.take(h, src, axis=0) * norm[:, None]
    agg = jnp.zeros_like(h).at[dst].add(msg)
    agg = agg + h * (dinv * dinv)[:, None]
    return agg


def reference(x, edge_index, batch, W0, b0, W1, b1, W2, b2, W3, b3):
    src = edge_index[0]
    dst = edge_index[1]
    # node_fc
    h = x @ W0 + b0
    # do_gnn: stacked GCN layers with ReLU between layers
    Ws = [(W1, b1), (W2, b2), (W3, b3)]
    for i, (W, b) in enumerate(Ws):
        h = _gcn_layer(h, src, dst, W, b)
        if i < L - 1:
            h = jax.nn.relu(h)
    # global_add_pool over per-graph batch assignment
    pooled = jax.ops.segment_sum(h, batch, num_segments=G)
    return pooled

if __name__ == "__main__":
    import jax
    _d = setup_inputs()
    print(jax.jit(kernel)(*tuple(_d.values())))

</pallas_src>

<mosaic_0001>
#map = affine_map<(d0, d1) -> (0, 0)>
#map1 = affine_map<(d0, d1) -> (0, 0, 0, 0)>
module attributes {stable_mosaic.version = 14 : i64} {
  func.func @_sc_gs_body(%arg0: i32, %arg1: i32, %arg2: memref<10240x128xf32, #tpu.memory_space<hbm>>, %arg3: memref<2x16x80x256xi32, #tpu.memory_space<hbm>>, %arg4: memref<640x64xf32, #tpu.memory_space<hbm>>, %arg5: memref<10240x128xf32, #tpu.memory_space<hbm>>, %arg6: memref<4x256xi32, #tpu.memory_space<vmem>>, %arg7: memref<4x256xi32, #tpu.memory_space<vmem>>, %arg8: memref<256x64xf32, #tpu.memory_space<vmem>>, %arg9: memref<256x64xf32, #tpu.memory_space<vmem>>, %arg10: memref<10240x64xf32, #tpu.memory_space<vmem_shared>>, %arg11: memref<10240x64xf32, #tpu.memory_space<vmem_shared>>, %arg12: memref<!tpu.dma_semaphore, #tpu.memory_space<semaphore_mem>>, %arg13: memref<!tpu.dma_semaphore, #tpu.memory_space<semaphore_mem>>, %arg14: memref<!tpu.dma_semaphore, #tpu.memory_space<semaphore_mem>>, %arg15: memref<!tpu.dma_semaphore, #tpu.memory_space<semaphore_mem>>, %arg16: memref<!tpu.dma_semaphore, #tpu.memory_space<semaphore_mem>>, %arg17: memref<!tpu.dma_semaphore, #tpu.memory_space<semaphore_mem>>, %arg18: memref<!tpu.dma_semaphore, #tpu.memory_space<semaphore_mem>>, %arg19: memref<!tpu.dma_semaphore, #tpu.memory_space<semaphore_mem>>) attributes {dimension_semantics = [#tpu.dimension_semantics<core_parallel>, #tpu.dimension_semantics<subcore_parallel>], iteration_bounds = array<i64: 2, 16>, scalar_prefetch = 0 : i64, scratch_operands = 14 : i64, tpu.core_type = #tpu.core_type<sc_vector_subcore>, window_params = [{transform_indices = #map}, {transform_indices = #map1}, {transform_indices = #map}, {transform_indices = #map}]} {
    %mul3A = arith.constant 640 : i32
    %mul3A_0 = arith.muli %arg1, %mul3A : i32
    "tpu.region"() ({
      %run_scoped3A = tpu.sem_alloc : memref<!tpu.dma_semaphore, #tpu.memory_space<semaphore_mem>>
      %dma_start3A_96 = arith.constant 0 : i32
      %dma_start3A_97 = tpu.memref_slice %arg11[%mul3A_0, %dma_start3A_96] : memref<10240x64xf32, #tpu.memory_space<vmem_shared>> -> memref<640x64xf32, #tpu.memory_space<vmem_shared>>
      tpu.enqueue_dma source(%arg4 : memref<640x64xf32, #tpu.memory_space<hbm>>) target(%dma_start3A_97 : memref<640x64xf32, #tpu.memory_space<vmem_shared>>) target_semaphore(%run_scoped3A : memref<!tpu.dma_semaphore, #tpu.memory_space<semaphore_mem>>)
      %dma_wait3A_98 = arith.constant 0 : i32
      %dma_wait3A_99 = tpu.memref_slice %arg11[%mul3A_0, %dma_wait3A_98] : memref<10240x64xf32, #tpu.memory_space<vmem_shared>> -> memref<640x64xf32, #tpu.memory_space<vmem_shared>>
      tpu.wait_dma2 semaphore(%run_scoped3A : memref<!tpu.dma_semaphore, #tpu.memory_space<semaphore_mem>>) src(%arg4 : memref<640x64xf32, #tpu.memory_space<hbm>>) dst(%dma_wait3A_99 : memref<640x64xf32, #tpu.memory_space<vmem_shared>>)
      tpu.yield
    }) : () -> ()
    %eq3A = arith.constant 0 : i32
    %eq3A_1 = arith.cmpi eq, %arg0, %eq3A : i32
    %convert_element_type3A = arith.extui %eq3A_1 : i1 to i32
    %cond3A = arith.constant 0 : i32
    %cond3A_2 = arith.cmpi ne, %convert_element_type3A, %cond3A : i32
    scf.if %cond3A_2 {
      %mul3A_96 = arith.constant 640 : i32
      %mul3A_97 = arith.muli %arg1, %mul3A_96 : i32
      %mul3A_98 = arith.constant 640 : i32
      %mul3A_99 = arith.muli %arg1, %mul3A_98 : i32
      "tpu.region"() ({
        %run_scoped3A = tpu.sem_alloc : memref<!tpu.dma_semaphore, #tpu.memory_space<semaphore_mem>>
        %dma_start3A_100 = arith.constant 0 : i32
        %dma_start3A_101 = tpu.memref_slice %arg10[%mul3A_99, %dma_start3A_100] : memref<10240x64xf32, #tpu.memory_space<vmem_shared>> -> memref<640x64xf32, #tpu.memory_space<vmem_shared>>
        %dma_start3A_102 = arith.constant 0 : i32
        %dma_start3A_103 = tpu.memref_slice %arg2[%mul3A_97, %dma_start3A_102] : memref<10240x128xf32, #tpu.memory_space<hbm>> -> memref<640x64xf32, #tpu.memory_space<hbm>>
        tpu.enqueue_dma source(%dma_start3A_103 : memref<640x64xf32, #tpu.memory_space<hbm>>) target(%dma_start3A_101 : memref<640x64xf32, #tpu.memory_space<vmem_shared>>) target_semaphore(%run_scoped3A : memref<!tpu.dma_semaphore, #tpu.memory_space<semaphore_mem>>)
        %dma_wait3A_104 = arith.constant 0 : i32
        %dma_wait3A_105 = tpu.memref_slice %arg10[%mul3A_99, %dma_wait3A_104] : memref<10240x64xf32, #tpu.memory_space<vmem_shared>> -> memref<640x64xf32, #tpu.memory_space<vmem_shared>>
        %dma_wait3A_106 = arith.constant 0 : i32
        %dma_wait3A_107 = tpu.memref_slice %arg2[%mul3A_97, %dma_wait3A_106] : memref<10240x128xf32, #tpu.memory_space<hbm>> -> memref<640x64xf32, #tpu.memory_space<hbm>>
        tpu.wait_dma2 semaphore(%run_scoped3A : memref<!tpu.dma_semaphore, #tpu.memory_space<semaphore_mem>>) src(%dma_wait3A_107 : memref<640x64xf32, #tpu.memory_space<hbm>>) dst(%dma_wait3A_105 : memref<640x64xf32, #tpu.memory_space<vmem_shared>>)
        tpu.yield
      }) : () -> ()
    } else {
    }
    %eq3A_3 = arith.constant 1 : i32
    %eq3A_4 = arith.cmpi eq, %arg0, %eq3A_3 : i32
    %convert_element_type3A_5 = arith.extui %eq3A_4 : i1 to i32
    %cond3A_6 = arith.constant 0 : i32
    %cond3A_7 = arith.cmpi ne, %convert_element_type3A_5, %cond3A_6 : i32
    scf.if %cond3A_7 {
      %mul3A_96 = arith.constant 640 : i32
      %mul3A_97 = arith.muli %arg1, %mul3A_96 : i32
      %mul3A_98 = arith.constant 640 : i32
      %mul3A_99 = arith.muli %arg1, %mul3A_98 : i32
      "tpu.region"() ({
        %run_scoped3A = tpu.sem_alloc : memref<!tpu.dma_semaphore, #tpu.memory_space<semaphore_mem>>
        %dma_start3A_100 = arith.constant 0 : i32
        %dma_start3A_101 = tpu.memref_slice %arg10[%mul3A_99, %dma_start3A_100] : memref<10240x64xf32, #tpu.memory_space<vmem_shared>> -> memref<640x64xf32, #tpu.memory_space<vmem_shared>>
        %dma_start3A_102 = arith.constant 64 : i32
        %dma_start3A_103 = tpu.memref_slice %arg2[%mul3A_97, %dma_start3A_102] : memref<10240x128xf32, #tpu.memory_space<hbm>> -> memref<640x64xf32, #tpu.memory_space<hbm>>
        tpu.enqueue_dma source(%dma_start3A_103 : memref<640x64xf32, #tpu.memory_space<hbm>>) target(%dma_start3A_101 : memref<640x64xf32, #tpu.memory_space<vmem_shared>>) target_semaphore(%run_scoped3A : memref<!tpu.dma_semaphore, #tpu.memory_space<semaphore_mem>>)
        %dma_wait3A_104 = arith.constant 0 : i32
        %dma_wait3A_105 = tpu.memref_slice %arg10[%mul3A_99, %dma_wait3A_104] : memref<10240x64xf32, #tpu.memory_space<vmem_shared>> -> memref<640x64xf32, #tpu.memory_space<vmem_shared>>
        %dma_wait3A_106 = arith.constant 64 : i32
        %dma_wait3A_107 = tpu.memref_slice %arg2[%mul3A_97, %dma_wait3A_106] : memref<10240x128xf32, #tpu.memory_space<hbm>> -> memref<640x64xf32, #tpu.memory_space<hbm>>
        tpu.wait_dma2 semaphore(%run_scoped3A : memref<!tpu.dma_semaphore, #tpu.memory_space<semaphore_mem>>) src(%dma_wait3A_107 : memref<640x64xf32, #tpu.memory_space<hbm>>) dst(%dma_wait3A_105 : memref<640x64xf32, #tpu.memory_space<vmem_shared>>)
        tpu.yield
      }) : () -> ()
    } else {
    }
    %barrier3A = arith.constant 0 : index
    tpu.barrier barrier_id(%barrier3A)
    %dma_start3A = arith.constant 0 : i32
    %dma_start3A_8 = arith.constant 0 : i32
    %dma_start3A_9 = arith.constant 0 : i32
    %dma_start3A_10 = arith.constant 0 : i32
    %dma_start3A_11 = tpu.memref_slice %arg6[%dma_start3A_9, %dma_start3A_10] : memref<4x256xi32, #tpu.memory_space<vmem>> -> memref<1x256xi32, #tpu.memory_space<vmem>>
    %dma_start3A_12 = tpu.memref_squeeze %dma_start3A_11 : memref<1x256xi32, #tpu.memory_space<vmem>> -> memref<256xi32, #tpu.memory_space<vmem>>
    %dma_start3A_13 = arith.constant 0 : i32
    %dma_start3A_14 = tpu.memref_slice %arg3[%dma_start3A, %arg1, %dma_start3A_8, %dma_start3A_13] : memref<2x16x80x256xi32, #tpu.memory_space<hbm>> -> memref<1x1x1x256xi32, #tpu.memory_space<hbm>>
    %dma_start3A_15 = tpu.memref_squeeze %dma_start3A_14 : memref<1x1x1x256xi32, #tpu.memory_space<hbm>> -> memref<256xi32, #tpu.memory_space<hbm>>
    %dma_start3A_16 = arith.constant 0 : i32
    %dma_start3A_17 = tpu.memref_slice %arg6[%dma_start3A_9, %dma_start3A_16] : memref<4x256xi32, #tpu.memory_space<vmem>> -> memref<1x256xi32, #tpu.memory_space<vmem>>
    %dma_start3A_18 = tpu.memref_squeeze %dma_start3A_17 : memref<1x256xi32, #tpu.memory_space<vmem>> -> memref<256xi32, #tpu.memory_space<vmem>>
    %dma_start3A_19 = arith.constant 0 : i32
    %dma_start3A_20 = tpu.memref_slice %arg3[%dma_start3A, %arg1, %dma_start3A_8, %dma_start3A_19] : memref<2x16x80x256xi32, #tpu.memory_space<hbm>> -> memref<1x1x1x256xi32, #tpu.memory_space<hbm>>
    %dma_start3A_21 = tpu.memref_squeeze %dma_start3A_20 : memref<1x1x1x256xi32, #tpu.memory_space<hbm>> -> memref<256xi32, #tpu.memory_space<hbm>>
    tpu.enqueue_dma source(%dma_start3A_21 : memref<256xi32, #tpu.memory_space<hbm>>) target(%dma_start3A_18 : memref<256xi32, #tpu.memory_space<vmem>>) target_semaphore(%arg16 : memref<!tpu.dma_semaphore, #tpu.memory_space<semaphore_mem>>)
    %dma_start3A_22 = arith.constant 1 : i32
    %dma_start3A_23 = arith.constant 0 : i32
    %dma_start3A_24 = arith.constant 0 : i32
    %dma_start3A_25 = arith.constant 0 : i32
    %dma_start3A_26 = tpu.memref_slice %arg7[%dma_start3A_24, %dma_start3A_25] : memref<4x256xi32, #tpu.memory_space<vmem>> -> memref<1x256xi32, #tpu.memory_space<vmem>>
    %dma_start3A_27 = tpu.memref_squeeze %dma_start3A_26 : memref<1x256xi32, #tpu.memory_space<vmem>> -> memref<256xi32, #tpu.memory_space<vmem>>
    %dma_start3A_28 = arith.constant 0 : i32
    %dma_start3A_29 = tpu.memref_slice %arg3[%dma_start3A_22, %arg1, %dma_start3A_23, %dma_start3A_28] : memref<2x16x80x256xi32, #tpu.memory_space<hbm>> -> memref<1x1x1x256xi32, #tpu.memory_space<hbm>>
    %dma_start3A_30 = tpu.memref_squeeze %dma_start3A_29 : memref<1x1x1x256xi32, #tpu.memory_space<hbm>> -> memref<256xi32, #tpu.memory_space<hbm>>
    %dma_start3A_31 = arith.constant 0 : i32
    %dma_start3A_32 = tpu.memref_slice %arg7[%dma_start3A_24, %dma_start3A_31] : memref<4x256xi32, #tpu.memory_space<vmem>> -> memref<1x256xi32, #tpu.memory_space<vmem>>
    %dma_start3A_33 = tpu.memref_squeeze %dma_start3A_32 : memref<1x256xi32, #tpu.memory_space<vmem>> -> memref<256xi32, #tpu.memory_space<vmem>>
    %dma_start3A_34 = arith.constant 0 : i32
    %dma_start3A_35 = tpu.memref_slice %arg3[%dma_start3A_22, %arg1, %dma_start3A_23, %dma_start3A_34] : memref<2x16x80x256xi32, #tpu.memory_space<hbm>> -> memref<1x1x1x256xi32, #tpu.memory_space<hbm>>
    %dma_start3A_36 = tpu.memref_squeeze %dma_start3A_35 : memref<1x1x1x256xi32, #tpu.memory_space<hbm>> -> memref<256xi32, #tpu.memory_space<hbm>>
    tpu.enqueue_dma source(%dma_start3A_36 : memref<256xi32, #tpu.memory_space<hbm>>) target(%dma_start3A_33 : memref<256xi32, #tpu.memory_space<vmem>>) target_semaphore(%arg16 : memref<!tpu.dma_semaphore, #tpu.memory_space<semaphore_mem>>)
    %dma_start3A_37 = arith.constant 0 : i32
    %dma_start3A_38 = arith.constant 1 : i32
    %dma_start3A_39 = arith.constant 1 : i32
    %dma_start3A_40 = arith.constant 0 : i32
    %dma_start3A_41 = tpu.memref_slice %arg6[%dma_start3A_39, %dma_start3A_40] : memref<4x256xi32, #tpu.memory_space<vmem>> -> memref<1x256xi32, #tpu.memory_space<vmem>>
    %dma_start3A_42 = tpu.memref_squeeze %dma_start3A_41 : memref<1x256xi32, #tpu.memory_space<vmem>> -> memref<256xi32, #tpu.memory_space<vmem>>
    %dma_start3A_43 = arith.constant 0 : i32
    %dma_start3A_44 = tpu.memref_slice %arg3[%dma_start3A_37, %arg1, %dma_start3A_38, %dma_start3A_43] : memref<2x16x80x256xi32, #tpu.memory_space<hbm>> -> memref<1x1x1x256xi32, #tpu.memory_space<hbm>>
    %dma_start3A_45 = tpu.memref_squeeze %dma_start3A_44 : memref<1x1x1x256xi32, #tpu.memory_space<hbm>> -> memref<256xi32, #tpu.memory_space<hbm>>
    %dma_start3A_46 = arith.constant 0 : i32
    %dma_start3A_47 = tpu.memref_slice %arg6[%dma_start3A_39, %dma_start3A_46] : memref<4x256xi32, #tpu.memory_space<vmem>> -> memref<1x256xi32, #tpu.memory_space<vmem>>
    %dma_start3A_48 = tpu.memref_squeeze %dma_start3A_47 : memref<1x256xi32, #tpu.memory_space<vmem>> -> memref<256xi32, #tpu.memory_space<vmem>>
    %dma_start3A_49 = arith.constant 0 : i32
    %dma_start3A_50 = tpu.memref_slice %arg3[%dma_start3A_37, %arg1, %dma_start3A_38, %dma_start3A_49] : memref<2x16x80x256xi32, #tpu.memory_space<hbm>> -> memref<1x1x1x256xi32, #tpu.memory_space<hbm>>
    %dma_start3A_51 = tpu.memref_squeeze %dma_start3A_50 : memref<1x1x1x256xi32, #tpu.memory_space<hbm>> -> memref<256xi32, #tpu.memory_space<hbm>>
    tpu.enqueue_dma source(%dma_start3A_51 : memref<256xi32, #tpu.memory_space<hbm>>) target(%dma_start3A_48 : memref<256xi32, #tpu.memory_space<vmem>>) target_semaphore(%arg17 : memref<!tpu.dma_semaphore, #tpu.memory_space<semaphore_mem>>)
    %dma_start3A_52 = arith.constant 1 : i32
    %dma_start3A_53 = arith.constant 1 : i32
    %dma_start3A_54 = arith.constant 1 : i32
    %dma_start3A_55 = arith.constant 0 : i32
    %dma_start3A_56 = tpu.memref_slice %arg7[%dma_start3A_54, %dma_start3A_55] : memref<4x256xi32, #tpu.memory_space<vmem>> -> memref<1x256xi32, #tpu.memory_space<vmem>>
    %dma_start3A_57 = tpu.memref_squeeze %dma_start3A_56 : memref<1x256xi32, #tpu.memory_space<vmem>> -> memref<256xi32, #tpu.memory_space<vmem>>
    %dma_start3A_58 = arith.constant 0 : i32
    %dma_start3A_59 = tpu.memref_slice %arg3[%dma_start3A_52, %arg1, %dma_start3A_53, %dma_start3A_58] : memref<2x16x80x256xi32, #tpu.memory_space<hbm>> -> memref<1x1x1x256xi32, #tpu.memory_space<hbm>>
    %dma_start3A_60 = tpu.memref_squeeze %dma_start3A_59 : memref<1x1x1x256xi32, #tpu.memory_space<hbm>> -> memref<256xi32, #tpu.memory_space<hbm>>
    %dma_start3A_61 = arith.constant 0 : i32
    %dma_start3A_62 = tpu.memref_slice %arg7[%dma_start3A_54, %dma_start3A_61] : memref<4x256xi32, #tpu.memory_space<vmem>> -> memref<1x256xi32, #tpu.memory_space<vmem>>
    %dma_start3A_63 = tpu.memref_squeeze %dma_start3A_62 : memref<1x256xi32, #tpu.memory_space<vmem>> -> memref<256xi32, #tpu.memory_space<vmem>>
    %dma_start3A_64 = arith.constant 0 : i32
    %dma_start3A_65 = tpu.memref_slice %arg3[%dma_start3A_52, %arg1, %dma_start3A_53, %dma_start3A_64] : memref<2x16x80x256xi32, #tpu.memory_space<hbm>> -> memref<1x1x1x256xi32, #tpu.memory_space<hbm>>
    %dma_start3A_66 = tpu.memref_squeeze %dma_start3A_65 : memref<1x1x1x256xi32, #tpu.memory_space<hbm>> -> memref<256xi32, #tpu.memory_space<hbm>>
    tpu.enqueue_dma source(%dma_start3A_66 : memref<256xi32, #tpu.memory_space<hbm>>) target(%dma_start3A_63 : memref<256xi32, #tpu.memory_space<vmem>>) target_semaphore(%arg17 : memref<!tpu.dma_semaphore, #tpu.memory_space<semaphore_mem>>)
    %scan3A = arith.constant 0 : i32
    %scan3A_67 = arith.constant 0 : i32
    %scan3A_68 = arith.constant 20 : i32
    %scan3A_69 = arith.addi %scan3A_67, %scan3A_68 : i32
    %scan3A_70 = arith.constant 1 : i32
    scf.for %scan3A_96 = %scan3A_67 to %scan3A_69 step %scan3A_70  : i32 {
      %mul3A_97 = arith.constant 4 : i32
      %mul3A_98 = arith.muli %scan3A_96, %mul3A_97 : i32
      %add3A = arith.constant 0 : i32
      %add3A_99 = arith.addi %mul3A_98, %add3A : i32
      %ge3A = arith.constant 2 : i32
      %ge3A_100 = arith.cmpi sge, %add3A_99, %ge3A : i32
      %convert_element_type3A_101 = arith.extui %ge3A_100 : i1 to i32
      %cond3A_102 = arith.constant 0 : i32
      %cond3A_103 = arith.cmpi ne, %convert_element_type3A_101, %cond3A_102 : i32
      scf.if %cond3A_103 {
        %dma_wait3A_354 = arith.constant 2 : i32
        %dma_wait3A_355 = arith.constant 0 : i32
        %dma_wait3A_356 = tpu.memref_slice %arg7[%dma_wait3A_354, %dma_wait3A_355] : memref<4x256xi32, #tpu.memory_space<vmem>> -> memref<1x256xi32, #tpu.memory_space<vmem>>
        %dma_wait3A_357 = tpu.memref_squeeze %dma_wait3A_356 : memref<1x256xi32, #tpu.memory_space<vmem>> -> memref<256xi32, #tpu.memory_space<vmem>>
        %dma_wait3A_358 = arith.constant 0 : i32
        %dma_wait3A_359 = arith.constant 0 : i32
        %dma_wait3A_360 = tpu.memref_slice %arg11[%dma_wait3A_358, %dma_wait3A_359] : memref<10240x64xf32, #tpu.memory_space<vmem_shared>> -> memref<10240x64xf32, #tpu.memory_space<vmem_shared>>
        tpu.wait_indirect_dma semaphore(%arg14 : memref<!tpu.dma_semaphore, #tpu.memory_space<semaphore_mem>>) src(%arg8 : memref<256x64xf32, #tpu.memory_space<vmem>>) dst(%dma_wait3A_360 : memref<10240x64xf32, #tpu.memory_space<vmem_shared>>)
      } else {
      }
      %add3A_104 = arith.constant 2 : i32
      %add3A_105 = arith.addi %add3A_99, %add3A_104 : i32
      %lt3A = arith.constant 80 : i32
      %lt3A_106 = arith.cmpi slt, %add3A_105, %lt3A : i32
      %convert_element_type3A_107 = arith.extui %lt3A_106 : i1 to i32
      %cond3A_108 = arith.constant 0 : i32
      %cond3A_109 = arith.cmpi ne, %convert_element_type3A_107, %cond3A_108 : i32
      scf.if %cond3A_109 {
        %add3A_354 = arith.constant 2 : i32
        %add3A_355 = arith.addi %add3A_99, %add3A_354 : i32
        %dma_start3A_356 = arith.constant 0 : i32
        %dma_start3A_357 = arith.constant 2 : i32
        %dma_start3A_358 = arith.constant 0 : i32
        %dma_start3A_359 = tpu.memref_slice %arg6[%dma_start3A_357, %dma_start3A_358] : memref<4x256xi32, #tpu.memory_space<vmem>> -> memref<1x256xi32, #tpu.memory_space<vmem>>
        %dma_start3A_360 = tpu.memref_squeeze %dma_start3A_359 : memref<1x256xi32, #tpu.memory_space<vmem>> -> memref<256xi32, #tpu.memory_space<vmem>>
        %dma_start3A_361 = arith.constant 0 : i32
        %dma_start3A_362 = tpu.memref_slice %arg3[%dma_start3A_356, %arg1, %add3A_355, %dma_start3A_361] : memref<2x16x80x256xi32, #tpu.memory_space<hbm>> -> memref<1x1x1x256xi32, #tpu.memory_space<hbm>>
        %dma_start3A_363 = tpu.memref_squeeze %dma_start3A_362 : memref<1x1x1x256xi32, #tpu.memory_space<hbm>> -> memref<256xi32, #tpu.memory_space<hbm>>
        %dma_start3A_364 = arith.constant 0 : i32
        %dma_start3A_365 = tpu.memref_slice %arg6[%dma_start3A_357, %dma_start3A_364] : memref<4x256xi32, #tpu.memory_space<vmem>> -> memref<1x256xi32, #tpu.memory_space<vmem>>
        %dma_start3A_366 = tpu.memref_squeeze %dma_start3A_365 : memref<1x256xi32, #tpu.memory_space<vmem>> -> memref<256xi32, #tpu.memory_space<vmem>>
        %dma_start3A_367 = arith.constant 0 : i32
        %dma_start3A_368 = tpu.memref_slice %arg3[%dma_start3A_356, %arg1, %add3A_355, %dma_start3A_367] : memref<2x16x80x256xi32, #tpu.memory_space<hbm>> -> memref<1x1x1x256xi32, #tpu.memory_space<hbm>>
        %dma_start3A_369 = tpu.memref_squeeze %dma_start3A_368 : memref<1x1x1x256xi32, #tpu.memory_space<hbm>> -> memref<256xi32, #tpu.memory_space<hbm>>
        tpu.enqueue_dma source(%dma_start3A_369 : memref<256xi32, #tpu.memory_space<hbm>>) target(%dma_start3A_366 : memref<256xi32, #tpu.memory_space<vmem>>) target_semaphore(%arg18 : memref<!tpu.dma_semaphore, #tpu.memory_space<semaphore_mem>>)
        %dma_start3A_370 = arith.constant 1 : i32
        %dma_start3A_371 = arith.constant 2 : i32
        %dma_start3A_372 = arith.constant 0 : i32
        %dma_start3A_373 = tpu.memref_slice %arg7[%dma_start3A_371, %dma_start3A_372] : memref<4x256xi32, #tpu.memory_space<vmem>> -> memref<1x256xi32, #tpu.memory_space<vmem>>
        %dma_start3A_374 = tpu.memref_squeeze %dma_start3A_373 : memref<1x256xi32, #tpu.memory_space<vmem>> -> memref<256xi32, #tpu.memory_space<vmem>>
        %dma_start3A_375 = arith.constant 0 : i32
        %dma_start3A_376 = tpu.memref_slice %arg3[%dma_start3A_370, %arg1, %add3A_355, %dma_start3A_375] : memref<2x16x80x256xi32, #tpu.memory_space<hbm>> -> memref<1x1x1x256xi32, #tpu.memory_space<hbm>>
        %dma_start3A_377 = tpu.memref_squeeze %dma_start3A_376 : memref<1x1x1x256xi32, #tpu.memory_space<hbm>> -> memref<256xi32, #tpu.memory_space<hbm>>
        %dma_start3A_378 = arith.constant 0 : i32
        %dma_start3A_379 = tpu.memref_slice %arg7[%dma_start3A_371, %dma_start3A_378] : memref<4x256xi32, #tpu.memory_space<vmem>> -> memref<1x256xi32, #tpu.memory_space<vmem>>
        %dma_start3A_380 = tpu.memref_squeeze %dma_start3A_379 : memref<1x256xi32, #tpu.memory_space<vmem>> -> memref<256xi32, #tpu.memory_space<vmem>>
        %dma_start3A_381 = arith.constant 0 : i32
        %dma_start3A_382 = tpu.memref_slice %arg3[%dma_start3A_370, %arg1, %add3A_355, %dma_start3A_381] : memref<2x16x80x256xi32, #tpu.memory_space<hbm>> -> memref<1x1x1x256xi32, #tpu.memory_space<hbm>>
        %dma_start3A_383 = tpu.memref_squeeze %dma_start3A_382 : memref<1x1x1x256xi32, #tpu.memory_space<hbm>> -> memref<256xi32, #tpu.memory_space<hbm>>
        tpu.enqueue_dma source(%dma_start3A_383 : memref<256xi32, #tpu.memory_space<hbm>>) target(%dma_start3A_380 : memref<256xi32, #tpu.memory_space<vmem>>) target_semaphore(%arg18 : memref<!tpu.dma_semaphore, #tpu.memory_space<semaphore_mem>>)
      } else {
      }
      %dma_wait3A_110 = arith.constant 0 : i32
      %dma_wait3A_111 = arith.constant 0 : i32
      %dma_wait3A_112 = arith.constant 0 : i32
      %dma_wait3A_113 = tpu.memref_slice %arg6[%dma_wait3A_111, %dma_wait3A_112] : memref<4x256xi32, #tpu.memory_space<vmem>> -> memref<1x256xi32, #tpu.memory_space<vmem>>
      %dma_wait3A_114 = tpu.memref_squeeze %dma_wait3A_113 : memref<1x256xi32, #tpu.memory_space<vmem>> -> memref<256xi32, #tpu.memory_space<vmem>>
      %dma_wait3A_115 = arith.constant 0 : i32
      %dma_wait3A_116 = tpu.memref_slice %arg3[%dma_wait3A_110, %arg1, %add3A_99, %dma_wait3A_115] : memref<2x16x80x256xi32, #tpu.memory_space<hbm>> -> memref<1x1x1x256xi32, #tpu.memory_space<hbm>>
      %dma_wait3A_117 = tpu.memref_squeeze %dma_wait3A_116 : memref<1x1x1x256xi32, #tpu.memory_space<hbm>> -> memref<256xi32, #tpu.memory_space<hbm>>
      %dma_wait3A_118 = arith.constant 0 : i32
      %dma_wait3A_119 = tpu.memref_slice %arg6[%dma_wait3A_111, %dma_wait3A_118] : memref<4x256xi32, #tpu.memory_space<vmem>> -> memref<1x256xi32, #tpu.memory_space<vmem>>
      %dma_wait3A_120 = tpu.memref_squeeze %dma_wait3A_119 : memref<1x256xi32, #tpu.memory_space<vmem>> -> memref<256xi32, #tpu.memory_space<vmem>>
      %dma_wait3A_121 = arith.constant 0 : i32
      %dma_wait3A_122 = tpu.memref_slice %arg3[%dma_wait3A_110, %arg1, %add3A_99, %dma_wait3A_121] : memref<2x16x80x256xi32, #tpu.memory_space<hbm>> -> memref<1x1x1x256xi32, #tpu.memory_space<hbm>>
      %dma_wait3A_123 = tpu.memref_squeeze %dma_wait3A_122 : memref<1x1x1x256xi32, #tpu.memory_space<hbm>> -> memref<256xi32, #tpu.memory_space<hbm>>
      tpu.wait_dma2 semaphore(%arg16 : memref<!tpu.dma_semaphore, #tpu.memory_space<semaphore_mem>>) src(%dma_wait3A_123 : memref<256xi32, #tpu.memory_space<hbm>>) dst(%dma_wait3A_120 : memref<256xi32, #tpu.memory_space<vmem>>)
      %dma_wait3A_124 = arith.constant 1 : i32
      %dma_wait3A_125 = arith.constant 0 : i32
      %dma_wait3A_126 = arith.constant 0 : i32
      %dma_wait3A_127 = tpu.memref_slice %arg7[%dma_wait3A_125, %dma_wait3A_126] : memref<4x256xi32, #tpu.memory_space<vmem>> -> memref<1x256xi32, #tpu.memory_space<vmem>>
      %dma_wait3A_128 = tpu.memref_squeeze %dma_wait3A_127 : memref<1x256xi32, #tpu.memory_space<vmem>> -> memref<256xi32, #tpu.memory_space<vmem>>
      %dma_wait3A_129 = arith.constant 0 : i32
      %dma_wait3A_130 = tpu.memref_slice %arg3[%dma_wait3A_124, %arg1, %add3A_99, %dma_wait3A_129] : memref<2x16x80x256xi32, #tpu.memory_space<hbm>> -> memref<1x1x1x256xi32, #tpu.memory_space<hbm>>
      %dma_wait3A_131 = tpu.memref_squeeze %dma_wait3A_130 : memref<1x1x1x256xi32, #tpu.memory_space<hbm>> -> memref<256xi32, #tpu.memory_space<hbm>>
      %dma_wait3A_132 = arith.constant 0 : i32
      %dma_wait3A_133 = tpu.memref_slice %arg7[%dma_wait3A_125, %dma_wait3A_132] : memref<4x256xi32, #tpu.memory_space<vmem>> -> memref<1x256xi32, #tpu.memory_space<vmem>>
      %dma_wait3A_134 = tpu.memref_squeeze %dma_wait3A_133 : memref<1x256xi32, #tpu.memory_space<vmem>> -> memref<256xi32, #tpu.memory_space<vmem>>
      %dma_wait3A_135 = arith.constant 0 : i32
      %dma_wait3A_136 = tpu.memref_slice %arg3[%dma_wait3A_124, %arg1, %add3A_99, %dma_wait3A_135] : memref<2x16x80x256xi32, #tpu.memory_space<hbm>> -> memref<1x1x1x256xi32, #tpu.memory_space<hbm>>
      %dma_wait3A_137 = tpu.memref_squeeze %dma_wait3A_136 : memref<1x1x1x256xi32, #tpu.memory_space<hbm>> -> memref<256xi32, #tpu.memory_space<hbm>>
      tpu.wait_dma2 semaphore(%arg16 : memref<!tpu.dma_semaphore, #tpu.memory_space<semaphore_mem>>) src(%dma_wait3A_137 : memref<256xi32, #tpu.memory_space<hbm>>) dst(%dma_wait3A_134 : memref<256xi32, #tpu.memory_space<vmem>>)
      %dma_start3A_138 = arith.constant 0 : i32
      %dma_start3A_139 = arith.constant 0 : i32
      %dma_start3A_140 = tpu.memref_slice %arg6[%dma_start3A_138, %dma_start3A_139] : memref<4x256xi32, #tpu.memory_space<vmem>> -> memref<1x256xi32, #tpu.memory_space<vmem>>
      %dma_start3A_141 = tpu.memref_squeeze %dma_start3A_140 : memref<1x256xi32, #tpu.memory_space<vmem>> -> memref<256xi32, #tpu.memory_space<vmem>>
      %dma_start3A_142 = arith.constant 0 : i32
      %dma_start3A_143 = arith.constant 0 : i32
      %dma_start3A_144 = tpu.memref_slice %arg10[%dma_start3A_142, %dma_start3A_143] : memref<10240x64xf32, #tpu.memory_space<vmem_shared>> -> memref<10240x64xf32, #tpu.memory_space<vmem_shared>>
      tpu.enqueue_indirect_dma source(%dma_start3A_144 : memref<10240x64xf32, #tpu.memory_space<vmem_shared>>) target(%arg8 : memref<256x64xf32, #tpu.memory_space<vmem>>) offsets(%dma_start3A_141 : memref<256xi32, #tpu.memory_space<vmem>>) semaphore(%arg12 : memref<!tpu.dma_semaphore, #tpu.memory_space<semaphore_mem>>)
      %dma_wait3A_145 = arith.constant 0 : i32
      %dma_wait3A_146 = arith.constant 0 : i32
      %dma_wait3A_147 = tpu.memref_slice %arg6[%dma_wait3A_145, %dma_wait3A_146] : memref<4x256xi32, #tpu.memory_space<vmem>> -> memref<1x256xi32, #tpu.memory_space<vmem>>
      %dma_wait3A_148 = tpu.memref_squeeze %dma_wait3A_147 : memref<1x256xi32, #tpu.memory_space<vmem>> -> memref<256xi32, #tpu.memory_space<vmem>>
      %dma_wait3A_149 = arith.constant 0 : i32
      %dma_wait3A_150 = arith.constant 0 : i32
      %dma_wait3A_151 = tpu.memref_slice %arg10[%dma_wait3A_149, %dma_wait3A_150] : memref<10240x64xf32, #tpu.memory_space<vmem_shared>> -> memref<10240x64xf32, #tpu.memory_space<vmem_shared>>
      tpu.wait_indirect_dma semaphore(%arg12 : memref<!tpu.dma_semaphore, #tpu.memory_space<semaphore_mem>>) src(%dma_wait3A_151 : memref<10240x64xf32, #tpu.memory_space<vmem_shared>>) dst(%arg8 : memref<256x64xf32, #tpu.memory_space<vmem>>)
      %dma_start3A_152 = arith.constant 0 : i32
      %dma_start3A_153 = arith.constant 0 : i32
      %dma_start3A_154 = tpu.memref_slice %arg7[%dma_start3A_152, %dma_start3A_153] : memref<4x256xi32, #tpu.memory_space<vmem>> -> memref<1x256xi32, #tpu.memory_space<vmem>>
      %dma_start3A_155 = tpu.memref_squeeze %dma_start3A_154 : memref<1x256xi32, #tpu.memory_space<vmem>> -> memref<256xi32, #tpu.memory_space<vmem>>
      %dma_start3A_156 = arith.constant 0 : i32
      %dma_start3A_157 = arith.constant 0 : i32
      %dma_start3A_158 = tpu.memref_slice %arg11[%dma_start3A_156, %dma_start3A_157] : memref<10240x64xf32, #tpu.memory_space<vmem_shared>> -> memref<10240x64xf32, #tpu.memory_space<vmem_shared>>
      tpu.enqueue_indirect_dma source(%arg8 : memref<256x64xf32, #tpu.memory_space<vmem>>) target(%dma_start3A_158 : memref<10240x64xf32, #tpu.memory_space<vmem_shared>>) offsets(%dma_start3A_155 : memref<256xi32, #tpu.memory_space<vmem>>) semaphore(%arg14 : memref<!tpu.dma_semaphore, #tpu.memory_space<semaphore_mem>>) {add = true}
      %mul3A_159 = arith.constant 4 : i32
      %mul3A_160 = arith.muli %scan3A_96, %mul3A_159 : i32
      %add3A_161 = arith.constant 1 : i32
      %add3A_162 = arith.addi %mul3A_160, %add3A_161 : i32
      %ge3A_163 = arith.constant 2 : i32
      %ge3A_164 = arith.cmpi sge, %add3A_162, %ge3A_163 : i32
      %convert_element_type3A_165 = arith.extui %ge3A_164 : i1 to i32
      %cond3A_166 = arith.constant 0 : i32
      %cond3A_167 = arith.cmpi ne, %convert_element_type3A_165, %cond3A_166 : i32
      scf.if %cond3A_167 {
        %dma_wait3A_354 = arith.constant 3 : i32
        %dma_wait3A_355 = arith.constant 0 : i32
        %dma_wait3A_356 = tpu.memref_slice %arg7[%dma_wait3A_354, %dma_wait3A_355] : memref<4x256xi32, #tpu.memory_space<vmem>> -> memref<1x256xi32, #tpu.memory_space<vmem>>
        %dma_wait3A_357 = tpu.memref_squeeze %dma_wait3A_356 : memref<1x256xi32, #tpu.memory_space<vmem>> -> memref<256xi32, #tpu.memory_space<vmem>>
        %dma_wait3A_358 = arith.constant 0 : i32
        %dma_wait3A_359 = arith.constant 0 : i32
        %dma_wait3A_360 = tpu.memref_slice %arg11[%dma_wait3A_358, %dma_wait3A_359] : memref<10240x64xf32, #tpu.memory_space<vmem_shared>> -> memref<10240x64xf32, #tpu.memory_space<vmem_shared>>
        tpu.wait_indirect_dma semaphore(%arg15 : memref<!tpu.dma_semaphore, #tpu.memory_space<semaphore_mem>>) src(%arg9 : memref<256x64xf32, #tpu.memory_space<vmem>>) dst(%dma_wait3A_360 : memref<10240x64xf32, #tpu.memory_space<vmem_shared>>)
      } else {
      }
      %add3A_168 = arith.constant 2 : i32
      %add3A_169 = arith.addi %add3A_162, %add3A_168 : i32
      %lt3A_170 = arith.constant 80 : i32
      %lt3A_171 = arith.cmpi slt, %add3A_169, %lt3A_170 : i32
      %convert_element_type3A_172 = arith.extui %lt3A_171 : i1 to i32
      %cond3A_173 = arith.constant 0 : i32
      %cond3A_174 = arith.cmpi ne, %convert_element_type3A_172, %cond3A_173 : i32
      scf.if %cond3A_174 {
        %add3A_354 = arith.constant 2 : i32
        %add3A_355 = arith.addi %add3A_162, %add3A_354 : i32
        %dma_start3A_356 = arith.constant 0 : i32
        %dma_start3A_357 = arith.constant 3 : i32
        %dma_start3A_358 = arith.constant 0 : i32
        %dma_start3A_359 = tpu.memref_slice %arg6[%dma_start3A_357, %dma_start3A_358] : memref<4x256xi32, #tpu.memory_space<vmem>> -> memref<1x256xi32, #tpu.memory_space<vmem>>
        %dma_start3A_360 = tpu.memref_squeeze %dma_start3A_359 : memref<1x256xi32, #tpu.memory_space<vmem>> -> memref<256xi32, #tpu.memory_space<vmem>>
        %dma_start3A_361 = arith.constant 0 : i32
        %dma_start3A_362 = tpu.memref_slice %arg3[%dma_start3A_356, %arg1, %add3A_355, %dma_start3A_361] : memref<2x16x80x256xi32, #tpu.memory_space<hbm>> -> memref<1x1x1x256xi32, #tpu.memory_space<hbm>>
        %dma_start3A_363 = tpu.memref_squeeze %dma_start3A_362 : memref<1x1x1x256xi32, #tpu.memory_space<hbm>> -> memref<256xi32, #tpu.memory_space<hbm>>
        %dma_start3A_364 = arith.constant 0 : i32
        %dma_start3A_365 = tpu.memref_slice %arg6[%dma_start3A_357, %dma_start3A_364] : memref<4x256xi32, #tpu.memory_space<vmem>> -> memref<1x256xi32, #tpu.memory_space<vmem>>
        %dma_start3A_366 = tpu.memref_squeeze %dma_start3A_365 : memref<1x256xi32, #tpu.memory_space<vmem>> -> memref<256xi32, #tpu.memory_space<vmem>>
        %dma_start3A_367 = arith.constant 0 : i32
        %dma_start3A_368 = tpu.memref_slice %arg3[%dma_start3A_356, %arg1, %add3A_355, %dma_start3A_367] : memref<2x16x80x256xi32, #tpu.memory_space<hbm>> -> memref<1x1x1x256xi32, #tpu.memory_space<hbm>>
        %dma_start3A_369 = tpu.memref_squeeze %dma_start3A_368 : memref<1x1x1x256xi32, #tpu.memory_space<hbm>> -> memref<256xi32, #tpu.memory_space<hbm>>
        tpu.enqueue_dma source(%dma_start3A_369 : memref<256xi32, #tpu.memory_space<hbm>>) target(%dma_start3A_366 : memref<256xi32, #tpu.memory_space<vmem>>) target_semaphore(%arg19 : memref<!tpu.dma_semaphore, #tpu.memory_space<semaphore_mem>>)
        %dma_start3A_370 = arith.constant 1 : i32
        %dma_start3A_371 = arith.constant 3 : i32
        %dma_start3A_372 = arith.constant 0 : i32
        %dma_start3A_373 = tpu.memref_slice %arg7[%dma_start3A_371, %dma_start3A_372] : memref<4x256xi32, #tpu.memory_space<vmem>> -> memref<1x256xi32, #tpu.memory_space<vmem>>
        %dma_start3A_374 = tpu.memref_squeeze %dma_start3A_373 : memref<1x256xi32, #tpu.memory_space<vmem>> -> memref<256xi32, #tpu.memory_space<vmem>>
        %dma_start3A_375 = arith.constant 0 : i32
        %dma_start3A_376 = tpu.memref_slice %arg3[%dma_start3A_370, %arg1, %add3A_355, %dma_start3A_375] : memref<2x16x80x256xi32, #tpu.memory_space<hbm>> -> memref<1x1x1x256xi32, #tpu.memory_space<hbm>>
        %dma_start3A_377 = tpu.memref_squeeze %dma_start3A_376 : memref<1x1x1x256xi32, #tpu.memory_space<hbm>> -> memref<256xi32, #tpu.memory_space<hbm>>
        %dma_start3A_378 = arith.constant 0 : i32
        %dma_start3A_379 = tpu.memref_slice %arg7[%dma_start3A_371, %dma_start3A_378] : memref<4x256xi32, #tpu.memory_space<vmem>> -> memref<1x256xi32, #tpu.memory_space<vmem>>
        %dma_start3A_380 = tpu.memref_squeeze %dma_start3A_379 : memref<1x256xi32, #tpu.memory_space<vmem>> -> memref<256xi32, #tpu.memory_space<vmem>>
        %dma_start3A_381 = arith.constant 0 : i32
        %dma_start3A_382 = tpu.memref_slice %arg3[%dma_start3A_370, %arg1, %add3A_355, %dma_start3A_381] : memref<2x16x80x256xi32, #tpu.memory_space<hbm>> -> memref<1x1x1x256xi32, #tpu.memory_space<hbm>>
        %dma_start3A_383 = tpu.memref_squeeze %dma_start3A_382 : memref<1x1x1x256xi32, #tpu.memory_space<hbm>> -> memref<256xi32, #tpu.memory_space<hbm>>
        tpu.enqueue_dma source(%dma_start3A_383 : memref<256xi32, #tpu.memory_space<hbm>>) target(%dma_start3A_380 : memref<256xi32, #tpu.memory_space<vmem>>) target_semaphore(%arg19 : memref<!tpu.dma_semaphore, #tpu.memory_space<semaphore_mem>>)
      } else {
      }
      %dma_wait3A_175 = arith.constant 0 : i32
      %dma_wait3A_176 = arith.constant 1 : i32
      %dma_wait3A_177 = arith.constant 0 : i32
      %dma_wait3A_178 = tpu.memref_slice %arg6[%dma_wait3A_176, %dma_wait3A_177] : memref<4x256xi32, #tpu.memory_space<vmem>> -> memref<1x256xi32, #tpu.memory_space<vmem>>
      %dma_wait3A_179 = tpu.memref_squeeze %dma_wait3A_178 : memref<1x256xi32, #tpu.memory_space<vmem>> -> memref<256xi32, #tpu.memory_space<vmem>>
      %dma_wait3A_180 = arith.constant 0 : i32
      %dma_wait3A_181 = tpu.memref_slice %arg3[%dma_wait3A_175, %arg1, %add3A_162, %dma_wait3A_180] : memref<2x16x80x256xi32, #tpu.memory_space<hbm>> -> memref<1x1x1x256xi32, #tpu.memory_space<hbm>>
      %dma_wait3A_182 = tpu.memref_squeeze %dma_wait3A_181 : memref<1x1x1x256xi32, #tpu.memory_space<hbm>> -> memref<256xi32, #tpu.memory_space<hbm>>
      %dma_wait3A_183 = arith.constant 0 : i32
      %dma_wait3A_184 = tpu.memref_slice %arg6[%dma_wait3A_176, %dma_wait3A_183] : memref<4x256xi32, #tpu.memory_space<vmem>> -> memref<1x256xi32, #tpu.memory_space<vmem>>
      %dma_wait3A_185 = tpu.memref_squeeze %dma_wait3A_184 : memref<1x256xi32, #tpu.memory_space<vmem>> -> memref<256xi32, #tpu.memory_space<vmem>>
      %dma_wait3A_186 = arith.constant 0 : i32
      %dma_wait3A_187 = tpu.memref_slice %arg3[%dma_wait3A_175, %arg1, %add3A_162, %dma_wait3A_186] : memref<2x16x80x256xi32, #tpu.memory_space<hbm>> -> memref<1x1x1x256xi32, #tpu.memory_space<hbm>>
      %dma_wait3A_188 = tpu.memref_squeeze %dma_wait3A_187 : memref<1x1x1x256xi32, #tpu.memory_space<hbm>> -> memref<256xi32, #tpu.memory_space<hbm>>
      tpu.wait_dma2 semaphore(%arg17 : memref<!tpu.dma_semaphore, #tpu.memory_space<semaphore_mem>>) src(%dma_wait3A_188 : memref<256xi32, #tpu.memory_space<hbm>>) dst(%dma_wait3A_185 : memref<256xi32, #tpu.memory_space<vmem>>)
      %dma_wait3A_189 = arith.constant 1 : i32
      %dma_wait3A_190 = arith.constant 1 : i32
      %dma_wait3A_191 = arith.constant 0 : i32
      %dma_wait3A_192 = tpu.memref_slice %arg7[%dma_wait3A_190, %dma_wait3A_191] : memref<4x256xi32, #tpu.memory_space<vmem>> -> memref<1x256xi32, #tpu.memory_space<vmem>>
      %dma_wait3A_193 = tpu.memref_squeeze %dma_wait3A_192 : memref<1x256xi32, #tpu.memory_space<vmem>> -> memref<256xi32, #tpu.memory_space<vmem>>
      %dma_wait3A_194 = arith.constant 0 : i32
      %dma_wait3A_195 = tpu.memref_slice %arg3[%dma_wait3A_189, %arg1, %add3A_162, %dma_wait3A_194] : memref<2x16x80x256xi32, #tpu.memory_space<hbm>> -> memref<1x1x1x256xi32, #tpu.memory_space<hbm>>
      %dma_wait3A_196 = tpu.memref_squeeze %dma_wait3A_195 : memref<1x1x1x256xi32, #tpu.memory_space<hbm>> -> memref<256xi32, #tpu.memory_space<hbm>>
      %dma_wait3A_197 = arith.constant 0 : i32
      %dma_wait3A_198 = tpu.memref_slice %arg7[%dma_wait3A_190, %dma_wait3A_197] : memref<4x256xi32, #tpu.memory_space<vmem>> -> memref<1x256xi32, #tpu.memory_space<vmem>>
      %dma_wait3A_199 = tpu.memref_squeeze %dma_wait3A_198 : memref<1x256xi32, #tpu.memory_space<vmem>> -> memref<256xi32, #tpu.memory_space<vmem>>
      %dma_wait3A_200 = arith.constant 0 : i32
      %dma_wait3A_201 = tpu.memref_slice %arg3[%dma_wait3A_189, %arg1, %add3A_162, %dma_wait3A_200] : memref<2x16x80x256xi32, #tpu.memory_space<hbm>> -> memref<1x1x1x256xi32, #tpu.memory_space<hbm>>
      %dma_wait3A_202 = tpu.memref_squeeze %dma_wait3A_201 : memref<1x1x1x256xi32, #tpu.memory_space<hbm>> -> memref<256xi32, #tpu.memory_space<hbm>>
      tpu.wait_dma2 semaphore(%arg17 : memref<!tpu.dma_semaphore, #tpu.memory_space<semaphore_mem>>) src(%dma_wait3A_202 : memref<256xi32, #tpu.memory_space<hbm>>) dst(%dma_wait3A_199 : memref<256xi32, #tpu.memory_space<vmem>>)
      %dma_start3A_203 = arith.constant 1 : i32
      %dma_start3A_204 = arith.constant 0 : i32
      %dma_start3A_205 = tpu.memref_slice %arg6[%dma_start3A_203, %dma_start3A_204] : memref<4x256xi32, #tpu.memory_space<vmem>> -> memref<1x256xi32, #tpu.memory_space<vmem>>
      %dma_start3A_206 = tpu.memref_squeeze %dma_start3A_205 : memref<1x256xi32, #tpu.memory_space<vmem>> -> memref<256xi32, #tpu.memory_space<vmem>>
      %dma_start3A_207 = arith.constant 0 : i32
      %dma_start3A_208 = arith.constant 0 : i32
      %dma_start3A_209 = tpu.memref_slice %arg10[%dma_start3A_207, %dma_start3A_208] : memref<10240x64xf32, #tpu.memory_space<vmem_shared>> -> memref<10240x64xf32, #tpu.memory_space<vmem_shared>>
      tpu.enqueue_indirect_dma source(%dma_start3A_209 : memref<10240x64xf32, #tpu.memory_space<vmem_shared>>) target(%arg9 : memref<256x64xf32, #tpu.memory_space<vmem>>) offsets(%dma_start3A_206 : memref<256xi32, #tpu.memory_space<vmem>>) semaphore(%arg13 : memref<!tpu.dma_semaphore, #tpu.memory_space<semaphore_mem>>)
      %dma_wait3A_210 = arith.constant 1 : i32
      %dma_wait3A_211 = arith.constant 0 : i32
      %dma_wait3A_212 = tpu.memref_slice %arg6[%dma_wait3A_210, %dma_wait3A_211] : memref<4x256xi32, #tpu.memory_space<vmem>> -> memref<1x256xi32, #tpu.memory_space<vmem>>
      %dma_wait3A_213 = tpu.memref_squeeze %dma_wait3A_212 : memref<1x256xi32, #tpu.memory_space<vmem>> -> memref<256xi32, #tpu.memory_space<vmem>>
      %dma_wait3A_214 = arith.constant 0 : i32
      %dma_wait3A_215 = arith.constant 0 : i32
      %dma_wait3A_216 = tpu.memref_slice %arg10[%dma_wait3A_214, %dma_wait3A_215] : memref<10240x64xf32, #tpu.memory_space<vmem_shared>> -> memref<10240x64xf32, #tpu.memory_space<vmem_shared>>
      tpu.wait_indirect_dma semaphore(%arg13 : memref<!tpu.dma_semaphore, #tpu.memory_space<semaphore_mem>>) src(%dma_wait3A_216 : memref<10240x64xf32, #tpu.memory_space<vmem_shared>>) dst(%arg9 : memref<256x64xf32, #tpu.memory_space<vmem>>)
      %dma_start3A_217 = arith.constant 1 : i32
      %dma_start3A_218 = arith.constant 0 : i32
      %dma_start3A_219 = tpu.memref_slice %arg7[%dma_start3A_217, %dma_start3A_218] : memref<4x256xi32, #tpu.memory_space<vmem>> -> memref<1x256xi32, #tpu.memory_space<vmem>>
      %dma_start3A_220 = tpu.memref_squeeze %dma_start3A_219 : memref<1x256xi32, #tpu.memory_space<vmem>> -> memref<256xi32, #tpu.memory_space<vmem>>
      %dma_start3A_221 = arith.constant 0 : i32
      %dma_start3A_222 = arith.constant 0 : i32
      %dma_start3A_223 = tpu.memref_slice %arg11[%dma_start3A_221, %dma_start3A_222] : memref<10240x64xf32, #tpu.memory_space<vmem_shared>> -> memref<10240x64xf32, #tpu.memory_space<vmem_shared>>
      tpu.enqueue_indirect_dma source(%arg9 : memref<256x64xf32, #tpu.memory_space<vmem>>) target(%dma_start3A_223 : memref<10240x64xf32, #tpu.memory_space<vmem_shared>>) offsets(%dma_start3A_220 : memref<256xi32, #tpu.memory_space<vmem>>) semaphore(%arg15 : memref<!tpu.dma_semaphore, #tpu.memory_space<semaphore_mem>>) {add = true}
      %mul3A_224 = arith.constant 4 : i32
      %mul3A_225 = arith.muli %scan3A_96, %mul3A_224 : i32
      %add3A_226 = arith.constant 2 : i32
      %add3A_227 = arith.addi %mul3A_225, %add3A_226 : i32
      %ge3A_228 = arith.constant 2 : i32
      %ge3A_229 = arith.cmpi sge, %add3A_227, %ge3A_228 : i32
      %convert_element_type3A_230 = arith.extui %ge3A_229 : i1 to i32
      %cond3A_231 = arith.constant 0 : i32
      %cond3A_232 = arith.cmpi ne, %convert_element_type3A_230, %cond3A_231 : i32
      scf.if %cond3A_232 {
        %dma_wait3A_354 = arith.constant 0 : i32
        %dma_wait3A_355 = arith.constant 0 : i32
        %dma_wait3A_356 = tpu.memref_slice %arg7[%dma_wait3A_354, %dma_wait3A_355] : memref<4x256xi32, #tpu.memory_space<vmem>> -> memref<1x256xi32, #tpu.memory_space<vmem>>
        %dma_wait3A_357 = tpu.memref_squeeze %dma_wait3A_356 : memref<1x256xi32, #tpu.memory_space<vmem>> -> memref<256xi32, #tpu.memory_space<vmem>>
        %dma_wait3A_358 = arith.constant 0 : i32
        %dma_wait3A_359 = arith.constant 0 : i32
        %dma_wait3A_360 = tpu.memref_slice %arg11[%dma_wait3A_358, %dma_wait3A_359] : memref<10240x64xf32, #tpu.memory_space<vmem_shared>> -> memref<10240x64xf32, #tpu.memory_space<vmem_shared>>
        tpu.wait_indirect_dma semaphore(%arg14 : memref<!tpu.dma_semaphore, #tpu.memory_space<semaphore_mem>>) src(%arg8 : memref<256x64xf32, #tpu.memory_space<vmem>>) dst(%dma_wait3A_360 : memref<10240x64xf32, #tpu.memory_space<vmem_shared>>)
      } else {
      }
      %add3A_233 = arith.constant 2 : i32
      %add3A_234 = arith.addi %add3A_227, %add3A_233 : i32
      %lt3A_235 = arith.constant 80 : i32
      %lt3A_236 = arith.cmpi slt, %add3A_234, %lt3A_235 : i32
      %convert_element_type3A_237 = arith.extui %lt3A_236 : i1 to i32
      %cond3A_238 = arith.constant 0 : i32
      %cond3A_239 = arith.cmpi ne, %convert_element_type3A_237, %cond3A_238 : i32
      scf.if %cond3A_239 {
        %add3A_354 = arith.constant 2 : i32
        %add3A_355 = arith.addi %add3A_227, %add3A_354 : i32
        %dma_start3A_356 = arith.constant 0 : i32
        %dma_start3A_357 = arith.constant 0 : i32
        %dma_start3A_358 = arith.constant 0 : i32
        %dma_start3A_359 = tpu.memref_slice %arg6[%dma_start3A_357, %dma_start3A_358] : memref<4x256xi32, #tpu.memory_space<vmem>> -> memref<1x256xi32, #tpu.memory_space<vmem>>
        %dma_start3A_360 = tpu.memref_squeeze %dma_start3A_359 : memref<1x256xi32, #tpu.memory_space<vmem>> -> memref<256xi32, #tpu.memory_space<vmem>>
        %dma_start3A_361 = arith.constant 0 : i32
        %dma_start3A_362 = tpu.memref_slice %arg3[%dma_start3A_356, %arg1, %add3A_355, %dma_start3A_361] : memref<2x16x80x256xi32, #tpu.memory_space<hbm>> -> memref<1x1x1x256xi32, #tpu.memory_space<hbm>>
        %dma_start3A_363 = tpu.memref_squeeze %dma_start3A_362 : memref<1x1x1x256xi32, #tpu.memory_space<hbm>> -> memref<256xi32, #tpu.memory_space<hbm>>
        %dma_start3A_364 = arith.constant 0 : i32
        %dma_start3A_365 = tpu.memref_slice %arg6[%dma_start3A_357, %dma_start3A_364] : memref<4x256xi32, #tpu.memory_space<vmem>> -> memref<1x256xi32, #tpu.memory_space<vmem>>
        %dma_start3A_366 = tpu.memref_squeeze %dma_start3A_365 : memref<1x256xi32, #tpu.memory_space<vmem>> -> memref<256xi32, #tpu.memory_space<vmem>>
        %dma_start3A_367 = arith.constant 0 : i32
        %dma_start3A_368 = tpu.memref_slice %arg3[%dma_start3A_356, %arg1, %add3A_355, %dma_start3A_367] : memref<2x16x80x256xi32, #tpu.memory_space<hbm>> -> memref<1x1x1x256xi32, #tpu.memory_space<hbm>>
        %dma_start3A_369 = tpu.memref_squeeze %dma_start3A_368 : memref<1x1x1x256xi32, #tpu.memory_space<hbm>> -> memref<256xi32, #tpu.memory_space<hbm>>
        tpu.enqueue_dma source(%dma_start3A_369 : memref<256xi32, #tpu.memory_space<hbm>>) target(%dma_start3A_366 : memref<256xi32, #tpu.memory_space<vmem>>) target_semaphore(%arg16 : memref<!tpu.dma_semaphore, #tpu.memory_space<semaphore_mem>>)
        %dma_start3A_370 = arith.constant 1 : i32
        %dma_start3A_371 = arith.constant 0 : i32
        %dma_start3A_372 = arith.constant 0 : i32
        %dma_start3A_373 = tpu.memref_slice %arg7[%dma_start3A_371, %dma_start3A_372] : memref<4x256xi32, #tpu.memory_space<vmem>> -> memref<1x256xi32, #tpu.memory_space<vmem>>
        %dma_start3A_374 = tpu.memref_squeeze %dma_start3A_373 : memref<1x256xi32, #tpu.memory_space<vmem>> -> memref<256xi32, #tpu.memory_space<vmem>>
        %dma_start3A_375 = arith.constant 0 : i32
        %dma_start3A_376 = tpu.memref_slice %arg3[%dma_start3A_370, %arg1, %add3A_355, %dma_start3A_375] : memref<2x16x80x256xi32, #tpu.memory_space<hbm>> -> memref<1x1x1x256xi32, #tpu.memory_space<hbm>>
        %dma_start3A_377 = tpu.memref_squeeze %dma_start3A_376 : memref<1x1x1x256xi32, #tpu.memory_space<hbm>> -> memref<256xi32, #tpu.memory_space<hbm>>
        %dma_start3A_378 = arith.constant 0 : i32
        %dma_start3A_379 = tpu.memref_slice %arg7[%dma_start3A_371, %dma_start3A_378] : memref<4x256xi32, #tpu.memory_space<vmem>> -> memref<1x256xi32, #tpu.memory_space<vmem>>
        %dma_start3A_380 = tpu.memref_squeeze %dma_start3A_379 : memref<1x256xi32, #tpu.memory_space<vmem>> -> memref<256xi32, #tpu.memory_space<vmem>>
        %dma_start3A_381 = arith.constant 0 : i32
        %dma_start3A_382 = tpu.memref_slice %arg3[%dma_start3A_370, %arg1, %add3A_355, %dma_start3A_381] : memref<2x16x80x256xi32, #tpu.memory_space<hbm>> -> memref<1x1x1x256xi32, #tpu.memory_space<hbm>>
        %dma_start3A_383 = tpu.memref_squeeze %dma_start3A_382 : memref<1x1x1x256xi32, #tpu.memory_space<hbm>> -> memref<256xi32, #tpu.memory_space<hbm>>
        tpu.enqueue_dma source(%dma_start3A_383 : memref<256xi32, #tpu.memory_space<hbm>>) target(%dma_start3A_380 : memref<256xi32, #tpu.memory_space<vmem>>) target_semaphore(%arg16 : memref<!tpu.dma_semaphore, #tpu.memory_space<semaphore_mem>>)
      } else {
      }
      %dma_wait3A_240 = arith.constant 0 : i32
      %dma_wait3A_241 = arith.constant 2 : i32
      %dma_wait3A_242 = arith.constant 0 : i32
      %dma_wait3A_243 = tpu.memref_slice %arg6[%dma_wait3A_241, %dma_wait3A_242] : memref<4x256xi32, #tpu.memory_space<vmem>> -> memref<1x256xi32, #tpu.memory_space<vmem>>
      %dma_wait3A_244 = tpu.memref_squeeze %dma_wait3A_243 : memref<1x256xi32, #tpu.memory_space<vmem>> -> memref<256xi32, #tpu.memory_space<vmem>>
      %dma_wait3A_245 = arith.constant 0 : i32
      %dma_wait3A_246 = tpu.memref_slice %arg3[%dma_wait3A_240, %arg1, %add3A_227, %dma_wait3A_245] : memref<2x16x80x256xi32, #tpu.memory_space<hbm>> -> memref<1x1x1x256xi32, #tpu.memory_space<hbm>>
      %dma_wait3A_247 = tpu.memref_squeeze %dma_wait3A_246 : memref<1x1x1x256xi32, #tpu.memory_space<hbm>> -> memref<256xi32, #tpu.memory_space<hbm>>
      %dma_wait3A_248 = arith.constant 0 : i32
      %dma_wait3A_249 = tpu.memref_slice %arg6[%dma_wait3A_241, %dma_wait3A_248] : memref<4x256xi32, #tpu.memory_space<vmem>> -> memref<1x256xi32, #tpu.memory_space<vmem>>
      %dma_wait3A_250 = tpu.memref_squeeze %dma_wait3A_249 : memref<1x256xi32, #tpu.memory_space<vmem>> -> memref<256xi32, #tpu.memory_space<vmem>>
      %dma_wait3A_251 = arith.constant 0 : i32
      %dma_wait3A_252 = tpu.memref_slice %arg3[%dma_wait3A_240, %arg1, %add3A_227, %dma_wait3A_251] : memref<2x16x80x256xi32, #tpu.memory_space<hbm>> -> memref<1x1x1x256xi32, #tpu.memory_space<hbm>>
      %dma_wait3A_253 = tpu.memref_squeeze %dma_wait3A_252 : memref<1x1x1x256xi32, #tpu.memory_space<hbm>> -> memref<256xi32, #tpu.memory_space<hbm>>
      tpu.wait_dma2 semaphore(%arg18 : memref<!tpu.dma_semaphore, #tpu.memory_space<semaphore_mem>>) src(%dma_wait3A_253 : memref<256xi32, #tpu.memory_space<hbm>>) dst(%dma_wait3A_250 : memref<256xi32, #tpu.memory_space<vmem>>)
      %dma_wait3A_254 = arith.constant 1 : i32
      %dma_wait3A_255 = arith.constant 2 : i32
      %dma_wait3A_256 = arith.constant 0 : i32
      %dma_wait3A_257 = tpu.memref_slice %arg7[%dma_wait3A_255, %dma_wait3A_256] : memref<4x256xi32, #tpu.memory_space<vmem>> -> memref<1x256xi32, #tpu.memory_space<vmem>>
      %dma_wait3A_258 = tpu.memref_squeeze %dma_wait3A_257 : memref<1x256xi32, #tpu.memory_space<vmem>> -> memref<256xi32, #tpu.memory_space<vmem>>
      %dma_wait3A_259 = arith.constant 0 : i32
      %dma_wait3A_260 = tpu.memref_slice %arg3[%dma_wait3A_254, %arg1, %add3A_227, %dma_wait3A_259] : memref<2x16x80x256xi32, #tpu.memory_space<hbm>> -> memref<1x1x1x256xi32, #tpu.memory_space<hbm>>
      %dma_wait3A_261 = tpu.memref_squeeze %dma_wait3A_260 : memref<1x1x1x256xi32, #tpu.memory_space<hbm>> -> memref<256xi32, #tpu.memory_space<hbm>>
      %dma_wait3A_262 = arith.constant 0 : i32
      %dma_wait3A_263 = tpu.memref_slice %arg7[%dma_wait3A_255, %dma_wait3A_262] : memref<4x256xi32, #tpu.memory_space<vmem>> -> memref<1x256xi32, #tpu.memory_space<vmem>>
      %dma_wait3A_264 = tpu.memref_squeeze %dma_wait3A_263 : memref<1x256xi32, #tpu.memory_space<vmem>> -> memref<256xi32, #tpu.memory_space<vmem>>
      %dma_wait3A_265 = arith.constant 0 : i32
      %dma_wait3A_266 = tpu.memref_slice %arg3[%dma_wait3A_254, %arg1, %add3A_227, %dma_wait3A_265] : memref<2x16x80x256xi32, #tpu.memory_space<hbm>> -> memref<1x1x1x256xi32, #tpu.memory_space<hbm>>
      %dma_wait3A_267 = tpu.memref_squeeze %dma_wait3A_266 : memref<1x1x1x256xi32, #tpu.memory_space<hbm>> -> memref<256xi32, #tpu.memory_space<hbm>>
      tpu.wait_dma2 semaphore(%arg18 : memref<!tpu.dma_semaphore, #tpu.memory_space<semaphore_mem>>) src(%dma_wait3A_267 : memref<256xi32, #tpu.memory_space<hbm>>) dst(%dma_wait3A_264 : memref<256xi32, #tpu.memory_space<vmem>>)
      %dma_start3A_268 = arith.constant 2 : i32
      %dma_start3A_269 = arith.constant 0 : i32
      %dma_start3A_270 = tpu.memref_slice %arg6[%dma_start3A_268, %dma_start3A_269] : memref<4x256xi32, #tpu.memory_space<vmem>> -> memref<1x256xi32, #tpu.memory_space<vmem>>
      %dma_start3A_271 = tpu.memref_squeeze %dma_start3A_270 : memref<1x256xi32, #tpu.memory_space<vmem>> -> memref<256xi32, #tpu.memory_space<vmem>>
      %dma_start3A_272 = arith.constant 0 : i32
      %dma_start3A_273 = arith.constant 0 : i32
      %dma_start3A_274 = tpu.memref_slice %arg10[%dma_start3A_272, %dma_start3A_273] : memref<10240x64xf32, #tpu.memory_space<vmem_shared>> -> memref<10240x64xf32, #tpu.memory_space<vmem_shared>>
      tpu.enqueue_indirect_dma source(%dma_start3A_274 : memref<10240x64xf32, #tpu.memory_space<vmem_shared>>) target(%arg8 : memref<256x64xf32, #tpu.memory_space<vmem>>) offsets(%dma_start3A_271 : memref<256xi32, #tpu.memory_space<vmem>>) semaphore(%arg12 : memref<!tpu.dma_semaphore, #tpu.memory_space<semaphore_mem>>)
      %dma_wait3A_275 = arith.constant 2 : i32
      %dma_wait3A_276 = arith.constant 0 : i32
      %dma_wait3A_277 = tpu.memref_slice %arg6[%dma_wait3A_275, %dma_wait3A_276] : memref<4x256xi32, #tpu.memory_space<vmem>> -> memref<1x256xi32, #tpu.memory_space<vmem>>
      %dma_wait3A_278 = tpu.memref_squeeze %dma_wait3A_277 : memref<1x256xi32, #tpu.memory_space<vmem>> -> memref<256xi32, #tpu.memory_space<vmem>>
      %dma_wait3A_279 = arith.constant 0 : i32
      %dma_wait3A_280 = arith.constant 0 : i32
      %dma_wait3A_281 = tpu.memref_slice %arg10[%dma_wait3A_279, %dma_wait3A_280] : memref<10240x64xf32, #tpu.memory_space<vmem_shared>> -> memref<10240x64xf32, #tpu.memory_space<vmem_shared>>
      tpu.wait_indirect_dma semaphore(%arg12 : memref<!tpu.dma_semaphore, #tpu.memory_space<semaphore_mem>>) src(%dma_wait3A_281 : memref<10240x64xf32, #tpu.memory_space<vmem_shared>>) dst(%arg8 : memref<256x64xf32, #tpu.memory_space<vmem>>)
      %dma_start3A_282 = arith.constant 2 : i32
      %dma_start3A_283 = arith.constant 0 : i32
      %dma_start3A_284 = tpu.memref_slice %arg7[%dma_start3A_282, %dma_start3A_283] : memref<4x256xi32, #tpu.memory_space<vmem>> -> memref<1x256xi32, #tpu.memory_space<vmem>>
      %dma_start3A_285 = tpu.memref_squeeze %dma_start3A_284 : memref<1x256xi32, #tpu.memory_space<vmem>> -> memref<256xi32, #tpu.memory_space<vmem>>
      %dma_start3A_286 = arith.constant 0 : i32
      %dma_start3A_287 = arith.constant 0 : i32
      %dma_start3A_288 = tpu.memref_slice %arg11[%dma_start3A_286, %dma_start3A_287] : memref<10240x64xf32, #tpu.memory_space<vmem_shared>> -> memref<10240x64xf32, #tpu.memory_space<vmem_shared>>
      tpu.enqueue_indirect_dma source(%arg8 : memref<256x64xf32, #tpu.memory_space<vmem>>) target(%dma_start3A_288 : memref<10240x64xf32, #tpu.memory_space<vmem_shared>>) offsets(%dma_start3A_285 : memref<256xi32, #tpu.memory_space<vmem>>) semaphore(%arg14 : memref<!tpu.dma_semaphore, #tpu.memory_space<semaphore_mem>>) {add = true}
      %mul3A_289 = arith.constant 4 : i32
      %mul3A_290 = arith.muli %scan3A_96, %mul3A_289 : i32
      %add3A_291 = arith.constant 3 : i32
      %add3A_292 = arith.addi %mul3A_290, %add3A_291 : i32
      %ge3A_293 = arith.constant 2 : i32
      %ge3A_294 = arith.cmpi sge, %add3A_292, %ge3A_293 : i32
      %convert_element_type3A_295 = arith.extui %ge3A_294 : i1 to i32
      %cond3A_296 = arith.constant 0 : i32
      %cond3A_297 = arith.cmpi ne, %convert_element_type3A_295, %cond3A_296 : i32
      scf.if %cond3A_297 {
        %dma_wait3A_354 = arith.constant 1 : i32
        %dma_wait3A_355 = arith.constant 0 : i32
        %dma_wait3A_356 = tpu.memref_slice %arg7[%dma_wait3A_354, %dma_wait3A_355] : memref<4x256xi32, #tpu.memory_space<vmem>> -> memref<1x256xi32, #tpu.memory_space<vmem>>
        %dma_wait3A_357 = tpu.memref_squeeze %dma_wait3A_356 : memref<1x256xi32, #tpu.memory_space<vmem>> -> memref<256xi32, #tpu.memory_space<vmem>>
        %dma_wait3A_358 = arith.constant 0 : i32
        %dma_wait3A_359 = arith.constant 0 : i32
        %dma_wait3A_360 = tpu.memref_slice %arg11[%dma_wait3A_358, %dma_wait3A_359] : memref<10240x64xf32, #tpu.memory_space<vmem_shared>> -> memref<10240x64xf32, #tpu.memory_space<vmem_shared>>
        tpu.wait_indirect_dma semaphore(%arg15 : memref<!tpu.dma_semaphore, #tpu.memory_space<semaphore_mem>>) src(%arg9 : memref<256x64xf32, #tpu.memory_space<vmem>>) dst(%dma_wait3A_360 : memref<10240x64xf32, #tpu.memory_space<vmem_shared>>)
      } else {
      }
      %add3A_298 = arith.constant 2 : i32
      %add3A_299 = arith.addi %add3A_292, %add3A_298 : i32
      %lt3A_300 = arith.constant 80 : i32
      %lt3A_301 = arith.cmpi slt, %add3A_299, %lt3A_300 : i32
      %convert_element_type3A_302 = arith.extui %lt3A_301 : i1 to i32
      %cond3A_303 = arith.constant 0 : i32
      %cond3A_304 = arith.cmpi ne, %convert_element_type3A_302, %cond3A_303 : i32
      scf.if %cond3A_304 {
        %add3A_354 = arith.constant 2 : i32
        %add3A_355 = arith.addi %add3A_292, %add3A_354 : i32
        %dma_start3A_356 = arith.constant 0 : i32
        %dma_start3A_357 = arith.constant 1 : i32
        %dma_start3A_358 = arith.constant 0 : i32
        %dma_start3A_359 = tpu.memref_slice %arg6[%dma_start3A_357, %dma_start3A_358] : memref<4x256xi32, #tpu.memory_space<vmem>> -> memref<1x256xi32, #tpu.memory_space<vmem>>
        %dma_start3A_360 = tpu.memref_squeeze %dma_start3A_359 : memref<1x256xi32, #tpu.memory_space<vmem>> -> memref<256xi32, #tpu.memory_space<vmem>>
        %dma_start3A_361 = arith.constant 0 : i32
        %dma_start3A_362 = tpu.memref_slice %arg3[%dma_start3A_356, %arg1, %add3A_355, %dma_start3A_361] : memref<2x16x80x256xi32, #tpu.memory_space<hbm>> -> memref<1x1x1x256xi32, #tpu.memory_space<hbm>>
        %dma_start3A_363 = tpu.memref_squeeze %dma_start3A_362 : memref<1x1x1x256xi32, #tpu.memory_space<hbm>> -> memref<256xi32, #tpu.memory_space<hbm>>
        %dma_start3A_364 = arith.constant 0 : i32
        %dma_start3A_365 = tpu.memref_slice %arg6[%dma_start3A_357, %dma_start3A_364] : memref<4x256xi32, #tpu.memory_space<vmem>> -> memref<1x256xi32, #tpu.memory_space<vmem>>
        %dma_start3A_366 = tpu.memref_squeeze %dma_start3A_365 : memref<1x256xi32, #tpu.memory_space<vmem>> -> memref<256xi32, #tpu.memory_space<vmem>>
        %dma_start3A_367 = arith.constant 0 : i32
        %dma_start3A_368 = tpu.memref_slice %arg3[%dma_start3A_356, %arg1, %add3A_355, %dma_start3A_367] : memref<2x16x80x256xi32, #tpu.memory_space<hbm>> -> memref<1x1x1x256xi32, #tpu.memory_space<hbm>>
        %dma_start3A_369 = tpu.memref_squeeze %dma_start3A_368 : memref<1x1x1x256xi32, #tpu.memory_space<hbm>> -> memref<256xi32, #tpu.memory_space<hbm>>
        tpu.enqueue_dma source(%dma_start3A_369 : memref<256xi32, #tpu.memory_space<hbm>>) target(%dma_start3A_366 : memref<256xi32, #tpu.memory_space<vmem>>) target_semaphore(%arg17 : memref<!tpu.dma_semaphore, #tpu.memory_space<semaphore_mem>>)
        %dma_start3A_370 = arith.constant 1 : i32
        %dma_start3A_371 = arith.constant 1 : i32
        %dma_start3A_372 = arith.constant 0 : i32
        %dma_start3A_373 = tpu.memref_slice %arg7[%dma_start3A_371, %dma_start3A_372] : memref<4x256xi32, #tpu.memory_space<vmem>> -> memref<1x256xi32, #tpu.memory_space<vmem>>
        %dma_start3A_374 = tpu.memref_squeeze %dma_start3A_373 : memref<1x256xi32, #tpu.memory_space<vmem>> -> memref<256xi32, #tpu.memory_space<vmem>>
        %dma_start3A_375 = arith.constant 0 : i32
        %dma_start3A_376 = tpu.memref_slice %arg3[%dma_start3A_370, %arg1, %add3A_355, %dma_start3A_375] : memref<2x16x80x256xi32, #tpu.memory_space<hbm>> -> memref<1x1x1x256xi32, #tpu.memory_space<hbm>>
        %dma_start3A_377 = tpu.memref_squeeze %dma_start3A_376 : memref<1x1x1x256xi32, #tpu.memory_space<hbm>> -> memref<256xi32, #tpu.memory_space<hbm>>
        %dma_start3A_378 = arith.constant 0 : i32
        %dma_start3A_379 = tpu.memref_slice %arg7[%dma_start3A_371, %dma_start3A_378] : memref<4x256xi32, #tpu.memory_space<vmem>> -> memref<1x256xi32, #tpu.memory_space<vmem>>
        %dma_start3A_380 = tpu.memref_squeeze %dma_start3A_379 : memref<1x256xi32, #tpu.memory_space<vmem>> -> memref<256xi32, #tpu.memory_space<vmem>>
        %dma_start3A_381 = arith.constant 0 : i32
        %dma_start3A_382 = tpu.memref_slice %arg3[%dma_start3A_370, %arg1, %add3A_355, %dma_start3A_381] : memref<2x16x80x256xi32, #tpu.memory_space<hbm>> -> memref<1x1x1x256xi32, #tpu.memory_space<hbm>>
        %dma_start3A_383 = tpu.memref_squeeze %dma_start3A_382 : memref<1x1x1x256xi32, #tpu.memory_space<hbm>> -> memref<256xi32, #tpu.memory_space<hbm>>
        tpu.enqueue_dma source(%dma_start3A_383 : memref<256xi32, #tpu.memory_space<hbm>>) target(%dma_start3A_380 : memref<256xi32, #tpu.memory_space<vmem>>) target_semaphore(%arg17 : memref<!tpu.dma_semaphore, #tpu.memory_space<semaphore_mem>>)
      } else {
      }
      %dma_wait3A_305 = arith.constant 0 : i32
      %dma_wait3A_306 = arith.constant 3 : i32
      %dma_wait3A_307 = arith.constant 0 : i32
      %dma_wait3A_308 = tpu.memref_slice %arg6[%dma_wait3A_306, %dma_wait3A_307] : memref<4x256xi32, #tpu.memory_space<vmem>> -> memref<1x256xi32, #tpu.memory_space<vmem>>
      %dma_wait3A_309 = tpu.memref_squeeze %dma_wait3A_308 : memref<1x256xi32, #tpu.memory_space<vmem>> -> memref<256xi32, #tpu.memory_space<vmem>>
      %dma_wait3A_310 = arith.constant 0 : i32
      %dma_wait3A_311 = tpu.memref_slice %arg3[%dma_wait3A_305, %arg1, %add3A_292, %dma_wait3A_310] : memref<2x16x80x256xi32, #tpu.memory_space<hbm>> -> memref<1x1x1x256xi32, #tpu.memory_space<hbm>>
      %dma_wait3A_312 = tpu.memref_squeeze %dma_wait3A_311 : memref<1x1x1x256xi32, #tpu.memory_space<hbm>> -> memref<256xi32, #tpu.memory_space<hbm>>
      %dma_wait3A_313 = arith.constant 0 : i32
      %dma_wait3A_314 = tpu.memref_slice %arg6[%dma_wait3A_306, %dma_wait3A_313] : memref<4x256xi32, #tpu.memory_space<vmem>> -> memref<1x256xi32, #tpu.memory_space<vmem>>
      %dma_wait3A_315 = tpu.memref_squeeze %dma_wait3A_314 : memref<1x256xi32, #tpu.memory_space<vmem>> -> memref<256xi32, #tpu.memory_space<vmem>>
      %dma_wait3A_316 = arith.constant 0 : i32
      %dma_wait3A_317 = tpu.memref_slice %arg3[%dma_wait3A_305, %arg1, %add3A_292, %dma_wait3A_316] : memref<2x16x80x256xi32, #tpu.memory_space<hbm>> -> memref<1x1x1x256xi32, #tpu.memory_space<hbm>>
      %dma_wait3A_318 = tpu.memref_squeeze %dma_wait3A_317 : memref<1x1x1x256xi32, #tpu.memory_space<hbm>> -> memref<256xi32, #tpu.memory_space<hbm>>
      tpu.wait_dma2 semaphore(%arg19 : memref<!tpu.dma_semaphore, #tpu.memory_space<semaphore_mem>>) src(%dma_wait3A_318 : memref<256xi32, #tpu.memory_space<hbm>>) dst(%dma_wait3A_315 : memref<256xi32, #tpu.memory_space<vmem>>)
      %dma_wait3A_319 = arith.constant 1 : i32
      %dma_wait3A_320 = arith.constant 3 : i32
      %dma_wait3A_321 = arith.constant 0 : i32
      %dma_wait3A_322 = tpu.memref_slice %arg7[%dma_wait3A_320, %dma_wait3A_321] : memref<4x256xi32, #tpu.memory_space<vmem>> -> memref<1x256xi32, #tpu.memory_space<vmem>>
      %dma_wait3A_323 = tpu.memref_squeeze %dma_wait3A_322 : memref<1x256xi32, #tpu.memory_space<vmem>> -> memref<256xi32, #tpu.memory_space<vmem>>
      %dma_wait3A_324 = arith.constant 0 : i32
      %dma_wait3A_325 = tpu.memref_slice %arg3[%dma_wait3A_319, %arg1, %add3A_292, %dma_wait3A_324] : memref<2x16x80x256xi32, #tpu.memory_space<hbm>> -> memref<1x1x1x256xi32, #tpu.memory_space<hbm>>
      %dma_wait3A_326 = tpu.memref_squeeze %dma_wait3A_325 : memref<1x1x1x256xi32, #tpu.memory_space<hbm>> -> memref<256xi32, #tpu.memory_space<hbm>>
      %dma_wait3A_327 = arith.constant 0 : i32
      %dma_wait3A_328 = tpu.memref_slice %arg7[%dma_wait3A_320, %dma_wait3A_327] : memref<4x256xi32, #tpu.memory_space<vmem>> -> memref<1x256xi32, #tpu.memory_space<vmem>>
      %dma_wait3A_329 = tpu.memref_squeeze %dma_wait3A_328 : memref<1x256xi32, #tpu.memory_space<vmem>> -> memref<256xi32, #tpu.memory_space<vmem>>
      %dma_wait3A_330 = arith.constant 0 : i32
      %dma_wait3A_331 = tpu.memref_slice %arg3[%dma_wait3A_319, %arg1, %add3A_292, %dma_wait3A_330] : memref<2x16x80x256xi32, #tpu.memory_space<hbm>> -> memref<1x1x1x256xi32, #tpu.memory_space<hbm>>
      %dma_wait3A_332 = tpu.memref_squeeze %dma_wait3A_331 : memref<1x1x1x256xi32, #tpu.memory_space<hbm>> -> memref<256xi32, #tpu.memory_space<hbm>>
      tpu.wait_dma2 semaphore(%arg19 : memref<!tpu.dma_semaphore, #tpu.memory_space<semaphore_mem>>) src(%dma_wait3A_332 : memref<256xi32, #tpu.memory_space<hbm>>) dst(%dma_wait3A_329 : memref<256xi32, #tpu.memory_space<vmem>>)
      %dma_start3A_333 = arith.constant 3 : i32
      %dma_start3A_334 = arith.constant 0 : i32
      %dma_start3A_335 = tpu.memref_slice %arg6[%dma_start3A_333, %dma_start3A_334] : memref<4x256xi32, #tpu.memory_space<vmem>> -> memref<1x256xi32, #tpu.memory_space<vmem>>
      %dma_start3A_336 = tpu.memref_squeeze %dma_start3A_335 : memref<1x256xi32, #tpu.memory_space<vmem>> -> memref<256xi32, #tpu.memory_space<vmem>>
      %dma_start3A_337 = arith.constant 0 : i32
      %dma_start3A_338 = arith.constant 0 : i32
      %dma_start3A_339 = tpu.memref_slice %arg10[%dma_start3A_337, %dma_start3A_338] : memref<10240x64xf32, #tpu.memory_space<vmem_shared>> -> memref<10240x64xf32, #tpu.memory_space<vmem_shared>>
      tpu.enqueue_indirect_dma source(%dma_start3A_339 : memref<10240x64xf32, #tpu.memory_space<vmem_shared>>) target(%arg9 : memref<256x64xf32, #tpu.memory_space<vmem>>) offsets(%dma_start3A_336 : memref<256xi32, #tpu.memory_space<vmem>>) semaphore(%arg13 : memref<!tpu.dma_semaphore, #tpu.memory_space<semaphore_mem>>)
      %dma_wait3A_340 = arith.constant 3 : i32
      %dma_wait3A_341 = arith.constant 0 : i32
      %dma_wait3A_342 = tpu.memref_slice %arg6[%dma_wait3A_340, %dma_wait3A_341] : memref<4x256xi32, #tpu.memory_space<vmem>> -> memref<1x256xi32, #tpu.memory_space<vmem>>
      %dma_wait3A_343 = tpu.memref_squeeze %dma_wait3A_342 : memref<1x256xi32, #tpu.memory_space<vmem>> -> memref<256xi32, #tpu.memory_space<vmem>>
      %dma_wait3A_344 = arith.constant 0 : i32
      %dma_wait3A_345 = arith.constant 0 : i32
      %dma_wait3A_346 = tpu.memref_slice %arg10[%dma_wait3A_344, %dma_wait3A_345] : memref<10240x64xf32, #tpu.memory_space<vmem_shared>> -> memref<10240x64xf32, #tpu.memory_space<vmem_shared>>
      tpu.wait_indirect_dma semaphore(%arg13 : memref<!tpu.dma_semaphore, #tpu.memory_space<semaphore_mem>>) src(%dma_wait3A_346 : memref<10240x64xf32, #tpu.memory_space<vmem_shared>>) dst(%arg9 : memref<256x64xf32, #tpu.memory_space<vmem>>)
      %dma_start3A_347 = arith.constant 3 : i32
      %dma_start3A_348 = arith.constant 0 : i32
      %dma_start3A_349 = tpu.memref_slice %arg7[%dma_start3A_347, %dma_start3A_348] : memref<4x256xi32, #tpu.memory_space<vmem>> -> memref<1x256xi32, #tpu.memory_space<vmem>>
      %dma_start3A_350 = tpu.memref_squeeze %dma_start3A_349 : memref<1x256xi32, #tpu.memory_space<vmem>> -> memref<256xi32, #tpu.memory_space<vmem>>
      %dma_start3A_351 = arith.constant 0 : i32
      %dma_start3A_352 = arith.constant 0 : i32
      %dma_start3A_353 = tpu.memref_slice %arg11[%dma_start3A_351, %dma_start3A_352] : memref<10240x64xf32, #tpu.memory_space<vmem_shared>> -> memref<10240x64xf32, #tpu.memory_space<vmem_shared>>
      tpu.enqueue_indirect_dma source(%arg9 : memref<256x64xf32, #tpu.memory_space<vmem>>) target(%dma_start3A_353 : memref<10240x64xf32, #tpu.memory_space<vmem_shared>>) offsets(%dma_start3A_350 : memref<256xi32, #tpu.memory_space<vmem>>) semaphore(%arg15 : memref<!tpu.dma_semaphore, #tpu.memory_space<semaphore_mem>>) {add = true}
    }
    %scan3A_71 = arith.constant 20 : i32
    %dma_wait3A = arith.constant 2 : i32
    %dma_wait3A_72 = arith.constant 0 : i32
    %dma_wait3A_73 = tpu.memref_slice %arg7[%dma_wait3A, %dma_wait3A_72] : memref<4x256xi32, #tpu.memory_space<vmem>> -> memref<1x256xi32, #tpu.memory_space<vmem>>
    %dma_wait3A_74 = tpu.memref_squeeze %dma_wait3A_73 : memref<1x256xi32, #tpu.memory_space<vmem>> -> memref<256xi32, #tpu.memory_space<vmem>>
    %dma_wait3A_75 = arith.constant 0 : i32
    %dma_wait3A_76 = arith.constant 0 : i32
    %dma_wait3A_77 = tpu.memref_slice %arg11[%dma_wait3A_75, %dma_wait3A_76] : memref<10240x64xf32, #tpu.memory_space<vmem_shared>> -> memref<10240x64xf32, #tpu.memory_space<vmem_shared>>
    tpu.wait_indirect_dma semaphore(%arg14 : memref<!tpu.dma_semaphore, #tpu.memory_space<semaphore_mem>>) src(%arg8 : memref<256x64xf32, #tpu.memory_space<vmem>>) dst(%dma_wait3A_77 : memref<10240x64xf32, #tpu.memory_space<vmem_shared>>)
    %dma_wait3A_78 = arith.constant 3 : i32
    %dma_wait3A_79 = arith.constant 0 : i32
    %dma_wait3A_80 = tpu.memref_slice %arg7[%dma_wait3A_78, %dma_wait3A_79] : memref<4x256xi32, #tpu.memory_space<vmem>> -> memref<1x256xi32, #tpu.memory_space<vmem>>
    %dma_wait3A_81 = tpu.memref_squeeze %dma_wait3A_80 : memref<1x256xi32, #tpu.memory_space<vmem>> -> memref<256xi32, #tpu.memory_space<vmem>>
    %dma_wait3A_82 = arith.constant 0 : i32
    %dma_wait3A_83 = arith.constant 0 : i32
    %dma_wait3A_84 = tpu.memref_slice %arg11[%dma_wait3A_82, %dma_wait3A_83] : memref<10240x64xf32, #tpu.memory_space<vmem_shared>> -> memref<10240x64xf32, #tpu.memory_space<vmem_shared>>
    tpu.wait_indirect_dma semaphore(%arg15 : memref<!tpu.dma_semaphore, #tpu.memory_space<semaphore_mem>>) src(%arg9 : memref<256x64xf32, #tpu.memory_space<vmem>>) dst(%dma_wait3A_84 : memref<10240x64xf32, #tpu.memory_space<vmem_shared>>)
    %barrier3A_85 = arith.constant 0 : index
    tpu.barrier barrier_id(%barrier3A_85)
    %eq3A_86 = arith.constant 0 : i32
    %eq3A_87 = arith.cmpi eq, %arg0, %eq3A_86 : i32
    %convert_element_type3A_88 = arith.extui %eq3A_87 : i1 to i32
    %cond3A_89 = arith.constant 0 : i32
    %cond3A_90 = arith.cmpi ne, %convert_element_type3A_88, %cond3A_89 : i32
    scf.if %cond3A_90 {
      %mul3A_96 = arith.constant 640 : i32
      %mul3A_97 = arith.muli %arg1, %mul3A_96 : i32
      %mul3A_98 = arith.constant 640 : i32
      %mul3A_99 = arith.muli %arg1, %mul3A_98 : i32
      "tpu.region"() ({
        %run_scoped3A = tpu.sem_alloc : memref<!tpu.dma_semaphore, #tpu.memory_space<semaphore_mem>>
        %dma_start3A_100 = arith.constant 0 : i32
        %dma_start3A_101 = tpu.memref_slice %arg5[%mul3A_99, %dma_start3A_100] : memref<10240x128xf32, #tpu.memory_space<hbm>> -> memref<640x64xf32, #tpu.memory_space<hbm>>
        %dma_start3A_102 = arith.constant 0 : i32
        %dma_start3A_103 = tpu.memref_slice %arg11[%mul3A_97, %dma_start3A_102] : memref<10240x64xf32, #tpu.memory_space<vmem_shared>> -> memref<640x64xf32, #tpu.memory_space<vmem_shared>>
        tpu.enqueue_dma source(%dma_start3A_103 : memref<640x64xf32, #tpu.memory_space<vmem_shared>>) target(%dma_start3A_101 : memref<640x64xf32, #tpu.memory_space<hbm>>) target_semaphore(%run_scoped3A : memref<!tpu.dma_semaphore, #tpu.memory_space<semaphore_mem>>)
        %dma_wait3A_104 = arith.constant 0 : i32
        %dma_wait3A_105 = tpu.memref_slice %arg5[%mul3A_99, %dma_wait3A_104] : memref<10240x128xf32, #tpu.memory_space<hbm>> -> memref<640x64xf32, #tpu.memory_space<hbm>>
        %dma_wait3A_106 = arith.constant 0 : i32
        %dma_wait3A_107 = tpu.memref_slice %arg11[%mul3A_97, %dma_wait3A_106] : memref<10240x64xf32, #tpu.memory_space<vmem_shared>> -> memref<640x64xf32, #tpu.memory_space<vmem_shared>>
        tpu.wait_dma2 semaphore(%run_scoped3A : memref<!tpu.dma_semaphore, #tpu.memory_space<semaphore_mem>>) src(%dma_wait3A_107 : memref<640x64xf32, #tpu.memory_space<vmem_shared>>) dst(%dma_wait3A_105 : memref<640x64xf32, #tpu.memory_space<hbm>>)
        tpu.yield
      }) : () -> ()
    } else {
    }
    %eq3A_91 = arith.constant 1 : i32
    %eq3A_92 = arith.cmpi eq, %arg0, %eq3A_91 : i32
    %convert_element_type3A_93 = arith.extui %eq3A_92 : i1 to i32
    %cond3A_94 = arith.constant 0 : i32
    %cond3A_95 = arith.cmpi ne, %convert_element_type3A_93, %cond3A_94 : i32
    scf.if %cond3A_95 {
      %mul3A_96 = arith.constant 640 : i32
      %mul3A_97 = arith.muli %arg1, %mul3A_96 : i32
      %mul3A_98 = arith.constant 640 : i32
      %mul3A_99 = arith.muli %arg1, %mul3A_98 : i32
      "tpu.region"() ({
        %run_scoped3A = tpu.sem_alloc : memref<!tpu.dma_semaphore, #tpu.memory_space<semaphore_mem>>
        %dma_start3A_100 = arith.constant 64 : i32
        %dma_start3A_101 = tpu.memref_slice %arg5[%mul3A_99, %dma_start3A_100] : memref<10240x128xf32, #tpu.memory_space<hbm>> -> memref<640x64xf32, #tpu.memory_space<hbm>>
        %dma_start3A_102 = arith.constant 0 : i32
        %dma_start3A_103 = tpu.memref_slice %arg11[%mul3A_97, %dma_start3A_102] : memref<10240x64xf32, #tpu.memory_space<vmem_shared>> -> memref<640x64xf32, #tpu.memory_space<vmem_shared>>
        tpu.enqueue_dma source(%dma_start3A_103 : memref<640x64xf32, #tpu.memory_space<vmem_shared>>) target(%dma_start3A_101 : memref<640x64xf32, #tpu.memory_space<hbm>>) target_semaphore(%run_scoped3A : memref<!tpu.dma_semaphore, #tpu.memory_space<semaphore_mem>>)
        %dma_wait3A_104 = arith.constant 64 : i32
        %dma_wait3A_105 = tpu.memref_slice %arg5[%mul3A_99, %dma_wait3A_104] : memref<10240x128xf32, #tpu.memory_space<hbm>> -> memref<640x64xf32, #tpu.memory_space<hbm>>
        %dma_wait3A_106 = arith.constant 0 : i32
        %dma_wait3A_107 = tpu.memref_slice %arg11[%mul3A_97, %dma_wait3A_106] : memref<10240x64xf32, #tpu.memory_space<vmem_shared>> -> memref<640x64xf32, #tpu.memory_space<vmem_shared>>
        tpu.wait_dma2 semaphore(%run_scoped3A : memref<!tpu.dma_semaphore, #tpu.memory_space<semaphore_mem>>) src(%dma_wait3A_107 : memref<640x64xf32, #tpu.memory_space<vmem_shared>>) dst(%dma_wait3A_105 : memref<640x64xf32, #tpu.memory_space<hbm>>)
        tpu.yield
      }) : () -> ()
    } else {
    }
    return
  }
}

#map = affine_map<(d0, d1) -> (0, 0, 0, 0)>
#map1 = affine_map<(d0, d1) -> (0, 0)>
module attributes {stable_mosaic.version = 14 : i64} {
  func.func @_sc_deg_body(%arg0: i32, %arg1: i32, %arg2: memref<2x16x80x256xi32, #tpu.memory_space<hbm>>, %arg3: memref<640x16xf32, #tpu.memory_space<hbm>>, %arg4: memref<256x16xf32, #tpu.memory_space<hbm>>, %arg5: memref<10240x128xf32, #tpu.memory_space<hbm>>, %arg6: memref<80x256xi32, #tpu.memory_space<vmem>>, %arg7: memref<256x16xf32, #tpu.memory_space<vmem>>, %arg8: memref<10240x16xf32, #tpu.memory_space<vmem_shared>>) attributes {dimension_semantics = [#tpu.dimension_semantics<core_parallel>, #tpu.dimension_semantics<subcore_parallel>], iteration_bounds = array<i64: 2, 16>, scalar_prefetch = 0 : i64, scratch_operands = 3 : i64, tpu.core_type = #tpu.core_type<sc_vector_subcore>, window_params = [{transform_indices = #map}, {transform_indices = #map1}, {transform_indices = #map1}, {transform_indices = #map1}]} {
    %mul3A = arith.constant 640 : i32
    %mul3A_0 = arith.muli %arg1, %mul3A : i32
    "tpu.region"() ({
      %run_scoped3A_22 = tpu.sem_alloc : memref<!tpu.dma_semaphore, #tpu.memory_space<semaphore_mem>>
      %dma_start3A = arith.constant 0 : i32
      %dma_start3A_23 = tpu.memref_slice %arg8[%mul3A_0, %dma_start3A] : memref<10240x16xf32, #tpu.memory_space<vmem_shared>> -> memref<640x16xf32, #tpu.memory_space<vmem_shared>>
      tpu.enqueue_dma source(%arg3 : memref<640x16xf32, #tpu.memory_space<hbm>>) target(%dma_start3A_23 : memref<640x16xf32, #tpu.memory_space<vmem_shared>>) target_semaphore(%run_scoped3A_22 : memref<!tpu.dma_semaphore, #tpu.memory_space<semaphore_mem>>)
      %dma_wait3A = arith.constant 0 : i32
      %dma_wait3A_24 = tpu.memref_slice %arg8[%mul3A_0, %dma_wait3A] : memref<10240x16xf32, #tpu.memory_space<vmem_shared>> -> memref<640x16xf32, #tpu.memory_space<vmem_shared>>
      tpu.wait_dma2 semaphore(%run_scoped3A_22 : memref<!tpu.dma_semaphore, #tpu.memory_space<semaphore_mem>>) src(%arg3 : memref<640x16xf32, #tpu.memory_space<hbm>>) dst(%dma_wait3A_24 : memref<640x16xf32, #tpu.memory_space<vmem_shared>>)
      tpu.yield
    }) : () -> ()
    "tpu.region"() ({
      %run_scoped3A_22 = tpu.sem_alloc : memref<!tpu.dma_semaphore, #tpu.memory_space<semaphore_mem>>
      tpu.enqueue_dma source(%arg4 : memref<256x16xf32, #tpu.memory_space<hbm>>) target(%arg7 : memref<256x16xf32, #tpu.memory_space<vmem>>) target_semaphore(%run_scoped3A_22 : memref<!tpu.dma_semaphore, #tpu.memory_space<semaphore_mem>>)
      tpu.wait_dma2 semaphore(%run_scoped3A_22 : memref<!tpu.dma_semaphore, #tpu.memory_space<semaphore_mem>>) src(%arg4 : memref<256x16xf32, #tpu.memory_space<hbm>>) dst(%arg7 : memref<256x16xf32, #tpu.memory_space<vmem>>)
      tpu.yield
    }) : () -> ()
    %run_scoped3A = arith.constant 1 : i32
    "tpu.region"() ({
      %run_scoped3A_22 = tpu.sem_alloc : memref<!tpu.dma_semaphore, #tpu.memory_space<semaphore_mem>>
      %dma_start3A = arith.constant 0 : i32
      %dma_start3A_23 = arith.constant 0 : i32
      %dma_start3A_24 = tpu.memref_slice %arg2[%run_scoped3A, %arg1, %dma_start3A, %dma_start3A_23] : memref<2x16x80x256xi32, #tpu.memory_space<hbm>> -> memref<1x1x80x256xi32, #tpu.memory_space<hbm>>
      %dma_start3A_25 = tpu.memref_squeeze %dma_start3A_24 : memref<1x1x80x256xi32, #tpu.memory_space<hbm>> -> memref<80x256xi32, #tpu.memory_space<hbm>>
      %dma_start3A_26 = arith.constant 0 : i32
      %dma_start3A_27 = arith.constant 0 : i32
      %dma_start3A_28 = tpu.memref_slice %arg2[%run_scoped3A, %arg1, %dma_start3A_26, %dma_start3A_27] : memref<2x16x80x256xi32, #tpu.memory_space<hbm>> -> memref<1x1x80x256xi32, #tpu.memory_space<hbm>>
      %dma_start3A_29 = tpu.memref_squeeze %dma_start3A_28 : memref<1x1x80x256xi32, #tpu.memory_space<hbm>> -> memref<80x256xi32, #tpu.memory_space<hbm>>
      tpu.enqueue_dma source(%dma_start3A_29 : memref<80x256xi32, #tpu.memory_space<hbm>>) target(%arg6 : memref<80x256xi32, #tpu.memory_space<vmem>>) target_semaphore(%run_scoped3A_22 : memref<!tpu.dma_semaphore, #tpu.memory_space<semaphore_mem>>)
      %dma_wait3A = arith.constant 0 : i32
      %dma_wait3A_30 = arith.constant 0 : i32
      %dma_wait3A_31 = tpu.memref_slice %arg2[%run_scoped3A, %arg1, %dma_wait3A, %dma_wait3A_30] : memref<2x16x80x256xi32, #tpu.memory_space<hbm>> -> memref<1x1x80x256xi32, #tpu.memory_space<hbm>>
      %dma_wait3A_32 = tpu.memref_squeeze %dma_wait3A_31 : memref<1x1x80x256xi32, #tpu.memory_space<hbm>> -> memref<80x256xi32, #tpu.memory_space<hbm>>
      %dma_wait3A_33 = arith.constant 0 : i32
      %dma_wait3A_34 = arith.constant 0 : i32
      %dma_wait3A_35 = tpu.memref_slice %arg2[%run_scoped3A, %arg1, %dma_wait3A_33, %dma_wait3A_34] : memref<2x16x80x256xi32, #tpu.memory_space<hbm>> -> memref<1x1x80x256xi32, #tpu.memory_space<hbm>>
      %dma_wait3A_36 = tpu.memref_squeeze %dma_wait3A_35 : memref<1x1x80x256xi32, #tpu.memory_space<hbm>> -> memref<80x256xi32, #tpu.memory_space<hbm>>
      tpu.wait_dma2 semaphore(%run_scoped3A_22 : memref<!tpu.dma_semaphore, #tpu.memory_space<semaphore_mem>>) src(%dma_wait3A_36 : memref<80x256xi32, #tpu.memory_space<hbm>>) dst(%arg6 : memref<80x256xi32, #tpu.memory_space<vmem>>)
      tpu.yield
    }) : () -> ()
    %barrier3A = arith.constant 0 : index
    tpu.barrier barrier_id(%barrier3A)
    %mul3A_1 = arith.constant 40 : i32
    %mul3A_2 = arith.muli %arg0, %mul3A_1 : i32
    %add3A = arith.constant 1 : i32
    %add3A_3 = arith.addi %arg0, %add3A : i32
    %mul3A_4 = arith.constant 40 : i32
    %mul3A_5 = arith.muli %add3A_3, %mul3A_4 : i32
    %while3A = arith.constant 0 : i32
    %while3A_6 = arith.subi %mul3A_5, %mul3A_2 : i32
    %while3A_7 = arith.addi %mul3A_2, %while3A_6 : i32
    %while3A_8 = arith.constant 1 : i32
    %while3A_9 = arith.divsi %while3A_6, %while3A_8 : i32
    %while3A_10 = arith.muli %while3A_9, %while3A_8 : i32
    %while3A_11 = arith.addi %mul3A_2, %while3A_10 : i32
    %while3A_12 = arith.constant 1 : i32
    scf.for %while3A_22 = %mul3A_2 to %while3A_11 step %while3A_12  : i32 {
      "tpu.region"() ({
        %run_scoped3A_23 = tpu.sem_alloc : memref<!tpu.dma_semaphore, #tpu.memory_space<semaphore_mem>>
        %dma_start3A = arith.constant 0 : i32
        %dma_start3A_24 = tpu.memref_slice %arg6[%while3A_22, %dma_start3A] : memref<80x256xi32, #tpu.memory_space<vmem>> -> memref<1x256xi32, #tpu.memory_space<vmem>>
        %dma_start3A_25 = tpu.memref_squeeze %dma_start3A_24 : memref<1x256xi32, #tpu.memory_space<vmem>> -> memref<256xi32, #tpu.memory_space<vmem>>
        %dma_start3A_26 = arith.constant 0 : i32
        %dma_start3A_27 = arith.constant 0 : i32
        %dma_start3A_28 = tpu.memref_slice %arg8[%dma_start3A_26, %dma_start3A_27] : memref<10240x16xf32, #tpu.memory_space<vmem_shared>> -> memref<10240x16xf32, #tpu.memory_space<vmem_shared>>
        tpu.enqueue_indirect_dma source(%arg7 : memref<256x16xf32, #tpu.memory_space<vmem>>) target(%dma_start3A_28 : memref<10240x16xf32, #tpu.memory_space<vmem_shared>>) offsets(%dma_start3A_25 : memref<256xi32, #tpu.memory_space<vmem>>) semaphore(%run_scoped3A_23 : memref<!tpu.dma_semaphore, #tpu.memory_space<semaphore_mem>>) {add = true}
        %dma_wait3A = arith.constant 0 : i32
        %dma_wait3A_29 = tpu.memref_slice %arg6[%while3A_22, %dma_wait3A] : memref<80x256xi32, #tpu.memory_space<vmem>> -> memref<1x256xi32, #tpu.memory_space<vmem>>
        %dma_wait3A_30 = tpu.memref_squeeze %dma_wait3A_29 : memref<1x256xi32, #tpu.memory_space<vmem>> -> memref<256xi32, #tpu.memory_space<vmem>>
        %dma_wait3A_31 = arith.constant 0 : i32
        %dma_wait3A_32 = arith.constant 0 : i32
        %dma_wait3A_33 = tpu.memref_slice %arg8[%dma_wait3A_31, %dma_wait3A_32] : memref<10240x16xf32, #tpu.memory_space<vmem_shared>> -> memref<10240x16xf32, #tpu.memory_space<vmem_shared>>
        tpu.wait_indirect_dma semaphore(%run_scoped3A_23 : memref<!tpu.dma_semaphore, #tpu.memory_space<semaphore_mem>>) src(%arg7 : memref<256x16xf32, #tpu.memory_space<vmem>>) dst(%dma_wait3A_33 : memref<10240x16xf32, #tpu.memory_space<vmem_shared>>)
        tpu.yield
      }) : () -> ()
    }
    %while3A_13 = arith.constant 1 : i32
    scf.for %while3A_22 = %while3A_11 to %while3A_7 step %while3A_13  : i32 {
      "tpu.region"() ({
        %run_scoped3A_23 = tpu.sem_alloc : memref<!tpu.dma_semaphore, #tpu.memory_space<semaphore_mem>>
        %dma_start3A = arith.constant 0 : i32
        %dma_start3A_24 = tpu.memref_slice %arg6[%while3A_22, %dma_start3A] : memref<80x256xi32, #tpu.memory_space<vmem>> -> memref<1x256xi32, #tpu.memory_space<vmem>>
        %dma_start3A_25 = tpu.memref_squeeze %dma_start3A_24 : memref<1x256xi32, #tpu.memory_space<vmem>> -> memref<256xi32, #tpu.memory_space<vmem>>
        %dma_start3A_26 = arith.constant 0 : i32
        %dma_start3A_27 = arith.constant 0 : i32
        %dma_start3A_28 = tpu.memref_slice %arg8[%dma_start3A_26, %dma_start3A_27] : memref<10240x16xf32, #tpu.memory_space<vmem_shared>> -> memref<10240x16xf32, #tpu.memory_space<vmem_shared>>
        tpu.enqueue_indirect_dma source(%arg7 : memref<256x16xf32, #tpu.memory_space<vmem>>) target(%dma_start3A_28 : memref<10240x16xf32, #tpu.memory_space<vmem_shared>>) offsets(%dma_start3A_25 : memref<256xi32, #tpu.memory_space<vmem>>) semaphore(%run_scoped3A_23 : memref<!tpu.dma_semaphore, #tpu.memory_space<semaphore_mem>>) {add = true}
        %dma_wait3A = arith.constant 0 : i32
        %dma_wait3A_29 = tpu.memref_slice %arg6[%while3A_22, %dma_wait3A] : memref<80x256xi32, #tpu.memory_space<vmem>> -> memref<1x256xi32, #tpu.memory_space<vmem>>
        %dma_wait3A_30 = tpu.memref_squeeze %dma_wait3A_29 : memref<1x256xi32, #tpu.memory_space<vmem>> -> memref<256xi32, #tpu.memory_space<vmem>>
        %dma_wait3A_31 = arith.constant 0 : i32
        %dma_wait3A_32 = arith.constant 0 : i32
        %dma_wait3A_33 = tpu.memref_slice %arg8[%dma_wait3A_31, %dma_wait3A_32] : memref<10240x16xf32, #tpu.memory_space<vmem_shared>> -> memref<10240x16xf32, #tpu.memory_space<vmem_shared>>
        tpu.wait_indirect_dma semaphore(%run_scoped3A_23 : memref<!tpu.dma_semaphore, #tpu.memory_space<semaphore_mem>>) src(%arg7 : memref<256x16xf32, #tpu.memory_space<vmem>>) dst(%dma_wait3A_33 : memref<10240x16xf32, #tpu.memory_space<vmem_shared>>)
        tpu.yield
      }) : () -> ()
    }
    %barrier3A_14 = arith.constant 0 : index
    tpu.barrier barrier_id(%barrier3A_14)
    %eq3A = arith.constant 0 : i32
    %eq3A_15 = arith.cmpi eq, %arg0, %eq3A : i32
    %convert_element_type3A = arith.extui %eq3A_15 : i1 to i32
    %cond3A = arith.constant 0 : i32
    %cond3A_16 = arith.cmpi ne, %convert_element_type3A, %cond3A : i32
    scf.if %cond3A_16 {
      %mul3A_22 = arith.constant 640 : i32
      %mul3A_23 = arith.muli %arg1, %mul3A_22 : i32
      %mul3A_24 = arith.constant 640 : i32
      %mul3A_25 = arith.muli %arg1, %mul3A_24 : i32
      "tpu.region"() ({
        %run_scoped3A_26 = tpu.sem_alloc : memref<!tpu.dma_semaphore, #tpu.memory_space<semaphore_mem>>
        %dma_start3A = arith.constant 0 : i32
        %dma_start3A_27 = tpu.memref_slice %arg5[%mul3A_25, %dma_start3A] : memref<10240x128xf32, #tpu.memory_space<hbm>> -> memref<640x16xf32, #tpu.memory_space<hbm>>
        %dma_start3A_28 = arith.constant 0 : i32
        %dma_start3A_29 = tpu.memref_slice %arg8[%mul3A_23, %dma_start3A_28] : memref<10240x16xf32, #tpu.memory_space<vmem_shared>> -> memref<640x16xf32, #tpu.memory_space<vmem_shared>>
        tpu.enqueue_dma source(%dma_start3A_29 : memref<640x16xf32, #tpu.memory_space<vmem_shared>>) target(%dma_start3A_27 : memref<640x16xf32, #tpu.memory_space<hbm>>) target_semaphore(%run_scoped3A_26 : memref<!tpu.dma_semaphore, #tpu.memory_space<semaphore_mem>>)
        %dma_wait3A = arith.constant 0 : i32
        %dma_wait3A_30 = tpu.memref_slice %arg5[%mul3A_25, %dma_wait3A] : memref<10240x128xf32, #tpu.memory_space<hbm>> -> memref<640x16xf32, #tpu.memory_space<hbm>>
        %dma_wait3A_31 = arith.constant 0 : i32
        %dma_wait3A_32 = tpu.memref_slice %arg8[%mul3A_23, %dma_wait3A_31] : memref<10240x16xf32, #tpu.memory_space<vmem_shared>> -> memref<640x16xf32, #tpu.memory_space<vmem_shared>>
        tpu.wait_dma2 semaphore(%run_scoped3A_26 : memref<!tpu.dma_semaphore, #tpu.memory_space<semaphore_mem>>) src(%dma_wait3A_32 : memref<640x16xf32, #tpu.memory_space<vmem_shared>>) dst(%dma_wait3A_30 : memref<640x16xf32, #tpu.memory_space<hbm>>)
        tpu.yield
      }) : () -> ()
    } else {
    }
    %eq3A_17 = arith.constant 1 : i32
    %eq3A_18 = arith.cmpi eq, %arg0, %eq3A_17 : i32
    %convert_element_type3A_19 = arith.extui %eq3A_18 : i1 to i32
    %cond3A_20 = arith.constant 0 : i32
    %cond3A_21 = arith.cmpi ne, %convert_element_type3A_19, %cond3A_20 : i32
    scf.if %cond3A_21 {
      %mul3A_22 = arith.constant 640 : i32
      %mul3A_23 = arith.muli %arg1, %mul3A_22 : i32
      %mul3A_24 = arith.constant 640 : i32
      %mul3A_25 = arith.muli %arg1, %mul3A_24 : i32
      "tpu.region"() ({
        %run_scoped3A_26 = tpu.sem_alloc : memref<!tpu.dma_semaphore, #tpu.memory_space<semaphore_mem>>
        %dma_start3A = arith.constant 16 : i32
        %dma_start3A_27 = tpu.memref_slice %arg5[%mul3A_25, %dma_start3A] : memref<10240x128xf32, #tpu.memory_space<hbm>> -> memref<640x16xf32, #tpu.memory_space<hbm>>
        %dma_start3A_28 = arith.constant 0 : i32
        %dma_start3A_29 = tpu.memref_slice %arg8[%mul3A_23, %dma_start3A_28] : memref<10240x16xf32, #tpu.memory_space<vmem_shared>> -> memref<640x16xf32, #tpu.memory_space<vmem_shared>>
        tpu.enqueue_dma source(%dma_start3A_29 : memref<640x16xf32, #tpu.memory_space<vmem_shared>>) target(%dma_start3A_27 : memref<640x16xf32, #tpu.memory_space<hbm>>) target_semaphore(%run_scoped3A_26 : memref<!tpu.dma_semaphore, #tpu.memory_space<semaphore_mem>>)
        %dma_wait3A = arith.constant 16 : i32
        %dma_wait3A_30 = tpu.memref_slice %arg5[%mul3A_25, %dma_wait3A] : memref<10240x128xf32, #tpu.memory_space<hbm>> -> memref<640x16xf32, #tpu.memory_space<hbm>>
        %dma_wait3A_31 = arith.constant 0 : i32
        %dma_wait3A_32 = tpu.memref_slice %arg8[%mul3A_23, %dma_wait3A_31] : memref<10240x16xf32, #tpu.memory_space<vmem_shared>> -> memref<640x16xf32, #tpu.memory_space<vmem_shared>>
        tpu.wait_dma2 semaphore(%run_scoped3A_26 : memref<!tpu.dma_semaphore, #tpu.memory_space<semaphore_mem>>) src(%dma_wait3A_32 : memref<640x16xf32, #tpu.memory_space<vmem_shared>>) dst(%dma_wait3A_30 : memref<640x16xf32, #tpu.memory_space<hbm>>)
        tpu.yield
      }) : () -> ()
    } else {
    }
    return
  }
}

#map = affine_map<(d0, d1) -> (0, 0)>
#map1 = affine_map<(d0, d1) -> (0, 0, 0, 0)>
module attributes {stable_mosaic.version = 14 : i64} {
  func.func @_sc_gs_body(%arg0: i32, %arg1: i32, %arg2: memref<10240x128xf32, #tpu.memory_space<hbm>>, %arg3: memref<2x16x80x256xi32, #tpu.memory_space<hbm>>, %arg4: memref<640x64xf32, #tpu.memory_space<hbm>>, %arg5: memref<10240x128xf32, #tpu.memory_space<hbm>>, %arg6: memref<4x256xi32, #tpu.memory_space<vmem>>, %arg7: memref<4x256xi32, #tpu.memory_space<vmem>>, %arg8: memref<256x64xf32, #tpu.memory_space<vmem>>, %arg9: memref<256x64xf32, #tpu.memory_space<vmem>>, %arg10: memref<10240x64xf32, #tpu.memory_space<vmem_shared>>, %arg11: memref<10240x64xf32, #tpu.memory_space<vmem_shared>>, %arg12: memref<!tpu.dma_semaphore, #tpu.memory_space<semaphore_mem>>, %arg13: memref<!tpu.dma_semaphore, #tpu.memory_space<semaphore_mem>>, %arg14: memref<!tpu.dma_semaphore, #tpu.memory_space<semaphore_mem>>, %arg15: memref<!tpu.dma_semaphore, #tpu.memory_space<semaphore_mem>>, %arg16: memref<!tpu.dma_semaphore, #tpu.memory_space<semaphore_mem>>, %arg17: memref<!tpu.dma_semaphore, #tpu.memory_space<semaphore_mem>>, %arg18: memref<!tpu.dma_semaphore, #tpu.memory_space<semaphore_mem>>, %arg19: memref<!tpu.dma_semaphore, #tpu.memory_space<semaphore_mem>>) attributes {dimension_semantics = [#tpu.dimension_semantics<core_parallel>, #tpu.dimension_semantics<subcore_parallel>], iteration_bounds = array<i64: 2, 16>, scalar_prefetch = 0 : i64, scratch_operands = 14 : i64, tpu.core_type = #tpu.core_type<sc_vector_subcore>, window_params = [{transform_indices = #map}, {transform_indices = #map1}, {transform_indices = #map}, {transform_indices = #map}]} {
    %mul3A = arith.constant 640 : i32
    %mul3A_0 = arith.muli %arg1, %mul3A : i32
    "tpu.region"() ({
      %run_scoped3A = tpu.sem_alloc : memref<!tpu.dma_semaphore, #tpu.memory_space<semaphore_mem>>
      %dma_start3A_96 = arith.constant 0 : i32
      %dma_start3A_97 = tpu.memref_slice %arg11[%mul3A_0, %dma_start3A_96] : memref<10240x64xf32, #tpu.memory_space<vmem_shared>> -> memref<640x64xf32, #tpu.memory_space<vmem_shared>>
      tpu.enqueue_dma source(%arg4 : memref<640x64xf32, #tpu.memory_space<hbm>>) target(%dma_start3A_97 : memref<640x64xf32, #tpu.memory_space<vmem_shared>>) target_semaphore(%run_scoped3A : memref<!tpu.dma_semaphore, #tpu.memory_space<semaphore_mem>>)
      %dma_wait3A_98 = arith.constant 0 : i32
      %dma_wait3A_99 = tpu.memref_slice %arg11[%mul3A_0, %dma_wait3A_98] : memref<10240x64xf32, #tpu.memory_space<vmem_shared>> -> memref<640x64xf32, #tpu.memory_space<vmem_shared>>
      tpu.wait_dma2 semaphore(%run_scoped3A : memref<!tpu.dma_semaphore, #tpu.memory_space<semaphore_mem>>) src(%arg4 : memref<640x64xf32, #tpu.memory_space<hbm>>) dst(%dma_wait3A_99 : memref<640x64xf32, #tpu.memory_space<vmem_shared>>)
      tpu.yield
    }) : () -> ()
    %eq3A = arith.constant 0 : i32
    %eq3A_1 = arith.cmpi eq, %arg0, %eq3A : i32
    %convert_element_type3A = arith.extui %eq3A_1 : i1 to i32
    %cond3A = arith.constant 0 : i32
    %cond3A_2 = arith.cmpi ne, %convert_element_type3A, %cond3A : i32
    scf.if %cond3A_2 {
      %mul3A_96 = arith.constant 640 : i32
      %mul3A_97 = arith.muli %arg1, %mul3A_96 : i32
      %mul3A_98 = arith.constant 640 : i32
      %mul3A_99 = arith.muli %arg1, %mul3A_98 : i32
      "tpu.region"() ({
        %run_scoped3A = tpu.sem_alloc : memref<!tpu.dma_semaphore, #tpu.memory_space<semaphore_mem>>
        %dma_start3A_100 = arith.constant 0 : i32
        %dma_start3A_101 = tpu.memref_slice %arg10[%mul3A_99, %dma_start3A_100] : memref<10240x64xf32, #tpu.memory_space<vmem_shared>> -> memref<640x64xf32, #tpu.memory_space<vmem_shared>>
        %dma_start3A_102 = arith.constant 0 : i32
        %dma_start3A_103 = tpu.memref_slice %arg2[%mul3A_97, %dma_start3A_102] : memref<10240x128xf32, #tpu.memory_space<hbm>> -> memref<640x64xf32, #tpu.memory_space<hbm>>
        tpu.enqueue_dma source(%dma_start3A_103 : memref<640x64xf32, #tpu.memory_space<hbm>>) target(%dma_start3A_101 : memref<640x64xf32, #tpu.memory_space<vmem_shared>>) target_semaphore(%run_scoped3A : memref<!tpu.dma_semaphore, #tpu.memory_space<semaphore_mem>>)
        %dma_wait3A_104 = arith.constant 0 : i32
        %dma_wait3A_105 = tpu.memref_slice %arg10[%mul3A_99, %dma_wait3A_104] : memref<10240x64xf32, #tpu.memory_space<vmem_shared>> -> memref<640x64xf32, #tpu.memory_space<vmem_shared>>
        %dma_wait3A_106 = arith.constant 0 : i32
        %dma_wait3A_107 = tpu.memref_slice %arg2[%mul3A_97, %dma_wait3A_106] : memref<10240x128xf32, #tpu.memory_space<hbm>> -> memref<640x64xf32, #tpu.memory_space<hbm>>
        tpu.wait_dma2 semaphore(%run_scoped3A : memref<!tpu.dma_semaphore, #tpu.memory_space<semaphore_mem>>) src(%dma_wait3A_107 : memref<640x64xf32, #tpu.memory_space<hbm>>) dst(%dma_wait3A_105 : memref<640x64xf32, #tpu.memory_space<vmem_shared>>)
        tpu.yield
      }) : () -> ()
    } else {
    }
    %eq3A_3 = arith.constant 1 : i32
    %eq3A_4 = arith.cmpi eq, %arg0, %eq3A_3 : i32
    %convert_element_type3A_5 = arith.extui %eq3A_4 : i1 to i32
    %cond3A_6 = arith.constant 0 : i32
    %cond3A_7 = arith.cmpi ne, %convert_element_type3A_5, %cond3A_6 : i32
    scf.if %cond3A_7 {
      %mul3A_96 = arith.constant 640 : i32
      %mul3A_97 = arith.muli %arg1, %mul3A_96 : i32
      %mul3A_98 = arith.constant 640 : i32
      %mul3A_99 = arith.muli %arg1, %mul3A_98 : i32
      "tpu.region"() ({
        %run_scoped3A = tpu.sem_alloc : memref<!tpu.dma_semaphore, #tpu.memory_space<semaphore_mem>>
        %dma_start3A_100 = arith.constant 0 : i32
        %dma_start3A_101 = tpu.memref_slice %arg10[%mul3A_99, %dma_start3A_100] : memref<10240x64xf32, #tpu.memory_space<vmem_shared>> -> memref<640x64xf32, #tpu.memory_space<vmem_shared>>
        %dma_start3A_102 = arith.constant 64 : i32
        %dma_start3A_103 = tpu.memref_slice %arg2[%mul3A_97, %dma_start3A_102] : memref<10240x128xf32, #tpu.memory_space<hbm>> -> memref<640x64xf32, #tpu.memory_space<hbm>>
        tpu.enqueue_dma source(%dma_start3A_103 : memref<640x64xf32, #tpu.memory_space<hbm>>) target(%dma_start3A_101 : memref<640x64xf32, #tpu.memory_space<vmem_shared>>) target_semaphore(%run_scoped3A : memref<!tpu.dma_semaphore, #tpu.memory_space<semaphore_mem>>)
        %dma_wait3A_104 = arith.constant 0 : i32
        %dma_wait3A_105 = tpu.memref_slice %arg10[%mul3A_99, %dma_wait3A_104] : memref<10240x64xf32, #tpu.memory_space<vmem_shared>> -> memref<640x64xf32, #tpu.memory_space<vmem_shared>>
        %dma_wait3A_106 = arith.constant 64 : i32
        %dma_wait3A_107 = tpu.memref_slice %arg2[%mul3A_97, %dma_wait3A_106] : memref<10240x128xf32, #tpu.memory_space<hbm>> -> memref<640x64xf32, #tpu.memory_space<hbm>>
        tpu.wait_dma2 semaphore(%run_scoped3A : memref<!tpu.dma_semaphore, #tpu.memory_space<semaphore_mem>>) src(%dma_wait3A_107 : memref<640x64xf32, #tpu.memory_space<hbm>>) dst(%dma_wait3A_105 : memref<640x64xf32, #tpu.memory_space<vmem_shared>>)
        tpu.yield
      }) : () -> ()
    } else {
    }
    %barrier3A = arith.constant 0 : index
    tpu.barrier barrier_id(%barrier3A)
    %dma_start3A = arith.constant 0 : i32
    %dma_start3A_8 = arith.constant 0 : i32
    %dma_start3A_9 = arith.constant 0 : i32
    %dma_start3A_10 = arith.constant 0 : i32
    %dma_start3A_11 = tpu.memref_slice %arg6[%dma_start3A_9, %dma_start3A_10] : memref<4x256xi32, #tpu.memory_space<vmem>> -> memref<1x256xi32, #tpu.memory_space<vmem>>
    %dma_start3A_12 = tpu.memref_squeeze %dma_start3A_11 : memref<1x256xi32, #tpu.memory_space<vmem>> -> memref<256xi32, #tpu.memory_space<vmem>>
    %dma_start3A_13 = arith.constant 0 : i32
    %dma_start3A_14 = tpu.memref_slice %arg3[%dma_start3A, %arg1, %dma_start3A_8, %dma_start3A_13] : memref<2x16x80x256xi32, #tpu.memory_space<hbm>> -> memref<1x1x1x256xi32, #tpu.memory_space<hbm>>
    %dma_start3A_15 = tpu.memref_squeeze %dma_start3A_14 : memref<1x1x1x256xi32, #tpu.memory_space<hbm>> -> memref<256xi32, #tpu.memory_space<hbm>>
    %dma_start3A_16 = arith.constant 0 : i32
    %dma_start3A_17 = tpu.memref_slice %arg6[%dma_start3A_9, %dma_start3A_16] : memref<4x256xi32, #tpu.memory_space<vmem>> -> memref<1x256xi32, #tpu.memory_space<vmem>>
    %dma_start3A_18 = tpu.memref_squeeze %dma_start3A_17 : memref<1x256xi32, #tpu.memory_space<vmem>> -> memref<256xi32, #tpu.memory_space<vmem>>
    %dma_start3A_19 = arith.constant 0 : i32
    %dma_start3A_20 = tpu.memref_slice %arg3[%dma_start3A, %arg1, %dma_start3A_8, %dma_start3A_19] : memref<2x16x80x256xi32, #tpu.memory_space<hbm>> -> memref<1x1x1x256xi32, #tpu.memory_space<hbm>>
    %dma_start3A_21 = tpu.memref_squeeze %dma_start3A_20 : memref<1x1x1x256xi32, #tpu.memory_space<hbm>> -> memref<256xi32, #tpu.memory_space<hbm>>
    tpu.enqueue_dma source(%dma_start3A_21 : memref<256xi32, #tpu.memory_space<hbm>>) target(%dma_start3A_18 : memref<256xi32, #tpu.memory_space<vmem>>) target_semaphore(%arg16 : memref<!tpu.dma_semaphore, #tpu.memory_space<semaphore_mem>>)
    %dma_start3A_22 = arith.constant 1 : i32
    %dma_start3A_23 = arith.constant 0 : i32
    %dma_start3A_24 = arith.constant 0 : i32
    %dma_start3A_25 = arith.constant 0 : i32
    %dma_start3A_26 = tpu.memref_slice %arg7[%dma_start3A_24, %dma_start3A_25] : memref<4x256xi32, #tpu.memory_space<vmem>> -> memref<1x256xi32, #tpu.memory_space<vmem>>
    %dma_start3A_27 = tpu.memref_squeeze %dma_start3A_26 : memref<1x256xi32, #tpu.memory_space<vmem>> -> memref<256xi32, #tpu.memory_space<vmem>>
    %dma_start3A_28 = arith.constant 0 : i32
    %dma_start3A_29 = tpu.memref_slice %arg3[%dma_start3A_22, %arg1, %dma_start3A_23, %dma_start3A_28] : memref<2x16x80x256xi32, #tpu.memory_space<hbm>> -> memref<1x1x1x256xi32, #tpu.memory_space<hbm>>
    %dma_start3A_30 = tpu.memref_squeeze %dma_start3A_29 : memref<1x1x1x256xi32, #tpu.memory_space<hbm>> -> memref<256xi32, #tpu.memory_space<hbm>>
    %dma_start3A_31 = arith.constant 0 : i32
    %dma_start3A_32 = tpu.memref_slice %arg7[%dma_start3A_24, %dma_start3A_31] : memref<4x256xi32, #tpu.memory_space<vmem>> -> memref<1x256xi32, #tpu.memory_space<vmem>>
    %dma_start3A_33 = tpu.memref_squeeze %dma_start3A_32 : memref<1x256xi32, #tpu.memory_space<vmem>> -> memref<256xi32, #tpu.memory_space<vmem>>
    %dma_start3A_34 = arith.constant 0 : i32
    %dma_start3A_35 = tpu.memref_slice %arg3[%dma_start3A_22, %arg1, %dma_start3A_23, %dma_start3A_34] : memref<2x16x80x256xi32, #tpu.memory_space<hbm>> -> memref<1x1x1x256xi32, #tpu.memory_space<hbm>>
    %dma_start3A_36 = tpu.memref_squeeze %dma_start3A_35 : memref<1x1x1x256xi32, #tpu.memory_space<hbm>> -> memref<256xi32, #tpu.memory_space<hbm>>
    tpu.enqueue_dma source(%dma_start3A_36 : memref<256xi32, #tpu.memory_space<hbm>>) target(%dma_start3A_33 : memref<256xi32, #tpu.memory_space<vmem>>) target_semaphore(%arg16 : memref<!tpu.dma_semaphore, #tpu.memory_space<semaphore_mem>>)
    %dma_start3A_37 = arith.constant 0 : i32
    %dma_start3A_38 = arith.constant 1 : i32
    %dma_start3A_39 = arith.constant 1 : i32
    %dma_start3A_40 = arith.constant 0 : i32
    %dma_start3A_41 = tpu.memref_slice %arg6[%dma_start3A_39, %dma_start3A_40] : memref<4x256xi32, #tpu.memory_space<vmem>> -> memref<1x256xi32, #tpu.memory_space<vmem>>
    %dma_start3A_42 = tpu.memref_squeeze %dma_start3A_41 : memref<1x256xi32, #tpu.memory_space<vmem>> -> memref<256xi32, #tpu.memory_space<vmem>>
    %dma_start3A_43 = arith.constant 0 : i32
    %dma_start3A_44 = tpu.memref_slice %arg3[%dma_start3A_37, %arg1, %dma_start3A_38, %dma_start3A_43] : memref<2x16x80x256xi32, #tpu.memory_space<hbm>> -> memref<1x1x1x256xi32, #tpu.memory_space<hbm>>
    %dma_start3A_45 = tpu.memref_squeeze %dma_start3A_44 : memref<1x1x1x256xi32, #tpu.memory_space<hbm>> -> memref<256xi32, #tpu.memory_space<hbm>>
    %dma_start3A_46 = arith.constant 0 : i32
    %dma_start3A_47 = tpu.memref_slice %arg6[%dma_start3A_39, %dma_start3A_46] : memref<4x256xi32, #tpu.memory_space<vmem>> -> memref<1x256xi32, #tpu.memory_space<vmem>>
    %dma_start3A_48 = tpu.memref_squeeze %dma_start3A_47 : memref<1x256xi32, #tpu.memory_space<vmem>> -> memref<256xi32, #tpu.memory_space<vmem>>
    %dma_start3A_49 = arith.constant 0 : i32
    %dma_start3A_50 = tpu.memref_slice %arg3[%dma_start3A_37, %arg1, %dma_start3A_38, %dma_start3A_49] : memref<2x16x80x256xi32, #tpu.memory_space<hbm>> -> memref<1x1x1x256xi32, #tpu.memory_space<hbm>>
    %dma_start3A_51 = tpu.memref_squeeze %dma_start3A_50 : memref<1x1x1x256xi32, #tpu.memory_space<hbm>> -> memref<256xi32, #tpu.memory_space<hbm>>
    tpu.enqueue_dma source(%dma_start3A_51 : memref<256xi32, #tpu.memory_space<hbm>>) target(%dma_start3A_48 : memref<256xi32, #tpu.memory_space<vmem>>) target_semaphore(%arg17 : memref<!tpu.dma_semaphore, #tpu.memory_space<semaphore_mem>>)
    %dma_start3A_52 = arith.constant 1 : i32
    %dma_start3A_53 = arith.constant 1 : i32
    %dma_start3A_54 = arith.constant 1 : i32
    %dma_start3A_55 = arith.constant 0 : i32
    %dma_start3A_56 = tpu.memref_slice %arg7[%dma_start3A_54, %dma_start3A_55] : memref<4x256xi32, #tpu.memory_space<vmem>> -> memref<1x256xi32, #tpu.memory_space<vmem>>
    %dma_start3A_57 = tpu.memref_squeeze %dma_start3A_56 : memref<1x256xi32, #tpu.memory_space<vmem>> -> memref<256xi32, #tpu.memory_space<vmem>>
    %dma_start3A_58 = arith.constant 0 : i32
    %dma_start3A_59 = tpu.memref_slice %arg3[%dma_start3A_52, %arg1, %dma_start3A_53, %dma_start3A_58] : memref<2x16x80x256xi32, #tpu.memory_space<hbm>> -> memref<1x1x1x256xi32, #tpu.memory_space<hbm>>
    %dma_start3A_60 = tpu.memref_squeeze %dma_start3A_59 : memref<1x1x1x256xi32, #tpu.memory_space<hbm>> -> memref<256xi32, #tpu.memory_space<hbm>>
    %dma_start3A_61 = arith.constant 0 : i32
    %dma_start3A_62 = tpu.memref_slice %arg7[%dma_start3A_54, %dma_start3A_61] : memref<4x256xi32, #tpu.memory_space<vmem>> -> memref<1x256xi32, #tpu.memory_space<vmem>>
    %dma_start3A_63 = tpu.memref_squeeze %dma_start3A_62 : memref<1x256xi32, #tpu.memory_space<vmem>> -> memref<256xi32, #tpu.memory_space<vmem>>
    %dma_start3A_64 = arith.constant 0 : i32
    %dma_start3A_65 = tpu.memref_slice %arg3[%dma_start3A_52, %arg1, %dma_start3A_53, %dma_start3A_64] : memref<2x16x80x256xi32, #tpu.memory_space<hbm>> -> memref<1x1x1x256xi32, #tpu.memory_space<hbm>>
    %dma_start3A_66 = tpu.memref_squeeze %dma_start3A_65 : memref<1x1x1x256xi32, #tpu.memory_space<hbm>> -> memref<256xi32, #tpu.memory_space<hbm>>
    tpu.enqueue_dma source(%dma_start3A_66 : memref<256xi32, #tpu.memory_space<hbm>>) target(%dma_start3A_63 : memref<256xi32, #tpu.memory_space<vmem>>) target_semaphore(%arg17 : memref<!tpu.dma_semaphore, #tpu.memory_space<semaphore_mem>>)
    %scan3A = arith.constant 0 : i32
    %scan3A_67 = arith.constant 0 : i32
    %scan3A_68 = arith.constant 20 : i32
    %scan3A_69 = arith.addi %scan3A_67, %scan3A_68 : i32
    %scan3A_70 = arith.constant 1 : i32
    scf.for %scan3A_96 = %scan3A_67 to %scan3A_69 step %scan3A_70  : i32 {
      %mul3A_97 = arith.constant 4 : i32
      %mul3A_98 = arith.muli %scan3A_96, %mul3A_97 : i32
      %add3A = arith.constant 0 : i32
      %add3A_99 = arith.addi %mul3A_98, %add3A : i32
      %ge3A = arith.constant 2 : i32
      %ge3A_100 = arith.cmpi sge, %add3A_99, %ge3A : i32
      %convert_element_type3A_101 = arith.extui %ge3A_100 : i1 to i32
      %cond3A_102 = arith.constant 0 : i32
      %cond3A_103 = arith.cmpi ne, %convert_element_type3A_101, %cond3A_102 : i32
      scf.if %cond3A_103 {
        %dma_wait3A_354 = arith.constant 2 : i32
        %dma_wait3A_355 = arith.constant 0 : i32
        %dma_wait3A_356 = tpu.memref_slice %arg7[%dma_wait3A_354, %dma_wait3A_355] : memref<4x256xi32, #tpu.memory_space<vmem>> -> memref<1x256xi32, #tpu.memory_space<vmem>>
        %dma_wait3A_357 = tpu.memref_squeeze %dma_wait3A_356 : memref<1x256xi32, #tpu.memory_space<vmem>> -> memref<256xi32, #tpu.memory_space<vmem>>
        %dma_wait3A_358 = arith.constant 0 : i32
        %dma_wait3A_359 = arith.constant 0 : i32
        %dma_wait3A_360 = tpu.memref_slice %arg11[%dma_wait3A_358, %dma_wait3A_359] : memref<10240x64xf32, #tpu.memory_space<vmem_shared>> -> memref<10240x64xf32, #tpu.memory_space<vmem_shared>>
        tpu.wait_indirect_dma semaphore(%arg14 : memref<!tpu.dma_semaphore, #tpu.memory_space<semaphore_mem>>) src(%arg8 : memref<256x64xf32, #tpu.memory_space<vmem>>) dst(%dma_wait3A_360 : memref<10240x64xf32, #tpu.memory_space<vmem_shared>>)
      } else {
      }
      %add3A_104 = arith.constant 2 : i32
      %add3A_105 = arith.addi %add3A_99, %add3A_104 : i32
      %lt3A = arith.constant 80 : i32
      %lt3A_106 = arith.cmpi slt, %add3A_105, %lt3A : i32
      %convert_element_type3A_107 = arith.extui %lt3A_106 : i1 to i32
      %cond3A_108 = arith.constant 0 : i32
      %cond3A_109 = arith.cmpi ne, %convert_element_type3A_107, %cond3A_108 : i32
      scf.if %cond3A_109 {
        %add3A_354 = arith.constant 2 : i32
        %add3A_355 = arith.addi %add3A_99, %add3A_354 : i32
        %dma_start3A_356 = arith.constant 0 : i32
        %dma_start3A_357 = arith.constant 2 : i32
        %dma_start3A_358 = arith.constant 0 : i32
        %dma_start3A_359 = tpu.memref_slice %arg6[%dma_start3A_357, %dma_start3A_358] : memref<4x256xi32, #tpu.memory_space<vmem>> -> memref<1x256xi32, #tpu.memory_space<vmem>>
        %dma_start3A_360 = tpu.memref_squeeze %dma_start3A_359 : memref<1x256xi32, #tpu.memory_space<vmem>> -> memref<256xi32, #tpu.memory_space<vmem>>
        %dma_start3A_361 = arith.constant 0 : i32
        %dma_start3A_362 = tpu.memref_slice %arg3[%dma_start3A_356, %arg1, %add3A_355, %dma_start3A_361] : memref<2x16x80x256xi32, #tpu.memory_space<hbm>> -> memref<1x1x1x256xi32, #tpu.memory_space<hbm>>
        %dma_start3A_363 = tpu.memref_squeeze %dma_start3A_362 : memref<1x1x1x256xi32, #tpu.memory_space<hbm>> -> memref<256xi32, #tpu.memory_space<hbm>>
        %dma_start3A_364 = arith.constant 0 : i32
        %dma_start3A_365 = tpu.memref_slice %arg6[%dma_start3A_357, %dma_start3A_364] : memref<4x256xi32, #tpu.memory_space<vmem>> -> memref<1x256xi32, #tpu.memory_space<vmem>>
        %dma_start3A_366 = tpu.memref_squeeze %dma_start3A_365 : memref<1x256xi32, #tpu.memory_space<vmem>> -> memref<256xi32, #tpu.memory_space<vmem>>
        %dma_start3A_367 = arith.constant 0 : i32
        %dma_start3A_368 = tpu.memref_slice %arg3[%dma_start3A_356, %arg1, %add3A_355, %dma_start3A_367] : memref<2x16x80x256xi32, #tpu.memory_space<hbm>> -> memref<1x1x1x256xi32, #tpu.memory_space<hbm>>
        %dma_start3A_369 = tpu.memref_squeeze %dma_start3A_368 : memref<1x1x1x256xi32, #tpu.memory_space<hbm>> -> memref<256xi32, #tpu.memory_space<hbm>>
        tpu.enqueue_dma source(%dma_start3A_369 : memref<256xi32, #tpu.memory_space<hbm>>) target(%dma_start3A_366 : memref<256xi32, #tpu.memory_space<vmem>>) target_semaphore(%arg18 : memref<!tpu.dma_semaphore, #tpu.memory_space<semaphore_mem>>)
        %dma_start3A_370 = arith.constant 1 : i32
        %dma_start3A_371 = arith.constant 2 : i32
        %dma_start3A_372 = arith.constant 0 : i32
        %dma_start3A_373 = tpu.memref_slice %arg7[%dma_start3A_371, %dma_start3A_372] : memref<4x256xi32, #tpu.memory_space<vmem>> -> memref<1x256xi32, #tpu.memory_space<vmem>>
        %dma_start3A_374 = tpu.memref_squeeze %dma_start3A_373 : memref<1x256xi32, #tpu.memory_space<vmem>> -> memref<256xi32, #tpu.memory_space<vmem>>
        %dma_start3A_375 = arith.constant 0 : i32
        %dma_start3A_376 = tpu.memref_slice %arg3[%dma_start3A_370, %arg1, %add3A_355, %dma_start3A_375] : memref<2x16x80x256xi32, #tpu.memory_space<hbm>> -> memref<1x1x1x256xi32, #tpu.memory_space<hbm>>
        %dma_start3A_377 = tpu.memref_squeeze %dma_start3A_376 : memref<1x1x1x256xi32, #tpu.memory_space<hbm>> -> memref<256xi32, #tpu.memory_space<hbm>>
        %dma_start3A_378 = arith.constant 0 : i32
        %dma_start3A_379 = tpu.memref_slice %arg7[%dma_start3A_371, %dma_start3A_378] : memref<4x256xi32, #tpu.memory_space<vmem>> -> memref<1x256xi32, #tpu.memory_space<vmem>>
        %dma_start3A_380 = tpu.memref_squeeze %dma_start3A_379 : memref<1x256xi32, #tpu.memory_space<vmem>> -> memref<256xi32, #tpu.memory_space<vmem>>
        %dma_start3A_381 = arith.constant 0 : i32
        %dma_start3A_382 = tpu.memref_slice %arg3[%dma_start3A_370, %arg1, %add3A_355, %dma_start3A_381] : memref<2x16x80x256xi32, #tpu.memory_space<hbm>> -> memref<1x1x1x256xi32, #tpu.memory_space<hbm>>
        %dma_start3A_383 = tpu.memref_squeeze %dma_start3A_382 : memref<1x1x1x256xi32, #tpu.memory_space<hbm>> -> memref<256xi32, #tpu.memory_space<hbm>>
        tpu.enqueue_dma source(%dma_start3A_383 : memref<256xi32, #tpu.memory_space<hbm>>) target(%dma_start3A_380 : memref<256xi32, #tpu.memory_space<vmem>>) target_semaphore(%arg18 : memref<!tpu.dma_semaphore, #tpu.memory_space<semaphore_mem>>)
      } else {
      }
      %dma_wait3A_110 = arith.constant 0 : i32
      %dma_wait3A_111 = arith.constant 0 : i32
      %dma_wait3A_112 = arith.constant 0 : i32
      %dma_wait3A_113 = tpu.memref_slice %arg6[%dma_wait3A_111, %dma_wait3A_112] : memref<4x256xi32, #tpu.memory_space<vmem>> -> memref<1x256xi32, #tpu.memory_space<vmem>>
      %dma_wait3A_114 = tpu.memref_squeeze %dma_wait3A_113 : memref<1x256xi32, #tpu.memory_space<vmem>> -> memref<256xi32, #tpu.memory_space<vmem>>
      %dma_wait3A_115 = arith.constant 0 : i32
      %dma_wait3A_116 = tpu.memref_slice %arg3[%dma_wait3A_110, %arg1, %add3A_99, %dma_wait3A_115] : memref<2x16x80x256xi32, #tpu.memory_space<hbm>> -> memref<1x1x1x256xi32, #tpu.memory_space<hbm>>
      %dma_wait3A_117 = tpu.memref_squeeze %dma_wait3A_116 : memref<1x1x1x256xi32, #tpu.memory_space<hbm>> -> memref<256xi32, #tpu.memory_space<hbm>>
      %dma_wait3A_118 = arith.constant 0 : i32
      %dma_wait3A_119 = tpu.memref_slice %arg6[%dma_wait3A_111, %dma_wait3A_118] : memref<4x256xi32, #tpu.memory_space<vmem>> -> memref<1x256xi32, #tpu.memory_space<vmem>>
      %dma_wait3A_120 = tpu.memref_squeeze %dma_wait3A_119 : memref<1x256xi32, #tpu.memory_space<vmem>> -> memref<256xi32, #tpu.memory_space<vmem>>
      %dma_wait3A_121 = arith.constant 0 : i32
      %dma_wait3A_122 = tpu.memref_slice %arg3[%dma_wait3A_110, %arg1, %add3A_99, %dma_wait3A_121] : memref<2x16x80x256xi32, #tpu.memory_space<hbm>> -> memref<1x1x1x256xi32, #tpu.memory_space<hbm>>
      %dma_wait3A_123 = tpu.memref_squeeze %dma_wait3A_122 : memref<1x1x1x256xi32, #tpu.memory_space<hbm>> -> memref<256xi32, #tpu.memory_space<hbm>>
      tpu.wait_dma2 semaphore(%arg16 : memref<!tpu.dma_semaphore, #tpu.memory_space<semaphore_mem>>) src(%dma_wait3A_123 : memref<256xi32, #tpu.memory_space<hbm>>) dst(%dma_wait3A_120 : memref<256xi32, #tpu.memory_space<vmem>>)
      %dma_wait3A_124 = arith.constant 1 : i32
      %dma_wait3A_125 = arith.constant 0 : i32
      %dma_wait3A_126 = arith.constant 0 : i32
      %dma_wait3A_127 = tpu.memref_slice %arg7[%dma_wait3A_125, %dma_wait3A_126] : memref<4x256xi32, #tpu.memory_space<vmem>> -> memref<1x256xi32, #tpu.memory_space<vmem>>
      %dma_wait3A_128 = tpu.memref_squeeze %dma_wait3A_127 : memref<1x256xi32, #tpu.memory_space<vmem>> -> memref<256xi32, #tpu.memory_space<vmem>>
      %dma_wait3A_129 = arith.constant 0 : i32
      %dma_wait3A_130 = tpu.memref_slice %arg3[%dma_wait3A_124, %arg1, %add3A_99, %dma_wait3A_129] : memref<2x16x80x256xi32, #tpu.memory_space<hbm>> -> memref<1x1x1x256xi32, #tpu.memory_space<hbm>>
      %dma_wait3A_131 = tpu.memref_squeeze %dma_wait3A_130 : memref<1x1x1x256xi32, #tpu.memory_space<hbm>> -> memref<256xi32, #tpu.memory_space<hbm>>
      %dma_wait3A_132 = arith.constant 0 : i32
      %dma_wait3A_133 = tpu.memref_slice %arg7[%dma_wait3A_125, %dma_wait3A_132] : memref<4x256xi32, #tpu.memory_space<vmem>> -> memref<1x256xi32, #tpu.memory_space<vmem>>
      %dma_wait3A_134 = tpu.memref_squeeze %dma_wait3A_133 : memref<1x256xi32, #tpu.memory_space<vmem>> -> memref<256xi32, #tpu.memory_space<vmem>>
      %dma_wait3A_135 = arith.constant 0 : i32
      %dma_wait3A_136 = tpu.memref_slice %arg3[%dma_wait3A_124, %arg1, %add3A_99, %dma_wait3A_135] : memref<2x16x80x256xi32, #tpu.memory_space<hbm>> -> memref<1x1x1x256xi32, #tpu.memory_space<hbm>>
      %dma_wait3A_137 = tpu.memref_squeeze %dma_wait3A_136 : memref<1x1x1x256xi32, #tpu.memory_space<hbm>> -> memref<256xi32, #tpu.memory_space<hbm>>
      tpu.wait_dma2 semaphore(%arg16 : memref<!tpu.dma_semaphore, #tpu.memory_space<semaphore_mem>>) src(%dma_wait3A_137 : memref<256xi32, #tpu.memory_space<hbm>>) dst(%dma_wait3A_134 : memref<256xi32, #tpu.memory_space<vmem>>)
      %dma_start3A_138 = arith.constant 0 : i32
      %dma_start3A_139 = arith.constant 0 : i32
      %dma_start3A_140 = tpu.memref_slice %arg6[%dma_start3A_138, %dma_start3A_139] : memref<4x256xi32, #tpu.memory_space<vmem>> -> memref<1x256xi32, #tpu.memory_space<vmem>>
      %dma_start3A_141 = tpu.memref_squeeze %dma_start3A_140 : memref<1x256xi32, #tpu.memory_space<vmem>> -> memref<256xi32, #tpu.memory_space<vmem>>
      %dma_start3A_142 = arith.constant 0 : i32
      %dma_start3A_143 = arith.constant 0 : i32
      %dma_start3A_144 = tpu.memref_slice %arg10[%dma_start3A_142, %dma_start3A_143] : memref<10240x64xf32, #tpu.memory_space<vmem_shared>> -> memref<10240x64xf32, #tpu.memory_space<vmem_shared>>
      tpu.enqueue_indirect_dma source(%dma_start3A_144 : memref<10240x64xf32, #tpu.memory_space<vmem_shared>>) target(%arg8 : memref<256x64xf32, #tpu.memory_space<vmem>>) offsets(%dma_start3A_141 : memref<256xi32, #tpu.memory_space<vmem>>) semaphore(%arg12 : memref<!tpu.dma_semaphore, #tpu.memory_space<semaphore_mem>>)
      %dma_wait3A_145 = arith.constant 0 : i32
      %dma_wait3A_146 = arith.constant 0 : i32
      %dma_wait3A_147 = tpu.memref_slice %arg6[%dma_wait3A_145, %dma_wait3A_146] : memref<4x256xi32, #tpu.memory_space<vmem>> -> memref<1x256xi32, #tpu.memory_space<vmem>>
      %dma_wait3A_148 = tpu.memref_squeeze %dma_wait3A_147 : memref<1x256xi32, #tpu.memory_space<vmem>> -> memref<256xi32, #tpu.memory_space<vmem>>
      %dma_wait3A_149 = arith.constant 0 : i32
      %dma_wait3A_150 = arith.constant 0 : i32
      %dma_wait3A_151 = tpu.memref_slice %arg10[%dma_wait3A_149, %dma_wait3A_150] : memref<10240x64xf32, #tpu.memory_space<vmem_shared>> -> memref<10240x64xf32, #tpu.memory_space<vmem_shared>>
      tpu.wait_indirect_dma semaphore(%arg12 : memref<!tpu.dma_semaphore, #tpu.memory_space<semaphore_mem>>) src(%dma_wait3A_151 : memref<10240x64xf32, #tpu.memory_space<vmem_shared>>) dst(%arg8 : memref<256x64xf32, #tpu.memory_space<vmem>>)
      %dma_start3A_152 = arith.constant 0 : i32
      %dma_start3A_153 = arith.constant 0 : i32
      %dma_start3A_154 = tpu.memref_slice %arg7[%dma_start3A_152, %dma_start3A_153] : memref<4x256xi32, #tpu.memory_space<vmem>> -> memref<1x256xi32, #tpu.memory_space<vmem>>
      %dma_start3A_155 = tpu.memref_squeeze %dma_start3A_154 : memref<1x256xi32, #tpu.memory_space<vmem>> -> memref<256xi32, #tpu.memory_space<vmem>>
      %dma_start3A_156 = arith.constant 0 : i32
      %dma_start3A_157 = arith.constant 0 : i32
      %dma_start3A_158 = tpu.memref_slice %arg11[%dma_start3A_156, %dma_start3A_157] : memref<10240x64xf32, #tpu.memory_space<vmem_shared>> -> memref<10240x64xf32, #tpu.memory_space<vmem_shared>>
      tpu.enqueue_indirect_dma source(%arg8 : memref<256x64xf32, #tpu.memory_space<vmem>>) target(%dma_start3A_158 : memref<10240x64xf32, #tpu.memory_space<vmem_shared>>) offsets(%dma_start3A_155 : memref<256xi32, #tpu.memory_space<vmem>>) semaphore(%arg14 : memref<!tpu.dma_semaphore, #tpu.memory_space<semaphore_mem>>) {add = true}
      %mul3A_159 = arith.constant 4 : i32
      %mul3A_160 = arith.muli %scan3A_96, %mul3A_159 : i32
      %add3A_161 = arith.constant 1 : i32
      %add3A_162 = arith.addi %mul3A_160, %add3A_161 : i32
      %ge3A_163 = arith.constant 2 : i32
      %ge3A_164 = arith.cmpi sge, %add3A_162, %ge3A_163 : i32
      %convert_element_type3A_165 = arith.extui %ge3A_164 : i1 to i32
      %cond3A_166 = arith.constant 0 : i32
      %cond3A_167 = arith.cmpi ne, %convert_element_type3A_165, %cond3A_166 : i32
      scf.if %cond3A_167 {
        %dma_wait3A_354 = arith.constant 3 : i32
        %dma_wait3A_355 = arith.constant 0 : i32
        %dma_wait3A_356 = tpu.memref_slice %arg7[%dma_wait3A_354, %dma_wait3A_355] : memref<4x256xi32, #tpu.memory_space<vmem>> -> memref<1x256xi32, #tpu.memory_space<vmem>>
        %dma_wait3A_357 = tpu.memref_squeeze %dma_wait3A_356 : memref<1x256xi32, #tpu.memory_space<vmem>> -> memref<256xi32, #tpu.memory_space<vmem>>
        %dma_wait3A_358 = arith.constant 0 : i32
        %dma_wait3A_359 = arith.constant 0 : i32
        %dma_wait3A_360 = tpu.memref_slice %arg11[%dma_wait3A_358, %dma_wait3A_359] : memref<10240x64xf32, #tpu.memory_space<vmem_shared>> -> memref<10240x64xf32, #tpu.memory_space<vmem_shared>>
        tpu.wait_indirect_dma semaphore(%arg15 : memref<!tpu.dma_semaphore, #tpu.memory_space<semaphore_mem>>) src(%arg9 : memref<256x64xf32, #tpu.memory_space<vmem>>) dst(%dma_wait3A_360 : memref<10240x64xf32, #tpu.memory_space<vmem_shared>>)
      } else {
      }
      %add3A_168 = arith.constant 2 : i32
      %add3A_169 = arith.addi %add3A_162, %add3A_168 : i32
      %lt3A_170 = arith.constant 80 : i32
      %lt3A_171 = arith.cmpi slt, %add3A_169, %lt3A_170 : i32
      %convert_element_type3A_172 = arith.extui %lt3A_171 : i1 to i32
      %cond3A_173 = arith.constant 0 : i32
      %cond3A_174 = arith.cmpi ne, %convert_element_type3A_172, %cond3A_173 : i32
      scf.if %cond3A_174 {
        %add3A_354 = arith.constant 2 : i32
        %add3A_355 = arith.addi %add3A_162, %add3A_354 : i32
        %dma_start3A_356 = arith.constant 0 : i32
        %dma_start3A_357 = arith.constant 3 : i32
        %dma_start3A_358 = arith.constant 0 : i32
        %dma_start3A_359 = tpu.memref_slice %arg6[%dma_start3A_357, %dma_start3A_358] : memref<4x256xi32, #tpu.memory_space<vmem>> -> memref<1x256xi32, #tpu.memory_space<vmem>>
        %dma_start3A_360 = tpu.memref_squeeze %dma_start3A_359 : memref<1x256xi32, #tpu.memory_space<vmem>> -> memref<256xi32, #tpu.memory_space<vmem>>
        %dma_start3A_361 = arith.constant 0 : i32
        %dma_start3A_362 = tpu.memref_slice %arg3[%dma_start3A_356, %arg1, %add3A_355, %dma_start3A_361] : memref<2x16x80x256xi32, #tpu.memory_space<hbm>> -> memref<1x1x1x256xi32, #tpu.memory_space<hbm>>
        %dma_start3A_363 = tpu.memref_squeeze %dma_start3A_362 : memref<1x1x1x256xi32, #tpu.memory_space<hbm>> -> memref<256xi32, #tpu.memory_space<hbm>>
        %dma_start3A_364 = arith.constant 0 : i32
        %dma_start3A_365 = tpu.memref_slice %arg6[%dma_start3A_357, %dma_start3A_364] : memref<4x256xi32, #tpu.memory_space<vmem>> -> memref<1x256xi32, #tpu.memory_space<vmem>>
        %dma_start3A_366 = tpu.memref_squeeze %dma_start3A_365 : memref<1x256xi32, #tpu.memory_space<vmem>> -> memref<256xi32, #tpu.memory_space<vmem>>
        %dma_start3A_367 = arith.constant 0 : i32
        %dma_start3A_368 = tpu.memref_slice %arg3[%dma_start3A_356, %arg1, %add3A_355, %dma_start3A_367] : memref<2x16x80x256xi32, #tpu.memory_space<hbm>> -> memref<1x1x1x256xi32, #tpu.memory_space<hbm>>
        %dma_start3A_369 = tpu.memref_squeeze %dma_start3A_368 : memref<1x1x1x256xi32, #tpu.memory_space<hbm>> -> memref<256xi32, #tpu.memory_space<hbm>>
        tpu.enqueue_dma source(%dma_start3A_369 : memref<256xi32, #tpu.memory_space<hbm>>) target(%dma_start3A_366 : memref<256xi32, #tpu.memory_space<vmem>>) target_semaphore(%arg19 : memref<!tpu.dma_semaphore, #tpu.memory_space<semaphore_mem>>)
        %dma_start3A_370 = arith.constant 1 : i32
        %dma_start3A_371 = arith.constant 3 : i32
        %dma_start3A_372 = arith.constant 0 : i32
        %dma_start3A_373 = tpu.memref_slice %arg7[%dma_start3A_371, %dma_start3A_372] : memref<4x256xi32, #tpu.memory_space<vmem>> -> memref<1x256xi32, #tpu.memory_space<vmem>>
        %dma_start3A_374 = tpu.memref_squeeze %dma_start3A_373 : memref<1x256xi32, #tpu.memory_space<vmem>> -> memref<256xi32, #tpu.memory_space<vmem>>
        %dma_start3A_375 = arith.constant 0 : i32
        %dma_start3A_376 = tpu.memref_slice %arg3[%dma_start3A_370, %arg1, %add3A_355, %dma_start3A_375] : memref<2x16x80x256xi32, #tpu.memory_space<hbm>> -> memref<1x1x1x256xi32, #tpu.memory_space<hbm>>
        %dma_start3A_377 = tpu.memref_squeeze %dma_start3A_376 : memref<1x1x1x256xi32, #tpu.memory_space<hbm>> -> memref<256xi32, #tpu.memory_space<hbm>>
        %dma_start3A_378 = arith.constant 0 : i32
        %dma_start3A_379 = tpu.memref_slice %arg7[%dma_start3A_371, %dma_start3A_378] : memref<4x256xi32, #tpu.memory_space<vmem>> -> memref<1x256xi32, #tpu.memory_space<vmem>>
        %dma_start3A_380 = tpu.memref_squeeze %dma_start3A_379 : memref<1x256xi32, #tpu.memory_space<vmem>> -> memref<256xi32, #tpu.memory_space<vmem>>
        %dma_start3A_381 = arith.constant 0 : i32
        %dma_start3A_382 = tpu.memref_slice %arg3[%dma_start3A_370, %arg1, %add3A_355, %dma_start3A_381] : memref<2x16x80x256xi32, #tpu.memory_space<hbm>> -> memref<1x1x1x256xi32, #tpu.memory_space<hbm>>
        %dma_start3A_383 = tpu.memref_squeeze %dma_start3A_382 : memref<1x1x1x256xi32, #tpu.memory_space<hbm>> -> memref<256xi32, #tpu.memory_space<hbm>>
        tpu.enqueue_dma source(%dma_start3A_383 : memref<256xi32, #tpu.memory_space<hbm>>) target(%dma_start3A_380 : memref<256xi32, #tpu.memory_space<vmem>>) target_semaphore(%arg19 : memref<!tpu.dma_semaphore, #tpu.memory_space<semaphore_mem>>)
      } else {
      }
      %dma_wait3A_175 = arith.constant 0 : i32
      %dma_wait3A_176 = arith.constant 1 : i32
      %dma_wait3A_177 = arith.constant 0 : i32
      %dma_wait3A_178 = tpu.memref_slice %arg6[%dma_wait3A_176, %dma_wait3A_177] : memref<4x256xi32, #tpu.memory_space<vmem>> -> memref<1x256xi32, #tpu.memory_space<vmem>>
      %dma_wait3A_179 = tpu.memref_squeeze %dma_wait3A_178 : memref<1x256xi32, #tpu.memory_space<vmem>> -> memref<256xi32, #tpu.memory_space<vmem>>
      %dma_wait3A_180 = arith.constant 0 : i32
      %dma_wait3A_181 = tpu.memref_slice %arg3[%dma_wait3A_175, %arg1, %add3A_162, %dma_wait3A_180] : memref<2x16x80x256xi32, #tpu.memory_space<hbm>> -> memref<1x1x1x256xi32, #tpu.memory_space<hbm>>
      %dma_wait3A_182 = tpu.memref_squeeze %dma_wait3A_181 : memref<1x1x1x256xi32, #tpu.memory_space<hbm>> -> memref<256xi32, #tpu.memory_space<hbm>>
      %dma_wait3A_183 = arith.constant 0 : i32
      %dma_wait3A_184 = tpu.memref_slice %arg6[%dma_wait3A_176, %dma_wait3A_183] : memref<4x256xi32, #tpu.memory_space<vmem>> -> memref<1x256xi32, #tpu.memory_space<vmem>>
      %dma_wait3A_185 = tpu.memref_squeeze %dma_wait3A_184 : memref<1x256xi32, #tpu.memory_space<vmem>> -> memref<256xi32, #tpu.memory_space<vmem>>
      %dma_wait3A_186 = arith.constant 0 : i32
      %dma_wait3A_187 = tpu.memref_slice %arg3[%dma_wait3A_175, %arg1, %add3A_162, %dma_wait3A_186] : memref<2x16x80x256xi32, #tpu.memory_space<hbm>> -> memref<1x1x1x256xi32, #tpu.memory_space<hbm>>
      %dma_wait3A_188 = tpu.memref_squeeze %dma_wait3A_187 : memref<1x1x1x256xi32, #tpu.memory_space<hbm>> -> memref<256xi32, #tpu.memory_space<hbm>>
      tpu.wait_dma2 semaphore(%arg17 : memref<!tpu.dma_semaphore, #tpu.memory_space<semaphore_mem>>) src(%dma_wait3A_188 : memref<256xi32, #tpu.memory_space<hbm>>) dst(%dma_wait3A_185 : memref<256xi32, #tpu.memory_space<vmem>>)
      %dma_wait3A_189 = arith.constant 1 : i32
      %dma_wait3A_190 = arith.constant 1 : i32
      %dma_wait3A_191 = arith.constant 0 : i32
      %dma_wait3A_192 = tpu.memref_slice %arg7[%dma_wait3A_190, %dma_wait3A_191] : memref<4x256xi32, #tpu.memory_space<vmem>> -> memref<1x256xi32, #tpu.memory_space<vmem>>
      %dma_wait3A_193 = tpu.memref_squeeze %dma_wait3A_192 : memref<1x256xi32, #tpu.memory_space<vmem>> -> memref<256xi32, #tpu.memory_space<vmem>>
      %dma_wait3A_194 = arith.constant 0 : i32
      %dma_wait3A_195 = tpu.memref_slice %arg3[%dma_wait3A_189, %arg1, %add3A_162, %dma_wait3A_194] : memref<2x16x80x256xi32, #tpu.memory_space<hbm>> -> memref<1x1x1x256xi32, #tpu.memory_space<hbm>>
      %dma_wait3A_196 = tpu.memref_squeeze %dma_wait3A_195 : memref<1x1x1x256xi32, #tpu.memory_space<hbm>> -> memref<256xi32, #tpu.memory_space<hbm>>
      %dma_wait3A_197 = arith.constant 0 : i32
      %dma_wait3A_198 = tpu.memref_slice %arg7[%dma_wait3A_190, %dma_wait3A_197] : memref<4x256xi32, #tpu.memory_space<vmem>> -> memref<1x256xi32, #tpu.memory_space<vmem>>
      %dma_wait3A_199 = tpu.memref_squeeze %dma_wait3A_198 : memref<1x256xi32, #tpu.memory_space<vmem>> -> memref<256xi32, #tpu.memory_space<vmem>>
      %dma_wait3A_200 = arith.constant 0 : i32
      %dma_wait3A_201 = tpu.memref_slice %arg3[%dma_wait3A_189, %arg1, %add3A_162, %dma_wait3A_200] : memref<2x16x80x256xi32, #tpu.memory_space<hbm>> -> memref<1x1x1x256xi32, #tpu.memory_space<hbm>>
      %dma_wait3A_202 = tpu.memref_squeeze %dma_wait3A_201 : memref<1x1x1x256xi32, #tpu.memory_space<hbm>> -> memref<256xi32, #tpu.memory_space<hbm>>
      tpu.wait_dma2 semaphore(%arg17 : memref<!tpu.dma_semaphore, #tpu.memory_space<semaphore_mem>>) src(%dma_wait3A_202 : memref<256xi32, #tpu.memory_space<hbm>>) dst(%dma_wait3A_199 : memref<256xi32, #tpu.memory_space<vmem>>)
      %dma_start3A_203 = arith.constant 1 : i32
      %dma_start3A_204 = arith.constant 0 : i32
      %dma_start3A_205 = tpu.memref_slice %arg6[%dma_start3A_203, %dma_start3A_204] : memref<4x256xi32, #tpu.memory_space<vmem>> -> memref<1x256xi32, #tpu.memory_space<vmem>>
      %dma_start3A_206 = tpu.memref_squeeze %dma_start3A_205 : memref<1x256xi32, #tpu.memory_space<vmem>> -> memref<256xi32, #tpu.memory_space<vmem>>
      %dma_start3A_207 = arith.constant 0 : i32
      %dma_start3A_208 = arith.constant 0 : i32
      %dma_start3A_209 = tpu.memref_slice %arg10[%dma_start3A_207, %dma_start3A_208] : memref<10240x64xf32, #tpu.memory_space<vmem_shared>> -> memref<10240x64xf32, #tpu.memory_space<vmem_shared>>
      tpu.enqueue_indirect_dma source(%dma_start3A_209 : memref<10240x64xf32, #tpu.memory_space<vmem_shared>>) target(%arg9 : memref<256x64xf32, #tpu.memory_space<vmem>>) offsets(%dma_start3A_206 : memref<256xi32, #tpu.memory_space<vmem>>) semaphore(%arg13 : memref<!tpu.dma_semaphore, #tpu.memory_space<semaphore_mem>>)
      %dma_wait3A_210 = arith.constant 1 : i32
      %dma_wait3A_211 = arith.constant 0 : i32
      %dma_wait3A_212 = tpu.memref_slice %arg6[%dma_wait3A_210, %dma_wait3A_211] : memref<4x256xi32, #tpu.memory_space<vmem>> -> memref<1x256xi32, #tpu.memory_space<vmem>>
      %dma_wait3A_213 = tpu.memref_squeeze %dma_wait3A_212 : memref<1x256xi32, #tpu.memory_space<vmem>> -> memref<256xi32, #tpu.memory_space<vmem>>
      %dma_wait3A_214 = arith.constant 0 : i32
      %dma_wait3A_215 = arith.constant 0 : i32
      %dma_wait3A_216 = tpu.memref_slice %arg10[%dma_wait3A_214, %dma_wait3A_215] : memref<10240x64xf32, #tpu.memory_space<vmem_shared>> -> memref<10240x64xf32, #tpu.memory_space<vmem_shared>>
      tpu.wait_indirect_dma semaphore(%arg13 : memref<!tpu.dma_semaphore, #tpu.memory_space<semaphore_mem>>) src(%dma_wait3A_216 : memref<10240x64xf32, #tpu.memory_space<vmem_shared>>) dst(%arg9 : memref<256x64xf32, #tpu.memory_space<vmem>>)
      %dma_start3A_217 = arith.constant 1 : i32
      %dma_start3A_218 = arith.constant 0 : i32
      %dma_start3A_219 = tpu.memref_slice %arg7[%dma_start3A_217, %dma_start3A_218] : memref<4x256xi32, #tpu.memory_space<vmem>> -> memref<1x256xi32, #tpu.memory_space<vmem>>
      %dma_start3A_220 = tpu.memref_squeeze %dma_start3A_219 : memref<1x256xi32, #tpu.memory_space<vmem>> -> memref<256xi32, #tpu.memory_space<vmem>>
      %dma_start3A_221 = arith.constant 0 : i32
      %dma_start3A_222 = arith.constant 0 : i32
      %dma_start3A_223 = tpu.memref_slice %arg11[%dma_start3A_221, %dma_start3A_222] : memref<10240x64xf32, #tpu.memory_space<vmem_shared>> -> memref<10240x64xf32, #tpu.memory_space<vmem_shared>>
      tpu.enqueue_indirect_dma source(%arg9 : memref<256x64xf32, #tpu.memory_space<vmem>>) target(%dma_start3A_223 : memref<10240x64xf32, #tpu.memory_space<vmem_shared>>) offsets(%dma_start3A_220 : memref<256xi32, #tpu.memory_space<vmem>>) semaphore(%arg15 : memref<!tpu.dma_semaphore, #tpu.memory_space<semaphore_mem>>) {add = true}
      %mul3A_224 = arith.constant 4 : i32
      %mul3A_225 = arith.muli %scan3A_96, %mul3A_224 : i32
      %add3A_226 = arith.constant 2 : i32
      %add3A_227 = arith.addi %mul3A_225, %add3A_226 : i32
      %ge3A_228 = arith.constant 2 : i32
      %ge3A_229 = arith.cmpi sge, %add3A_227, %ge3A_228 : i32
      %convert_element_type3A_230 = arith.extui %ge3A_229 : i1 to i32
      %cond3A_231 = arith.constant 0 : i32
      %cond3A_232 = arith.cmpi ne, %convert_element_type3A_230, %cond3A_231 : i32
      scf.if %cond3A_232 {
        %dma_wait3A_354 = arith.constant 0 : i32
        %dma_wait3A_355 = arith.constant 0 : i32
        %dma_wait3A_356 = tpu.memref_slice %arg7[%dma_wait3A_354, %dma_wait3A_355] : memref<4x256xi32, #tpu.memory_space<vmem>> -> memref<1x256xi32, #tpu.memory_space<vmem>>
        %dma_wait3A_357 = tpu.memref_squeeze %dma_wait3A_356 : memref<1x256xi32, #tpu.memory_space<vmem>> -> memref<256xi32, #tpu.memory_space<vmem>>
        %dma_wait3A_358 = arith.constant 0 : i32
        %dma_wait3A_359 = arith.constant 0 : i32
        %dma_wait3A_360 = tpu.memref_slice %arg11[%dma_wait3A_358, %dma_wait3A_359] : memref<10240x64xf32, #tpu.memory_space<vmem_shared>> -> memref<10240x64xf32, #tpu.memory_space<vmem_shared>>
        tpu.wait_indirect_dma semaphore(%arg14 : memref<!tpu.dma_semaphore, #tpu.memory_space<semaphore_mem>>) src(%arg8 : memref<256x64xf32, #tpu.memory_space<vmem>>) dst(%dma_wait3A_360 : memref<10240x64xf32, #tpu.memory_space<vmem_shared>>)
      } else {
      }
      %add3A_233 = arith.constant 2 : i32
      %add3A_234 = arith.addi %add3A_227, %add3A_233 : i32
      %lt3A_235 = arith.constant 80 : i32
      %lt3A_236 = arith.cmpi slt, %add3A_234, %lt3A_235 : i32
      %convert_element_type3A_237 = arith.extui %lt3A_236 : i1 to i32
      %cond3A_238 = arith.constant 0 : i32
      %cond3A_239 = arith.cmpi ne, %convert_element_type3A_237, %cond3A_238 : i32
      scf.if %cond3A_239 {
        %add3A_354 = arith.constant 2 : i32
        %add3A_355 = arith.addi %add3A_227, %add3A_354 : i32
        %dma_start3A_356 = arith.constant 0 : i32
        %dma_start3A_357 = arith.constant 0 : i32
        %dma_start3A_358 = arith.constant 0 : i32
        %dma_start3A_359 = tpu.memref_slice %arg6[%dma_start3A_357, %dma_start3A_358] : memref<4x256xi32, #tpu.memory_space<vmem>> -> memref<1x256xi32, #tpu.memory_space<vmem>>
        %dma_start3A_360 = tpu.memref_squeeze %dma_start3A_359 : memref<1x256xi32, #tpu.memory_space<vmem>> -> memref<256xi32, #tpu.memory_space<vmem>>
        %dma_start3A_361 = arith.constant 0 : i32
        %dma_start3A_362 = tpu.memref_slice %arg3[%dma_start3A_356, %arg1, %add3A_355, %dma_start3A_361] : memref<2x16x80x256xi32, #tpu.memory_space<hbm>> -> memref<1x1x1x256xi32, #tpu.memory_space<hbm>>
        %dma_start3A_363 = tpu.memref_squeeze %dma_start3A_362 : memref<1x1x1x256xi32, #tpu.memory_space<hbm>> -> memref<256xi32, #tpu.memory_space<hbm>>
        %dma_start3A_364 = arith.constant 0 : i32
        %dma_start3A_365 = tpu.memref_slice %arg6[%dma_start3A_357, %dma_start3A_364] : memref<4x256xi32, #tpu.memory_space<vmem>> -> memref<1x256xi32, #tpu.memory_space<vmem>>
        %dma_start3A_366 = tpu.memref_squeeze %dma_start3A_365 : memref<1x256xi32, #tpu.memory_space<vmem>> -> memref<256xi32, #tpu.memory_space<vmem>>
        %dma_start3A_367 = arith.constant 0 : i32
        %dma_start3A_368 = tpu.memref_slice %arg3[%dma_start3A_356, %arg1, %add3A_355, %dma_start3A_367] : memref<2x16x80x256xi32, #tpu.memory_space<hbm>> -> memref<1x1x1x256xi32, #tpu.memory_space<hbm>>
        %dma_start3A_369 = tpu.memref_squeeze %dma_start3A_368 : memref<1x1x1x256xi32, #tpu.memory_space<hbm>> -> memref<256xi32, #tpu.memory_space<hbm>>
        tpu.enqueue_dma source(%dma_start3A_369 : memref<256xi32, #tpu.memory_space<hbm>>) target(%dma_start3A_366 : memref<256xi32, #tpu.memory_space<vmem>>) target_semaphore(%arg16 : memref<!tpu.dma_semaphore, #tpu.memory_space<semaphore_mem>>)
        %dma_start3A_370 = arith.constant 1 : i32
        %dma_start3A_371 = arith.constant 0 : i32
        %dma_start3A_372 = arith.constant 0 : i32
        %dma_start3A_373 = tpu.memref_slice %arg7[%dma_start3A_371, %dma_start3A_372] : memref<4x256xi32, #tpu.memory_space<vmem>> -> memref<1x256xi32, #tpu.memory_space<vmem>>
        %dma_start3A_374 = tpu.memref_squeeze %dma_start3A_373 : memref<1x256xi32, #tpu.memory_space<vmem>> -> memref<256xi32, #tpu.memory_space<vmem>>
        %dma_start3A_375 = arith.constant 0 : i32
        %dma_start3A_376 = tpu.memref_slice %arg3[%dma_start3A_370, %arg1, %add3A_355, %dma_start3A_375] : memref<2x16x80x256xi32, #tpu.memory_space<hbm>> -> memref<1x1x1x256xi32, #tpu.memory_space<hbm>>
        %dma_start3A_377 = tpu.memref_squeeze %dma_start3A_376 : memref<1x1x1x256xi32, #tpu.memory_space<hbm>> -> memref<256xi32, #tpu.memory_space<hbm>>
        %dma_start3A_378 = arith.constant 0 : i32
        %dma_start3A_379 = tpu.memref_slice %arg7[%dma_start3A_371, %dma_start3A_378] : memref<4x256xi32, #tpu.memory_space<vmem>> -> memref<1x256xi32, #tpu.memory_space<vmem>>
        %dma_start3A_380 = tpu.memref_squeeze %dma_start3A_379 : memref<1x256xi32, #tpu.memory_space<vmem>> -> memref<256xi32, #tpu.memory_space<vmem>>
        %dma_start3A_381 = arith.constant 0 : i32
        %dma_start3A_382 = tpu.memref_slice %arg3[%dma_start3A_370, %arg1, %add3A_355, %dma_start3A_381] : memref<2x16x80x256xi32, #tpu.memory_space<hbm>> -> memref<1x1x1x256xi32, #tpu.memory_space<hbm>>
        %dma_start3A_383 = tpu.memref_squeeze %dma_start3A_382 : memref<1x1x1x256xi32, #tpu.memory_space<hbm>> -> memref<256xi32, #tpu.memory_space<hbm>>
        tpu.enqueue_dma source(%dma_start3A_383 : memref<256xi32, #tpu.memory_space<hbm>>) target(%dma_start3A_380 : memref<256xi32, #tpu.memory_space<vmem>>) target_semaphore(%arg16 : memref<!tpu.dma_semaphore, #tpu.memory_space<semaphore_mem>>)
      } else {
      }
      %dma_wait3A_240 = arith.constant 0 : i32
      %dma_wait3A_241 = arith.constant 2 : i32
      %dma_wait3A_242 = arith.constant 0 : i32
      %dma_wait3A_243 = tpu.memref_slice %arg6[%dma_wait3A_241, %dma_wait3A_242] : memref<4x256xi32, #tpu.memory_space<vmem>> -> memref<1x256xi32, #tpu.memory_space<vmem>>
      %dma_wait3A_244 = tpu.memref_squeeze %dma_wait3A_243 : memref<1x256xi32, #tpu.memory_space<vmem>> -> memref<256xi32, #tpu.memory_space<vmem>>
      %dma_wait3A_245 = arith.constant 0 : i32
      %dma_wait3A_246 = tpu.memref_slice %arg3[%dma_wait3A_240, %arg1, %add3A_227, %dma_wait3A_245] : memref<2x16x80x256xi32, #tpu.memory_space<hbm>> -> memref<1x1x1x256xi32, #tpu.memory_space<hbm>>
      %dma_wait3A_247 = tpu.memref_squeeze %dma_wait3A_246 : memref<1x1x1x256xi32, #tpu.memory_space<hbm>> -> memref<256xi32, #tpu.memory_space<hbm>>
      %dma_wait3A_248 = arith.constant 0 : i32
      %dma_wait3A_249 = tpu.memref_slice %arg6[%dma_wait3A_241, %dma_wait3A_248] : memref<4x256xi32, #tpu.memory_space<vmem>> -> memref<1x256xi32, #tpu.memory_space<vmem>>
      %dma_wait3A_250 = tpu.memref_squeeze %dma_wait3A_249 : memref<1x256xi32, #tpu.memory_space<vmem>> -> memref<256xi32, #tpu.memory_space<vmem>>
      %dma_wait3A_251 = arith.constant 0 : i32
      %dma_wait3A_252 = tpu.memref_slice %arg3[%dma_wait3A_240, %arg1, %add3A_227, %dma_wait3A_251] : memref<2x16x80x256xi32, #tpu.memory_space<hbm>> -> memref<1x1x1x256xi32, #tpu.memory_space<hbm>>
      %dma_wait3A_253 = tpu.memref_squeeze %dma_wait3A_252 : memref<1x1x1x256xi32, #tpu.memory_space<hbm>> -> memref<256xi32, #tpu.memory_space<hbm>>
      tpu.wait_dma2 semaphore(%arg18 : memref<!tpu.dma_semaphore, #tpu.memory_space<semaphore_mem>>) src(%dma_wait3A_253 : memref<256xi32, #tpu.memory_space<hbm>>) dst(%dma_wait3A_250 : memref<256xi32, #tpu.memory_space<vmem>>)
      %dma_wait3A_254 = arith.constant 1 : i32
      %dma_wait3A_255 = arith.constant 2 : i32
      %dma_wait3A_256 = arith.constant 0 : i32
      %dma_wait3A_257 = tpu.memref_slice %arg7[%dma_wait3A_255, %dma_wait3A_256] : memref<4x256xi32, #tpu.memory_space<vmem>> -> memref<1x256xi32, #tpu.memory_space<vmem>>
      %dma_wait3A_258 = tpu.memref_squeeze %dma_wait3A_257 : memref<1x256xi32, #tpu.memory_space<vmem>> -> memref<256xi32, #tpu.memory_space<vmem>>
      %dma_wait3A_259 = arith.constant 0 : i32
      %dma_wait3A_260 = tpu.memref_slice %arg3[%dma_wait3A_254, %arg1, %add3A_227, %dma_wait3A_259] : memref<2x16x80x256xi32, #tpu.memory_space<hbm>> -> memref<1x1x1x256xi32, #tpu.memory_space<hbm>>
      %dma_wait3A_261 = tpu.memref_squeeze %dma_wait3A_260 : memref<1x1x1x256xi32, #tpu.memory_space<hbm>> -> memref<256xi32, #tpu.memory_space<hbm>>
      %dma_wait3A_262 = arith.constant 0 : i32
      %dma_wait3A_263 = tpu.memref_slice %arg7[%dma_wait3A_255, %dma_wait3A_262] : memref<4x256xi32, #tpu.memory_space<vmem>> -> memref<1x256xi32, #tpu.memory_space<vmem>>
      %dma_wait3A_264 = tpu.memref_squeeze %dma_wait3A_263 : memref<1x256xi32, #tpu.memory_space<vmem>> -> memref<256xi32, #tpu.memory_space<vmem>>
      %dma_wait3A_265 = arith.constant 0 : i32
      %dma_wait3A_266 = tpu.memref_slice %arg3[%dma_wait3A_254, %arg1, %add3A_227, %dma_wait3A_265] : memref<2x16x80x256xi32, #tpu.memory_space<hbm>> -> memref<1x1x1x256xi32, #tpu.memory_space<hbm>>
      %dma_wait3A_267 = tpu.memref_squeeze %dma_wait3A_266 : memref<1x1x1x256xi32, #tpu.memory_space<hbm>> -> memref<256xi32, #tpu.memory_space<hbm>>
      tpu.wait_dma2 semaphore(%arg18 : memref<!tpu.dma_semaphore, #tpu.memory_space<semaphore_mem>>) src(%dma_wait3A_267 : memref<256xi32, #tpu.memory_space<hbm>>) dst(%dma_wait3A_264 : memref<256xi32, #tpu.memory_space<vmem>>)
      %dma_start3A_268 = arith.constant 2 : i32
      %dma_start3A_269 = arith.constant 0 : i32
      %dma_start3A_270 = tpu.memref_slice %arg6[%dma_start3A_268, %dma_start3A_269] : memref<4x256xi32, #tpu.memory_space<vmem>> -> memref<1x256xi32, #tpu.memory_space<vmem>>
      %dma_start3A_271 = tpu.memref_squeeze %dma_start3A_270 : memref<1x256xi32, #tpu.memory_space<vmem>> -> memref<256xi32, #tpu.memory_space<vmem>>
      %dma_start3A_272 = arith.constant 0 : i32
      %dma_start3A_273 = arith.constant 0 : i32
      %dma_start3A_274 = tpu.memref_slice %arg10[%dma_start3A_272, %dma_start3A_273] : memref<10240x64xf32, #tpu.memory_space<vmem_shared>> -> memref<10240x64xf32, #tpu.memory_space<vmem_shared>>
      tpu.enqueue_indirect_dma source(%dma_start3A_274 : memref<10240x64xf32, #tpu.memory_space<vmem_shared>>) target(%arg8 : memref<256x64xf32, #tpu.memory_space<vmem>>) offsets(%dma_start3A_271 : memref<256xi32, #tpu.memory_space<vmem>>) semaphore(%arg12 : memref<!tpu.dma_semaphore, #tpu.memory_space<semaphore_mem>>)
      %dma_wait3A_275 = arith.constant 2 : i32
      %dma_wait3A_276 = arith.constant 0 : i32
      %dma_wait3A_277 = tpu.memref_slice %arg6[%dma_wait3A_275, %dma_wait3A_276] : memref<4x256xi32, #tpu.memory_space<vmem>> -> memref<1x256xi32, #tpu.memory_space<vmem>>
      %dma_wait3A_278 = tpu.memref_squeeze %dma_wait3A_277 : memref<1x256xi32, #tpu.memory_space<vmem>> -> memref<256xi32, #tpu.memory_space<vmem>>
      %dma_wait3A_279 = arith.constant 0 : i32
      %dma_wait3A_280 = arith.constant 0 : i32
      %dma_wait3A_281 = tpu.memref_slice %arg10[%dma_wait3A_279, %dma_wait3A_280] : memref<10240x64xf32, #tpu.memory_space<vmem_shared>> -> memref<10240x64xf32, #tpu.memory_space<vmem_shared>>
      tpu.wait_indirect_dma semaphore(%arg12 : memref<!tpu.dma_semaphore, #tpu.memory_space<semaphore_mem>>) src(%dma_wait3A_281 : memref<10240x64xf32, #tpu.memory_space<vmem_shared>>) dst(%arg8 : memref<256x64xf32, #tpu.memory_space<vmem>>)
      %dma_start3A_282 = arith.constant 2 : i32
      %dma_start3A_283 = arith.constant 0 : i32
      %dma_start3A_284 = tpu.memref_slice %arg7[%dma_start3A_282, %dma_start3A_283] : memref<4x256xi32, #tpu.memory_space<vmem>> -> memref<1x256xi32, #tpu.memory_space<vmem>>
      %dma_start3A_285 = tpu.memref_squeeze %dma_start3A_284 : memref<1x256xi32, #tpu.memory_space<vmem>> -> memref<256xi32, #tpu.memory_space<vmem>>
      %dma_start3A_286 = arith.constant 0 : i32
      %dma_start3A_287 = arith.constant 0 : i32
      %dma_start3A_288 = tpu.memref_slice %arg11[%dma_start3A_286, %dma_start3A_287] : memref<10240x64xf32, #tpu.memory_space<vmem_shared>> -> memref<10240x64xf32, #tpu.memory_space<vmem_shared>>
      tpu.enqueue_indirect_dma source(%arg8 : memref<256x64xf32, #tpu.memory_space<vmem>>) target(%dma_start3A_288 : memref<10240x64xf32, #tpu.memory_space<vmem_shared>>) offsets(%dma_start3A_285 : memref<256xi32, #tpu.memory_space<vmem>>) semaphore(%arg14 : memref<!tpu.dma_semaphore, #tpu.memory_space<semaphore_mem>>) {add = true}
      %mul3A_289 = arith.constant 4 : i32
      %mul3A_290 = arith.muli %scan3A_96, %mul3A_289 : i32
      %add3A_291 = arith.constant 3 : i32
      %add3A_292 = arith.addi %mul3A_290, %add3A_291 : i32
      %ge3A_293 = arith.constant 2 : i32
      %ge3A_294 = arith.cmpi sge, %add3A_292, %ge3A_293 : i32
      %convert_element_type3A_295 = arith.extui %ge3A_294 : i1 to i32
      %cond3A_296 = arith.constant 0 : i32
      %cond3A_297 = arith.cmpi ne, %convert_element_type3A_295, %cond3A_296 : i32
      scf.if %cond3A_297 {
        %dma_wait3A_354 = arith.constant 1 : i32
        %dma_wait3A_355 = arith.constant 0 : i32
        %dma_wait3A_356 = tpu.memref_slice %arg7[%dma_wait3A_354, %dma_wait3A_355] : memref<4x256xi32, #tpu.memory_space<vmem>> -> memref<1x256xi32, #tpu.memory_space<vmem>>
        %dma_wait3A_357 = tpu.memref_squeeze %dma_wait3A_356 : memref<1x256xi32, #tpu.memory_space<vmem>> -> memref<256xi32, #tpu.memory_space<vmem>>
        %dma_wait3A_358 = arith.constant 0 : i32
        %dma_wait3A_359 = arith.constant 0 : i32
        %dma_wait3A_360 = tpu.memref_slice %arg11[%dma_wait3A_358, %dma_wait3A_359] : memref<10240x64xf32, #tpu.memory_space<vmem_shared>> -> memref<10240x64xf32, #tpu.memory_space<vmem_shared>>
        tpu.wait_indirect_dma semaphore(%arg15 : memref<!tpu.dma_semaphore, #tpu.memory_space<semaphore_mem>>) src(%arg9 : memref<256x64xf32, #tpu.memory_space<vmem>>) dst(%dma_wait3A_360 : memref<10240x64xf32, #tpu.memory_space<vmem_shared>>)
      } else {
      }
      %add3A_298 = arith.constant 2 : i32
      %add3A_299 = arith.addi %add3A_292, %add3A_298 : i32
      %lt3A_300 = arith.constant 80 : i32
      %lt3A_301 = arith.cmpi slt, %add3A_299, %lt3A_300 : i32
      %convert_element_type3A_302 = arith.extui %lt3A_301 : i1 to i32
      %cond3A_303 = arith.constant 0 : i32
      %cond3A_304 = arith.cmpi ne, %convert_element_type3A_302, %cond3A_303 : i32
      scf.if %cond3A_304 {
        %add3A_354 = arith.constant 2 : i32
        %add3A_355 = arith.addi %add3A_292, %add3A_354 : i32
        %dma_start3A_356 = arith.constant 0 : i32
        %dma_start3A_357 = arith.constant 1 : i32
        %dma_start3A_358 = arith.constant 0 : i32
        %dma_start3A_359 = tpu.memref_slice %arg6[%dma_start3A_357, %dma_start3A_358] : memref<4x256xi32, #tpu.memory_space<vmem>> -> memref<1x256xi32, #tpu.memory_space<vmem>>
        %dma_start3A_360 = tpu.memref_squeeze %dma_start3A_359 : memref<1x256xi32, #tpu.memory_space<vmem>> -> memref<256xi32, #tpu.memory_space<vmem>>
        %dma_start3A_361 = arith.constant 0 : i32
        %dma_start3A_362 = tpu.memref_slice %arg3[%dma_start3A_356, %arg1, %add3A_355, %dma_start3A_361] : memref<2x16x80x256xi32, #tpu.memory_space<hbm>> -> memref<1x1x1x256xi32, #tpu.memory_space<hbm>>
        %dma_start3A_363 = tpu.memref_squeeze %dma_start3A_362 : memref<1x1x1x256xi32, #tpu.memory_space<hbm>> -> memref<256xi32, #tpu.memory_space<hbm>>
        %dma_start3A_364 = arith.constant 0 : i32
        %dma_start3A_365 = tpu.memref_slice %arg6[%dma_start3A_357, %dma_start3A_364] : memref<4x256xi32, #tpu.memory_space<vmem>> -> memref<1x256xi32, #tpu.memory_space<vmem>>
        %dma_start3A_366 = tpu.memref_squeeze %dma_start3A_365 : memref<1x256xi32, #tpu.memory_space<vmem>> -> memref<256xi32, #tpu.memory_space<vmem>>
        %dma_start3A_367 = arith.constant 0 : i32
        %dma_start3A_368 = tpu.memref_slice %arg3[%dma_start3A_356, %arg1, %add3A_355, %dma_start3A_367] : memref<2x16x80x256xi32, #tpu.memory_space<hbm>> -> memref<1x1x1x256xi32, #tpu.memory_space<hbm>>
        %dma_start3A_369 = tpu.memref_squeeze %dma_start3A_368 : memref<1x1x1x256xi32, #tpu.memory_space<hbm>> -> memref<256xi32, #tpu.memory_space<hbm>>
        tpu.enqueue_dma source(%dma_start3A_369 : memref<256xi32, #tpu.memory_space<hbm>>) target(%dma_start3A_366 : memref<256xi32, #tpu.memory_space<vmem>>) target_semaphore(%arg17 : memref<!tpu.dma_semaphore, #tpu.memory_space<semaphore_mem>>)
        %dma_start3A_370 = arith.constant 1 : i32
        %dma_start3A_371 = arith.constant 1 : i32
        %dma_start3A_372 = arith.constant 0 : i32
        %dma_start3A_373 = tpu.memref_slice %arg7[%dma_start3A_371, %dma_start3A_372] : memref<4x256xi32, #tpu.memory_space<vmem>> -> memref<1x256xi32, #tpu.memory_space<vmem>>
        %dma_start3A_374 = tpu.memref_squeeze %dma_start3A_373 : memref<1x256xi32, #tpu.memory_space<vmem>> -> memref<256xi32, #tpu.memory_space<vmem>>
        %dma_start3A_375 = arith.constant 0 : i32
        %dma_start3A_376 = tpu.memref_slice %arg3[%dma_start3A_370, %arg1, %add3A_355, %dma_start3A_375] : memref<2x16x80x256xi32, #tpu.memory_space<hbm>> -> memref<1x1x1x256xi32, #tpu.memory_space<hbm>>
        %dma_start3A_377 = tpu.memref_squeeze %dma_start3A_376 : memref<1x1x1x256xi32, #tpu.memory_space<hbm>> -> memref<256xi32, #tpu.memory_space<hbm>>
        %dma_start3A_378 = arith.constant 0 : i32
        %dma_start3A_379 = tpu.memref_slice %arg7[%dma_start3A_371, %dma_start3A_378] : memref<4x256xi32, #tpu.memory_space<vmem>> -> memref<1x256xi32, #tpu.memory_space<vmem>>
        %dma_start3A_380 = tpu.memref_squeeze %dma_start3A_379 : memref<1x256xi32, #tpu.memory_space<vmem>> -> memref<256xi32, #tpu.memory_space<vmem>>
        %dma_start3A_381 = arith.constant 0 : i32
        %dma_start3A_382 = tpu.memref_slice %arg3[%dma_start3A_370, %arg1, %add3A_355, %dma_start3A_381] : memref<2x16x80x256xi32, #tpu.memory_space<hbm>> -> memref<1x1x1x256xi32, #tpu.memory_space<hbm>>
        %dma_start3A_383 = tpu.memref_squeeze %dma_start3A_382 : memref<1x1x1x256xi32, #tpu.memory_space<hbm>> -> memref<256xi32, #tpu.memory_space<hbm>>
        tpu.enqueue_dma source(%dma_start3A_383 : memref<256xi32, #tpu.memory_space<hbm>>) target(%dma_start3A_380 : memref<256xi32, #tpu.memory_space<vmem>>) target_semaphore(%arg17 : memref<!tpu.dma_semaphore, #tpu.memory_space<semaphore_mem>>)
      } else {
      }
      %dma_wait3A_305 = arith.constant 0 : i32
      %dma_wait3A_306 = arith.constant 3 : i32
      %dma_wait3A_307 = arith.constant 0 : i32
      %dma_wait3A_308 = tpu.memref_slice %arg6[%dma_wait3A_306, %dma_wait3A_307] : memref<4x256xi32, #tpu.memory_space<vmem>> -> memref<1x256xi32, #tpu.memory_space<vmem>>
      %dma_wait3A_309 = tpu.memref_squeeze %dma_wait3A_308 : memref<1x256xi32, #tpu.memory_space<vmem>> -> memref<256xi32, #tpu.memory_space<vmem>>
      %dma_wait3A_310 = arith.constant 0 : i32
      %dma_wait3A_311 = tpu.memref_slice %arg3[%dma_wait3A_305, %arg1, %add3A_292, %dma_wait3A_310] : memref<2x16x80x256xi32, #tpu.memory_space<hbm>> -> memref<1x1x1x256xi32, #tpu.memory_space<hbm>>
      %dma_wait3A_312 = tpu.memref_squeeze %dma_wait3A_311 : memref<1x1x1x256xi32, #tpu.memory_space<hbm>> -> memref<256xi32, #tpu.memory_space<hbm>>
      %dma_wait3A_313 = arith.constant 0 : i32
      %dma_wait3A_314 = tpu.memref_slice %arg6[%dma_wait3A_306, %dma_wait3A_313] : memref<4x256xi32, #tpu.memory_space<vmem>> -> memref<1x256xi32, #tpu.memory_space<vmem>>
      %dma_wait3A_315 = tpu.memref_squeeze %dma_wait3A_314 : memref<1x256xi32, #tpu.memory_space<vmem>> -> memref<256xi32, #tpu.memory_space<vmem>>
      %dma_wait3A_316 = arith.constant 0 : i32
      %dma_wait3A_317 = tpu.memref_slice %arg3[%dma_wait3A_305, %arg1, %add3A_292, %dma_wait3A_316] : memref<2x16x80x256xi32, #tpu.memory_space<hbm>> -> memref<1x1x1x256xi32, #tpu.memory_space<hbm>>
      %dma_wait3A_318 = tpu.memref_squeeze %dma_wait3A_317 : memref<1x1x1x256xi32, #tpu.memory_space<hbm>> -> memref<256xi32, #tpu.memory_space<hbm>>
      tpu.wait_dma2 semaphore(%arg19 : memref<!tpu.dma_semaphore, #tpu.memory_space<semaphore_mem>>) src(%dma_wait3A_318 : memref<256xi32, #tpu.memory_space<hbm>>) dst(%dma_wait3A_315 : memref<256xi32, #tpu.memory_space<vmem>>)
      %dma_wait3A_319 = arith.constant 1 : i32
      %dma_wait3A_320 = arith.constant 3 : i32
      %dma_wait3A_321 = arith.constant 0 : i32
      %dma_wait3A_322 = tpu.memref_slice %arg7[%dma_wait3A_320, %dma_wait3A_321] : memref<4x256xi32, #tpu.memory_space<vmem>> -> memref<1x256xi32, #tpu.memory_space<vmem>>
      %dma_wait3A_323 = tpu.memref_squeeze %dma_wait3A_322 : memref<1x256xi32, #tpu.memory_space<vmem>> -> memref<256xi32, #tpu.memory_space<vmem>>
      %dma_wait3A_324 = arith.constant 0 : i32
      %dma_wait3A_325 = tpu.memref_slice %arg3[%dma_wait3A_319, %arg1, %add3A_292, %dma_wait3A_324] : memref<2x16x80x256xi32, #tpu.memory_space<hbm>> -> memref<1x1x1x256xi32, #tpu.memory_space<hbm>>
      %dma_wait3A_326 = tpu.memref_squeeze %dma_wait3A_325 : memref<1x1x1x256xi32, #tpu.memory_space<hbm>> -> memref<256xi32, #tpu.memory_space<hbm>>
      %dma_wait3A_327 = arith.constant 0 : i32
      %dma_wait3A_328 = tpu.memref_slice %arg7[%dma_wait3A_320, %dma_wait3A_327] : memref<4x256xi32, #tpu.memory_space<vmem>> -> memref<1x256xi32, #tpu.memory_space<vmem>>
      %dma_wait3A_329 = tpu.memref_squeeze %dma_wait3A_328 : memref<1x256xi32, #tpu.memory_space<vmem>> -> memref<256xi32, #tpu.memory_space<vmem>>
      %dma_wait3A_330 = arith.constant 0 : i32
      %dma_wait3A_331 = tpu.memref_slice %arg3[%dma_wait3A_319, %arg1, %add3A_292, %dma_wait3A_330] : memref<2x16x80x256xi32, #tpu.memory_space<hbm>> -> memref<1x1x1x256xi32, #tpu.memory_space<hbm>>
      %dma_wait3A_332 = tpu.memref_squeeze %dma_wait3A_331 : memref<1x1x1x256xi32, #tpu.memory_space<hbm>> -> memref<256xi32, #tpu.memory_space<hbm>>
      tpu.wait_dma2 semaphore(%arg19 : memref<!tpu.dma_semaphore, #tpu.memory_space<semaphore_mem>>) src(%dma_wait3A_332 : memref<256xi32, #tpu.memory_space<hbm>>) dst(%dma_wait3A_329 : memref<256xi32, #tpu.memory_space<vmem>>)
      %dma_start3A_333 = arith.constant 3 : i32
      %dma_start3A_334 = arith.constant 0 : i32
      %dma_start3A_335 = tpu.memref_slice %arg6[%dma_start3A_333, %dma_start3A_334] : memref<4x256xi32, #tpu.memory_space<vmem>> -> memref<1x256xi32, #tpu.memory_space<vmem>>
      %dma_start3A_336 = tpu.memref_squeeze %dma_start3A_335 : memref<1x256xi32, #tpu.memory_space<vmem>> -> memref<256xi32, #tpu.memory_space<vmem>>
      %dma_start3A_337 = arith.constant 0 : i32
      %dma_start3A_338 = arith.constant 0 : i32
      %dma_start3A_339 = tpu.memref_slice %arg10[%dma_start3A_337, %dma_start3A_338] : memref<10240x64xf32, #tpu.memory_space<vmem_shared>> -> memref<10240x64xf32, #tpu.memory_space<vmem_shared>>
      tpu.enqueue_indirect_dma source(%dma_start3A_339 : memref<10240x64xf32, #tpu.memory_space<vmem_shared>>) target(%arg9 : memref<256x64xf32, #tpu.memory_space<vmem>>) offsets(%dma_start3A_336 : memref<256xi32, #tpu.memory_space<vmem>>) semaphore(%arg13 : memref<!tpu.dma_semaphore, #tpu.memory_space<semaphore_mem>>)
      %dma_wait3A_340 = arith.constant 3 : i32
      %dma_wait3A_341 = arith.constant 0 : i32
      %dma_wait3A_342 = tpu.memref_slice %arg6[%dma_wait3A_340, %dma_wait3A_341] : memref<4x256xi32, #tpu.memory_space<vmem>> -> memref<1x256xi32, #tpu.memory_space<vmem>>
      %dma_wait3A_343 = tpu.memref_squeeze %dma_wait3A_342 : memref<1x256xi32, #tpu.memory_space<vmem>> -> memref<256xi32, #tpu.memory_space<vmem>>
      %dma_wait3A_344 = arith.constant 0 : i32
      %dma_wait3A_345 = arith.constant 0 : i32
      %dma_wait3A_346 = tpu.memref_slice %arg10[%dma_wait3A_344, %dma_wait3A_345] : memref<10240x64xf32, #tpu.memory_space<vmem_shared>> -> memref<10240x64xf32, #tpu.memory_space<vmem_shared>>
      tpu.wait_indirect_dma semaphore(%arg13 : memref<!tpu.dma_semaphore, #tpu.memory_space<semaphore_mem>>) src(%dma_wait3A_346 : memref<10240x64xf32, #tpu.memory_space<vmem_shared>>) dst(%arg9 : memref<256x64xf32, #tpu.memory_space<vmem>>)
      %dma_start3A_347 = arith.constant 3 : i32
      %dma_start3A_348 = arith.constant 0 : i32
      %dma_start3A_349 = tpu.memref_slice %arg7[%dma_start3A_347, %dma_start3A_348] : memref<4x256xi32, #tpu.memory_space<vmem>> -> memref<1x256xi32, #tpu.memory_space<vmem>>
      %dma_start3A_350 = tpu.memref_squeeze %dma_start3A_349 : memref<1x256xi32, #tpu.memory_space<vmem>> -> memref<256xi32, #tpu.memory_space<vmem>>
      %dma_start3A_351 = arith.constant 0 : i32
      %dma_start3A_352 = arith.constant 0 : i32
      %dma_start3A_353 = tpu.memref_slice %arg11[%dma_start3A_351, %dma_start3A_352] : memref<10240x64xf32, #tpu.memory_space<vmem_shared>> -> memref<10240x64xf32, #tpu.memory_space<vmem_shared>>
      tpu.enqueue_indirect_dma source(%arg9 : memref<256x64xf32, #tpu.memory_space<vmem>>) target(%dma_start3A_353 : memref<10240x64xf32, #tpu.memory_space<vmem_shared>>) offsets(%dma_start3A_350 : memref<256xi32, #tpu.memory_space<vmem>>) semaphore(%arg15 : memref<!tpu.dma_semaphore, #tpu.memory_space<semaphore_mem>>) {add = true}
    }
    %scan3A_71 = arith.constant 20 : i32
    %dma_wait3A = arith.constant 2 : i32
    %dma_wait3A_72 = arith.constant 0 : i32
    %dma_wait3A_73 = tpu.memref_slice %arg7[%dma_wait3A, %dma_wait3A_72] : memref<4x256xi32, #tpu.memory_space<vmem>> -> memref<1x256xi32, #tpu.memory_space<vmem>>
    %dma_wait3A_74 = tpu.memref_squeeze %dma_wait3A_73 : memref<1x256xi32, #tpu.memory_space<vmem>> -> memref<256xi32, #tpu.memory_space<vmem>>
    %dma_wait3A_75 = arith.constant 0 : i32
    %dma_wait3A_76 = arith.constant 0 : i32
    %dma_wait3A_77 = tpu.memref_slice %arg11[%dma_wait3A_75, %dma_wait3A_76] : memref<10240x64xf32, #tpu.memory_space<vmem_shared>> -> memref<10240x64xf32, #tpu.memory_space<vmem_shared>>
    tpu.wait_indirect_dma semaphore(%arg14 : memref<!tpu.dma_semaphore, #tpu.memory_space<semaphore_mem>>) src(%arg8 : memref<256x64xf32, #tpu.memory_space<vmem>>) dst(%dma_wait3A_77 : memref<10240x64xf32, #tpu.memory_space<vmem_shared>>)
    %dma_wait3A_78 = arith.constant 3 : i32
    %dma_wait3A_79 = arith.constant 0 : i32
    %dma_wait3A_80 = tpu.memref_slice %arg7[%dma_wait3A_78, %dma_wait3A_79] : memref<4x256xi32, #tpu.memory_space<vmem>> -> memref<1x256xi32, #tpu.memory_space<vmem>>
    %dma_wait3A_81 = tpu.memref_squeeze %dma_wait3A_80 : memref<1x256xi32, #tpu.memory_space<vmem>> -> memref<256xi32, #tpu.memory_space<vmem>>
    %dma_wait3A_82 = arith.constant 0 : i32
    %dma_wait3A_83 = arith.constant 0 : i32
    %dma_wait3A_84 = tpu.memref_slice %arg11[%dma_wait3A_82, %dma_wait3A_83] : memref<10240x64xf32, #tpu.memory_space<vmem_shared>> -> memref<10240x64xf32, #tpu.memory_space<vmem_shared>>
    tpu.wait_indirect_dma semaphore(%arg15 : memref<!tpu.dma_semaphore, #tpu.memory_space<semaphore_mem>>) src(%arg9 : memref<256x64xf32, #tpu.memory_space<vmem>>) dst(%dma_wait3A_84 : memref<10240x64xf32, #tpu.memory_space<vmem_shared>>)
    %barrier3A_85 = arith.constant 0 : index
    tpu.barrier barrier_id(%barrier3A_85)
    %eq3A_86 = arith.constant 0 : i32
    %eq3A_87 = arith.cmpi eq, %arg0, %eq3A_86 : i32
    %convert_element_type3A_88 = arith.extui %eq3A_87 : i1 to i32
    %cond3A_89 = arith.constant 0 : i32
    %cond3A_90 = arith.cmpi ne, %convert_element_type3A_88, %cond3A_89 : i32
    scf.if %cond3A_90 {
      %mul3A_96 = arith.constant 640 : i32
      %mul3A_97 = arith.muli %arg1, %mul3A_96 : i32
      %mul3A_98 = arith.constant 640 : i32
      %mul3A_99 = arith.muli %arg1, %mul3A_98 : i32
      "tpu.region"() ({
        %run_scoped3A = tpu.sem_alloc : memref<!tpu.dma_semaphore, #tpu.memory_space<semaphore_mem>>
        %dma_start3A_100 = arith.constant 0 : i32
        %dma_start3A_101 = tpu.memref_slice %arg5[%mul3A_99, %dma_start3A_100] : memref<10240x128xf32, #tpu.memory_space<hbm>> -> memref<640x64xf32, #tpu.memory_space<hbm>>
        %dma_start3A_102 = arith.constant 0 : i32
        %dma_start3A_103 = tpu.memref_slice %arg11[%mul3A_97, %dma_start3A_102] : memref<10240x64xf32, #tpu.memory_space<vmem_shared>> -> memref<640x64xf32, #tpu.memory_space<vmem_shared>>
        tpu.enqueue_dma source(%dma_start3A_103 : memref<640x64xf32, #tpu.memory_space<vmem_shared>>) target(%dma_start3A_101 : memref<640x64xf32, #tpu.memory_space<hbm>>) target_semaphore(%run_scoped3A : memref<!tpu.dma_semaphore, #tpu.memory_space<semaphore_mem>>)
        %dma_wait3A_104 = arith.constant 0 : i32
        %dma_wait3A_105 = tpu.memref_slice %arg5[%mul3A_99, %dma_wait3A_104] : memref<10240x128xf32, #tpu.memory_space<hbm>> -> memref<640x64xf32, #tpu.memory_space<hbm>>
        %dma_wait3A_106 = arith.constant 0 : i32
        %dma_wait3A_107 = tpu.memref_slice %arg11[%mul3A_97, %dma_wait3A_106] : memref<10240x64xf32, #tpu.memory_space<vmem_shared>> -> memref<640x64xf32, #tpu.memory_space<vmem_shared>>
        tpu.wait_dma2 semaphore(%run_scoped3A : memref<!tpu.dma_semaphore, #tpu.memory_space<semaphore_mem>>) src(%dma_wait3A_107 : memref<640x64xf32, #tpu.memory_space<vmem_shared>>) dst(%dma_wait3A_105 : memref<640x64xf32, #tpu.memory_space<hbm>>)
        tpu.yield
      }) : () -> ()
    } else {
    }
    %eq3A_91 = arith.constant 1 : i32
    %eq3A_92 = arith.cmpi eq, %arg0, %eq3A_91 : i32
    %convert_element_type3A_93 = arith.extui %eq3A_92 : i1 to i32
    %cond3A_94 = arith.constant 0 : i32
    %cond3A_95 = arith.cmpi ne, %convert_element_type3A_93, %cond3A_94 : i32
    scf.if %cond3A_95 {
      %mul3A_96 = arith.constant 640 : i32
      %mul3A_97 = arith.muli %arg1, %mul3A_96 : i32
      %mul3A_98 = arith.constant 640 : i32
      %mul3A_99 = arith.muli %arg1, %mul3A_98 : i32
      "tpu.region"() ({
        %run_scoped3A = tpu.sem_alloc : memref<!tpu.dma_semaphore, #tpu.memory_space<semaphore_mem>>
        %dma_start3A_100 = arith.constant 64 : i32
        %dma_start3A_101 = tpu.memref_slice %arg5[%mul3A_99, %dma_start3A_100] : memref<10240x128xf32, #tpu.memory_space<hbm>> -> memref<640x64xf32, #tpu.memory_space<hbm>>
        %dma_start3A_102 = arith.constant 0 : i32
        %dma_start3A_103 = tpu.memref_slice %arg11[%mul3A_97, %dma_start3A_102] : memref<10240x64xf32, #tpu.memory_space<vmem_shared>> -> memref<640x64xf32, #tpu.memory_space<vmem_shared>>
        tpu.enqueue_dma source(%dma_start3A_103 : memref<640x64xf32, #tpu.memory_space<vmem_shared>>) target(%dma_start3A_101 : memref<640x64xf32, #tpu.memory_space<hbm>>) target_semaphore(%run_scoped3A : memref<!tpu.dma_semaphore, #tpu.memory_space<semaphore_mem>>)
        %dma_wait3A_104 = arith.constant 64 : i32
        %dma_wait3A_105 = tpu.memref_slice %arg5[%mul3A_99, %dma_wait3A_104] : memref<10240x128xf32, #tpu.memory_space<hbm>> -> memref<640x64xf32, #tpu.memory_space<hbm>>
        %dma_wait3A_106 = arith.constant 0 : i32
        %dma_wait3A_107 = tpu.memref_slice %arg11[%mul3A_97, %dma_wait3A_106] : memref<10240x64xf32, #tpu.memory_space<vmem_shared>> -> memref<640x64xf32, #tpu.memory_space<vmem_shared>>
        tpu.wait_dma2 semaphore(%run_scoped3A : memref<!tpu.dma_semaphore, #tpu.memory_space<semaphore_mem>>) src(%dma_wait3A_107 : memref<640x64xf32, #tpu.memory_space<vmem_shared>>) dst(%dma_wait3A_105 : memref<640x64xf32, #tpu.memory_space<hbm>>)
        tpu.yield
      }) : () -> ()
    } else {
    }
    return
  }
}

#map = affine_map<(d0, d1) -> (0, 0)>
#map1 = affine_map<(d0, d1) -> (0, 0, 0, 0)>
module attributes {stable_mosaic.version = 14 : i64} {
  func.func @_sc_gs_body(%arg0: i32, %arg1: i32, %arg2: memref<10240x128xf32, #tpu.memory_space<hbm>>, %arg3: memref<2x16x80x256xi32, #tpu.memory_space<hbm>>, %arg4: memref<640x64xf32, #tpu.memory_space<hbm>>, %arg5: memref<10240x128xf32, #tpu.memory_space<hbm>>, %arg6: memref<4x256xi32, #tpu.memory_space<vmem>>, %arg7: memref<4x256xi32, #tpu.memory_space<vmem>>, %arg8: memref<256x64xf32, #tpu.memory_space<vmem>>, %arg9: memref<256x64xf32, #tpu.memory_space<vmem>>, %arg10: memref<10240x64xf32, #tpu.memory_space<vmem_shared>>, %arg11: memref<10240x64xf32, #tpu.memory_space<vmem_shared>>, %arg12: memref<!tpu.dma_semaphore, #tpu.memory_space<semaphore_mem>>, %arg13: memref<!tpu.dma_semaphore, #tpu.memory_space<semaphore_mem>>, %arg14: memref<!tpu.dma_semaphore, #tpu.memory_space<semaphore_mem>>, %arg15: memref<!tpu.dma_semaphore, #tpu.memory_space<semaphore_mem>>, %arg16: memref<!tpu.dma_semaphore, #tpu.memory_space<semaphore_mem>>, %arg17: memref<!tpu.dma_semaphore, #tpu.memory_space<semaphore_mem>>, %arg18: memref<!tpu.dma_semaphore, #tpu.memory_space<semaphore_mem>>, %arg19: memref<!tpu.dma_semaphore, #tpu.memory_space<semaphore_mem>>) attributes {dimension_semantics = [#tpu.dimension_semantics<core_parallel>, #tpu.dimension_semantics<subcore_parallel>], iteration_bounds = array<i64: 2, 16>, scalar_prefetch = 0 : i64, scratch_operands = 14 : i64, tpu.core_type = #tpu.core_type<sc_vector_subcore>, window_params = [{transform_indices = #map}, {transform_indices = #map1}, {transform_indices = #map}, {transform_indices = #map}]} {
    %mul3A = arith.constant 640 : i32
    %mul3A_0 = arith.muli %arg1, %mul3A : i32
    "tpu.region"() ({
      %run_scoped3A = tpu.sem_alloc : memref<!tpu.dma_semaphore, #tpu.memory_space<semaphore_mem>>
      %dma_start3A_96 = arith.constant 0 : i32
      %dma_start3A_97 = tpu.memref_slice %arg11[%mul3A_0, %dma_start3A_96] : memref<10240x64xf32, #tpu.memory_space<vmem_shared>> -> memref<640x64xf32, #tpu.memory_space<vmem_shared>>
      tpu.enqueue_dma source(%arg4 : memref<640x64xf32, #tpu.memory_space<hbm>>) target(%dma_start3A_97 : memref<640x64xf32, #tpu.memory_space<vmem_shared>>) target_semaphore(%run_scoped3A : memref<!tpu.dma_semaphore, #tpu.memory_space<semaphore_mem>>)
      %dma_wait3A_98 = arith.constant 0 : i32
      %dma_wait3A_99 = tpu.memref_slice %arg11[%mul3A_0, %dma_wait3A_98] : memref<10240x64xf32, #tpu.memory_space<vmem_shared>> -> memref<640x64xf32, #tpu.memory_space<vmem_shared>>
      tpu.wait_dma2 semaphore(%run_scoped3A : memref<!tpu.dma_semaphore, #tpu.memory_space<semaphore_mem>>) src(%arg4 : memref<640x64xf32, #tpu.memory_space<hbm>>) dst(%dma_wait3A_99 : memref<640x64xf32, #tpu.memory_space<vmem_shared>>)
      tpu.yield
    }) : () -> ()
    %eq3A = arith.constant 0 : i32
    %eq3A_1 = arith.cmpi eq, %arg0, %eq3A : i32
    %convert_element_type3A = arith.extui %eq3A_1 : i1 to i32
    %cond3A = arith.constant 0 : i32
    %cond3A_2 = arith.cmpi ne, %convert_element_type3A, %cond3A : i32
    scf.if %cond3A_2 {
      %mul3A_96 = arith.constant 640 : i32
      %mul3A_97 = arith.muli %arg1, %mul3A_96 : i32
      %mul3A_98 = arith.constant 640 : i32
      %mul3A_99 = arith.muli %arg1, %mul3A_98 : i32
      "tpu.region"() ({
        %run_scoped3A = tpu.sem_alloc : memref<!tpu.dma_semaphore, #tpu.memory_space<semaphore_mem>>
        %dma_start3A_100 = arith.constant 0 : i32
        %dma_start3A_101 = tpu.memref_slice %arg10[%mul3A_99, %dma_start3A_100] : memref<10240x64xf32, #tpu.memory_space<vmem_shared>> -> memref<640x64xf32, #tpu.memory_space<vmem_shared>>
        %dma_start3A_102 = arith.constant 0 : i32
        %dma_start3A_103 = tpu.memref_slice %arg2[%mul3A_97, %dma_start3A_102] : memref<10240x128xf32, #tpu.memory_space<hbm>> -> memref<640x64xf32, #tpu.memory_space<hbm>>
        tpu.enqueue_dma source(%dma_start3A_103 : memref<640x64xf32, #tpu.memory_space<hbm>>) target(%dma_start3A_101 : memref<640x64xf32, #tpu.memory_space<vmem_shared>>) target_semaphore(%run_scoped3A : memref<!tpu.dma_semaphore, #tpu.memory_space<semaphore_mem>>)
        %dma_wait3A_104 = arith.constant 0 : i32
        %dma_wait3A_105 = tpu.memref_slice %arg10[%mul3A_99, %dma_wait3A_104] : memref<10240x64xf32, #tpu.memory_space<vmem_shared>> -> memref<640x64xf32, #tpu.memory_space<vmem_shared>>
        %dma_wait3A_106 = arith.constant 0 : i32
        %dma_wait3A_107 = tpu.memref_slice %arg2[%mul3A_97, %dma_wait3A_106] : memref<10240x128xf32, #tpu.memory_space<hbm>> -> memref<640x64xf32, #tpu.memory_space<hbm>>
        tpu.wait_dma2 semaphore(%run_scoped3A : memref<!tpu.dma_semaphore, #tpu.memory_space<semaphore_mem>>) src(%dma_wait3A_107 : memref<640x64xf32, #tpu.memory_space<hbm>>) dst(%dma_wait3A_105 : memref<640x64xf32, #tpu.memory_space<vmem_shared>>)
        tpu.yield
      }) : () -> ()
    } else {
    }
    %eq3A_3 = arith.constant 1 : i32
    %eq3A_4 = arith.cmpi eq, %arg0, %eq3A_3 : i32
    %convert_element_type3A_5 = arith.extui %eq3A_4 : i1 to i32
    %cond3A_6 = arith.constant 0 : i32
    %cond3A_7 = arith.cmpi ne, %convert_element_type3A_5, %cond3A_6 : i32
    scf.if %cond3A_7 {
      %mul3A_96 = arith.constant 640 : i32
      %mul3A_97 = arith.muli %arg1, %mul3A_96 : i32
      %mul3A_98 = arith.constant 640 : i32
      %mul3A_99 = arith.muli %arg1, %mul3A_98 : i32
      "tpu.region"() ({
        %run_scoped3A = tpu.sem_alloc : memref<!tpu.dma_semaphore, #tpu.memory_space<semaphore_mem>>
        %dma_start3A_100 = arith.constant 0 : i32
        %dma_start3A_101 = tpu.memref_slice %arg10[%mul3A_99, %dma_start3A_100] : memref<10240x64xf32, #tpu.memory_space<vmem_shared>> -> memref<640x64xf32, #tpu.memory_space<vmem_shared>>
        %dma_start3A_102 = arith.constant 64 : i32
        %dma_start3A_103 = tpu.memref_slice %arg2[%mul3A_97, %dma_start3A_102] : memref<10240x128xf32, #tpu.memory_space<hbm>> -> memref<640x64xf32, #tpu.memory_space<hbm>>
        tpu.enqueue_dma source(%dma_start3A_103 : memref<640x64xf32, #tpu.memory_space<hbm>>) target(%dma_start3A_101 : memref<640x64xf32, #tpu.memory_space<vmem_shared>>) target_semaphore(%run_scoped3A : memref<!tpu.dma_semaphore, #tpu.memory_space<semaphore_mem>>)
        %dma_wait3A_104 = arith.constant 0 : i32
        %dma_wait3A_105 = tpu.memref_slice %arg10[%mul3A_99, %dma_wait3A_104] : memref<10240x64xf32, #tpu.memory_space<vmem_shared>> -> memref<640x64xf32, #tpu.memory_space<vmem_shared>>
        %dma_wait3A_106 = arith.constant 64 : i32
        %dma_wait3A_107 = tpu.memref_slice %arg2[%mul3A_97, %dma_wait3A_106] : memref<10240x128xf32, #tpu.memory_space<hbm>> -> memref<640x64xf32, #tpu.memory_space<hbm>>
        tpu.wait_dma2 semaphore(%run_scoped3A : memref<!tpu.dma_semaphore, #tpu.memory_space<semaphore_mem>>) src(%dma_wait3A_107 : memref<640x64xf32, #tpu.memory_space<hbm>>) dst(%dma_wait3A_105 : memref<640x64xf32, #tpu.memory_space<vmem_shared>>)
        tpu.yield
      }) : () -> ()
    } else {
    }
    %barrier3A = arith.constant 0 : index
    tpu.barrier barrier_id(%barrier3A)
    %dma_start3A = arith.constant 0 : i32
    %dma_start3A_8 = arith.constant 0 : i32
    %dma_start3A_9 = arith.constant 0 : i32
    %dma_start3A_10 = arith.constant 0 : i32
    %dma_start3A_11 = tpu.memref_slice %arg6[%dma_start3A_9, %dma_start3A_10] : memref<4x256xi32, #tpu.memory_space<vmem>> -> memref<1x256xi32, #tpu.memory_space<vmem>>
    %dma_start3A_12 = tpu.memref_squeeze %dma_start3A_11 : memref<1x256xi32, #tpu.memory_space<vmem>> -> memref<256xi32, #tpu.memory_space<vmem>>
    %dma_start3A_13 = arith.constant 0 : i32
    %dma_start3A_14 = tpu.memref_slice %arg3[%dma_start3A, %arg1, %dma_start3A_8, %dma_start3A_13] : memref<2x16x80x256xi32, #tpu.memory_space<hbm>> -> memref<1x1x1x256xi32, #tpu.memory_space<hbm>>
    %dma_start3A_15 = tpu.memref_squeeze %dma_start3A_14 : memref<1x1x1x256xi32, #tpu.memory_space<hbm>> -> memref<256xi32, #tpu.memory_space<hbm>>
    %dma_start3A_16 = arith.constant 0 : i32
    %dma_start3A_17 = tpu.memref_slice %arg6[%dma_start3A_9, %dma_start3A_16] : memref<4x256xi32, #tpu.memory_space<vmem>> -> memref<1x256xi32, #tpu.memory_space<vmem>>
    %dma_start3A_18 = tpu.memref_squeeze %dma_start3A_17 : memref<1x256xi32, #tpu.memory_space<vmem>> -> memref<256xi32, #tpu.memory_space<vmem>>
    %dma_start3A_19 = arith.constant 0 : i32
    %dma_start3A_20 = tpu.memref_slice %arg3[%dma_start3A, %arg1, %dma_start3A_8, %dma_start3A_19] : memref<2x16x80x256xi32, #tpu.memory_space<hbm>> -> memref<1x1x1x256xi32, #tpu.memory_space<hbm>>
    %dma_start3A_21 = tpu.memref_squeeze %dma_start3A_20 : memref<1x1x1x256xi32, #tpu.memory_space<hbm>> -> memref<256xi32, #tpu.memory_space<hbm>>
    tpu.enqueue_dma source(%dma_start3A_21 : memref<256xi32, #tpu.memory_space<hbm>>) target(%dma_start3A_18 : memref<256xi32, #tpu.memory_space<vmem>>) target_semaphore(%arg16 : memref<!tpu.dma_semaphore, #tpu.memory_space<semaphore_mem>>)
    %dma_start3A_22 = arith.constant 1 : i32
    %dma_start3A_23 = arith.constant 0 : i32
    %dma_start3A_24 = arith.constant 0 : i32
    %dma_start3A_25 = arith.constant 0 : i32
    %dma_start3A_26 = tpu.memref_slice %arg7[%dma_start3A_24, %dma_start3A_25] : memref<4x256xi32, #tpu.memory_space<vmem>> -> memref<1x256xi32, #tpu.memory_space<vmem>>
    %dma_start3A_27 = tpu.memref_squeeze %dma_start3A_26 : memref<1x256xi32, #tpu.memory_space<vmem>> -> memref<256xi32, #tpu.memory_space<vmem>>
    %dma_start3A_28 = arith.constant 0 : i32
    %dma_start3A_29 = tpu.memref_slice %arg3[%dma_start3A_22, %arg1, %dma_start3A_23, %dma_start3A_28] : memref<2x16x80x256xi32, #tpu.memory_space<hbm>> -> memref<1x1x1x256xi32, #tpu.memory_space<hbm>>
    %dma_start3A_30 = tpu.memref_squeeze %dma_start3A_29 : memref<1x1x1x256xi32, #tpu.memory_space<hbm>> -> memref<256xi32, #tpu.memory_space<hbm>>
    %dma_start3A_31 = arith.constant 0 : i32
    %dma_start3A_32 = tpu.memref_slice %arg7[%dma_start3A_24, %dma_start3A_31] : memref<4x256xi32, #tpu.memory_space<vmem>> -> memref<1x256xi32, #tpu.memory_space<vmem>>
    %dma_start3A_33 = tpu.memref_squeeze %dma_start3A_32 : memref<1x256xi32, #tpu.memory_space<vmem>> -> memref<256xi32, #tpu.memory_space<vmem>>
    %dma_start3A_34 = arith.constant 0 : i32
    %dma_start3A_35 = tpu.memref_slice %arg3[%dma_start3A_22, %arg1, %dma_start3A_23, %dma_start3A_34] : memref<2x16x80x256xi32, #tpu.memory_space<hbm>> -> memref<1x1x1x256xi32, #tpu.memory_space<hbm>>
    %dma_start3A_36 = tpu.memref_squeeze %dma_start3A_35 : memref<1x1x1x256xi32, #tpu.memory_space<hbm>> -> memref<256xi32, #tpu.memory_space<hbm>>
    tpu.enqueue_dma source(%dma_start3A_36 : memref<256xi32, #tpu.memory_space<hbm>>) target(%dma_start3A_33 : memref<256xi32, #tpu.memory_space<vmem>>) target_semaphore(%arg16 : memref<!tpu.dma_semaphore, #tpu.memory_space<semaphore_mem>>)
    %dma_start3A_37 = arith.constant 0 : i32
    %dma_start3A_38 = arith.constant 1 : i32
    %dma_start3A_39 = arith.constant 1 : i32
    %dma_start3A_40 = arith.constant 0 : i32
    %dma_start3A_41 = tpu.memref_slice %arg6[%dma_start3A_39, %dma_start3A_40] : memref<4x256xi32, #tpu.memory_space<vmem>> -> memref<1x256xi32, #tpu.memory_space<vmem>>
    %dma_start3A_42 = tpu.memref_squeeze %dma_start3A_41 : memref<1x256xi32, #tpu.memory_space<vmem>> -> memref<256xi32, #tpu.memory_space<vmem>>
    %dma_start3A_43 = arith.constant 0 : i32
    %dma_start3A_44 = tpu.memref_slice %arg3[%dma_start3A_37, %arg1, %dma_start3A_38, %dma_start3A_43] : memref<2x16x80x256xi32, #tpu.memory_space<hbm>> -> memref<1x1x1x256xi32, #tpu.memory_space<hbm>>
    %dma_start3A_45 = tpu.memref_squeeze %dma_start3A_44 : memref<1x1x1x256xi32, #tpu.memory_space<hbm>> -> memref<256xi32, #tpu.memory_space<hbm>>
    %dma_start3A_46 = arith.constant 0 : i32
    %dma_start3A_47 = tpu.memref_slice %arg6[%dma_start3A_39, %dma_start3A_46] : memref<4x256xi32, #tpu.memory_space<vmem>> -> memref<1x256xi32, #tpu.memory_space<vmem>>
    %dma_start3A_48 = tpu.memref_squeeze %dma_start3A_47 : memref<1x256xi32, #tpu.memory_space<vmem>> -> memref<256xi32, #tpu.memory_space<vmem>>
    %dma_start3A_49 = arith.constant 0 : i32
    %dma_start3A_50 = tpu.memref_slice %arg3[%dma_start3A_37, %arg1, %dma_start3A_38, %dma_start3A_49] : memref<2x16x80x256xi32, #tpu.memory_space<hbm>> -> memref<1x1x1x256xi32, #tpu.memory_space<hbm>>
    %dma_start3A_51 = tpu.memref_squeeze %dma_start3A_50 : memref<1x1x1x256xi32, #tpu.memory_space<hbm>> -> memref<256xi32, #tpu.memory_space<hbm>>
    tpu.enqueue_dma source(%dma_start3A_51 : memref<256xi32, #tpu.memory_space<hbm>>) target(%dma_start3A_48 : memref<256xi32, #tpu.memory_space<vmem>>) target_semaphore(%arg17 : memref<!tpu.dma_semaphore, #tpu.memory_space<semaphore_mem>>)
    %dma_start3A_52 = arith.constant 1 : i32
    %dma_start3A_53 = arith.constant 1 : i32
    %dma_start3A_54 = arith.constant 1 : i32
    %dma_start3A_55 = arith.constant 0 : i32
    %dma_start3A_56 = tpu.memref_slice %arg7[%dma_start3A_54, %dma_start3A_55] : memref<4x256xi32, #tpu.memory_space<vmem>> -> memref<1x256xi32, #tpu.memory_space<vmem>>
    %dma_start3A_57 = tpu.memref_squeeze %dma_start3A_56 : memref<1x256xi32, #tpu.memory_space<vmem>> -> memref<256xi32, #tpu.memory_space<vmem>>
    %dma_start3A_58 = arith.constant 0 : i32
    %dma_start3A_59 = tpu.memref_slice %arg3[%dma_start3A_52, %arg1, %dma_start3A_53, %dma_start3A_58] : memref<2x16x80x256xi32, #tpu.memory_space<hbm>> -> memref<1x1x1x256xi32, #tpu.memory_space<hbm>>
    %dma_start3A_60 = tpu.memref_squeeze %dma_start3A_59 : memref<1x1x1x256xi32, #tpu.memory_space<hbm>> -> memref<256xi32, #tpu.memory_space<hbm>>
    %dma_start3A_61 = arith.constant 0 : i32
    %dma_start3A_62 = tpu.memref_slice %arg7[%dma_start3A_54, %dma_start3A_61] : memref<4x256xi32, #tpu.memory_space<vmem>> -> memref<1x256xi32, #tpu.memory_space<vmem>>
    %dma_start3A_63 = tpu.memref_squeeze %dma_start3A_62 : memref<1x256xi32, #tpu.memory_space<vmem>> -> memref<256xi32, #tpu.memory_space<vmem>>
    %dma_start3A_64 = arith.constant 0 : i32
    %dma_start3A_65 = tpu.memref_slice %arg3[%dma_start3A_52, %arg1, %dma_start3A_53, %dma_start3A_64] : memref<2x16x80x256xi32, #tpu.memory_space<hbm>> -> memref<1x1x1x256xi32, #tpu.memory_space<hbm>>
    %dma_start3A_66 = tpu.memref_squeeze %dma_start3A_65 : memref<1x1x1x256xi32, #tpu.memory_space<hbm>> -> memref<256xi32, #tpu.memory_space<hbm>>
    tpu.enqueue_dma source(%dma_start3A_66 : memref<256xi32, #tpu.memory_space<hbm>>) target(%dma_start3A_63 : memref<256xi32, #tpu.memory_space<vmem>>) target_semaphore(%arg17 : memref<!tpu.dma_semaphore, #tpu.memory_space<semaphore_mem>>)
    %scan3A = arith.constant 0 : i32
    %scan3A_67 = arith.constant 0 : i32
    %scan3A_68 = arith.constant 20 : i32
    %scan3A_69 = arith.addi %scan3A_67, %scan3A_68 : i32
    %scan3A_70 = arith.constant 1 : i32
    scf.for %scan3A_96 = %scan3A_67 to %scan3A_69 step %scan3A_70  : i32 {
      %mul3A_97 = arith.constant 4 : i32
      %mul3A_98 = arith.muli %scan3A_96, %mul3A_97 : i32
      %add3A = arith.constant 0 : i32
      %add3A_99 = arith.addi %mul3A_98, %add3A : i32
      %ge3A = arith.constant 2 : i32
      %ge3A_100 = arith.cmpi sge, %add3A_99, %ge3A : i32
      %convert_element_type3A_101 = arith.extui %ge3A_100 : i1 to i32
      %cond3A_102 = arith.constant 0 : i32
      %cond3A_103 = arith.cmpi ne, %convert_element_type3A_101, %cond3A_102 : i32
      scf.if %cond3A_103 {
        %dma_wait3A_354 = arith.constant 2 : i32
        %dma_wait3A_355 = arith.constant 0 : i32
        %dma_wait3A_356 = tpu.memref_slice %arg7[%dma_wait3A_354, %dma_wait3A_355] : memref<4x256xi32, #tpu.memory_space<vmem>> -> memref<1x256xi32, #tpu.memory_space<vmem>>
        %dma_wait3A_357 = tpu.memref_squeeze %dma_wait3A_356 : memref<1x256xi32, #tpu.memory_space<vmem>> -> memref<256xi32, #tpu.memory_space<vmem>>
        %dma_wait3A_358 = arith.constant 0 : i32
        %dma_wait3A_359 = arith.constant 0 : i32
        %dma_wait3A_360 = tpu.memref_slice %arg11[%dma_wait3A_358, %dma_wait3A_359] : memref<10240x64xf32, #tpu.memory_space<vmem_shared>> -> memref<10240x64xf32, #tpu.memory_space<vmem_shared>>
        tpu.wait_indirect_dma semaphore(%arg14 : memref<!tpu.dma_semaphore, #tpu.memory_space<semaphore_mem>>) src(%arg8 : memref<256x64xf32, #tpu.memory_space<vmem>>) dst(%dma_wait3A_360 : memref<10240x64xf32, #tpu.memory_space<vmem_shared>>)
      } else {
      }
      %add3A_104 = arith.constant 2 : i32
      %add3A_105 = arith.addi %add3A_99, %add3A_104 : i32
      %lt3A = arith.constant 80 : i32
      %lt3A_106 = arith.cmpi slt, %add3A_105, %lt3A : i32
      %convert_element_type3A_107 = arith.extui %lt3A_106 : i1 to i32
      %cond3A_108 = arith.constant 0 : i32
      %cond3A_109 = arith.cmpi ne, %convert_element_type3A_107, %cond3A_108 : i32
      scf.if %cond3A_109 {
        %add3A_354 = arith.constant 2 : i32
        %add3A_355 = arith.addi %add3A_99, %add3A_354 : i32
        %dma_start3A_356 = arith.constant 0 : i32
        %dma_start3A_357 = arith.constant 2 : i32
        %dma_start3A_358 = arith.constant 0 : i32
        %dma_start3A_359 = tpu.memref_slice %arg6[%dma_start3A_357, %dma_start3A_358] : memref<4x256xi32, #tpu.memory_space<vmem>> -> memref<1x256xi32, #tpu.memory_space<vmem>>
        %dma_start3A_360 = tpu.memref_squeeze %dma_start3A_359 : memref<1x256xi32, #tpu.memory_space<vmem>> -> memref<256xi32, #tpu.memory_space<vmem>>
        %dma_start3A_361 = arith.constant 0 : i32
        %dma_start3A_362 = tpu.memref_slice %arg3[%dma_start3A_356, %arg1, %add3A_355, %dma_start3A_361] : memref<2x16x80x256xi32, #tpu.memory_space<hbm>> -> memref<1x1x1x256xi32, #tpu.memory_space<hbm>>
        %dma_start3A_363 = tpu.memref_squeeze %dma_start3A_362 : memref<1x1x1x256xi32, #tpu.memory_space<hbm>> -> memref<256xi32, #tpu.memory_space<hbm>>
        %dma_start3A_364 = arith.constant 0 : i32
        %dma_start3A_365 = tpu.memref_slice %arg6[%dma_start3A_357, %dma_start3A_364] : memref<4x256xi32, #tpu.memory_space<vmem>> -> memref<1x256xi32, #tpu.memory_space<vmem>>
        %dma_start3A_366 = tpu.memref_squeeze %dma_start3A_365 : memref<1x256xi32, #tpu.memory_space<vmem>> -> memref<256xi32, #tpu.memory_space<vmem>>
        %dma_start3A_367 = arith.constant 0 : i32
        %dma_start3A_368 = tpu.memref_slice %arg3[%dma_start3A_356, %arg1, %add3A_355, %dma_start3A_367] : memref<2x16x80x256xi32, #tpu.memory_space<hbm>> -> memref<1x1x1x256xi32, #tpu.memory_space<hbm>>
        %dma_start3A_369 = tpu.memref_squeeze %dma_start3A_368 : memref<1x1x1x256xi32, #tpu.memory_space<hbm>> -> memref<256xi32, #tpu.memory_space<hbm>>
        tpu.enqueue_dma source(%dma_start3A_369 : memref<256xi32, #tpu.memory_space<hbm>>) target(%dma_start3A_366 : memref<256xi32, #tpu.memory_space<vmem>>) target_semaphore(%arg18 : memref<!tpu.dma_semaphore, #tpu.memory_space<semaphore_mem>>)
        %dma_start3A_370 = arith.constant 1 : i32
        %dma_start3A_371 = arith.constant 2 : i32
        %dma_start3A_372 = arith.constant 0 : i32
        %dma_start3A_373 = tpu.memref_slice %arg7[%dma_start3A_371, %dma_start3A_372] : memref<4x256xi32, #tpu.memory_space<vmem>> -> memref<1x256xi32, #tpu.memory_space<vmem>>
        %dma_start3A_374 = tpu.memref_squeeze %dma_start3A_373 : memref<1x256xi32, #tpu.memory_space<vmem>> -> memref<256xi32, #tpu.memory_space<vmem>>
        %dma_start3A_375 = arith.constant 0 : i32
        %dma_start3A_376 = tpu.memref_slice %arg3[%dma_start3A_370, %arg1, %add3A_355, %dma_start3A_375] : memref<2x16x80x256xi32, #tpu.memory_space<hbm>> -> memref<1x1x1x256xi32, #tpu.memory_space<hbm>>
        %dma_start3A_377 = tpu.memref_squeeze %dma_start3A_376 : memref<1x1x1x256xi32, #tpu.memory_space<hbm>> -> memref<256xi32, #tpu.memory_space<hbm>>
        %dma_start3A_378 = arith.constant 0 : i32
        %dma_start3A_379 = tpu.memref_slice %arg7[%dma_start3A_371, %dma_start3A_378] : memref<4x256xi32, #tpu.memory_space<vmem>> -> memref<1x256xi32, #tpu.memory_space<vmem>>
        %dma_start3A_380 = tpu.memref_squeeze %dma_start3A_379 : memref<1x256xi32, #tpu.memory_space<vmem>> -> memref<256xi32, #tpu.memory_space<vmem>>
        %dma_start3A_381 = arith.constant 0 : i32
        %dma_start3A_382 = tpu.memref_slice %arg3[%dma_start3A_370, %arg1, %add3A_355, %dma_start3A_381] : memref<2x16x80x256xi32, #tpu.memory_space<hbm>> -> memref<1x1x1x256xi32, #tpu.memory_space<hbm>>
        %dma_start3A_383 = tpu.memref_squeeze %dma_start3A_382 : memref<1x1x1x256xi32, #tpu.memory_space<hbm>> -> memref<256xi32, #tpu.memory_space<hbm>>
        tpu.enqueue_dma source(%dma_start3A_383 : memref<256xi32, #tpu.memory_space<hbm>>) target(%dma_start3A_380 : memref<256xi32, #tpu.memory_space<vmem>>) target_semaphore(%arg18 : memref<!tpu.dma_semaphore, #tpu.memory_space<semaphore_mem>>)
      } else {
      }
      %dma_wait3A_110 = arith.constant 0 : i32
      %dma_wait3A_111 = arith.constant 0 : i32
      %dma_wait3A_112 = arith.constant 0 : i32
      %dma_wait3A_113 = tpu.memref_slice %arg6[%dma_wait3A_111, %dma_wait3A_112] : memref<4x256xi32, #tpu.memory_space<vmem>> -> memref<1x256xi32, #tpu.memory_space<vmem>>
      %dma_wait3A_114 = tpu.memref_squeeze %dma_wait3A_113 : memref<1x256xi32, #tpu.memory_space<vmem>> -> memref<256xi32, #tpu.memory_space<vmem>>
      %dma_wait3A_115 = arith.constant 0 : i32
      %dma_wait3A_116 = tpu.memref_slice %arg3[%dma_wait3A_110, %arg1, %add3A_99, %dma_wait3A_115] : memref<2x16x80x256xi32, #tpu.memory_space<hbm>> -> memref<1x1x1x256xi32, #tpu.memory_space<hbm>>
      %dma_wait3A_117 = tpu.memref_squeeze %dma_wait3A_116 : memref<1x1x1x256xi32, #tpu.memory_space<hbm>> -> memref<256xi32, #tpu.memory_space<hbm>>
      %dma_wait3A_118 = arith.constant 0 : i32
      %dma_wait3A_119 = tpu.memref_slice %arg6[%dma_wait3A_111, %dma_wait3A_118] : memref<4x256xi32, #tpu.memory_space<vmem>> -> memref<1x256xi32, #tpu.memory_space<vmem>>
      %dma_wait3A_120 = tpu.memref_squeeze %dma_wait3A_119 : memref<1x256xi32, #tpu.memory_space<vmem>> -> memref<256xi32, #tpu.memory_space<vmem>>
      %dma_wait3A_121 = arith.constant 0 : i32
      %dma_wait3A_122 = tpu.memref_slice %arg3[%dma_wait3A_110, %arg1, %add3A_99, %dma_wait3A_121] : memref<2x16x80x256xi32, #tpu.memory_space<hbm>> -> memref<1x1x1x256xi32, #tpu.memory_space<hbm>>
      %dma_wait3A_123 = tpu.memref_squeeze %dma_wait3A_122 : memref<1x1x1x256xi32, #tpu.memory_space<hbm>> -> memref<256xi32, #tpu.memory_space<hbm>>
      tpu.wait_dma2 semaphore(%arg16 : memref<!tpu.dma_semaphore, #tpu.memory_space<semaphore_mem>>) src(%dma_wait3A_123 : memref<256xi32, #tpu.memory_space<hbm>>) dst(%dma_wait3A_120 : memref<256xi32, #tpu.memory_space<vmem>>)
      %dma_wait3A_124 = arith.constant 1 : i32
      %dma_wait3A_125 = arith.constant 0 : i32
      %dma_wait3A_126 = arith.constant 0 : i32
      %dma_wait3A_127 = tpu.memref_slice %arg7[%dma_wait3A_125, %dma_wait3A_126] : memref<4x256xi32, #tpu.memory_space<vmem>> -> memref<1x256xi32, #tpu.memory_space<vmem>>
      %dma_wait3A_128 = tpu.memref_squeeze %dma_wait3A_127 : memref<1x256xi32, #tpu.memory_space<vmem>> -> memref<256xi32, #tpu.memory_space<vmem>>
      %dma_wait3A_129 = arith.constant 0 : i32
      %dma_wait3A_130 = tpu.memref_slice %arg3[%dma_wait3A_124, %arg1, %add3A_99, %dma_wait3A_129] : memref<2x16x80x256xi32, #tpu.memory_space<hbm>> -> memref<1x1x1x256xi32, #tpu.memory_space<hbm>>
      %dma_wait3A_131 = tpu.memref_squeeze %dma_wait3A_130 : memref<1x1x1x256xi32, #tpu.memory_space<hbm>> -> memref<256xi32, #tpu.memory_space<hbm>>
      %dma_wait3A_132 = arith.constant 0 : i32
      %dma_wait3A_133 = tpu.memref_slice %arg7[%dma_wait3A_125, %dma_wait3A_132] : memref<4x256xi32, #tpu.memory_space<vmem>> -> memref<1x256xi32, #tpu.memory_space<vmem>>
      %dma_wait3A_134 = tpu.memref_squeeze %dma_wait3A_133 : memref<1x256xi32, #tpu.memory_space<vmem>> -> memref<256xi32, #tpu.memory_space<vmem>>
      %dma_wait3A_135 = arith.constant 0 : i32
      %dma_wait3A_136 = tpu.memref_slice %arg3[%dma_wait3A_124, %arg1, %add3A_99, %dma_wait3A_135] : memref<2x16x80x256xi32, #tpu.memory_space<hbm>> -> memref<1x1x1x256xi32, #tpu.memory_space<hbm>>
      %dma_wait3A_137 = tpu.memref_squeeze %dma_wait3A_136 : memref<1x1x1x256xi32, #tpu.memory_space<hbm>> -> memref<256xi32, #tpu.memory_space<hbm>>
      tpu.wait_dma2 semaphore(%arg16 : memref<!tpu.dma_semaphore, #tpu.memory_space<semaphore_mem>>) src(%dma_wait3A_137 : memref<256xi32, #tpu.memory_space<hbm>>) dst(%dma_wait3A_134 : memref<256xi32, #tpu.memory_space<vmem>>)
      %dma_start3A_138 = arith.constant 0 : i32
      %dma_start3A_139 = arith.constant 0 : i32
      %dma_start3A_140 = tpu.memref_slice %arg6[%dma_start3A_138, %dma_start3A_139] : memref<4x256xi32, #tpu.memory_space<vmem>> -> memref<1x256xi32, #tpu.memory_space<vmem>>
      %dma_start3A_141 = tpu.memref_squeeze %dma_start3A_140 : memref<1x256xi32, #tpu.memory_space<vmem>> -> memref<256xi32, #tpu.memory_space<vmem>>
      %dma_start3A_142 = arith.constant 0 : i32
      %dma_start3A_143 = arith.constant 0 : i32
      %dma_start3A_144 = tpu.memref_slice %arg10[%dma_start3A_142, %dma_start3A_143] : memref<10240x64xf32, #tpu.memory_space<vmem_shared>> -> memref<10240x64xf32, #tpu.memory_space<vmem_shared>>
      tpu.enqueue_indirect_dma source(%dma_start3A_144 : memref<10240x64xf32, #tpu.memory_space<vmem_shared>>) target(%arg8 : memref<256x64xf32, #tpu.memory_space<vmem>>) offsets(%dma_start3A_141 : memref<256xi32, #tpu.memory_space<vmem>>) semaphore(%arg12 : memref<!tpu.dma_semaphore, #tpu.memory_space<semaphore_mem>>)
      %dma_wait3A_145 = arith.constant 0 : i32
      %dma_wait3A_146 = arith.constant 0 : i32
      %dma_wait3A_147 = tpu.memref_slice %arg6[%dma_wait3A_145, %dma_wait3A_146] : memref<4x256xi32, #tpu.memory_space<vmem>> -> memref<1x256xi32, #tpu.memory_space<vmem>>
      %dma_wait3A_148 = tpu.memref_squeeze %dma_wait3A_147 : memref<1x256xi32, #tpu.memory_space<vmem>> -> memref<256xi32, #tpu.memory_space<vmem>>
      %dma_wait3A_149 = arith.constant 0 : i32
      %dma_wait3A_150 = arith.constant 0 : i32
      %dma_wait3A_151 = tpu.memref_slice %arg10[%dma_wait3A_149, %dma_wait3A_150] : memref<10240x64xf32, #tpu.memory_space<vmem_shared>> -> memref<10240x64xf32, #tpu.memory_space<vmem_shared>>
      tpu.wait_indirect_dma semaphore(%arg12 : memref<!tpu.dma_semaphore, #tpu.memory_space<semaphore_mem>>) src(%dma_wait3A_151 : memref<10240x64xf32, #tpu.memory_space<vmem_shared>>) dst(%arg8 : memref<256x64xf32, #tpu.memory_space<vmem>>)
      %dma_start3A_152 = arith.constant 0 : i32
      %dma_start3A_153 = arith.constant 0 : i32
      %dma_start3A_154 = tpu.memref_slice %arg7[%dma_start3A_152, %dma_start3A_153] : memref<4x256xi32, #tpu.memory_space<vmem>> -> memref<1x256xi32, #tpu.memory_space<vmem>>
      %dma_start3A_155 = tpu.memref_squeeze %dma_start3A_154 : memref<1x256xi32, #tpu.memory_space<vmem>> -> memref<256xi32, #tpu.memory_space<vmem>>
      %dma_start3A_156 = arith.constant 0 : i32
      %dma_start3A_157 = arith.constant 0 : i32
      %dma_start3A_158 = tpu.memref_slice %arg11[%dma_start3A_156, %dma_start3A_157] : memref<10240x64xf32, #tpu.memory_space<vmem_shared>> -> memref<10240x64xf32, #tpu.memory_space<vmem_shared>>
      tpu.enqueue_indirect_dma source(%arg8 : memref<256x64xf32, #tpu.memory_space<vmem>>) target(%dma_start3A_158 : memref<10240x64xf32, #tpu.memory_space<vmem_shared>>) offsets(%dma_start3A_155 : memref<256xi32, #tpu.memory_space<vmem>>) semaphore(%arg14 : memref<!tpu.dma_semaphore, #tpu.memory_space<semaphore_mem>>) {add = true}
      %mul3A_159 = arith.constant 4 : i32
      %mul3A_160 = arith.muli %scan3A_96, %mul3A_159 : i32
      %add3A_161 = arith.constant 1 : i32
      %add3A_162 = arith.addi %mul3A_160, %add3A_161 : i32
      %ge3A_163 = arith.constant 2 : i32
      %ge3A_164 = arith.cmpi sge, %add3A_162, %ge3A_163 : i32
      %convert_element_type3A_165 = arith.extui %ge3A_164 : i1 to i32
      %cond3A_166 = arith.constant 0 : i32
      %cond3A_167 = arith.cmpi ne, %convert_element_type3A_165, %cond3A_166 : i32
      scf.if %cond3A_167 {
        %dma_wait3A_354 = arith.constant 3 : i32
        %dma_wait3A_355 = arith.constant 0 : i32
        %dma_wait3A_356 = tpu.memref_slice %arg7[%dma_wait3A_354, %dma_wait3A_355] : memref<4x256xi32, #tpu.memory_space<vmem>> -> memref<1x256xi32, #tpu.memory_space<vmem>>
        %dma_wait3A_357 = tpu.memref_squeeze %dma_wait3A_356 : memref<1x256xi32, #tpu.memory_space<vmem>> -> memref<256xi32, #tpu.memory_space<vmem>>
        %dma_wait3A_358 = arith.constant 0 : i32
        %dma_wait3A_359 = arith.constant 0 : i32
        %dma_wait3A_360 = tpu.memref_slice %arg11[%dma_wait3A_358, %dma_wait3A_359] : memref<10240x64xf32, #tpu.memory_space<vmem_shared>> -> memref<10240x64xf32, #tpu.memory_space<vmem_shared>>
        tpu.wait_indirect_dma semaphore(%arg15 : memref<!tpu.dma_semaphore, #tpu.memory_space<semaphore_mem>>) src(%arg9 : memref<256x64xf32, #tpu.memory_space<vmem>>) dst(%dma_wait3A_360 : memref<10240x64xf32, #tpu.memory_space<vmem_shared>>)
      } else {
      }
      %add3A_168 = arith.constant 2 : i32
      %add3A_169 = arith.addi %add3A_162, %add3A_168 : i32
      %lt3A_170 = arith.constant 80 : i32
      %lt3A_171 = arith.cmpi slt, %add3A_169, %lt3A_170 : i32
      %convert_element_type3A_172 = arith.extui %lt3A_171 : i1 to i32
      %cond3A_173 = arith.constant 0 : i32
      %cond3A_174 = arith.cmpi ne, %convert_element_type3A_172, %cond3A_173 : i32
      scf.if %cond3A_174 {
        %add3A_354 = arith.constant 2 : i32
        %add3A_355 = arith.addi %add3A_162, %add3A_354 : i32
        %dma_start3A_356 = arith.constant 0 : i32
        %dma_start3A_357 = arith.constant 3 : i32
        %dma_start3A_358 = arith.constant 0 : i32
        %dma_start3A_359 = tpu.memref_slice %arg6[%dma_start3A_357, %dma_start3A_358] : memref<4x256xi32, #tpu.memory_space<vmem>> -> memref<1x256xi32, #tpu.memory_space<vmem>>
        %dma_start3A_360 = tpu.memref_squeeze %dma_start3A_359 : memref<1x256xi32, #tpu.memory_space<vmem>> -> memref<256xi32, #tpu.memory_space<vmem>>
        %dma_start3A_361 = arith.constant 0 : i32
        %dma_start3A_362 = tpu.memref_slice %arg3[%dma_start3A_356, %arg1, %add3A_355, %dma_start3A_361] : memref<2x16x80x256xi32, #tpu.memory_space<hbm>> -> memref<1x1x1x256xi32, #tpu.memory_space<hbm>>
        %dma_start3A_363 = tpu.memref_squeeze %dma_start3A_362 : memref<1x1x1x256xi32, #tpu.memory_space<hbm>> -> memref<256xi32, #tpu.memory_space<hbm>>
        %dma_start3A_364 = arith.constant 0 : i32
        %dma_start3A_365 = tpu.memref_slice %arg6[%dma_start3A_357, %dma_start3A_364] : memref<4x256xi32, #tpu.memory_space<vmem>> -> memref<1x256xi32, #tpu.memory_space<vmem>>
        %dma_start3A_366 = tpu.memref_squeeze %dma_start3A_365 : memref<1x256xi32, #tpu.memory_space<vmem>> -> memref<256xi32, #tpu.memory_space<vmem>>
        %dma_start3A_367 = arith.constant 0 : i32
        %dma_start3A_368 = tpu.memref_slice %arg3[%dma_start3A_356, %arg1, %add3A_355, %dma_start3A_367] : memref<2x16x80x256xi32, #tpu.memory_space<hbm>> -> memref<1x1x1x256xi32, #tpu.memory_space<hbm>>
        %dma_start3A_369 = tpu.memref_squeeze %dma_start3A_368 : memref<1x1x1x256xi32, #tpu.memory_space<hbm>> -> memref<256xi32, #tpu.memory_space<hbm>>
        tpu.enqueue_dma source(%dma_start3A_369 : memref<256xi32, #tpu.memory_space<hbm>>) target(%dma_start3A_366 : memref<256xi32, #tpu.memory_space<vmem>>) target_semaphore(%arg19 : memref<!tpu.dma_semaphore, #tpu.memory_space<semaphore_mem>>)
        %dma_start3A_370 = arith.constant 1 : i32
        %dma_start3A_371 = arith.constant 3 : i32
        %dma_start3A_372 = arith.constant 0 : i32
        %dma_start3A_373 = tpu.memref_slice %arg7[%dma_start3A_371, %dma_start3A_372] : memref<4x256xi32, #tpu.memory_space<vmem>> -> memref<1x256xi32, #tpu.memory_space<vmem>>
        %dma_start3A_374 = tpu.memref_squeeze %dma_start3A_373 : memref<1x256xi32, #tpu.memory_space<vmem>> -> memref<256xi32, #tpu.memory_space<vmem>>
        %dma_start3A_375 = arith.constant 0 : i32
        %dma_start3A_376 = tpu.memref_slice %arg3[%dma_start3A_370, %arg1, %add3A_355, %dma_start3A_375] : memref<2x16x80x256xi32, #tpu.memory_space<hbm>> -> memref<1x1x1x256xi32, #tpu.memory_space<hbm>>
        %dma_start3A_377 = tpu.memref_squeeze %dma_start3A_376 : memref<1x1x1x256xi32, #tpu.memory_space<hbm>> -> memref<256xi32, #tpu.memory_space<hbm>>
        %dma_start3A_378 = arith.constant 0 : i32
        %dma_start3A_379 = tpu.memref_slice %arg7[%dma_start3A_371, %dma_start3A_378] : memref<4x256xi32, #tpu.memory_space<vmem>> -> memref<1x256xi32, #tpu.memory_space<vmem>>
        %dma_start3A_380 = tpu.memref_squeeze %dma_start3A_379 : memref<1x256xi32, #tpu.memory_space<vmem>> -> memref<256xi32, #tpu.memory_space<vmem>>
        %dma_start3A_381 = arith.constant 0 : i32
        %dma_start3A_382 = tpu.memref_slice %arg3[%dma_start3A_370, %arg1, %add3A_355, %dma_start3A_381] : memref<2x16x80x256xi32, #tpu.memory_space<hbm>> -> memref<1x1x1x256xi32, #tpu.memory_space<hbm>>
        %dma_start3A_383 = tpu.memref_squeeze %dma_start3A_382 : memref<1x1x1x256xi32, #tpu.memory_space<hbm>> -> memref<256xi32, #tpu.memory_space<hbm>>
        tpu.enqueue_dma source(%dma_start3A_383 : memref<256xi32, #tpu.memory_space<hbm>>) target(%dma_start3A_380 : memref<256xi32, #tpu.memory_space<vmem>>) target_semaphore(%arg19 : memref<!tpu.dma_semaphore, #tpu.memory_space<semaphore_mem>>)
      } else {
      }
      %dma_wait3A_175 = arith.constant 0 : i32
      %dma_wait3A_176 = arith.constant 1 : i32
      %dma_wait3A_177 = arith.constant 0 : i32
      %dma_wait3A_178 = tpu.memref_slice %arg6[%dma_wait3A_176, %dma_wait3A_177] : memref<4x256xi32, #tpu.memory_space<vmem>> -> memref<1x256xi32, #tpu.memory_space<vmem>>
      %dma_wait3A_179 = tpu.memref_squeeze %dma_wait3A_178 : memref<1x256xi32, #tpu.memory_space<vmem>> -> memref<256xi32, #tpu.memory_space<vmem>>
      %dma_wait3A_180 = arith.constant 0 : i32
      %dma_wait3A_181 = tpu.memref_slice %arg3[%dma_wait3A_175, %arg1, %add3A_162, %dma_wait3A_180] : memref<2x16x80x256xi32, #tpu.memory_space<hbm>> -> memref<1x1x1x256xi32, #tpu.memory_space<hbm>>
      %dma_wait3A_182 = tpu.memref_squeeze %dma_wait3A_181 : memref<1x1x1x256xi32, #tpu.memory_space<hbm>> -> memref<256xi32, #tpu.memory_space<hbm>>
      %dma_wait3A_183 = arith.constant 0 : i32
      %dma_wait3A_184 = tpu.memref_slice %arg6[%dma_wait3A_176, %dma_wait3A_183] : memref<4x256xi32, #tpu.memory_space<vmem>> -> memref<1x256xi32, #tpu.memory_space<vmem>>
      %dma_wait3A_185 = tpu.memref_squeeze %dma_wait3A_184 : memref<1x256xi32, #tpu.memory_space<vmem>> -> memref<256xi32, #tpu.memory_space<vmem>>
      %dma_wait3A_186 = arith.constant 0 : i32
      %dma_wait3A_187 = tpu.memref_slice %arg3[%dma_wait3A_175, %arg1, %add3A_162, %dma_wait3A_186] : memref<2x16x80x256xi32, #tpu.memory_space<hbm>> -> memref<1x1x1x256xi32, #tpu.memory_space<hbm>>
      %dma_wait3A_188 = tpu.memref_squeeze %dma_wait3A_187 : memref<1x1x1x256xi32, #tpu.memory_space<hbm>> -> memref<256xi32, #tpu.memory_space<hbm>>
      tpu.wait_dma2 semaphore(%arg17 : memref<!tpu.dma_semaphore, #tpu.memory_space<semaphore_mem>>) src(%dma_wait3A_188 : memref<256xi32, #tpu.memory_space<hbm>>) dst(%dma_wait3A_185 : memref<256xi32, #tpu.memory_space<vmem>>)
      %dma_wait3A_189 = arith.constant 1 : i32
      %dma_wait3A_190 = arith.constant 1 : i32
      %dma_wait3A_191 = arith.constant 0 : i32
      %dma_wait3A_192 = tpu.memref_slice %arg7[%dma_wait3A_190, %dma_wait3A_191] : memref<4x256xi32, #tpu.memory_space<vmem>> -> memref<1x256xi32, #tpu.memory_space<vmem>>
      %dma_wait3A_193 = tpu.memref_squeeze %dma_wait3A_192 : memref<1x256xi32, #tpu.memory_space<vmem>> -> memref<256xi32, #tpu.memory_space<vmem>>
      %dma_wait3A_194 = arith.constant 0 : i32
      %dma_wait3A_195 = tpu.memref_slice %arg3[%dma_wait3A_189, %arg1, %add3A_162, %dma_wait3A_194] : memref<2x16x80x256xi32, #tpu.memory_space<hbm>> -> memref<1x1x1x256xi32, #tpu.memory_space<hbm>>
      %dma_wait3A_196 = tpu.memref_squeeze %dma_wait3A_195 : memref<1x1x1x256xi32, #tpu.memory_space<hbm>> -> memref<256xi32, #tpu.memory_space<hbm>>
      %dma_wait3A_197 = arith.constant 0 : i32
      %dma_wait3A_198 = tpu.memref_slice %arg7[%dma_wait3A_190, %dma_wait3A_197] : memref<4x256xi32, #tpu.memory_space<vmem>> -> memref<1x256xi32, #tpu.memory_space<vmem>>
      %dma_wait3A_199 = tpu.memref_squeeze %dma_wait3A_198 : memref<1x256xi32, #tpu.memory_space<vmem>> -> memref<256xi32, #tpu.memory_space<vmem>>
      %dma_wait3A_200 = arith.constant 0 : i32
      %dma_wait3A_201 = tpu.memref_slice %arg3[%dma_wait3A_189, %arg1, %add3A_162, %dma_wait3A_200] : memref<2x16x80x256xi32, #tpu.memory_space<hbm>> -> memref<1x1x1x256xi32, #tpu.memory_space<hbm>>
      %dma_wait3A_202 = tpu.memref_squeeze %dma_wait3A_201 : memref<1x1x1x256xi32, #tpu.memory_space<hbm>> -> memref<256xi32, #tpu.memory_space<hbm>>
      tpu.wait_dma2 semaphore(%arg17 : memref<!tpu.dma_semaphore, #tpu.memory_space<semaphore_mem>>) src(%dma_wait3A_202 : memref<256xi32, #tpu.memory_space<hbm>>) dst(%dma_wait3A_199 : memref<256xi32, #tpu.memory_space<vmem>>)
      %dma_start3A_203 = arith.constant 1 : i32
      %dma_start3A_204 = arith.constant 0 : i32
      %dma_start3A_205 = tpu.memref_slice %arg6[%dma_start3A_203, %dma_start3A_204] : memref<4x256xi32, #tpu.memory_space<vmem>> -> memref<1x256xi32, #tpu.memory_space<vmem>>
      %dma_start3A_206 = tpu.memref_squeeze %dma_start3A_205 : memref<1x256xi32, #tpu.memory_space<vmem>> -> memref<256xi32, #tpu.memory_space<vmem>>
      %dma_start3A_207 = arith.constant 0 : i32
      %dma_start3A_208 = arith.constant 0 : i32
      %dma_start3A_209 = tpu.memref_slice %arg10[%dma_start3A_207, %dma_start3A_208] : memref<10240x64xf32, #tpu.memory_space<vmem_shared>> -> memref<10240x64xf32, #tpu.memory_space<vmem_shared>>
      tpu.enqueue_indirect_dma source(%dma_start3A_209 : memref<10240x64xf32, #tpu.memory_space<vmem_shared>>) target(%arg9 : memref<256x64xf32, #tpu.memory_space<vmem>>) offsets(%dma_start3A_206 : memref<256xi32, #tpu.memory_space<vmem>>) semaphore(%arg13 : memref<!tpu.dma_semaphore, #tpu.memory_space<semaphore_mem>>)
      %dma_wait3A_210 = arith.constant 1 : i32
      %dma_wait3A_211 = arith.constant 0 : i32
      %dma_wait3A_212 = tpu.memref_slice %arg6[%dma_wait3A_210, %dma_wait3A_211] : memref<4x256xi32, #tpu.memory_space<vmem>> -> memref<1x256xi32, #tpu.memory_space<vmem>>
      %dma_wait3A_213 = tpu.memref_squeeze %dma_wait3A_212 : memref<1x256xi32, #tpu.memory_space<vmem>> -> memref<256xi32, #tpu.memory_space<vmem>>
      %dma_wait3A_214 = arith.constant 0 : i32
      %dma_wait3A_215 = arith.constant 0 : i32
      %dma_wait3A_216 = tpu.memref_slice %arg10[%dma_wait3A_214, %dma_wait3A_215] : memref<10240x64xf32, #tpu.memory_space<vmem_shared>> -> memref<10240x64xf32, #tpu.memory_space<vmem_shared>>
      tpu.wait_indirect_dma semaphore(%arg13 : memref<!tpu.dma_semaphore, #tpu.memory_space<semaphore_mem>>) src(%dma_wait3A_216 : memref<10240x64xf32, #tpu.memory_space<vmem_shared>>) dst(%arg9 : memref<256x64xf32, #tpu.memory_space<vmem>>)
      %dma_start3A_217 = arith.constant 1 : i32
      %dma_start3A_218 = arith.constant 0 : i32
      %dma_start3A_219 = tpu.memref_slice %arg7[%dma_start3A_217, %dma_start3A_218] : memref<4x256xi32, #tpu.memory_space<vmem>> -> memref<1x256xi32, #tpu.memory_space<vmem>>
      %dma_start3A_220 = tpu.memref_squeeze %dma_start3A_219 : memref<1x256xi32, #tpu.memory_space<vmem>> -> memref<256xi32, #tpu.memory_space<vmem>>
      %dma_start3A_221 = arith.constant 0 : i32
      %dma_start3A_222 = arith.constant 0 : i32
      %dma_start3A_223 = tpu.memref_slice %arg11[%dma_start3A_221, %dma_start3A_222] : memref<10240x64xf32, #tpu.memory_space<vmem_shared>> -> memref<10240x64xf32, #tpu.memory_space<vmem_shared>>
      tpu.enqueue_indirect_dma source(%arg9 : memref<256x64xf32, #tpu.memory_space<vmem>>) target(%dma_start3A_223 : memref<10240x64xf32, #tpu.memory_space<vmem_shared>>) offsets(%dma_start3A_220 : memref<256xi32, #tpu.memory_space<vmem>>) semaphore(%arg15 : memref<!tpu.dma_semaphore, #tpu.memory_space<semaphore_mem>>) {add = true}
      %mul3A_224 = arith.constant 4 : i32
      %mul3A_225 = arith.muli %scan3A_96, %mul3A_224 : i32
      %add3A_226 = arith.constant 2 : i32
      %add3A_227 = arith.addi %mul3A_225, %add3A_226 : i32
      %ge3A_228 = arith.constant 2 : i32
      %ge3A_229 = arith.cmpi sge, %add3A_227, %ge3A_228 : i32
      %convert_element_type3A_230 = arith.extui %ge3A_229 : i1 to i32
      %cond3A_231 = arith.constant 0 : i32
      %cond3A_232 = arith.cmpi ne, %convert_element_type3A_230, %cond3A_231 : i32
      scf.if %cond3A_232 {
        %dma_wait3A_354 = arith.constant 0 : i32
        %dma_wait3A_355 = arith.constant 0 : i32
        %dma_wait3A_356 = tpu.memref_slice %arg7[%dma_wait3A_354, %dma_wait3A_355] : memref<4x256xi32, #tpu.memory_space<vmem>> -> memref<1x256xi32, #tpu.memory_space<vmem>>
        %dma_wait3A_357 = tpu.memref_squeeze %dma_wait3A_356 : memref<1x256xi32, #tpu.memory_space<vmem>> -> memref<256xi32, #tpu.memory_space<vmem>>
        %dma_wait3A_358 = arith.constant 0 : i32
        %dma_wait3A_359 = arith.constant 0 : i32
        %dma_wait3A_360 = tpu.memref_slice %arg11[%dma_wait3A_358, %dma_wait3A_359] : memref<10240x64xf32, #tpu.memory_space<vmem_shared>> -> memref<10240x64xf32, #tpu.memory_space<vmem_shared>>
        tpu.wait_indirect_dma semaphore(%arg14 : memref<!tpu.dma_semaphore, #tpu.memory_space<semaphore_mem>>) src(%arg8 : memref<256x64xf32, #tpu.memory_space<vmem>>) dst(%dma_wait3A_360 : memref<10240x64xf32, #tpu.memory_space<vmem_shared>>)
      } else {
      }
      %add3A_233 = arith.constant 2 : i32
      %add3A_234 = arith.addi %add3A_227, %add3A_233 : i32
      %lt3A_235 = arith.constant 80 : i32
      %lt3A_236 = arith.cmpi slt, %add3A_234, %lt3A_235 : i32
      %convert_element_type3A_237 = arith.extui %lt3A_236 : i1 to i32
      %cond3A_238 = arith.constant 0 : i32
      %cond3A_239 = arith.cmpi ne, %convert_element_type3A_237, %cond3A_238 : i32
      scf.if %cond3A_239 {
        %add3A_354 = arith.constant 2 : i32
        %add3A_355 = arith.addi %add3A_227, %add3A_354 : i32
        %dma_start3A_356 = arith.constant 0 : i32
        %dma_start3A_357 = arith.constant 0 : i32
        %dma_start3A_358 = arith.constant 0 : i32
        %dma_start3A_359 = tpu.memref_slice %arg6[%dma_start3A_357, %dma_start3A_358] : memref<4x256xi32, #tpu.memory_space<vmem>> -> memref<1x256xi32, #tpu.memory_space<vmem>>
        %dma_start3A_360 = tpu.memref_squeeze %dma_start3A_359 : memref<1x256xi32, #tpu.memory_space<vmem>> -> memref<256xi32, #tpu.memory_space<vmem>>
        %dma_start3A_361 = arith.constant 0 : i32
        %dma_start3A_362 = tpu.memref_slice %arg3[%dma_start3A_356, %arg1, %add3A_355, %dma_start3A_361] : memref<2x16x80x256xi32, #tpu.memory_space<hbm>> -> memref<1x1x1x256xi32, #tpu.memory_space<hbm>>
        %dma_start3A_363 = tpu.memref_squeeze %dma_start3A_362 : memref<1x1x1x256xi32, #tpu.memory_space<hbm>> -> memref<256xi32, #tpu.memory_space<hbm>>
        %dma_start3A_364 = arith.constant 0 : i32
        %dma_start3A_365 = tpu.memref_slice %arg6[%dma_start3A_357, %dma_start3A_364] : memref<4x256xi32, #tpu.memory_space<vmem>> -> memref<1x256xi32, #tpu.memory_space<vmem>>
        %dma_start3A_366 = tpu.memref_squeeze %dma_start3A_365 : memref<1x256xi32, #tpu.memory_space<vmem>> -> memref<256xi32, #tpu.memory_space<vmem>>
        %dma_start3A_367 = arith.constant 0 : i32
        %dma_start3A_368 = tpu.memref_slice %arg3[%dma_start3A_356, %arg1, %add3A_355, %dma_start3A_367] : memref<2x16x80x256xi32, #tpu.memory_space<hbm>> -> memref<1x1x1x256xi32, #tpu.memory_space<hbm>>
        %dma_start3A_369 = tpu.memref_squeeze %dma_start3A_368 : memref<1x1x1x256xi32, #tpu.memory_space<hbm>> -> memref<256xi32, #tpu.memory_space<hbm>>
        tpu.enqueue_dma source(%dma_start3A_369 : memref<256xi32, #tpu.memory_space<hbm>>) target(%dma_start3A_366 : memref<256xi32, #tpu.memory_space<vmem>>) target_semaphore(%arg16 : memref<!tpu.dma_semaphore, #tpu.memory_space<semaphore_mem>>)
        %dma_start3A_370 = arith.constant 1 : i32
        %dma_start3A_371 = arith.constant 0 : i32
        %dma_start3A_372 = arith.constant 0 : i32
        %dma_start3A_373 = tpu.memref_slice %arg7[%dma_start3A_371, %dma_start3A_372] : memref<4x256xi32, #tpu.memory_space<vmem>> -> memref<1x256xi32, #tpu.memory_space<vmem>>
        %dma_start3A_374 = tpu.memref_squeeze %dma_start3A_373 : memref<1x256xi32, #tpu.memory_space<vmem>> -> memref<256xi32, #tpu.memory_space<vmem>>
        %dma_start3A_375 = arith.constant 0 : i32
        %dma_start3A_376 = tpu.memref_slice %arg3[%dma_start3A_370, %arg1, %add3A_355, %dma_start3A_375] : memref<2x16x80x256xi32, #tpu.memory_space<hbm>> -> memref<1x1x1x256xi32, #tpu.memory_space<hbm>>
        %dma_start3A_377 = tpu.memref_squeeze %dma_start3A_376 : memref<1x1x1x256xi32, #tpu.memory_space<hbm>> -> memref<256xi32, #tpu.memory_space<hbm>>
        %dma_start3A_378 = arith.constant 0 : i32
        %dma_start3A_379 = tpu.memref_slice %arg7[%dma_start3A_371, %dma_start3A_378] : memref<4x256xi32, #tpu.memory_space<vmem>> -> memref<1x256xi32, #tpu.memory_space<vmem>>
        %dma_start3A_380 = tpu.memref_squeeze %dma_start3A_379 : memref<1x256xi32, #tpu.memory_space<vmem>> -> memref<256xi32, #tpu.memory_space<vmem>>
        %dma_start3A_381 = arith.constant 0 : i32
        %dma_start3A_382 = tpu.memref_slice %arg3[%dma_start3A_370, %arg1, %add3A_355, %dma_start3A_381] : memref<2x16x80x256xi32, #tpu.memory_space<hbm>> -> memref<1x1x1x256xi32, #tpu.memory_space<hbm>>
        %dma_start3A_383 = tpu.memref_squeeze %dma_start3A_382 : memref<1x1x1x256xi32, #tpu.memory_space<hbm>> -> memref<256xi32, #tpu.memory_space<hbm>>
        tpu.enqueue_dma source(%dma_start3A_383 : memref<256xi32, #tpu.memory_space<hbm>>) target(%dma_start3A_380 : memref<256xi32, #tpu.memory_space<vmem>>) target_semaphore(%arg16 : memref<!tpu.dma_semaphore, #tpu.memory_space<semaphore_mem>>)
      } else {
      }
      %dma_wait3A_240 = arith.constant 0 : i32
      %dma_wait3A_241 = arith.constant 2 : i32
      %dma_wait3A_242 = arith.constant 0 : i32
      %dma_wait3A_243 = tpu.memref_slice %arg6[%dma_wait3A_241, %dma_wait3A_242] : memref<4x256xi32, #tpu.memory_space<vmem>> -> memref<1x256xi32, #tpu.memory_space<vmem>>
      %dma_wait3A_244 = tpu.memref_squeeze %dma_wait3A_243 : memref<1x256xi32, #tpu.memory_space<vmem>> -> memref<256xi32, #tpu.memory_space<vmem>>
      %dma_wait3A_245 = arith.constant 0 : i32
      %dma_wait3A_246 = tpu.memref_slice %arg3[%dma_wait3A_240, %arg1, %add3A_227, %dma_wait3A_245] : memref<2x16x80x256xi32, #tpu.memory_space<hbm>> -> memref<1x1x1x256xi32, #tpu.memory_space<hbm>>
      %dma_wait3A_247 = tpu.memref_squeeze %dma_wait3A_246 : memref<1x1x1x256xi32, #tpu.memory_space<hbm>> -> memref<256xi32, #tpu.memory_space<hbm>>
      %dma_wait3A_248 = arith.constant 0 : i32
      %dma_wait3A_249 = tpu.memref_slice %arg6[%dma_wait3A_241, %dma_wait3A_248] : memref<4x256xi32, #tpu.memory_space<vmem>> -> memref<1x256xi32, #tpu.memory_space<vmem>>
      %dma_wait3A_250 = tpu.memref_squeeze %dma_wait3A_249 : memref<1x256xi32, #tpu.memory_space<vmem>> -> memref<256xi32, #tpu.memory_space<vmem>>
      %dma_wait3A_251 = arith.constant 0 : i32
      %dma_wait3A_252 = tpu.memref_slice %arg3[%dma_wait3A_240, %arg1, %add3A_227, %dma_wait3A_251] : memref<2x16x80x256xi32, #tpu.memory_space<hbm>> -> memref<1x1x1x256xi32, #tpu.memory_space<hbm>>
      %dma_wait3A_253 = tpu.memref_squeeze %dma_wait3A_252 : memref<1x1x1x256xi32, #tpu.memory_space<hbm>> -> memref<256xi32, #tpu.memory_space<hbm>>
      tpu.wait_dma2 semaphore(%arg18 : memref<!tpu.dma_semaphore, #tpu.memory_space<semaphore_mem>>) src(%dma_wait3A_253 : memref<256xi32, #tpu.memory_space<hbm>>) dst(%dma_wait3A_250 : memref<256xi32, #tpu.memory_space<vmem>>)
      %dma_wait3A_254 = arith.constant 1 : i32
      %dma_wait3A_255 = arith.constant 2 : i32
      %dma_wait3A_256 = arith.constant 0 : i32
      %dma_wait3A_257 = tpu.memref_slice %arg7[%dma_wait3A_255, %dma_wait3A_256] : memref<4x256xi32, #tpu.memory_space<vmem>> -> memref<1x256xi32, #tpu.memory_space<vmem>>
      %dma_wait3A_258 = tpu.memref_squeeze %dma_wait3A_257 : memref<1x256xi32, #tpu.memory_space<vmem>> -> memref<256xi32, #tpu.memory_space<vmem>>
      %dma_wait3A_259 = arith.constant 0 : i32
      %dma_wait3A_260 = tpu.memref_slice %arg3[%dma_wait3A_254, %arg1, %add3A_227, %dma_wait3A_259] : memref<2x16x80x256xi32, #tpu.memory_space<hbm>> -> memref<1x1x1x256xi32, #tpu.memory_space<hbm>>
      %dma_wait3A_261 = tpu.memref_squeeze %dma_wait3A_260 : memref<1x1x1x256xi32, #tpu.memory_space<hbm>> -> memref<256xi32, #tpu.memory_space<hbm>>
      %dma_wait3A_262 = arith.constant 0 : i32
      %dma_wait3A_263 = tpu.memref_slice %arg7[%dma_wait3A_255, %dma_wait3A_262] : memref<4x256xi32, #tpu.memory_space<vmem>> -> memref<1x256xi32, #tpu.memory_space<vmem>>
      %dma_wait3A_264 = tpu.memref_squeeze %dma_wait3A_263 : memref<1x256xi32, #tpu.memory_space<vmem>> -> memref<256xi32, #tpu.memory_space<vmem>>
      %dma_wait3A_265 = arith.constant 0 : i32
      %dma_wait3A_266 = tpu.memref_slice %arg3[%dma_wait3A_254, %arg1, %add3A_227, %dma_wait3A_265] : memref<2x16x80x256xi32, #tpu.memory_space<hbm>> -> memref<1x1x1x256xi32, #tpu.memory_space<hbm>>
      %dma_wait3A_267 = tpu.memref_squeeze %dma_wait3A_266 : memref<1x1x1x256xi32, #tpu.memory_space<hbm>> -> memref<256xi32, #tpu.memory_space<hbm>>
      tpu.wait_dma2 semaphore(%arg18 : memref<!tpu.dma_semaphore, #tpu.memory_space<semaphore_mem>>) src(%dma_wait3A_267 : memref<256xi32, #tpu.memory_space<hbm>>) dst(%dma_wait3A_264 : memref<256xi32, #tpu.memory_space<vmem>>)
      %dma_start3A_268 = arith.constant 2 : i32
      %dma_start3A_269 = arith.constant 0 : i32
      %dma_start3A_270 = tpu.memref_slice %arg6[%dma_start3A_268, %dma_start3A_269] : memref<4x256xi32, #tpu.memory_space<vmem>> -> memref<1x256xi32, #tpu.memory_space<vmem>>
      %dma_start3A_271 = tpu.memref_squeeze %dma_start3A_270 : memref<1x256xi32, #tpu.memory_space<vmem>> -> memref<256xi32, #tpu.memory_space<vmem>>
      %dma_start3A_272 = arith.constant 0 : i32
      %dma_start3A_273 = arith.constant 0 : i32
      %dma_start3A_274 = tpu.memref_slice %arg10[%dma_start3A_272, %dma_start3A_273] : memref<10240x64xf32, #tpu.memory_space<vmem_shared>> -> memref<10240x64xf32, #tpu.memory_space<vmem_shared>>
      tpu.enqueue_indirect_dma source(%dma_start3A_274 : memref<10240x64xf32, #tpu.memory_space<vmem_shared>>) target(%arg8 : memref<256x64xf32, #tpu.memory_space<vmem>>) offsets(%dma_start3A_271 : memref<256xi32, #tpu.memory_space<vmem>>) semaphore(%arg12 : memref<!tpu.dma_semaphore, #tpu.memory_space<semaphore_mem>>)
      %dma_wait3A_275 = arith.constant 2 : i32
      %dma_wait3A_276 = arith.constant 0 : i32
      %dma_wait3A_277 = tpu.memref_slice %arg6[%dma_wait3A_275, %dma_wait3A_276] : memref<4x256xi32, #tpu.memory_space<vmem>> -> memref<1x256xi32, #tpu.memory_space<vmem>>
      %dma_wait3A_278 = tpu.memref_squeeze %dma_wait3A_277 : memref<1x256xi32, #tpu.memory_space<vmem>> -> memref<256xi32, #tpu.memory_space<vmem>>
      %dma_wait3A_279 = arith.constant 0 : i32
      %dma_wait3A_280 = arith.constant 0 : i32
      %dma_wait3A_281 = tpu.memref_slice %arg10[%dma_wait3A_279, %dma_wait3A_280] : memref<10240x64xf32, #tpu.memory_space<vmem_shared>> -> memref<10240x64xf32, #tpu.memory_space<vmem_shared>>
      tpu.wait_indirect_dma semaphore(%arg12 : memref<!tpu.dma_semaphore, #tpu.memory_space<semaphore_mem>>) src(%dma_wait3A_281 : memref<10240x64xf32, #tpu.memory_space<vmem_shared>>) dst(%arg8 : memref<256x64xf32, #tpu.memory_space<vmem>>)
      %dma_start3A_282 = arith.constant 2 : i32
      %dma_start3A_283 = arith.constant 0 : i32
      %dma_start3A_284 = tpu.memref_slice %arg7[%dma_start3A_282, %dma_start3A_283] : memref<4x256xi32, #tpu.memory_space<vmem>> -> memref<1x256xi32, #tpu.memory_space<vmem>>
      %dma_start3A_285 = tpu.memref_squeeze %dma_start3A_284 : memref<1x256xi32, #tpu.memory_space<vmem>> -> memref<256xi32, #tpu.memory_space<vmem>>
      %dma_start3A_286 = arith.constant 0 : i32
      %dma_start3A_287 = arith.constant 0 : i32
      %dma_start3A_288 = tpu.memref_slice %arg11[%dma_start3A_286, %dma_start3A_287] : memref<10240x64xf32, #tpu.memory_space<vmem_shared>> -> memref<10240x64xf32, #tpu.memory_space<vmem_shared>>
      tpu.enqueue_indirect_dma source(%arg8 : memref<256x64xf32, #tpu.memory_space<vmem>>) target(%dma_start3A_288 : memref<10240x64xf32, #tpu.memory_space<vmem_shared>>) offsets(%dma_start3A_285 : memref<256xi32, #tpu.memory_space<vmem>>) semaphore(%arg14 : memref<!tpu.dma_semaphore, #tpu.memory_space<semaphore_mem>>) {add = true}
      %mul3A_289 = arith.constant 4 : i32
      %mul3A_290 = arith.muli %scan3A_96, %mul3A_289 : i32
      %add3A_291 = arith.constant 3 : i32
      %add3A_292 = arith.addi %mul3A_290, %add3A_291 : i32
      %ge3A_293 = arith.constant 2 : i32
      %ge3A_294 = arith.cmpi sge, %add3A_292, %ge3A_293 : i32
      %convert_element_type3A_295 = arith.extui %ge3A_294 : i1 to i32
      %cond3A_296 = arith.constant 0 : i32
      %cond3A_297 = arith.cmpi ne, %convert_element_type3A_295, %cond3A_296 : i32
      scf.if %cond3A_297 {
        %dma_wait3A_354 = arith.constant 1 : i32
        %dma_wait3A_355 = arith.constant 0 : i32
        %dma_wait3A_356 = tpu.memref_slice %arg7[%dma_wait3A_354, %dma_wait3A_355] : memref<4x256xi32, #tpu.memory_space<vmem>> -> memref<1x256xi32, #tpu.memory_space<vmem>>
        %dma_wait3A_357 = tpu.memref_squeeze %dma_wait3A_356 : memref<1x256xi32, #tpu.memory_space<vmem>> -> memref<256xi32, #tpu.memory_space<vmem>>
        %dma_wait3A_358 = arith.constant 0 : i32
        %dma_wait3A_359 = arith.constant 0 : i32
        %dma_wait3A_360 = tpu.memref_slice %arg11[%dma_wait3A_358, %dma_wait3A_359] : memref<10240x64xf32, #tpu.memory_space<vmem_shared>> -> memref<10240x64xf32, #tpu.memory_space<vmem_shared>>
        tpu.wait_indirect_dma semaphore(%arg15 : memref<!tpu.dma_semaphore, #tpu.memory_space<semaphore_mem>>) src(%arg9 : memref<256x64xf32, #tpu.memory_space<vmem>>) dst(%dma_wait3A_360 : memref<10240x64xf32, #tpu.memory_space<vmem_shared>>)
      } else {
      }
      %add3A_298 = arith.constant 2 : i32
      %add3A_299 = arith.addi %add3A_292, %add3A_298 : i32
      %lt3A_300 = arith.constant 80 : i32
      %lt3A_301 = arith.cmpi slt, %add3A_299, %lt3A_300 : i32
      %convert_element_type3A_302 = arith.extui %lt3A_301 : i1 to i32
      %cond3A_303 = arith.constant 0 : i32
      %cond3A_304 = arith.cmpi ne, %convert_element_type3A_302, %cond3A_303 : i32
      scf.if %cond3A_304 {
        %add3A_354 = arith.constant 2 : i32
        %add3A_355 = arith.addi %add3A_292, %add3A_354 : i32
        %dma_start3A_356 = arith.constant 0 : i32
        %dma_start3A_357 = arith.constant 1 : i32
        %dma_start3A_358 = arith.constant 0 : i32
        %dma_start3A_359 = tpu.memref_slice %arg6[%dma_start3A_357, %dma_start3A_358] : memref<4x256xi32, #tpu.memory_space<vmem>> -> memref<1x256xi32, #tpu.memory_space<vmem>>
        %dma_start3A_360 = tpu.memref_squeeze %dma_start3A_359 : memref<1x256xi32, #tpu.memory_space<vmem>> -> memref<256xi32, #tpu.memory_space<vmem>>
        %dma_start3A_361 = arith.constant 0 : i32
        %dma_start3A_362 = tpu.memref_slice %arg3[%dma_start3A_356, %arg1, %add3A_355, %dma_start3A_361] : memref<2x16x80x256xi32, #tpu.memory_space<hbm>> -> memref<1x1x1x256xi32, #tpu.memory_space<hbm>>
        %dma_start3A_363 = tpu.memref_squeeze %dma_start3A_362 : memref<1x1x1x256xi32, #tpu.memory_space<hbm>> -> memref<256xi32, #tpu.memory_space<hbm>>
        %dma_start3A_364 = arith.constant 0 : i32
        %dma_start3A_365 = tpu.memref_slice %arg6[%dma_start3A_357, %dma_start3A_364] : memref<4x256xi32, #tpu.memory_space<vmem>> -> memref<1x256xi32, #tpu.memory_space<vmem>>
        %dma_start3A_366 = tpu.memref_squeeze %dma_start3A_365 : memref<1x256xi32, #tpu.memory_space<vmem>> -> memref<256xi32, #tpu.memory_space<vmem>>
        %dma_start3A_367 = arith.constant 0 : i32
        %dma_start3A_368 = tpu.memref_slice %arg3[%dma_start3A_356, %arg1, %add3A_355, %dma_start3A_367] : memref<2x16x80x256xi32, #tpu.memory_space<hbm>> -> memref<1x1x1x256xi32, #tpu.memory_space<hbm>>
        %dma_start3A_369 = tpu.memref_squeeze %dma_start3A_368 : memref<1x1x1x256xi32, #tpu.memory_space<hbm>> -> memref<256xi32, #tpu.memory_space<hbm>>
        tpu.enqueue_dma source(%dma_start3A_369 : memref<256xi32, #tpu.memory_space<hbm>>) target(%dma_start3A_366 : memref<256xi32, #tpu.memory_space<vmem>>) target_semaphore(%arg17 : memref<!tpu.dma_semaphore, #tpu.memory_space<semaphore_mem>>)
        %dma_start3A_370 = arith.constant 1 : i32
        %dma_start3A_371 = arith.constant 1 : i32
        %dma_start3A_372 = arith.constant 0 : i32
        %dma_start3A_373 = tpu.memref_slice %arg7[%dma_start3A_371, %dma_start3A_372] : memref<4x256xi32, #tpu.memory_space<vmem>> -> memref<1x256xi32, #tpu.memory_space<vmem>>
        %dma_start3A_374 = tpu.memref_squeeze %dma_start3A_373 : memref<1x256xi32, #tpu.memory_space<vmem>> -> memref<256xi32, #tpu.memory_space<vmem>>
        %dma_start3A_375 = arith.constant 0 : i32
        %dma_start3A_376 = tpu.memref_slice %arg3[%dma_start3A_370, %arg1, %add3A_355, %dma_start3A_375] : memref<2x16x80x256xi32, #tpu.memory_space<hbm>> -> memref<1x1x1x256xi32, #tpu.memory_space<hbm>>
        %dma_start3A_377 = tpu.memref_squeeze %dma_start3A_376 : memref<1x1x1x256xi32, #tpu.memory_space<hbm>> -> memref<256xi32, #tpu.memory_space<hbm>>
        %dma_start3A_378 = arith.constant 0 : i32
        %dma_start3A_379 = tpu.memref_slice %arg7[%dma_start3A_371, %dma_start3A_378] : memref<4x256xi32, #tpu.memory_space<vmem>> -> memref<1x256xi32, #tpu.memory_space<vmem>>
        %dma_start3A_380 = tpu.memref_squeeze %dma_start3A_379 : memref<1x256xi32, #tpu.memory_space<vmem>> -> memref<256xi32, #tpu.memory_space<vmem>>
        %dma_start3A_381 = arith.constant 0 : i32
        %dma_start3A_382 = tpu.memref_slice %arg3[%dma_start3A_370, %arg1, %add3A_355, %dma_start3A_381] : memref<2x16x80x256xi32, #tpu.memory_space<hbm>> -> memref<1x1x1x256xi32, #tpu.memory_space<hbm>>
        %dma_start3A_383 = tpu.memref_squeeze %dma_start3A_382 : memref<1x1x1x256xi32, #tpu.memory_space<hbm>> -> memref<256xi32, #tpu.memory_space<hbm>>
        tpu.enqueue_dma source(%dma_start3A_383 : memref<256xi32, #tpu.memory_space<hbm>>) target(%dma_start3A_380 : memref<256xi32, #tpu.memory_space<vmem>>) target_semaphore(%arg17 : memref<!tpu.dma_semaphore, #tpu.memory_space<semaphore_mem>>)
      } else {
      }
      %dma_wait3A_305 = arith.constant 0 : i32
      %dma_wait3A_306 = arith.constant 3 : i32
      %dma_wait3A_307 = arith.constant 0 : i32
      %dma_wait3A_308 = tpu.memref_slice %arg6[%dma_wait3A_306, %dma_wait3A_307] : memref<4x256xi32, #tpu.memory_space<vmem>> -> memref<1x256xi32, #tpu.memory_space<vmem>>
      %dma_wait3A_309 = tpu.memref_squeeze %dma_wait3A_308 : memref<1x256xi32, #tpu.memory_space<vmem>> -> memref<256xi32, #tpu.memory_space<vmem>>
      %dma_wait3A_310 = arith.constant 0 : i32
      %dma_wait3A_311 = tpu.memref_slice %arg3[%dma_wait3A_305, %arg1, %add3A_292, %dma_wait3A_310] : memref<2x16x80x256xi32, #tpu.memory_space<hbm>> -> memref<1x1x1x256xi32, #tpu.memory_space<hbm>>
      %dma_wait3A_312 = tpu.memref_squeeze %dma_wait3A_311 : memref<1x1x1x256xi32, #tpu.memory_space<hbm>> -> memref<256xi32, #tpu.memory_space<hbm>>
      %dma_wait3A_313 = arith.constant 0 : i32
      %dma_wait3A_314 = tpu.memref_slice %arg6[%dma_wait3A_306, %dma_wait3A_313] : memref<4x256xi32, #tpu.memory_space<vmem>> -> memref<1x256xi32, #tpu.memory_space<vmem>>
      %dma_wait3A_315 = tpu.memref_squeeze %dma_wait3A_314 : memref<1x256xi32, #tpu.memory_space<vmem>> -> memref<256xi32, #tpu.memory_space<vmem>>
      %dma_wait3A_316 = arith.constant 0 : i32
      %dma_wait3A_317 = tpu.memref_slice %arg3[%dma_wait3A_305, %arg1, %add3A_292, %dma_wait3A_316] : memref<2x16x80x256xi32, #tpu.memory_space<hbm>> -> memref<1x1x1x256xi32, #tpu.memory_space<hbm>>
      %dma_wait3A_318 = tpu.memref_squeeze %dma_wait3A_317 : memref<1x1x1x256xi32, #tpu.memory_space<hbm>> -> memref<256xi32, #tpu.memory_space<hbm>>
      tpu.wait_dma2 semaphore(%arg19 : memref<!tpu.dma_semaphore, #tpu.memory_space<semaphore_mem>>) src(%dma_wait3A_318 : memref<256xi32, #tpu.memory_space<hbm>>) dst(%dma_wait3A_315 : memref<256xi32, #tpu.memory_space<vmem>>)
      %dma_wait3A_319 = arith.constant 1 : i32
      %dma_wait3A_320 = arith.constant 3 : i32
      %dma_wait3A_321 = arith.constant 0 : i32
      %dma_wait3A_322 = tpu.memref_slice %arg7[%dma_wait3A_320, %dma_wait3A_321] : memref<4x256xi32, #tpu.memory_space<vmem>> -> memref<1x256xi32, #tpu.memory_space<vmem>>
      %dma_wait3A_323 = tpu.memref_squeeze %dma_wait3A_322 : memref<1x256xi32, #tpu.memory_space<vmem>> -> memref<256xi32, #tpu.memory_space<vmem>>
      %dma_wait3A_324 = arith.constant 0 : i32
      %dma_wait3A_325 = tpu.memref_slice %arg3[%dma_wait3A_319, %arg1, %add3A_292, %dma_wait3A_324] : memref<2x16x80x256xi32, #tpu.memory_space<hbm>> -> memref<1x1x1x256xi32, #tpu.memory_space<hbm>>
      %dma_wait3A_326 = tpu.memref_squeeze %dma_wait3A_325 : memref<1x1x1x256xi32, #tpu.memory_space<hbm>> -> memref<256xi32, #tpu.memory_space<hbm>>
      %dma_wait3A_327 = arith.constant 0 : i32
      %dma_wait3A_328 = tpu.memref_slice %arg7[%dma_wait3A_320, %dma_wait3A_327] : memref<4x256xi32, #tpu.memory_space<vmem>> -> memref<1x256xi32, #tpu.memory_space<vmem>>
      %dma_wait3A_329 = tpu.memref_squeeze %dma_wait3A_328 : memref<1x256xi32, #tpu.memory_space<vmem>> -> memref<256xi32, #tpu.memory_space<vmem>>
      %dma_wait3A_330 = arith.constant 0 : i32
      %dma_wait3A_331 = tpu.memref_slice %arg3[%dma_wait3A_319, %arg1, %add3A_292, %dma_wait3A_330] : memref<2x16x80x256xi32, #tpu.memory_space<hbm>> -> memref<1x1x1x256xi32, #tpu.memory_space<hbm>>
      %dma_wait3A_332 = tpu.memref_squeeze %dma_wait3A_331 : memref<1x1x1x256xi32, #tpu.memory_space<hbm>> -> memref<256xi32, #tpu.memory_space<hbm>>
      tpu.wait_dma2 semaphore(%arg19 : memref<!tpu.dma_semaphore, #tpu.memory_space<semaphore_mem>>) src(%dma_wait3A_332 : memref<256xi32, #tpu.memory_space<hbm>>) dst(%dma_wait3A_329 : memref<256xi32, #tpu.memory_space<vmem>>)
      %dma_start3A_333 = arith.constant 3 : i32
      %dma_start3A_334 = arith.constant 0 : i32
      %dma_start3A_335 = tpu.memref_slice %arg6[%dma_start3A_333, %dma_start3A_334] : memref<4x256xi32, #tpu.memory_space<vmem>> -> memref<1x256xi32, #tpu.memory_space<vmem>>
      %dma_start3A_336 = tpu.memref_squeeze %dma_start3A_335 : memref<1x256xi32, #tpu.memory_space<vmem>> -> memref<256xi32, #tpu.memory_space<vmem>>
      %dma_start3A_337 = arith.constant 0 : i32
      %dma_start3A_338 = arith.constant 0 : i32
      %dma_start3A_339 = tpu.memref_slice %arg10[%dma_start3A_337, %dma_start3A_338] : memref<10240x64xf32, #tpu.memory_space<vmem_shared>> -> memref<10240x64xf32, #tpu.memory_space<vmem_shared>>
      tpu.enqueue_indirect_dma source(%dma_start3A_339 : memref<10240x64xf32, #tpu.memory_space<vmem_shared>>) target(%arg9 : memref<256x64xf32, #tpu.memory_space<vmem>>) offsets(%dma_start3A_336 : memref<256xi32, #tpu.memory_space<vmem>>) semaphore(%arg13 : memref<!tpu.dma_semaphore, #tpu.memory_space<semaphore_mem>>)
      %dma_wait3A_340 = arith.constant 3 : i32
      %dma_wait3A_341 = arith.constant 0 : i32
      %dma_wait3A_342 = tpu.memref_slice %arg6[%dma_wait3A_340, %dma_wait3A_341] : memref<4x256xi32, #tpu.memory_space<vmem>> -> memref<1x256xi32, #tpu.memory_space<vmem>>
      %dma_wait3A_343 = tpu.memref_squeeze %dma_wait3A_342 : memref<1x256xi32, #tpu.memory_space<vmem>> -> memref<256xi32, #tpu.memory_space<vmem>>
      %dma_wait3A_344 = arith.constant 0 : i32
      %dma_wait3A_345 = arith.constant 0 : i32
      %dma_wait3A_346 = tpu.memref_slice %arg10[%dma_wait3A_344, %dma_wait3A_345] : memref<10240x64xf32, #tpu.memory_space<vmem_shared>> -> memref<10240x64xf32, #tpu.memory_space<vmem_shared>>
      tpu.wait_indirect_dma semaphore(%arg13 : memref<!tpu.dma_semaphore, #tpu.memory_space<semaphore_mem>>) src(%dma_wait3A_346 : memref<10240x64xf32, #tpu.memory_space<vmem_shared>>) dst(%arg9 : memref<256x64xf32, #tpu.memory_space<vmem>>)
      %dma_start3A_347 = arith.constant 3 : i32
      %dma_start3A_348 = arith.constant 0 : i32
      %dma_start3A_349 = tpu.memref_slice %arg7[%dma_start3A_347, %dma_start3A_348] : memref<4x256xi32, #tpu.memory_space<vmem>> -> memref<1x256xi32, #tpu.memory_space<vmem>>
      %dma_start3A_350 = tpu.memref_squeeze %dma_start3A_349 : memref<1x256xi32, #tpu.memory_space<vmem>> -> memref<256xi32, #tpu.memory_space<vmem>>
      %dma_start3A_351 = arith.constant 0 : i32
      %dma_start3A_352 = arith.constant 0 : i32
      %dma_start3A_353 = tpu.memref_slice %arg11[%dma_start3A_351, %dma_start3A_352] : memref<10240x64xf32, #tpu.memory_space<vmem_shared>> -> memref<10240x64xf32, #tpu.memory_space<vmem_shared>>
      tpu.enqueue_indirect_dma source(%arg9 : memref<256x64xf32, #tpu.memory_space<vmem>>) target(%dma_start3A_353 : memref<10240x64xf32, #tpu.memory_space<vmem_shared>>) offsets(%dma_start3A_350 : memref<256xi32, #tpu.memory_space<vmem>>) semaphore(%arg15 : memref<!tpu.dma_semaphore, #tpu.memory_space<semaphore_mem>>) {add = true}
    }
    %scan3A_71 = arith.constant 20 : i32
    %dma_wait3A = arith.constant 2 : i32
    %dma_wait3A_72 = arith.constant 0 : i32
    %dma_wait3A_73 = tpu.memref_slice %arg7[%dma_wait3A, %dma_wait3A_72] : memref<4x256xi32, #tpu.memory_space<vmem>> -> memref<1x256xi32, #tpu.memory_space<vmem>>
    %dma_wait3A_74 = tpu.memref_squeeze %dma_wait3A_73 : memref<1x256xi32, #tpu.memory_space<vmem>> -> memref<256xi32, #tpu.memory_space<vmem>>
    %dma_wait3A_75 = arith.constant 0 : i32
    %dma_wait3A_76 = arith.constant 0 : i32
    %dma_wait3A_77 = tpu.memref_slice %arg11[%dma_wait3A_75, %dma_wait3A_76] : memref<10240x64xf32, #tpu.memory_space<vmem_shared>> -> memref<10240x64xf32, #tpu.memory_space<vmem_shared>>
    tpu.wait_indirect_dma semaphore(%arg14 : memref<!tpu.dma_semaphore, #tpu.memory_space<semaphore_mem>>) src(%arg8 : memref<256x64xf32, #tpu.memory_space<vmem>>) dst(%dma_wait3A_77 : memref<10240x64xf32, #tpu.memory_space<vmem_shared>>)
    %dma_wait3A_78 = arith.constant 3 : i32
    %dma_wait3A_79 = arith.constant 0 : i32
    %dma_wait3A_80 = tpu.memref_slice %arg7[%dma_wait3A_78, %dma_wait3A_79] : memref<4x256xi32, #tpu.memory_space<vmem>> -> memref<1x256xi32, #tpu.memory_space<vmem>>
    %dma_wait3A_81 = tpu.memref_squeeze %dma_wait3A_80 : memref<1x256xi32, #tpu.memory_space<vmem>> -> memref<256xi32, #tpu.memory_space<vmem>>
    %dma_wait3A_82 = arith.constant 0 : i32
    %dma_wait3A_83 = arith.constant 0 : i32
    %dma_wait3A_84 = tpu.memref_slice %arg11[%dma_wait3A_82, %dma_wait3A_83] : memref<10240x64xf32, #tpu.memory_space<vmem_shared>> -> memref<10240x64xf32, #tpu.memory_space<vmem_shared>>
    tpu.wait_indirect_dma semaphore(%arg15 : memref<!tpu.dma_semaphore, #tpu.memory_space<semaphore_mem>>) src(%arg9 : memref<256x64xf32, #tpu.memory_space<vmem>>) dst(%dma_wait3A_84 : memref<10240x64xf32, #tpu.memory_space<vmem_shared>>)
    %barrier3A_85 = arith.constant 0 : index
    tpu.barrier barrier_id(%barrier3A_85)
    %eq3A_86 = arith.constant 0 : i32
    %eq3A_87 = arith.cmpi eq, %arg0, %eq3A_86 : i32
    %convert_element_type3A_88 = arith.extui %eq3A_87 : i1 to i32
    %cond3A_89 = arith.constant 0 : i32
    %cond3A_90 = arith.cmpi ne, %convert_element_type3A_88, %cond3A_89 : i32
    scf.if %cond3A_90 {
      %mul3A_96 = arith.constant 640 : i32
      %mul3A_97 = arith.muli %arg1, %mul3A_96 : i32
      %mul3A_98 = arith.constant 640 : i32
      %mul3A_99 = arith.muli %arg1, %mul3A_98 : i32
      "tpu.region"() ({
        %run_scoped3A = tpu.sem_alloc : memref<!tpu.dma_semaphore, #tpu.memory_space<semaphore_mem>>
        %dma_start3A_100 = arith.constant 0 : i32
        %dma_start3A_101 = tpu.memref_slice %arg5[%mul3A_99, %dma_start3A_100] : memref<10240x128xf32, #tpu.memory_space<hbm>> -> memref<640x64xf32, #tpu.memory_space<hbm>>
        %dma_start3A_102 = arith.constant 0 : i32
        %dma_start3A_103 = tpu.memref_slice %arg11[%mul3A_97, %dma_start3A_102] : memref<10240x64xf32, #tpu.memory_space<vmem_shared>> -> memref<640x64xf32, #tpu.memory_space<vmem_shared>>
        tpu.enqueue_dma source(%dma_start3A_103 : memref<640x64xf32, #tpu.memory_space<vmem_shared>>) target(%dma_start3A_101 : memref<640x64xf32, #tpu.memory_space<hbm>>) target_semaphore(%run_scoped3A : memref<!tpu.dma_semaphore, #tpu.memory_space<semaphore_mem>>)
        %dma_wait3A_104 = arith.constant 0 : i32
        %dma_wait3A_105 = tpu.memref_slice %arg5[%mul3A_99, %dma_wait3A_104] : memref<10240x128xf32, #tpu.memory_space<hbm>> -> memref<640x64xf32, #tpu.memory_space<hbm>>
        %dma_wait3A_106 = arith.constant 0 : i32
        %dma_wait3A_107 = tpu.memref_slice %arg11[%mul3A_97, %dma_wait3A_106] : memref<10240x64xf32, #tpu.memory_space<vmem_shared>> -> memref<640x64xf32, #tpu.memory_space<vmem_shared>>
        tpu.wait_dma2 semaphore(%run_scoped3A : memref<!tpu.dma_semaphore, #tpu.memory_space<semaphore_mem>>) src(%dma_wait3A_107 : memref<640x64xf32, #tpu.memory_space<vmem_shared>>) dst(%dma_wait3A_105 : memref<640x64xf32, #tpu.memory_space<hbm>>)
        tpu.yield
      }) : () -> ()
    } else {
    }
    %eq3A_91 = arith.constant 1 : i32
    %eq3A_92 = arith.cmpi eq, %arg0, %eq3A_91 : i32
    %convert_element_type3A_93 = arith.extui %eq3A_92 : i1 to i32
    %cond3A_94 = arith.constant 0 : i32
    %cond3A_95 = arith.cmpi ne, %convert_element_type3A_93, %cond3A_94 : i32
    scf.if %cond3A_95 {
      %mul3A_96 = arith.constant 640 : i32
      %mul3A_97 = arith.muli %arg1, %mul3A_96 : i32
      %mul3A_98 = arith.constant 640 : i32
      %mul3A_99 = arith.muli %arg1, %mul3A_98 : i32
      "tpu.region"() ({
        %run_scoped3A = tpu.sem_alloc : memref<!tpu.dma_semaphore, #tpu.memory_space<semaphore_mem>>
        %dma_start3A_100 = arith.constant 64 : i32
        %dma_start3A_101 = tpu.memref_slice %arg5[%mul3A_99, %dma_start3A_100] : memref<10240x128xf32, #tpu.memory_space<hbm>> -> memref<640x64xf32, #tpu.memory_space<hbm>>
        %dma_start3A_102 = arith.constant 0 : i32
        %dma_start3A_103 = tpu.memref_slice %arg11[%mul3A_97, %dma_start3A_102] : memref<10240x64xf32, #tpu.memory_space<vmem_shared>> -> memref<640x64xf32, #tpu.memory_space<vmem_shared>>
        tpu.enqueue_dma source(%dma_start3A_103 : memref<640x64xf32, #tpu.memory_space<vmem_shared>>) target(%dma_start3A_101 : memref<640x64xf32, #tpu.memory_space<hbm>>) target_semaphore(%run_scoped3A : memref<!tpu.dma_semaphore, #tpu.memory_space<semaphore_mem>>)
        %dma_wait3A_104 = arith.constant 64 : i32
        %dma_wait3A_105 = tpu.memref_slice %arg5[%mul3A_99, %dma_wait3A_104] : memref<10240x128xf32, #tpu.memory_space<hbm>> -> memref<640x64xf32, #tpu.memory_space<hbm>>
        %dma_wait3A_106 = arith.constant 0 : i32
        %dma_wait3A_107 = tpu.memref_slice %arg11[%mul3A_97, %dma_wait3A_106] : memref<10240x64xf32, #tpu.memory_space<vmem_shared>> -> memref<640x64xf32, #tpu.memory_space<vmem_shared>>
        tpu.wait_dma2 semaphore(%run_scoped3A : memref<!tpu.dma_semaphore, #tpu.memory_space<semaphore_mem>>) src(%dma_wait3A_107 : memref<640x64xf32, #tpu.memory_space<vmem_shared>>) dst(%dma_wait3A_105 : memref<640x64xf32, #tpu.memory_space<hbm>>)
        tpu.yield
      }) : () -> ()
    } else {
    }
    return
  }
}

module attributes {stable_mosaic.version = 14 : i64} {
  func.func @_tc_pad_body(%arg0: memref<2x320000xi32, #tpu.memory_space<vmem>>, %arg1: memref<2x327680xi32, #tpu.memory_space<vmem>>) attributes {dimension_semantics = [], scalar_prefetch = 0 : i64, scratch_operands = 0 : i64, tpu.core_type = #tpu.core_type<tc>} {
    %get3A = arith.constant 0 : index
    %get3A_0 = arith.constant 0 : index
    %get3A_1 = vector.load %arg0[%get3A, %get3A_0] : memref<2x320000xi32, #tpu.memory_space<vmem>>, vector<2x320000xi32>
    %swap3A = arith.constant 0 : index
    %swap3A_2 = arith.constant 0 : index
    %swap3A_3 = vector.load %arg1[%swap3A, %swap3A_2] : memref<2x327680xi32, #tpu.memory_space<vmem>>, vector<2x320000xi32>
    tpu.vector_store %arg1[%swap3A, %swap3A_2], %get3A_1 {strides = array<i32>} : memref<2x327680xi32, #tpu.memory_space<vmem>>, vector<2x320000xi32>,
    %broadcast_in_dim3A = arith.constant 10000 : i32
    %broadcast_in_dim3A_4 = vector.broadcast %broadcast_in_dim3A : i32 to vector<2x7680xi32>
    %swap3A_5 = arith.constant 0 : index
    %swap3A_6 = arith.constant 320000 : index
    %swap3A_7 = vector.load %arg1[%swap3A_5, %swap3A_6] : memref<2x327680xi32, #tpu.memory_space<vmem>>, vector<2x7680xi32>
    tpu.vector_store %arg1[%swap3A_5, %swap3A_6], %broadcast_in_dim3A_4 {strides = array<i32>} : memref<2x327680xi32, #tpu.memory_space<vmem>>, vector<2x7680xi32>,
    return
  }
}

module attributes {stable_mosaic.version = 14 : i64} {
  func.func @_tc_m_body(%arg0: i32, %arg1: memref<1280x70xf32, #tpu.memory_space<vmem>>, %arg2: memref<70x128xf32, #tpu.memory_space<vmem>>, %arg3: memref<1x128xf32, #tpu.memory_space<vmem>>, %arg4: memref<128x128xf32, #tpu.memory_space<vmem>>, %arg5: memref<1x128xf32, #tpu.memory_space<vmem>>, %arg6: memref<1280x128xf32, #tpu.memory_space<vmem>>) attributes {dimension_semantics = [#tpu.dimension_semantics<arbitrary>], iteration_bounds = array<i64: 8>, scalar_prefetch = 0 : i64, scratch_operands = 0 : i64, tpu.core_type = #tpu.core_type<tc>, window_params = [{transform_indices = @transform_0, window_bounds = array<i64: 1280, 70>}, {pipeline_mode = #tpu.pipeline_mode<synchronous>, transform_indices = @transform_1, window_bounds = array<i64: 70, 128>}, {pipeline_mode = #tpu.pipeline_mode<synchronous>, transform_indices = @transform_2, window_bounds = array<i64: 1, 128>}, {pipeline_mode = #tpu.pipeline_mode<synchronous>, transform_indices = @transform_3, window_bounds = array<i64: 128, 128>}, {pipeline_mode = #tpu.pipeline_mode<synchronous>, transform_indices = @transform_4, window_bounds = array<i64: 1, 128>}, {transform_indices = @transform_5, window_bounds = array<i64: 1280, 128>}]} {
    %get3A = arith.constant 0 : index
    %get3A_0 = arith.constant 0 : index
    %get3A_1 = vector.load %arg1[%get3A, %get3A_0] : memref<1280x70xf32, #tpu.memory_space<vmem>>, vector<1280x70xf32>
    %get3A_2 = arith.constant 0 : index
    %get3A_3 = arith.constant 0 : index
    %get3A_4 = vector.load %arg2[%get3A_2, %get3A_3] : memref<70x128xf32, #tpu.memory_space<vmem>>, vector<70x128xf32>
    %dot_general3A = arith.constant dense<0.000000e+00> : vector<1280x128xf32>
    %dot_general3A_5 = tpu.matmul %get3A_1, %get3A_4, %dot_general3A {dimension_numbers = #tpu.dot_dimension_numbers<[1], [0], [0], [1], [0, 0, 1, 1], [], []>, transpose_lhs_hint = false} : vector<1280x70xf32>, vector<70x128xf32>, vector<1280x128xf32> -> vector<1280x128xf32>
    %get3A_6 = arith.constant 0 : index
    %get3A_7 = arith.constant 0 : index
    %get3A_8 = vector.load %arg3[%get3A_6, %get3A_7] : memref<1x128xf32, #tpu.memory_space<vmem>>, vector<1x128xf32>
    %add3A = vector.broadcast %get3A_8 : vector<1x128xf32> to vector<1280x128xf32>
    %add3A_9 = arith.addf %dot_general3A_5, %add3A : vector<1280x128xf32>
    %get3A_10 = arith.constant 0 : index
    %get3A_11 = arith.constant 0 : index
    %get3A_12 = vector.load %arg4[%get3A_10, %get3A_11] : memref<128x128xf32, #tpu.memory_space<vmem>>, vector<128x128xf32>
    %dot_general3A_13 = arith.constant dense<0.000000e+00> : vector<1280x128xf32>
    %dot_general3A_14 = tpu.matmul %add3A_9, %get3A_12, %dot_general3A_13 {dimension_numbers = #tpu.dot_dimension_numbers<[1], [0], [0], [1], [0, 0, 1, 1], [], []>, transpose_lhs_hint = false} : vector<1280x128xf32>, vector<128x128xf32>, vector<1280x128xf32> -> vector<1280x128xf32>
    %get3A_15 = arith.constant 0 : index
    %get3A_16 = arith.constant 0 : index
    %get3A_17 = vector.load %arg5[%get3A_15, %get3A_16] : memref<1x128xf32, #tpu.memory_space<vmem>>, vector<1x128xf32>
    %add3A_18 = vector.broadcast %get3A_17 : vector<1x128xf32> to vector<1280x128xf32>
    %add3A_19 = arith.addf %dot_general3A_14, %add3A_18 : vector<1280x128xf32>
    %swap3A = arith.constant 0 : index
    %swap3A_20 = arith.constant 0 : index
    %swap3A_21 = vector.load %arg6[%swap3A, %swap3A_20] : memref<1280x128xf32, #tpu.memory_space<vmem>>, vector<1280x128xf32>
    tpu.vector_store %arg6[%swap3A, %swap3A_20], %add3A_19 {strides = array<i32>} : memref<1280x128xf32, #tpu.memory_space<vmem>>, vector<1280x128xf32>,
    return
  }
  func.func @transform_0(%arg0: i32) -> (i32, i32) {
    %c0_i32 = arith.constant 0 : i32
    %c0_i32_0 = arith.constant 0 : i32
    return %arg0, %c0_i32 : i32, i32
  }
  func.func @transform_1(%arg0: i32) -> (i32, i32) {
    %c0_i32 = arith.constant 0 : i32
    %c0_i32_0 = arith.constant 0 : i32
    %c0_i32_1 = arith.constant 0 : i32
    return %c0_i32, %c0_i32_0 : i32, i32
  }
  func.func @transform_2(%arg0: i32) -> (i32, i32) {
    %c0_i32 = arith.constant 0 : i32
    %c0_i32_0 = arith.constant 0 : i32
    %c0_i32_1 = arith.constant 0 : i32
    return %c0_i32, %c0_i32_0 : i32, i32
  }
  func.func @transform_3(%arg0: i32) -> (i32, i32) {
    %c0_i32 = arith.constant 0 : i32
    %c0_i32_0 = arith.constant 0 : i32
    %c0_i32_1 = arith.constant 0 : i32
    return %c0_i32, %c0_i32_0 : i32, i32
  }
  func.func @transform_4(%arg0: i32) -> (i32, i32) {
    %c0_i32 = arith.constant 0 : i32
    %c0_i32_0 = arith.constant 0 : i32
    %c0_i32_1 = arith.constant 0 : i32
    return %c0_i32, %c0_i32_0 : i32, i32
  }
  func.func @transform_5(%arg0: i32) -> (i32, i32) {
    %c0_i32 = arith.constant 0 : i32
    %c0_i32_0 = arith.constant 0 : i32
    return %arg0, %c0_i32 : i32, i32
  }
}

module attributes {stable_mosaic.version = 14 : i64} {
  func.func @_tc_scale_body(%arg0: i32, %arg1: memref<1280x128xf32, #tpu.memory_space<vmem>>, %arg2: memref<1280x128xf32, #tpu.memory_space<vmem>>, %arg3: memref<1280x128xf32, #tpu.memory_space<vmem>>) attributes {dimension_semantics = [#tpu.dimension_semantics<arbitrary>], iteration_bounds = array<i64: 8>, scalar_prefetch = 0 : i64, scratch_operands = 0 : i64, tpu.core_type = #tpu.core_type<tc>, window_params = [{transform_indices = @transform_0, window_bounds = array<i64: 1280, 128>}, {transform_indices = @transform_1, window_bounds = array<i64: 1280, 128>}, {transform_indices = @transform_2, window_bounds = array<i64: 1280, 128>}]} {
    %get3A = arith.constant 0 : index
    %get3A_0 = arith.constant 0 : index
    %get3A_1 = vector.load %arg2[%get3A, %get3A_0] : memref<1280x128xf32, #tpu.memory_space<vmem>>, vector<1280x1xf32>
    %add3A = arith.constant 1.000000e+00 : f32
    %add3A_2 = vector.broadcast %add3A : f32 to vector<1280x1xf32>
    %add3A_3 = arith.addf %add3A_2, %get3A_1 : vector<1280x1xf32>
    %get3A_4 = arith.constant 0 : index
    %get3A_5 = arith.constant 16 : index
    %get3A_6 = vector.load %arg2[%get3A_4, %get3A_5] : memref<1280x128xf32, #tpu.memory_space<vmem>>, vector<1280x1xf32>
    %add3A_7 = arith.addf %add3A_3, %get3A_6 : vector<1280x1xf32>
    %rsqrt3A = math.rsqrt %add3A_7 : vector<1280x1xf32>
    %get3A_8 = arith.constant 0 : index
    %get3A_9 = arith.constant 0 : index
    %get3A_10 = vector.load %arg1[%get3A_8, %get3A_9] : memref<1280x128xf32, #tpu.memory_space<vmem>>, vector<1280x128xf32>
    %mul3A = vector.broadcast %rsqrt3A : vector<1280x1xf32> to vector<1280x128xf32>
    %mul3A_11 = arith.mulf %mul3A, %get3A_10 : vector<1280x128xf32>
    %swap3A = arith.constant 0 : index
    %swap3A_12 = arith.constant 0 : index
    %swap3A_13 = vector.load %arg3[%swap3A, %swap3A_12] : memref<1280x128xf32, #tpu.memory_space<vmem>>, vector<1280x128xf32>
    tpu.vector_store %arg3[%swap3A, %swap3A_12], %mul3A_11 {strides = array<i32>} : memref<1280x128xf32, #tpu.memory_space<vmem>>, vector<1280x128xf32>,
    return
  }
  func.func @transform_0(%arg0: i32) -> (i32, i32) {
    %c0_i32 = arith.constant 0 : i32
    %c0_i32_0 = arith.constant 0 : i32
    return %arg0, %c0_i32 : i32, i32
  }
  func.func @transform_1(%arg0: i32) -> (i32, i32) {
    %c0_i32 = arith.constant 0 : i32
    %c0_i32_0 = arith.constant 0 : i32
    return %arg0, %c0_i32 : i32, i32
  }
  func.func @transform_2(%arg0: i32) -> (i32, i32) {
    %c0_i32 = arith.constant 0 : i32
    %c0_i32_0 = arith.constant 0 : i32
    return %arg0, %c0_i32 : i32, i32
  }
}

module attributes {stable_mosaic.version = 14 : i64} {
  func.func @_tc_b_body(%arg0: i32, %arg1: memref<1280x128xf32, #tpu.memory_space<vmem>>, %arg2: memref<1280x128xf32, #tpu.memory_space<vmem>>, %arg3: memref<1280x128xf32, #tpu.memory_space<vmem>>, %arg4: memref<128x128xf32, #tpu.memory_space<vmem>>, %arg5: memref<1x128xf32, #tpu.memory_space<vmem>>, %arg6: memref<1280x128xf32, #tpu.memory_space<vmem>>) attributes {dimension_semantics = [#tpu.dimension_semantics<arbitrary>], iteration_bounds = array<i64: 8>, scalar_prefetch = 0 : i64, scratch_operands = 0 : i64, tpu.core_type = #tpu.core_type<tc>, window_params = [{transform_indices = @transform_0, window_bounds = array<i64: 1280, 128>}, {transform_indices = @transform_1, window_bounds = array<i64: 1280, 128>}, {transform_indices = @transform_2, window_bounds = array<i64: 1280, 128>}, {pipeline_mode = #tpu.pipeline_mode<synchronous>, transform_indices = @transform_3, window_bounds = array<i64: 128, 128>}, {pipeline_mode = #tpu.pipeline_mode<synchronous>, transform_indices = @transform_4, window_bounds = array<i64: 1, 128>}, {transform_indices = @transform_5, window_bounds = array<i64: 1280, 128>}]} {
    %get3A = arith.constant 0 : index
    %get3A_0 = arith.constant 0 : index
    %get3A_1 = vector.load %arg3[%get3A, %get3A_0] : memref<1280x128xf32, #tpu.memory_space<vmem>>, vector<1280x1xf32>
    %add3A = arith.constant 1.000000e+00 : f32
    %add3A_2 = vector.broadcast %add3A : f32 to vector<1280x1xf32>
    %add3A_3 = arith.addf %add3A_2, %get3A_1 : vector<1280x1xf32>
    %get3A_4 = arith.constant 0 : index
    %get3A_5 = arith.constant 16 : index
    %get3A_6 = vector.load %arg3[%get3A_4, %get3A_5] : memref<1280x128xf32, #tpu.memory_space<vmem>>, vector<1280x1xf32>
    %add3A_7 = arith.addf %add3A_3, %get3A_6 : vector<1280x1xf32>
    %rsqrt3A = math.rsqrt %add3A_7 : vector<1280x1xf32>
    %get3A_8 = arith.constant 0 : index
    %get3A_9 = arith.constant 0 : index
    %get3A_10 = vector.load %arg1[%get3A_8, %get3A_9] : memref<1280x128xf32, #tpu.memory_space<vmem>>, vector<1280x128xf32>
    %get3A_11 = arith.constant 0 : index
    %get3A_12 = arith.constant 0 : index
    %get3A_13 = vector.load %arg2[%get3A_11, %get3A_12] : memref<1280x128xf32, #tpu.memory_space<vmem>>, vector<1280x128xf32>
    %add3A_14 = arith.addf %get3A_10, %get3A_13 : vector<1280x128xf32>
    %mul3A = vector.broadcast %rsqrt3A : vector<1280x1xf32> to vector<1280x128xf32>
    %mul3A_15 = arith.mulf %mul3A, %add3A_14 : vector<1280x128xf32>
    %max3A = arith.constant 0.000000e+00 : f32
    %max3A_16 = vector.broadcast %max3A : f32 to vector<1280x128xf32>
    %max3A_17 = arith.maximumf %mul3A_15, %max3A_16 : vector<1280x128xf32>
    %get3A_18 = arith.constant 0 : index
    %get3A_19 = arith.constant 0 : index
    %get3A_20 = vector.load %arg4[%get3A_18, %get3A_19] : memref<128x128xf32, #tpu.memory_space<vmem>>, vector<128x128xf32>
    %dot_general3A = arith.constant dense<0.000000e+00> : vector<1280x128xf32>
    %dot_general3A_21 = tpu.matmul %max3A_17, %get3A_20, %dot_general3A {dimension_numbers = #tpu.dot_dimension_numbers<[1], [0], [0], [1], [0, 0, 1, 1], [], []>, transpose_lhs_hint = false} : vector<1280x128xf32>, vector<128x128xf32>, vector<1280x128xf32> -> vector<1280x128xf32>
    %get3A_22 = arith.constant 0 : index
    %get3A_23 = arith.constant 0 : index
    %get3A_24 = vector.load %arg5[%get3A_22, %get3A_23] : memref<1x128xf32, #tpu.memory_space<vmem>>, vector<1x128xf32>
    %add3A_25 = vector.broadcast %get3A_24 : vector<1x128xf32> to vector<1280x128xf32>
    %add3A_26 = arith.addf %dot_general3A_21, %add3A_25 : vector<1280x128xf32>
    %mul3A_27 = vector.broadcast %rsqrt3A : vector<1280x1xf32> to vector<1280x128xf32>
    %mul3A_28 = arith.mulf %mul3A_27, %add3A_26 : vector<1280x128xf32>
    %swap3A = arith.constant 0 : index
    %swap3A_29 = arith.constant 0 : index
    %swap3A_30 = vector.load %arg6[%swap3A, %swap3A_29] : memref<1280x128xf32, #tpu.memory_space<vmem>>, vector<1280x128xf32>
    tpu.vector_store %arg6[%swap3A, %swap3A_29], %mul3A_28 {strides = array<i32>} : memref<1280x128xf32, #tpu.memory_space<vmem>>, vector<1280x128xf32>,
    return
  }
  func.func @transform_0(%arg0: i32) -> (i32, i32) {
    %c0_i32 = arith.constant 0 : i32
    %c0_i32_0 = arith.constant 0 : i32
    return %arg0, %c0_i32 : i32, i32
  }
  func.func @transform_1(%arg0: i32) -> (i32, i32) {
    %c0_i32 = arith.constant 0 : i32
    %c0_i32_0 = arith.constant 0 : i32
    return %arg0, %c0_i32 : i32, i32
  }
  func.func @transform_2(%arg0: i32) -> (i32, i32) {
    %c0_i32 = arith.constant 0 : i32
    %c0_i32_0 = arith.constant 0 : i32
    return %arg0, %c0_i32 : i32, i32
  }
  func.func @transform_3(%arg0: i32) -> (i32, i32) {
    %c0_i32 = arith.constant 0 : i32
    %c0_i32_0 = arith.constant 0 : i32
    %c0_i32_1 = arith.constant 0 : i32
    return %c0_i32, %c0_i32_0 : i32, i32
  }
  func.func @transform_4(%arg0: i32) -> (i32, i32) {
    %c0_i32 = arith.constant 0 : i32
    %c0_i32_0 = arith.constant 0 : i32
    %c0_i32_1 = arith.constant 0 : i32
    return %c0_i32, %c0_i32_0 : i32, i32
  }
  func.func @transform_5(%arg0: i32) -> (i32, i32) {
    %c0_i32 = arith.constant 0 : i32
    %c0_i32_0 = arith.constant 0 : i32
    return %arg0, %c0_i32 : i32, i32
  }
}

module attributes {stable_mosaic.version = 14 : i64} {
  func.func @_tc_c_body(%arg0: i32, %arg1: memref<1280x128xf32, #tpu.memory_space<vmem>>, %arg2: memref<1280x128xf32, #tpu.memory_space<vmem>>, %arg3: memref<1280x128xf32, #tpu.memory_space<vmem>>, %arg4: memref<1280x1xi32, #tpu.memory_space<vmem>>, %arg5: memref<256x128xf32, #tpu.memory_space<vmem>>) attributes {dimension_semantics = [#tpu.dimension_semantics<arbitrary>], iteration_bounds = array<i64: 8>, scalar_prefetch = 0 : i64, scratch_operands = 0 : i64, tpu.core_type = #tpu.core_type<tc>, window_params = [{transform_indices = @transform_0, window_bounds = array<i64: 1280, 128>}, {transform_indices = @transform_1, window_bounds = array<i64: 1280, 128>}, {transform_indices = @transform_2, window_bounds = array<i64: 1280, 128>}, {transform_indices = @transform_3, window_bounds = array<i64: 1280, 1>}, {pipeline_mode = #tpu.pipeline_mode<synchronous>, transform_indices = @transform_4, window_bounds = array<i64: 256, 128>}]} {
    %get3A = arith.constant 0 : index
    %get3A_0 = arith.constant 0 : index
    %get3A_1 = vector.load %arg3[%get3A, %get3A_0] : memref<1280x128xf32, #tpu.memory_space<vmem>>, vector<1280x1xf32>
    %add3A = arith.constant 1.000000e+00 : f32
    %add3A_2 = vector.broadcast %add3A : f32 to vector<1280x1xf32>
    %add3A_3 = arith.addf %add3A_2, %get3A_1 : vector<1280x1xf32>
    %get3A_4 = arith.constant 0 : index
    %get3A_5 = arith.constant 16 : index
    %get3A_6 = vector.load %arg3[%get3A_4, %get3A_5] : memref<1280x128xf32, #tpu.memory_space<vmem>>, vector<1280x1xf32>
    %add3A_7 = arith.addf %add3A_3, %get3A_6 : vector<1280x1xf32>
    %rsqrt3A = math.rsqrt %add3A_7 : vector<1280x1xf32>
    %get3A_8 = arith.constant 0 : index
    %get3A_9 = arith.constant 0 : index
    %get3A_10 = vector.load %arg4[%get3A_8, %get3A_9] : memref<1280x1xi32, #tpu.memory_space<vmem>>, vector<1280x1xi32>
    %lt3A = arith.constant 256 : i32
    %lt3A_11 = vector.broadcast %lt3A : i32 to vector<1280x1xi32>
    %lt3A_12 = arith.cmpi slt, %get3A_10, %lt3A_11 : vector<1280x1xi32>
    %get3A_13 = arith.constant 0 : index
    %get3A_14 = arith.constant 0 : index
    %get3A_15 = vector.load %arg1[%get3A_13, %get3A_14] : memref<1280x128xf32, #tpu.memory_space<vmem>>, vector<1280x128xf32>
    %get3A_16 = arith.constant 0 : index
    %get3A_17 = arith.constant 0 : index
    %get3A_18 = vector.load %arg2[%get3A_16, %get3A_17] : memref<1280x128xf32, #tpu.memory_space<vmem>>, vector<1280x128xf32>
    %add3A_19 = arith.addf %get3A_15, %get3A_18 : vector<1280x128xf32>
    %mul3A = vector.broadcast %rsqrt3A : vector<1280x1xf32> to vector<1280x128xf32>
    %mul3A_20 = arith.mulf %mul3A, %add3A_19 : vector<1280x128xf32>
    %jit3A = arith.constant 0.000000e+00 : f32
    %broadcast_in_dim3A = vector.shape_cast %lt3A_12 : vector<1280x1xi1> to vector<1280x1xi1>
    %broadcast_in_dim3A_21 = vector.broadcast %broadcast_in_dim3A : vector<1280x1xi1> to vector<1280x128xi1>
    %broadcast_in_dim3A_22 = vector.broadcast %jit3A : f32 to vector<1280x128xf32>
    %select_n3A = arith.select %broadcast_in_dim3A_21, %mul3A_20, %broadcast_in_dim3A_22 : vector<1280x128xi1>, vector<1280x128xf32>
    %get3A_23 = arith.constant 0 : index
    %get3A_24 = arith.constant 0 : index
    %get3A_25 = vector.load %arg4[%get3A_23, %get3A_24] : memref<1280x1xi32, #tpu.memory_space<vmem>>, vector<1280x1xi32>
    %iota3A = tpu.iota {dimensions = array<i32: 1>} : vector<1280x256xi32>
    %eq3A = vector.broadcast %get3A_25 : vector<1280x1xi32> to vector<1280x256xi32>
    %eq3A_26 = arith.cmpi eq, %eq3A, %iota3A : vector<1280x256xi32>
    %convert_element_type3A = arith.extui %eq3A_26 : vector<1280x256xi1> to vector<1280x256xi32>
    %convert_element_type3A_27 = arith.sitofp %convert_element_type3A : vector<1280x256xi32> to vector<1280x256xf32>
    %dot_general3A = arith.constant dense<0.000000e+00> : vector<256x128xf32>
    %dot_general3A_28 = tpu.matmul %convert_element_type3A_27, %select_n3A, %dot_general3A {dimension_numbers = #tpu.dot_dimension_numbers<[0], [0], [1], [1], [0, 1, 1, 1], [], []>, transpose_lhs_hint = false} : vector<1280x256xf32>, vector<1280x128xf32>, vector<256x128xf32> -> vector<256x128xf32>
    %eq3A_29 = arith.constant 0 : i32
    %eq3A_30 = arith.cmpi eq, %arg0, %eq3A_29 : i32
    %convert_element_type3A_31 = arith.extui %eq3A_30 : i1 to i32
    %cond3A = arith.constant 0 : i32
    %cond3A_32 = arith.cmpi ne, %convert_element_type3A_31, %cond3A : i32
    scf.if %cond3A_32 {
      %broadcast_in_dim3A_39 = arith.constant 0.000000e+00 : f32
      %broadcast_in_dim3A_40 = vector.broadcast %broadcast_in_dim3A_39 : f32 to vector<256x128xf32>
      %swap3A_41 = arith.constant 0 : index
      %swap3A_42 = arith.constant 0 : index
      %swap3A_43 = vector.load %arg5[%swap3A_41, %swap3A_42] : memref<256x128xf32, #tpu.memory_space<vmem>>, vector<256x128xf32>
      tpu.vector_store %arg5[%swap3A_41, %swap3A_42], %broadcast_in_dim3A_40 {strides = array<i32>} : memref<256x128xf32, #tpu.memory_space<vmem>>, vector<256x128xf32>,
    } else {
    }
    %get3A_33 = arith.constant 0 : index
    %get3A_34 = arith.constant 0 : index
    %get3A_35 = vector.load %arg5[%get3A_33, %get3A_34] : memref<256x128xf32, #tpu.memory_space<vmem>>, vector<256x128xf32>
    %add3A_36 = arith.addf %get3A_35, %dot_general3A_28 : vector<256x128xf32>
    %swap3A = arith.constant 0 : index
    %swap3A_37 = arith.constant 0 : index
    %swap3A_38 = vector.load %arg5[%swap3A, %swap3A_37] : memref<256x128xf32, #tpu.memory_space<vmem>>, vector<256x128xf32>
    tpu.vector_store %arg5[%swap3A, %swap3A_37], %add3A_36 {strides = array<i32>} : memref<256x128xf32, #tpu.memory_space<vmem>>, vector<256x128xf32>,
    return
  }
  func.func @transform_0(%arg0: i32) -> (i32, i32) {
    %c0_i32 = arith.constant 0 : i32
    %c0_i32_0 = arith.constant 0 : i32
    return %arg0, %c0_i32 : i32, i32
  }
  func.func @transform_1(%arg0: i32) -> (i32, i32) {
    %c0_i32 = arith.constant 0 : i32
    %c0_i32_0 = arith.constant 0 : i32
    return %arg0, %c0_i32 : i32, i32
  }
  func.func @transform_2(%arg0: i32) -> (i32, i32) {
    %c0_i32 = arith.constant 0 : i32
    %c0_i32_0 = arith.constant 0 : i32
    return %arg0, %c0_i32 : i32, i32
  }
  func.func @transform_3(%arg0: i32) -> (i32, i32) {
    %c0_i32 = arith.constant 0 : i32
    %c0_i32_0 = arith.constant 0 : i32
    return %arg0, %c0_i32 : i32, i32
  }
  func.func @transform_4(%arg0: i32) -> (i32, i32) {
    %c0_i32 = arith.constant 0 : i32
    %c0_i32_0 = arith.constant 0 : i32
    %c0_i32_1 = arith.constant 0 : i32
    return %c0_i32, %c0_i32_0 : i32, i32
  }
}

</mosaic_0001>

<sc_bundles>
// kernel: kernel.12.cloned.1.call-start
scs
__scs_entry_jumppad:
0x0: {  	(pc) =	sbr.rel $0x88, $3  }
0x1: {  	(tag) =	ssettag $0x0;
	lr =	simm.s32 $0x1  }
0x2: {  	[smem:$0x3F96] =	sst lr;
	_ =	strace $0xD0000000  }
0x3: {  	_ = 	snop  }
0x4: {  	_ = 	snop  }
0x5: {  	_ = 	snop  }
0x6: {  	_ = 	snop  }
0x7: {  	_ = 	snop  }
__scs_overlays_trampoline_lowered:
0x8: {  	[smem:$0x3FA5] =	sst s0  }
0x9: {  	[smem:$0x3FA6] =	sst s1  }
0xa: {  	[smem:$0x3FA7] =	sst s2  }
0xb: {  	[smem:$0x3FA8] =	sst s3  }
0xc: {  	[smem:$0x3FA9] =	sst s4  }
0xd: {  	[smem:$0x3FAA] =	sst s5  }
0xe: {  	[smem:$0x3FAB] =	sst s6  }
0xf: {  	[smem:$0x3FAC] =	sst s7  }
0x10: {  	[smem:$0x3FAD] =	sst s8  }
0x11: {  	[smem:$0x3FAE] =	sst s9;
	s0 =	simm.s32 @!p0 $0x0  }
0x12: {  	s1 =	sld [smem:$0x3F94];
	s0 =	simm.s32 @p0 $0x1  }
0x13: {  	[smem:$0x3FAF] =	sst s0;
	s0 =	simm.s32 @!p1 $0x0  }
0x14: {  	s2 =	sld [smem:$0x3F93];
	s0 =	simm.s32 @p1 $0x1  }
0x15: {  	[smem:$0x3FB0] =	sst s0;
	s0 =	simm.s32 @!p2 $0x0  }
0x16: {  	s3 =	sld [smem:$0x3FDB];
	s0 =	simm.s32 @p2 $0x1  }
0x17: {  	s4 =	simm.s32 $0x1BF5;
	[smem:$0x3FB2] =	sst s0  }
0x18: {  	s0 =	sld [smem:$0x3F95];
	_ =	swait.ge [sflag:s4], $0x0  }
0x19: {  	s7 =	sld [smem:$0x3F96]  }
0x1a: {  	s8 =	sadd.s32 $0xFFFFE003, lr  }
0x1b: {  	s9 =	sadd.s32 $0xFFFFFEF7, lr;
	s5 =	simm.s32 $0xFFFFFFFF;
	p2 =	slt.u32 s8, $0xFFFFF086  }
0x1c: {  	p1 =	slt.u32 s9, $0xF7A;
	s5 =	simm.s32 @!p2 $0x0  }
0x1d: {  	s5 =	simm.s32 @p1 $0x1;
	p0 =	seq.s32 s7, s2  }
0x1e: {  	s7 =	smul.u32 @!p0 $0xF7A, s2;
	p2 =	seq.s32 @!p0 s5, $0x0  }
0x1f: {  	s9 =	smul.u32 $0xF7A, s1;
	s8 =	simm.s32 @!p0 $0x1BF5;
	p2 =	por !p2, p0  }
0x20: {  	[sflag:s8] =	ssyncset.s32 @!p0 $0xFFFFF086;
	s6 =	sadd.s32 @!p0 s3, s7;
	s7 =	simm.s32 @!p0 $0x108  }
0x21: {  	s3 =	sadd.s32 s3, s9;
	s6 =	sadd.s32 @!p0 $0x88, s6;
	s7 =	simm.s32 @p2 $0x1082  }
0x22: {  	[simem:s7], [sflag:s8] =	dma.local @!p0 [hbm:s6], $0xF7A  }
0x23: {  	s9 =	sor.u32 $0xD0000000, s2;
	s6 =	simm.s32 $0x108;
	_ =	swait.ge @!p0 [sflag:s8], $0x0  }
0x24: {  	s3 =	sadd.s32 $0x88, s3;
	s6 =	simm.s32 @!p1 $0x1082;
	[sflag:s4] =	ssyncset.s32 $0xFFFFF086  }
0x25: {  	[simem:s6], [sflag:s4] =	dma.local [hbm:s3], $0xF7A  }
0x26: {  	[smem:$0x3F96] =	sst s1;
	(tag) =	ssettag s2;
	_ =	strace s9  }
0x27: {  	s1 =	sld [smem:$0x3FA6]  }
0x28: {  	s2 =	sld [smem:$0x3FA7]  }
0x29: {  	s4 =	sld [smem:$0x3FA9]  }
0x2a: {  	p0 =	seq.s32 s5, $0x0;
	s5 =	sld [smem:$0x3FAA]  }
0x2b: {  	s6 =	sld [smem:$0x3FAB]  }
0x2c: {  	s7 =	sld [smem:$0x3FAC]  }
0x2d: {  	s3 =	simm.s32 $0x108;
	s8 =	sld [smem:$0x3FAD]  }
0x2e: {  	s3 =	simm.s32 @!p0 $0x1082;
	s9 =	sld [smem:$0x3FAE]  }
0x2f: {  	lr =	sadd.s32 s0, s3;
	s0 =	sld [smem:$0x3FA5]  }
0x30: {  	s3 =	sld [smem:$0x3FA8]  }
0x31: {  	[smem:$0x3FB1] =	sst s10  }
0x32: {  	s10 =	sld [smem:$0x3FAF];
	_ =	sdelay $0x3  }
0x33: {  	p0 =	seq.s32 s10, $0x1;
	s10 =	sld [smem:$0x3FB1];
	_ =	sdelay $0x3  }
0x34: {  	[smem:$0x3FB1] =	sst s10  }
0x35: {  	s10 =	sld [smem:$0x3FB0];
	_ =	sdelay $0x3  }
0x36: {  	p1 =	seq.s32 s10, $0x1;
	s10 =	sld [smem:$0x3FB1];
	_ =	sdelay $0x3  }
0x37: {  	[smem:$0x3FB1] =	sst s10  }
0x38: {  	s10 =	sld [smem:$0x3FB2]  }
0x39: {  	_ = 	snop;
	(pc) =	sbr.ind lr, $3  }
0x3a: {  	_ = 	snop  }
0x3b: {  	_ = 	snop  }
0x3c: {  	p2 =	seq.s32 s10, $0x1;
	s10 =	sld [smem:$0x3FB1]  }
0x3d: {  	_ =	shalt  }
0x3e: {  	_ =	shalt  }
0x3f: {  	_ =	shalt  }
0x40: {  	_ =	shalt  }
0x41: {  	_ =	shalt  }
0x42: {  	_ =	shalt  }
0x43: {  	_ =	shalt  }
0x44: {  	_ =	shalt  }
0x45: {  	_ =	shalt  }
0x46: {  	_ =	shalt  }
0x47: {  	_ =	shalt  }
0x48: {  	_ =	shalt  }
0x49: {  	_ =	shalt  }
0x4a: {  	_ =	shalt  }
0x4b: {  	_ =	shalt  }
0x4c: {  	_ =	shalt  }
0x4d: {  	_ =	shalt  }
0x4e: {  	_ =	shalt  }
0x4f: {  	_ =	shalt  }
0x50: {  	_ =	shalt  }
0x51: {  	_ =	shalt  }
0x52: {  	_ =	shalt  }
0x53: {  	_ =	shalt  }
0x54: {  	_ =	shalt  }
0x55: {  	_ =	shalt  }
0x56: {  	_ =	shalt  }
0x57: {  	_ =	shalt  }
0x58: {  	_ =	shalt  }
0x59: {  	_ =	shalt  }
0x5a: {  	_ =	shalt  }
0x5b: {  	_ =	shalt  }
0x5c: {  	_ =	shalt  }
0x5d: {  	_ =	shalt  }
0x5e: {  	_ =	shalt  }
0x5f: {  	_ =	shalt  }
0x60: {  	_ =	shalt  }
0x61: {  	_ =	shalt  }
0x62: {  	_ =	shalt  }
0x63: {  	_ =	shalt  }
0x64: {  	_ =	shalt  }
0x65: {  	_ =	shalt  }
0x66: {  	_ =	shalt  }
0x67: {  	_ =	shalt  }
0x68: {  	_ =	shalt  }
0x69: {  	_ =	shalt  }
0x6a: {  	_ =	shalt  }
0x6b: {  	_ =	shalt  }
0x6c: {  	_ =	shalt  }
0x6d: {  	_ =	shalt  }
0x6e: {  	_ =	shalt  }
0x6f: {  	_ =	shalt  }
0x70: {  	_ =	shalt  }
0x71: {  	_ =	shalt  }
0x72: {  	_ =	shalt  }
0x73: {  	_ =	shalt  }
0x74: {  	_ =	shalt  }
0x75: {  	_ =	shalt  }
0x76: {  	_ =	shalt  }
0x77: {  	_ =	shalt  }
0x78: {  	_ =	shalt  }
0x79: {  	_ =	shalt  }
0x7a: {  	_ =	shalt  }
0x7b: {  	_ =	shalt  }
0x7c: {  	_ =	shalt  }
0x7d: {  	_ =	shalt  }
0x7e: {  	_ =	shalt  }
0x7f: {  	_ =	shalt  }
0x80: {  	_ =	shalt  }
0x81: {  	_ =	shalt  }
0x82: {  	_ =	shalt  }
0x83: {  	_ =	shalt  }
0x84: {  	_ =	shalt  }
0x85: {  	_ =	shalt  }
0x86: {  	_ =	shalt  }
0x87: {  	_ =	shalt  }
.Lfunc_end0:
.L_simem_size_0:
called_computation_lowered:
.L_overlay_start_0:
0x88: {  	s2 =	sld [smem:$0x3FD9]  }
0x89: {  	s3 =	sld [smem:$0x3FFE];
	_ =	sdelay $0x1  }
0x8a: {  	s1 =	srdreg.scid  }
0x8b: {  	s0 =	sand.u32 $0x1, s1  }
0x8c: {  	s17 =	sshll.u32 s0, $0xA;
	s2 =	sadd.s32 s3, s2  }
0x8d: {  	s2 =	sadd.s32 s2, s17  }
0x8e: {  	[smem:$0x3FBD] =	sst s2  }
0x8f: {  	_ = 	snop  }
0x90: {  	s2 =	sld [smem:$0x3FD0];
	(tm) =	ssettm $0x1  }
0x91: {  	s18 =	sld [smem:$0x3FFB];
	_ =	sdelay $0x3  }
0x92: {  	_ =	strace s18  }
0x93: {  	s3 =	sld [smem:$0x3FFC];
	_ =	sdelay $0x3  }
0x94: {  	_ =	strace s3  }
0x95: {  	s3 =	sld [smem:$0x3FFD];
	_ =	sdelay $0x3  }
0x96: {  	_ =	strace s3  }
0x97: {  	_ =	strace $0x8FFFFFFF  }
0x98: {  	s19 =	sld [smem:$0x3FDB];
	_ =	sdelay $0x1  }
0x99: {  	s4 =	simm.s32 $_scs_section_size  }
0x9a: {  	s5 =	simm.s32 $_size__tile_overlayer_lowered;
	s6 =	simm.s32 $_tile_overlayer_lowered  }
0x9b: {  	s22 =	simm.s32 $0x1BFF;
	s21 =	sshll.u32 s6, $0x1;
	s3 =	sadd.s32 s4, s19  }
0x9c: {  	s7 =	simm.s32 $0x0;
	s20 =	sshll.u32 s5, $0x1;
	s5 =	sadd.s32 s21, s3  }
0x9d: {  	[timem:s7], [sflag:s22] =	dma.local [hbm:s5], s20  }
0x9e: {  	_ =	swait.ge [sflag:s22], s20  }
0x9f: {  	s4 =	ssub.s32 $0x0, s20;
	[sflag:s22] =	ssyncset.done $0x0  }
0xa0: {  	[sflag:s22] =	ssyncadd.s32 s4;
	_ =	sdelay $0x1  }
0xa1: {  	s23 =	simm.s32 $0x1B8B  }
0xa2: {  	_ =	swait.ge [sflag:s23], $0x1  }
0xa3: {  	[sflag:s23] =	ssyncset.done $0x0  }
0xa4: {  	s25 =	simm.s32 $0x1B8E;
	s24 =	sld [smem:$0x3FFE];
	[sflag:s23] =	ssyncadd.s32 $0xFFFFFFFF  }
0xa5: {  	s26 =	simm.s32 $execute0_lowered;
	[smem:$0x3FD2] =	sst s25  }
0xa6: {  	s5 =	sshll.u32 s26, $0x1;
	_ =	strace $0x80000046;
	[dreg:$0x1] =	wrdreg $0xFFFFFFFF  }
0xa7: {  	s28 =	simm.s32 $_size_execute0_lowered;
	s3 =	sadd.s32 s3, s5;
	[dreg:$0x0] =	wrdreg $0x0  }
0xa8: {  	s5 =	sshll.u32 s28, $0x1;
	[dreg:$0x2] =	wrdreg s3  }
0xa9: {  	[dreg:$0x3] =	wrdreg s5  }
0xaa: {  	[dreg:$0x4] =	wrdreg $0xC0  }
0xab: {  	_ =	task [dreg:s7], $0x5FFFF  }
0xac: {  	[dreg:$0x1] =	wrdreg $0xFFFFFFFF  }
0xad: {  	[dreg:$0x0] =	wrdreg $0x60  }
0xae: {  	[dreg:$0x2] =	wrdreg s24  }
0xaf: {  	[dreg:$0x3] =	wrdreg s2  }
0xb0: {  	[dreg:$0x4] =	wrdreg $0x60000  }
0xb1: {  	[dreg:$0x5] =	wrdreg $0x9  }
0xb2: {  	_ =	task.clear_ibuf [dreg:s7], $0x6FFFF;
	_ =	strace $0x90000046  }
0xb3: {  	s29 =	simm.s32 $0x9;
	_ =	strace $0x80000048  }
0xb4: {  	_ =	swait.ge [sflag:s29], $0x1  }
0xb5: {  	[sflag:s29] =	ssyncadd.s32 $0xFFFFFFFF  }
0xb6: {  	_ =	strace $0x90000048  }
0xb7: {  	_ =	sfence  }
0xb8: {  	s30 =	sld [smem:$0x0];
	_ =	sdelay $0x2  }
0xb9: {  	s31 =	sshll.u32 s1, $0xD;
	s1 =	sshrl.u32 s1, $0x2  }
0xba: {  	s3 =	sand.u32 $0x4000, s31;
	s1 =	sadd.s32 s1, s30  }
0xbb: {  	s0 =	sor.u32 s3, s0;
	s1 =	sshll.u32 s1, $0x11  }
0xbc: {  	s0 =	sor.u32 s1, s0  }
0xbd: {  	s0 =	sadd.s32 $0x8F2B, s0  }
0xbe: {  	[sflag:s0] =	ssyncadd.remote.s32 $0x1  }
0xbf: {  	_ =	sfence.sel $0xFFFF  }
0xc0: {  	[dreg:$0x0] =	wrdreg $0xFFFFFFFF;
	(pc) =	sbr.abs _section_cstart, $3  }
0xc1: {  	[dreg:$0x1] =	wrdreg $0xFFFFFFFF  }
0xc2: {  	_ =	task.clear_ibuf [dreg:s7], $0x2FFFF;
	_ =	strace $0x9FFFFFFF  }
0xc3: {  	(tm) =	ssettm $0x7FFFFFFF  }
tec
execute0_lowered:
.L_overlay_start_1:
0x0: {  	(tag) =	ssettag $0x1  }
0x1: {  	s7 =	rddreg [dreg:$0x0]  }
0x2: {  	s1 =	rddreg [dreg:$0x1]  }
0x3: {  	s2 =	rddreg [dreg:$0x2]  }
0x4: {  	s0 =	rddreg [dreg:$0x3];
	s4 =	simm.s32 $0x0;
	s5 =	srdreg.scid  }
0x5: {  	s3 =	stileid.u32;
	s15 =	simm.s32 $0x10;
	s16 =	simm.s32 $0x2  }
0x6: {  	s17 =	simm.s32 $0x0;
	[smem:$0x7FF] =	sst s4;
	s9 =	smul.u32 $0xA000, s3  }
0x7: {  	s6 =	sshll.u32 s5, $0x1;
	s8 =	sand.u32 $0x1, s5;
	s12 =	smul.u32 $0x5000, s3  }
0x8: {  	s5 =	sadd.s32 $0x18000, s7;
	s28 =	sshll.u32 s3, $0x6;
	s30 =	smul.u32 $0x2800, s3  }
0x9: {  	_ =	strace $0x80000047;
	s6 =	sand.u32 $0x2, s6;
	s10 =	ssub.s32 $0x2, s8  }
0xa: {  	s14 =	smul.u32 $0xA000, s8;
	s11 =	sshrl.u32 s10, $0x1;
	s9 =	sshrl.u32 s9, $0x2  }
0xb: {  	s13 =	sadd.s32 s6, s7;
	s29 =	sshrl.u32 s12, $0x3;
	s6 =	sor.u32 $0x1C01, s28  }
0xc: {  	s12 =	simm.s32 $0x1;
	s10 =	ssub.s32 s10, s11;
	s26 =	sadd.s32 s9, s2  }
0xd: {  	s7 =	sadd.s32 s7, s29;
	s31 =	sadd.s32 s30, s13;
	s13 =	simm.s32 $0x5000  }
0xe: {  	s7 =	sadd.s32 $0xE000, s7;
	s8 =	smax.u32 s10, $0x1;
	s9 =	sadd.s32 $0x18200, s31  }
0xf: {  	s10 =	sshrl.u32 s14, $0x2;
	s11 =	sshrl.u32 s26, $0x3;
	s14 =	simm.s32 $0x100  }
.LBB2_1:
0x10: {  	[spmem:s11], [sflag:s6] =	dma.local [hbm:s1], $0x500  }
0x11: {  	_ =	swait.ge [sflag:s12], $0x500  }
0x12: {  	[sflag:s12] =	ssyncset.done $0x0  }
0x13: {  	[sflag:s12] =	ssyncadd.s32 $0xFFFFFB00  }
0x14: {  	[tilespmem:s13], [sflag:$0x1] =	stream.linear.gather [hbm4b:s5+s4], $0x1000, $0x38;
	[tilespmem:$0x8800] =	vst v63  }
0x15: {  	_ =	swait.ge [sflag:s12], $0x1000  }
0x16: {  	[sflag:s12] =	ssyncset.done $0x0  }
0x17: {  	[sflag:s12] =	ssyncadd.s32 $0xFFFFF000  }
0x18: {  	[tilespmem:s4], [sflag:$0x1] =	stream.linear.gather [hbm4b:s7+s4], $0x5000, $0x38;
	[tilespmem:$0x8800] =	vst v63  }
0x19: {  	_ =	swait.ge [sflag:s12], $0x5000  }
0x1a: {  	[sflag:s12] =	ssyncset.done $0x0  }
0x1b: {  	[sflag:s12] =	ssyncadd.s32 $0xFFFFB000  }
0x1c: {  	s18 =	sadd.s32 $0x0, s10;
	[bflag:$0x0] =	sbarrier.arrive $0xFFFF  }
0x1d: {  	[spmem:s2] =	stream.indirect.scatter.add.f32 [tilespmem:s13], [sflag:$0x1], $0x10, s18, s14, $0xb8;
	[tilespmem:$0x8800] =	vst v63  }
0x1e: {  	s18 =	simm.s32 $0x400;
	_ =	swait.ge [sflag:s12], $0x1000  }
.LBB2_2:
0x1f: {  	s19 =	sshra.s32 s18, $0x2;
	[sflag:s12] =	ssyncset.done $0x0;
	p0 =	sne.s32 s18, $0x9C00  }
.Ltmp0:
0x20: {  	s19 =	sadd.s32 s19, s10;
	[sflag:s12] =	ssyncadd.s32 $0xFFFFF000;
	(pc) =	sbr.rel @p0 .LBB2_2-.Ltmp0, $3  }
0x21: {  	[spmem:s2] =	stream.indirect.scatter.add.f32 [tilespmem:s13], [sflag:$0x1], $0x10, s19, s14, $0xb8;
	[tilespmem:$0x8800] =	vst v63  }
0x22: {  	s18 =	sadd.s32 $0x400, s18;
	_ =	sdelay $0x1  }
0x23: {  	_ =	swait.ge [sflag:s12], $0x1000  }
0x24: {  	[sflag:s12] =	ssyncset.done $0x0;
	s17 =	sadd.s32 $0x1, s17  }
0x25: {  	[sflag:s12] =	ssyncadd.s32 $0xFFFFF000;
	p0 =	sne.s32 s17, s8  }
.Ltmp1:
0x26: {  	[bflag:$0x0] =	sbarrier.arrive $0xFFFF;
	(pc) =	sbr.rel @p0 .LBB2_1-.Ltmp1, $4  }
0x27: {  	[hbm:s9@s15], [sflag:s6] =	dma.strided [spmem:s11@s16], $0x500, s12, $0x2   }
0x28: {  	_ =	swait.ge [sflag:s12], $0x500  }
0x29: {  	[sflag:s12] =	ssyncset.done $0x0  }
0x2a: {  	[sflag:s12] =	ssyncadd.s32 $0xFFFFFB00  }
0x2b: {  	_ =	sfence.sel $0x180000  }
0x2c: {  	[bflag:$0x0] =	sbarrier.arrive $0xFFFF  }
0x2d: {  	p0 =	sne.s32 s3, $0x0;
	_ =	strace $0x90000047  }
0x2e: {  	s0 =	sadd.s32 @!p0 $0x100000, s0;
	[bflag:$0x2] =	sbarrier.arrive $0xFFFF  }
0x2f: {  	[sflag:s0] =	ssyncadd.tile.s32 @!p0 $0x1;
	_ =	shalt  }
.Lfunc_end2:
_tile_overlayer_lowered:
.L_overlay_start_2:
0x30: {  	(tag) =	ssettag $0x2  }
0x31: {  	s0 =	rddreg [dreg:$0x0];
	s2 =	stileid.u32  }
0x32: {  	s1 =	rddreg [dreg:$0x1];
	p0 =	sne.s32 s2, $0x0  }
0x33: {  	s3 =	rddreg [dreg:$0x2];
	[bflag:$0x3] =	sbarrier.arrive $0xFFFF;
	s2 =	simm.s32 @!p0 $0x1C01  }
0x34: {  	[timem:s3], [sflag:s2] =	dma.local @!p0 [hbm:s0], s1  }
0x35: {  	s0 =	simm.s32 @!p0 $0x1  }
0x36: {  	_ =	swait.ge @!p0 [sflag:s0], s1  }
0x37: {  	s1 =	ssub.s32 @!p0 $0x0, s1;
	[sflag:s0] =	ssyncset.done @!p0 $0x0  }
0x38: {  	[sflag:s0] =	ssyncadd.s32 @!p0 s1  }
0x39: {  	[bflag:$0x3] =	sbarrier.arrive $0xFFFF  }
0x3a: {  	_ =	shalt  }

// kernel: kernel.15.cloned.1.call-start
scs
__scs_entry_jumppad:
0x0: {  	(pc) =	sbr.rel $0x88, $3  }
0x1: {  	(tag) =	ssettag $0x0;
	lr =	simm.s32 $0x1  }
0x2: {  	[smem:$0x3F96] =	sst lr;
	_ =	strace $0xD0000000  }
0x3: {  	_ = 	snop  }
0x4: {  	_ = 	snop  }
0x5: {  	_ = 	snop  }
0x6: {  	_ = 	snop  }
0x7: {  	_ = 	snop  }
__scs_overlays_trampoline_lowered:
0x8: {  	[smem:$0x3FA5] =	sst s0  }
0x9: {  	[smem:$0x3FA6] =	sst s1  }
0xa: {  	[smem:$0x3FA7] =	sst s2  }
0xb: {  	[smem:$0x3FA8] =	sst s3  }
0xc: {  	[smem:$0x3FA9] =	sst s4  }
0xd: {  	[smem:$0x3FAA] =	sst s5  }
0xe: {  	[smem:$0x3FAB] =	sst s6  }
0xf: {  	[smem:$0x3FAC] =	sst s7  }
0x10: {  	[smem:$0x3FAD] =	sst s8  }
0x11: {  	[smem:$0x3FAE] =	sst s9;
	s0 =	simm.s32 @!p0 $0x0  }
0x12: {  	s1 =	sld [smem:$0x3F94];
	s0 =	simm.s32 @p0 $0x1  }
0x13: {  	[smem:$0x3FAF] =	sst s0;
	s0 =	simm.s32 @!p1 $0x0  }
0x14: {  	s2 =	sld [smem:$0x3F93];
	s0 =	simm.s32 @p1 $0x1  }
0x15: {  	[smem:$0x3FB0] =	sst s0;
	s0 =	simm.s32 @!p2 $0x0  }
0x16: {  	s3 =	sld [smem:$0x3FDB];
	s0 =	simm.s32 @p2 $0x1  }
0x17: {  	s4 =	simm.s32 $0x1BF5;
	[smem:$0x3FB2] =	sst s0  }
0x18: {  	s0 =	sld [smem:$0x3F95];
	_ =	swait.ge [sflag:s4], $0x0  }
0x19: {  	s7 =	sld [smem:$0x3F96]  }
0x1a: {  	s8 =	sadd.s32 $0xFFFFE003, lr  }
0x1b: {  	s9 =	sadd.s32 $0xFFFFFEF7, lr;
	s5 =	simm.s32 $0xFFFFFFFF;
	p2 =	slt.u32 s8, $0xFFFFF086  }
0x1c: {  	p1 =	slt.u32 s9, $0xF7A;
	s5 =	simm.s32 @!p2 $0x0  }
0x1d: {  	s5 =	simm.s32 @p1 $0x1;
	p0 =	seq.s32 s7, s2  }
0x1e: {  	s7 =	smul.u32 @!p0 $0xF7A, s2;
	p2 =	seq.s32 @!p0 s5, $0x0  }
0x1f: {  	s9 =	smul.u32 $0xF7A, s1;
	s8 =	simm.s32 @!p0 $0x1BF5;
	p2 =	por !p2, p0  }
0x20: {  	[sflag:s8] =	ssyncset.s32 @!p0 $0xFFFFF086;
	s6 =	sadd.s32 @!p0 s3, s7;
	s7 =	simm.s32 @!p0 $0x108  }
0x21: {  	s3 =	sadd.s32 s3, s9;
	s6 =	sadd.s32 @!p0 $0x88, s6;
	s7 =	simm.s32 @p2 $0x1082  }
0x22: {  	[simem:s7], [sflag:s8] =	dma.local @!p0 [hbm:s6], $0xF7A  }
0x23: {  	s9 =	sor.u32 $0xD0000000, s2;
	s6 =	simm.s32 $0x108;
	_ =	swait.ge @!p0 [sflag:s8], $0x0  }
0x24: {  	s3 =	sadd.s32 $0x88, s3;
	s6 =	simm.s32 @!p1 $0x1082;
	[sflag:s4] =	ssyncset.s32 $0xFFFFF086  }
0x25: {  	[simem:s6], [sflag:s4] =	dma.local [hbm:s3], $0xF7A  }
0x26: {  	[smem:$0x3F96] =	sst s1;
	(tag) =	ssettag s2;
	_ =	strace s9  }
0x27: {  	s1 =	sld [smem:$0x3FA6]  }
0x28: {  	s2 =	sld [smem:$0x3FA7]  }
0x29: {  	s4 =	sld [smem:$0x3FA9]  }
0x2a: {  	p0 =	seq.s32 s5, $0x0;
	s5 =	sld [smem:$0x3FAA]  }
0x2b: {  	s6 =	sld [smem:$0x3FAB]  }
0x2c: {  	s7 =	sld [smem:$0x3FAC]  }
0x2d: {  	s3 =	simm.s32 $0x108;
	s8 =	sld [smem:$0x3FAD]  }
0x2e: {  	s3 =	simm.s32 @!p0 $0x1082;
	s9 =	sld [smem:$0x3FAE]  }
0x2f: {  	lr =	sadd.s32 s0, s3;
	s0 =	sld [smem:$0x3FA5]  }
0x30: {  	s3 =	sld [smem:$0x3FA8]  }
0x31: {  	[smem:$0x3FB1] =	sst s10  }
0x32: {  	s10 =	sld [smem:$0x3FAF];
	_ =	sdelay $0x3  }
0x33: {  	p0 =	seq.s32 s10, $0x1;
	s10 =	sld [smem:$0x3FB1];
	_ =	sdelay $0x3  }
0x34: {  	[smem:$0x3FB1] =	sst s10  }
0x35: {  	s10 =	sld [smem:$0x3FB0];
	_ =	sdelay $0x3  }
0x36: {  	p1 =	seq.s32 s10, $0x1;
	s10 =	sld [smem:$0x3FB1];
	_ =	sdelay $0x3  }
0x37: {  	[smem:$0x3FB1] =	sst s10  }
0x38: {  	s10 =	sld [smem:$0x3FB2]  }
0x39: {  	_ = 	snop;
	(pc) =	sbr.ind lr, $3  }
0x3a: {  	_ = 	snop  }
0x3b: {  	_ = 	snop  }
0x3c: {  	p2 =	seq.s32 s10, $0x1;
	s10 =	sld [smem:$0x3FB1]  }
0x3d: {  	_ =	shalt  }
0x3e: {  	_ =	shalt  }
0x3f: {  	_ =	shalt  }
0x40: {  	_ =	shalt  }
0x41: {  	_ =	shalt  }
0x42: {  	_ =	shalt  }
0x43: {  	_ =	shalt  }
0x44: {  	_ =	shalt  }
0x45: {  	_ =	shalt  }
0x46: {  	_ =	shalt  }
0x47: {  	_ =	shalt  }
0x48: {  	_ =	shalt  }
0x49: {  	_ =	shalt  }
0x4a: {  	_ =	shalt  }
0x4b: {  	_ =	shalt  }
0x4c: {  	_ =	shalt  }
0x4d: {  	_ =	shalt  }
0x4e: {  	_ =	shalt  }
0x4f: {  	_ =	shalt  }
0x50: {  	_ =	shalt  }
0x51: {  	_ =	shalt  }
0x52: {  	_ =	shalt  }
0x53: {  	_ =	shalt  }
0x54: {  	_ =	shalt  }
0x55: {  	_ =	shalt  }
0x56: {  	_ =	shalt  }
0x57: {  	_ =	shalt  }
0x58: {  	_ =	shalt  }
0x59: {  	_ =	shalt  }
0x5a: {  	_ =	shalt  }
0x5b: {  	_ =	shalt  }
0x5c: {  	_ =	shalt  }
0x5d: {  	_ =	shalt  }
0x5e: {  	_ =	shalt  }
0x5f: {  	_ =	shalt  }
0x60: {  	_ =	shalt  }
0x61: {  	_ =	shalt  }
0x62: {  	_ =	shalt  }
0x63: {  	_ =	shalt  }
0x64: {  	_ =	shalt  }
0x65: {  	_ =	shalt  }
0x66: {  	_ =	shalt  }
0x67: {  	_ =	shalt  }
0x68: {  	_ =	shalt  }
0x69: {  	_ =	shalt  }
0x6a: {  	_ =	shalt  }
0x6b: {  	_ =	shalt  }
0x6c: {  	_ =	shalt  }
0x6d: {  	_ =	shalt  }
0x6e: {  	_ =	shalt  }
0x6f: {  	_ =	shalt  }
0x70: {  	_ =	shalt  }
0x71: {  	_ =	shalt  }
0x72: {  	_ =	shalt  }
0x73: {  	_ =	shalt  }
0x74: {  	_ =	shalt  }
0x75: {  	_ =	shalt  }
0x76: {  	_ =	shalt  }
0x77: {  	_ =	shalt  }
0x78: {  	_ =	shalt  }
0x79: {  	_ =	shalt  }
0x7a: {  	_ =	shalt  }
0x7b: {  	_ =	shalt  }
0x7c: {  	_ =	shalt  }
0x7d: {  	_ =	shalt  }
0x7e: {  	_ =	shalt  }
0x7f: {  	_ =	shalt  }
0x80: {  	_ =	shalt  }
0x81: {  	_ =	shalt  }
0x82: {  	_ =	shalt  }
0x83: {  	_ =	shalt  }
0x84: {  	_ =	shalt  }
0x85: {  	_ =	shalt  }
0x86: {  	_ =	shalt  }
0x87: {  	_ =	shalt  }
.Lfunc_end0:
.L_simem_size_0:
called_computation.1_lowered:
.L_overlay_start_0:
0x88: {  	s2 =	sld [smem:$0x3FD9]  }
0x89: {  	s3 =	sld [smem:$0x3FFE];
	_ =	sdelay $0x1  }
0x8a: {  	s1 =	srdreg.scid  }
0x8b: {  	s0 =	sand.u32 $0x1, s1  }
0x8c: {  	s16 =	sshll.u32 s0, $0xA;
	s2 =	sadd.s32 s3, s2  }
0x8d: {  	s2 =	sadd.s32 s2, s16  }
0x8e: {  	[smem:$0x3FBD] =	sst s2  }
0x8f: {  	_ = 	snop  }
0x90: {  	(tm) =	ssettm $0x1  }
0x91: {  	s17 =	sld [smem:$0x3FFB];
	_ =	sdelay $0x3  }
0x92: {  	_ =	strace s17  }
0x93: {  	s2 =	sld [smem:$0x3FFC];
	_ =	sdelay $0x3  }
0x94: {  	_ =	strace s2  }
0x95: {  	s2 =	sld [smem:$0x3FFD];
	_ =	sdelay $0x3  }
0x96: {  	_ =	strace s2  }
0x97: {  	_ =	strace $0x8FFFFFFF  }
0x98: {  	s18 =	sld [smem:$0x3FDB];
	_ =	sdelay $0x1  }
0x99: {  	s19 =	simm.s32 $_scs_section_size  }
0x9a: {  	s4 =	simm.s32 $_size__tile_overlayer_lowered;
	s5 =	simm.s32 $_tile_overlayer_lowered  }
0x9b: {  	s22 =	simm.s32 $0x1BFF;
	s21 =	sshll.u32 s5, $0x1;
	s2 =	sadd.s32 s19, s18  }
0x9c: {  	s6 =	simm.s32 $0x0;
	s20 =	sshll.u32 s4, $0x1;
	s4 =	sadd.s32 s21, s2  }
0x9d: {  	[timem:s6], [sflag:s22] =	dma.local [hbm:s4], s20  }
0x9e: {  	_ =	swait.ge [sflag:s22], s20  }
0x9f: {  	s3 =	ssub.s32 $0x0, s20;
	[sflag:s22] =	ssyncset.done $0x0  }
0xa0: {  	[sflag:s22] =	ssyncadd.s32 s3;
	_ =	sdelay $0x1  }
0xa1: {  	s23 =	simm.s32 $0x1B8B  }
0xa2: {  	_ =	swait.ge [sflag:s23], $0x1  }
0xa3: {  	[sflag:s23] =	ssyncset.done $0x0  }
0xa4: {  	s25 =	simm.s32 $0x1B8E;
	s24 =	sld [smem:$0x3FFE];
	[sflag:s23] =	ssyncadd.s32 $0xFFFFFFFF  }
0xa5: {  	s26 =	simm.s32 $execute0_lowered;
	[smem:$0x3FD2] =	sst s25  }
0xa6: {  	s4 =	sshll.u32 s26, $0x1;
	_ =	strace $0x80000049;
	[dreg:$0x1] =	wrdreg $0xFFFFFFFF  }
0xa7: {  	s28 =	simm.s32 $_size_execute0_lowered;
	s2 =	sadd.s32 s2, s4;
	[dreg:$0x0] =	wrdreg $0x0  }
0xa8: {  	s4 =	sshll.u32 s28, $0x1;
	[dreg:$0x2] =	wrdreg s2  }
0xa9: {  	[dreg:$0x3] =	wrdreg s4  }
0xaa: {  	[dreg:$0x4] =	wrdreg $0xC0  }
0xab: {  	_ =	task [dreg:s6], $0x5FFFF  }
0xac: {  	[dreg:$0x1] =	wrdreg $0xFFFFFFFF  }
0xad: {  	[dreg:$0x0] =	wrdreg $0x60  }
0xae: {  	[dreg:$0x2] =	wrdreg s24  }
0xaf: {  	[dreg:$0x3] =	wrdreg $0x128000  }
0xb0: {  	[dreg:$0x4] =	wrdreg $0x88000  }
0xb1: {  	[dreg:$0x5] =	wrdreg $0x9  }
0xb2: {  	_ =	task.clear_ibuf [dreg:s6], $0x6FFFF;
	_ =	strace $0x90000049  }
0xb3: {  	s29 =	simm.s32 $0x9;
	_ =	strace $0x8000004B  }
0xb4: {  	_ =	swait.ge [sflag:s29], $0x1  }
0xb5: {  	[sflag:s29] =	ssyncadd.s32 $0xFFFFFFFF  }
0xb6: {  	_ =	strace $0x9000004B  }
0xb7: {  	_ =	sfence  }
0xb8: {  	s30 =	sld [smem:$0x0];
	_ =	sdelay $0x2  }
0xb9: {  	s31 =	sshll.u32 s1, $0xD;
	s1 =	sshrl.u32 s1, $0x2  }
0xba: {  	s3 =	sand.u32 $0x4000, s31;
	s1 =	sadd.s32 s1, s30  }
0xbb: {  	s0 =	sor.u32 s3, s0;
	s1 =	sshll.u32 s1, $0x11  }
0xbc: {  	s0 =	sor.u32 s1, s0  }
0xbd: {  	s0 =	sadd.s32 $0x8F2B, s0  }
0xbe: {  	[sflag:s0] =	ssyncadd.remote.s32 $0x1  }
0xbf: {  	_ =	sfence.sel $0xFFFF  }
0xc0: {  	[dreg:$0x0] =	wrdreg $0xFFFFFFFF;
	(pc) =	sbr.abs _section_cstart, $3  }
0xc1: {  	[dreg:$0x1] =	wrdreg $0xFFFFFFFF  }
0xc2: {  	_ =	task.clear_ibuf [dreg:s6], $0x2FFFF;
	_ =	strace $0x9FFFFFFF  }
0xc3: {  	(tm) =	ssettm $0x7FFFFFFF  }
tec
execute0_lowered:
.L_overlay_start_1:
0x0: {  	(tag) =	ssettag $0x1  }
0x1: {  	s0 =	rddreg [dreg:$0x0]  }
0x2: {  	s1 =	rddreg [dreg:$0x1]  }
0x3: {  	s2 =	rddreg [dreg:$0x2]  }
0x4: {  	s4 =	simm.s32 $0x0;
	s3 =	srdreg.scid;
	s11 =	stileid.u32  }
0x5: {  	s16 =	simm.s32 $0x9;
	s18 =	simm.s32 $0x1;
	s28 =	simm.s32 $0x800  }
0x6: {  	s29 =	simm.s32 $0x300;
	s30 =	simm.s32 $0x700;
	s8 =	smul.u32 $0xA000, s11  }
0x7: {  	s31 =	simm.s32 $0x6;
	[smem:$0x7FF] =	sst s4;
	s7 =	smul.u32 $0x5000, s11  }
0x8: {  	s5 =	sadd.s32 $0x4000, s0;
	s3 =	sand.u32 $0x1, s3;
	s10 =	smul.u32 $0x2800, s11  }
0x9: {  	s9 =	sadd.s32 $0x40000, s0;
	s22 =	sshll.u32 s11, $0x6;
	s24 =	smul.u32 $0xA00, s11  }
0xa: {  	_ =	strace $0x8000004A;
	s6 =	sshll.u32 s3, $0x3;
	s3 =	ssub.s32 $0x2, s3  }
0xb: {  	[dreg:$0x4] =	wrdreg s9;
	s9 =	simm.s32 $0x4;
	s0 =	sadd.s32 s6, s0  }
0xc: {  	s19 =	sshrl.u32 s3, $0x1;
	s20 =	sadd.s32 s8, s1;
	s21 =	sshrl.u32 s7, $0x3  }
0xd: {  	s7 =	sor.u32 $0x1C09, s22;
	s8 =	sadd.s32 s8, s2;
	s14 =	sadd.s32 s24, s5  }
0xe: {  	s22 =	simm.s32 $0x100;
	s24 =	simm.s32 $0x200;
	s6 =	sadd.s32 s5, s21  }
0xf: {  	s3 =	ssub.s32 s3, s19;
	s26 =	sshrl.u32 s8, $0x3;
	[dreg:$0x5] =	wrdreg s6  }
0x10: {  	s0 =	sadd.s32 s10, s0;
	s11 =	sshrl.u32 s20, $0x3;
	[dreg:$0xd] =	wrdreg s26  }
0x11: {  	s19 =	simm.s32 $0x8;
	s12 =	sadd.s32 $0xA000, s6;
	[dreg:$0xc] =	wrdreg s11  }
0x12: {  	s21 =	simm.s32 $0x400;
	s23 =	sadd.s32 $0x20, s6;
	[dreg:$0x6] =	wrdreg s12  }
0x13: {  	s5 =	simm.s32 $0x3;
	s6 =	sadd.s32 $0xA020, s6;
	[dreg:$0x7] =	wrdreg s23  }
0x14: {  	s8 =	simm.s32 $0x7;
	s3 =	smax.u32 s3, $0x1;
	[dreg:$0x8] =	wrdreg s6  }
0x15: {  	s10 =	simm.s32 $0x0;
	s25 =	sadd.s32 $0x18000, s0;
	[dreg:$0x9] =	wrdreg s3  }
0x16: {  	s0 =	sadd.s32 $0x41400, s0;
	s26 =	simm.s32 $0x5;
	[dreg:$0xa] =	wrdreg s25  }
0x17: {  	[dreg:$0xb] =	wrdreg s0;
	s12 =	simm.s32 $0x10;
	s23 =	simm.s32 $0x500  }
0x18: {  	s25 =	simm.s32 $0x600;
	s0 =	simm.s32 $0x4800;
	s3 =	simm.s32 $0x2  }
.LBB2_1:
0x19: {  	s6 =	rddreg [dreg:$0x4]  }
0x1a: {  	[spmem:s11], [sflag:s7] =	dma.local [hbm:s6], $0x1400  }
0x1b: {  	_ =	swait.ge [sflag:s16], $0x1400  }
0x1c: {  	[sflag:s16] =	ssyncset.done $0x0;
	s17 =	rddreg [dreg:$0xa]  }
0x1d: {  	s20 =	rddreg [dreg:$0xd];
	[sflag:s16] =	ssyncadd.s32 $0xFFFFEC00  }
0x1e: {  	[spmem:s20@s19], [sflag:s7] =	dma.strided [hbm:s17@s12], $0x1400, s18, $0x8   }
0x1f: {  	_ =	swait.ge [sflag:s16], $0x1400  }
0x20: {  	[sflag:s16] =	ssyncset.done $0x0  }
0x21: {  	[sflag:s16] =	ssyncadd.s32 $0xFFFFEC00  }
0x22: {  	[bflag:$0x0] =	sbarrier.arrive $0xFFFF  }
0x23: {  	s13 =	rddreg [dreg:$0x5]  }
0x24: {  	[tilespmem:s4], [sflag:$0x5] =	stream.linear.gather [hbm4b:s13+s4], $0x100, $0x38;
	[tilespmem:$0x1C800] =	vst v63  }
0x25: {  	s15 =	rddreg [dreg:$0x6]  }
0x26: {  	[tilespmem:s21], [sflag:$0x5] =	stream.linear.gather [hbm4b:s15+s4], $0x100, $0x38;
	[tilespmem:$0x1C800] =	vst v63  }
0x27: {  	p0 =	por $0x1, $0x1;
	s17 =	rddreg [dreg:$0x7]  }
0x28: {  	[tilespmem:s22], [sflag:$0x6] =	stream.linear.gather [hbm4b:s17+s4], $0x100, $0x38;
	[tilespmem:$0x1C800] =	vst v63  }
0x29: {  	s11 =	simm.s32 @!p0 $0x3;
	s20 =	rddreg [dreg:$0x8]  }
0x2a: {  	[tilespmem:s23], [sflag:$0x6] =	stream.linear.gather [hbm4b:s20+s4], $0x100, $0x38;
	[tilespmem:$0x1C800] =	vst v63  }
0x2b: {  	_ =	swait.ge @!p0 [sflag:s11], $0x4000  }
0x2c: {  	s6 =	sadd.s32 $0x0, s14;
	[sflag:s11] =	ssyncset.done @!p0 $0x0  }
0x2d: {  	s13 =	sadd.s32 $0x40, s6;
	[sflag:s11] =	ssyncadd.s32 @!p0 $0xFFFFC000  }
0x2e: {  	[tilespmem:s24], [sflag:$0x7] =	stream.linear.gather [hbm4b:s13+s4], $0x100, $0x38;
	[tilespmem:$0x1C800] =	vst v63  }
0x2f: {  	s15 =	sadd.s32 $0xA040, s6  }
0x30: {  	[tilespmem:s25], [sflag:$0x7] =	stream.linear.gather [hbm4b:s15+s4], $0x100, $0x38;
	[tilespmem:$0x1C800] =	vst v63  }
0x31: {  	_ =	swait.ge [sflag:s26], $0x100  }
0x32: {  	[sflag:s26] =	ssyncset.done $0x0  }
0x33: {  	[sflag:s26] =	ssyncadd.s32 $0xFFFFFF00  }
0x34: {  	_ =	swait.ge [sflag:s26], $0x100  }
0x35: {  	[sflag:s26] =	ssyncset.done $0x0  }
0x36: {  	[sflag:s26] =	ssyncadd.s32 $0xFFFFFF00  }
0x37: {  	[tilespmem:s28], [sflag:$0x1] =	stream.indirect.gather [spmem:s2], $0x40, s4, s22, $0xb8;
	[tilespmem:$0x1C800] =	vst v63  }
0x38: {  	_ =	swait.ge [sflag:s18], $0x4000  }
0x39: {  	[sflag:s18] =	ssyncset.done $0x0  }
0x3a: {  	s11 =	simm.s32 @!p0 $0x4;
	[sflag:s18] =	ssyncadd.s32 $0xFFFFC000  }
0x3b: {  	[spmem:s1] =	stream.indirect.scatter.add.f32 [tilespmem:s28], [sflag:$0x3], $0x40, s21, s22, $0xb8;
	[tilespmem:$0x1C800] =	vst v63  }
0x3c: {  	_ =	swait.ge @!p0 [sflag:s11], $0x4000  }
0x3d: {  	[sflag:s11] =	ssyncset.done @!p0 $0x0  }
0x3e: {  	s17 =	sadd.s32 $0x60, s6;
	[sflag:s11] =	ssyncadd.s32 @!p0 $0xFFFFC000  }
0x3f: {  	[tilespmem:s29], [sflag:$0x8] =	stream.linear.gather [hbm4b:s17+s4], $0x100, $0x38;
	[tilespmem:$0x1C800] =	vst v63  }
0x40: {  	s20 =	sadd.s32 $0xA060, s6  }
0x41: {  	[tilespmem:s30], [sflag:$0x8] =	stream.linear.gather [hbm4b:s20+s4], $0x100, $0x38;
	[tilespmem:$0x1C800] =	vst v63  }
0x42: {  	_ =	swait.ge [sflag:s31], $0x100  }
0x43: {  	[sflag:s31] =	ssyncset.done $0x0  }
0x44: {  	[sflag:s31] =	ssyncadd.s32 $0xFFFFFF00  }
0x45: {  	_ =	swait.ge [sflag:s31], $0x100  }
0x46: {  	[sflag:s31] =	ssyncset.done $0x0  }
0x47: {  	[sflag:s31] =	ssyncadd.s32 $0xFFFFFF00  }
0x48: {  	[tilespmem:s0], [sflag:$0x2] =	stream.indirect.gather [spmem:s2], $0x40, s22, s22, $0xb8;
	[tilespmem:$0x1C800] =	vst v63  }
0x49: {  	_ =	swait.ge [sflag:s3], $0x4000  }
0x4a: {  	[sflag:s3] =	ssyncset.done $0x0  }
0x4b: {  	[sflag:s3] =	ssyncadd.s32 $0xFFFFC000  }
0x4c: {  	[spmem:s1] =	stream.indirect.scatter.add.f32 [tilespmem:s0], [sflag:$0x4], $0x40, s23, s22, $0xb8;
	[tilespmem:$0x1C800] =	vst v63  }
0x4d: {  	p0 =	por $0x0, $0x0;
	_ =	swait.ge [sflag:s5], $0x4000  }
0x4e: {  	s11 =	sadd.s32 @!p0 $0x0, s14;
	[sflag:s5] =	ssyncset.done $0x0  }
0x4f: {  	s13 =	simm.s32 @!p0 $0x0;
	s12 =	sadd.s32 @!p0 $0x80, s11;
	[sflag:s5] =	ssyncadd.s32 $0xFFFFC000  }
0x50: {  	[tilespmem:s13], [sflag:$0x5] =	stream.linear.gather @!p0 [hbm4b:s12+s13], $0x100, $0x38;
	[tilespmem:$0x1C800] =	vst v63  }
0x51: {  	s20 =	simm.s32 @!p0 $0x400;
	s12 =	sadd.s32 @!p0 $0xA080, s11  }
0x52: {  	[tilespmem:s20], [sflag:$0x5] =	stream.linear.gather @!p0 [hbm4b:s12+s13], $0x100, $0x38;
	[tilespmem:$0x1C800] =	vst v63  }
0x53: {  	_ =	swait.ge [sflag:s8], $0x100  }
0x54: {  	[sflag:s8] =	ssyncset.done $0x0  }
0x55: {  	[sflag:s8] =	ssyncadd.s32 $0xFFFFFF00  }
0x56: {  	_ =	swait.ge [sflag:s8], $0x100  }
0x57: {  	[sflag:s8] =	ssyncset.done $0x0  }
0x58: {  	[sflag:s8] =	ssyncadd.s32 $0xFFFFFF00  }
0x59: {  	[tilespmem:s28], [sflag:$0x1] =	stream.indirect.gather [spmem:s2], $0x40, s24, s22, $0xb8;
	[tilespmem:$0x1C800] =	vst v63  }
0x5a: {  	_ =	swait.ge [sflag:s18], $0x4000  }
0x5b: {  	[sflag:s18] =	ssyncset.done $0x0  }
0x5c: {  	[sflag:s18] =	ssyncadd.s32 $0xFFFFC000  }
0x5d: {  	[spmem:s1] =	stream.indirect.scatter.add.f32 [tilespmem:s28], [sflag:$0x3], $0x40, s25, s22, $0xb8;
	[tilespmem:$0x1C800] =	vst v63  }
0x5e: {  	_ =	swait.ge [sflag:s9], $0x4000  }
0x5f: {  	[sflag:s9] =	ssyncset.done $0x0  }
0x60: {  	s12 =	sadd.s32 @!p0 $0xA0, s11;
	s20 =	simm.s32 @!p0 $0x100;
	[sflag:s9] =	ssyncadd.s32 $0xFFFFC000  }
0x61: {  	[tilespmem:s20], [sflag:$0x6] =	stream.linear.gather @!p0 [hbm4b:s12+s13], $0x100, $0x38;
	[tilespmem:$0x1C800] =	vst v63  }
0x62: {  	s11 =	sadd.s32 @!p0 $0xA0A0, s11;
	s12 =	simm.s32 @!p0 $0x500  }
0x63: {  	[tilespmem:s12], [sflag:$0x6] =	stream.linear.gather @!p0 [hbm4b:s11+s13], $0x100, $0x38;
	[tilespmem:$0x1C800] =	vst v63  }
0x64: {  	_ =	swait.ge [sflag:s19], $0x100  }
0x65: {  	[sflag:s19] =	ssyncset.done $0x0  }
0x66: {  	[sflag:s19] =	ssyncadd.s32 $0xFFFFFF00  }
0x67: {  	_ =	swait.ge [sflag:s19], $0x100  }
0x68: {  	[sflag:s19] =	ssyncset.done $0x0  }
0x69: {  	[sflag:s19] =	ssyncadd.s32 $0xFFFFFF00  }
0x6a: {  	[tilespmem:s0], [sflag:$0x2] =	stream.indirect.gather [spmem:s2], $0x40, s29, s22, $0xb8;
	[tilespmem:$0x1C800] =	vst v63  }
0x6b: {  	p1 =	por $0x0, $0x0;
	_ =	swait.ge [sflag:s3], $0x4000  }
0x6c: {  	s11 =	simm.s32 $0x80;
	s12 =	simm.s32 $0x100;
	[sflag:s3] =	ssyncset.done $0x0  }
.LBB2_2:
0x6d: {  	s20 =	simm.s32 @!p1 $0x3  }
0x6e: {  	[sflag:s3] =	ssyncadd.s32 $0xFFFFC000;
	s13 =	smov.u32 s12;
	s12 =	sadd.s32 $0x80, s12  }
0x6f: {  	[spmem:s1] =	stream.indirect.scatter.add.f32 [tilespmem:s0], [sflag:$0x4], $0x40, s30, s22, $0xb8;
	[tilespmem:$0x1C800] =	vst v63  }
0x70: {  	p0 =	sne.s32 s12, $0xA00;
	_ =	swait.ge @!p1 [sflag:s20], $0x4000  }
0x71: {  	s17 =	sadd.s32 s11, s14;
	[sflag:s20] =	ssyncset.done @!p1 $0x0  }
0x72: {  	[sflag:s20] =	ssyncadd.s32 @!p1 $0xFFFFC000;
	s20 =	sadd.s32 $0x40, s17  }
0x73: {  	[tilespmem:s24], [sflag:$0x7] =	stream.linear.gather [hbm4b:s20+s4], $0x100, $0x38;
	[tilespmem:$0x1C800] =	vst v63  }
0x74: {  	s20 =	sadd.s32 $0xA040, s17  }
0x75: {  	[tilespmem:s25], [sflag:$0x7] =	stream.linear.gather [hbm4b:s20+s4], $0x100, $0x38;
	[tilespmem:$0x1C800] =	vst v63  }
0x76: {  	_ =	swait.ge [sflag:s26], $0x100  }
0x77: {  	[sflag:s26] =	ssyncset.done $0x0  }
0x78: {  	[sflag:s26] =	ssyncadd.s32 $0xFFFFFF00  }
0x79: {  	_ =	swait.ge [sflag:s26], $0x100  }
0x7a: {  	[sflag:s26] =	ssyncset.done $0x0  }
0x7b: {  	[sflag:s26] =	ssyncadd.s32 $0xFFFFFF00  }
0x7c: {  	[tilespmem:s28], [sflag:$0x1] =	stream.indirect.gather [spmem:s2], $0x40, s4, s22, $0xb8;
	[tilespmem:$0x1C800] =	vst v63  }
0x7d: {  	_ =	swait.ge [sflag:s18], $0x4000  }
0x7e: {  	[sflag:s18] =	ssyncset.done $0x0  }
0x7f: {  	s20 =	simm.s32 @!p1 $0x4;
	[sflag:s18] =	ssyncadd.s32 $0xFFFFC000  }
0x80: {  	[spmem:s1] =	stream.indirect.scatter.add.f32 [tilespmem:s28], [sflag:$0x3], $0x40, s21, s22, $0xb8;
	[tilespmem:$0x1C800] =	vst v63  }
0x81: {  	_ =	swait.ge @!p1 [sflag:s20], $0x4000  }
0x82: {  	[sflag:s20] =	ssyncset.done @!p1 $0x0  }
0x83: {  	[sflag:s20] =	ssyncadd.s32 @!p1 $0xFFFFC000;
	s20 =	sadd.s32 $0x60, s17  }
0x84: {  	[tilespmem:s29], [sflag:$0x8] =	stream.linear.gather [hbm4b:s20+s4], $0x100, $0x38;
	[tilespmem:$0x1C800] =	vst v63  }
0x85: {  	s17 =	sadd.s32 $0xA060, s17  }
0x86: {  	[tilespmem:s30], [sflag:$0x8] =	stream.linear.gather [hbm4b:s17+s4], $0x100, $0x38;
	[tilespmem:$0x1C800] =	vst v63  }
0x87: {  	_ =	swait.ge [sflag:s31], $0x100  }
0x88: {  	[sflag:s31] =	ssyncset.done $0x0  }
0x89: {  	[sflag:s31] =	ssyncadd.s32 $0xFFFFFF00  }
0x8a: {  	_ =	swait.ge [sflag:s31], $0x100  }
0x8b: {  	[sflag:s31] =	ssyncset.done $0x0  }
0x8c: {  	[sflag:s31] =	ssyncadd.s32 $0xFFFFFF00  }
0x8d: {  	[tilespmem:s0], [sflag:$0x2] =	stream.indirect.gather [spmem:s2], $0x40, s22, s22, $0xb8;
	[tilespmem:$0x1C800] =	vst v63  }
0x8e: {  	_ =	swait.ge [sflag:s3], $0x4000  }
0x8f: {  	[sflag:s3] =	ssyncset.done $0x0  }
0x90: {  	[sflag:s3] =	ssyncadd.s32 $0xFFFFC000  }
0x91: {  	[spmem:s1] =	stream.indirect.scatter.add.f32 [tilespmem:s0], [sflag:$0x4], $0x40, s23, s22, $0xb8;
	[tilespmem:$0x1C800] =	vst v63  }
0x92: {  	p1 =	seq.s32 s11, $0x980;
	_ =	swait.ge [sflag:s5], $0x4000  }
0x93: {  	s17 =	sadd.s32 @!p1 s11, s14;
	s11 =	smov.u32 s13;
	[sflag:s5] =	ssyncset.done $0x0  }
0x94: {  	s20 =	simm.s32 @!p1 $0x0;
	s13 =	sadd.s32 @!p1 $0x80, s17;
	[sflag:s5] =	ssyncadd.s32 $0xFFFFC000  }
0x95: {  	[tilespmem:s20], [sflag:$0x5] =	stream.linear.gather @!p1 [hbm4b:s13+s20], $0x100, $0x38;
	[tilespmem:$0x1C800] =	vst v63  }
0x96: {  	s6 =	simm.s32 @!p1 $0x400;
	s15 =	sadd.s32 @!p1 $0xA0, s17;
	s13 =	sadd.s32 @!p1 $0xA080, s17  }
0x97: {  	[tilespmem:s6], [sflag:$0x5] =	stream.linear.gather @!p1 [hbm4b:s13+s20], $0x100, $0x38;
	[tilespmem:$0x1C800] =	vst v63  }
0x98: {  	s6 =	sadd.s32 @!p1 $0xA0A0, s17;
	_ =	swait.ge [sflag:s8], $0x100  }
0x99: {  	[sflag:s8] =	ssyncset.done $0x0  }
0x9a: {  	[sflag:s8] =	ssyncadd.s32 $0xFFFFFF00  }
0x9b: {  	_ =	swait.ge [sflag:s8], $0x100  }
0x9c: {  	[sflag:s8] =	ssyncset.done $0x0  }
0x9d: {  	[sflag:s8] =	ssyncadd.s32 $0xFFFFFF00  }
0x9e: {  	[tilespmem:s28], [sflag:$0x1] =	stream.indirect.gather [spmem:s2], $0x40, s24, s22, $0xb8;
	[tilespmem:$0x1C800] =	vst v63  }
0x9f: {  	_ =	swait.ge [sflag:s18], $0x4000  }
0xa0: {  	[sflag:s18] =	ssyncset.done $0x0  }
0xa1: {  	[sflag:s18] =	ssyncadd.s32 $0xFFFFC000  }
0xa2: {  	[spmem:s1] =	stream.indirect.scatter.add.f32 [tilespmem:s28], [sflag:$0x3], $0x40, s25, s22, $0xb8;
	[tilespmem:$0x1C800] =	vst v63  }
0xa3: {  	_ =	swait.ge [sflag:s9], $0x4000  }
0xa4: {  	[sflag:s9] =	ssyncset.done $0x0  }
0xa5: {  	s13 =	simm.s32 @!p1 $0x100;
	[sflag:s9] =	ssyncadd.s32 $0xFFFFC000  }
0xa6: {  	[tilespmem:s13], [sflag:$0x6] =	stream.linear.gather @!p1 [hbm4b:s15+s20], $0x100, $0x38;
	[tilespmem:$0x1C800] =	vst v63  }
0xa7: {  	s13 =	simm.s32 @!p1 $0x500  }
0xa8: {  	[tilespmem:s13], [sflag:$0x6] =	stream.linear.gather @!p1 [hbm4b:s6+s20], $0x100, $0x38;
	[tilespmem:$0x1C800] =	vst v63  }
0xa9: {  	_ =	swait.ge [sflag:s19], $0x100  }
0xaa: {  	[sflag:s19] =	ssyncset.done $0x0  }
0xab: {  	[sflag:s19] =	ssyncadd.s32 $0xFFFFFF00  }
0xac: {  	_ =	swait.ge [sflag:s19], $0x100  }
.Ltmp0:
0xad: {  	[sflag:s19] =	ssyncset.done $0x0;
	(pc) =	sbr.rel @p0 .LBB2_2-.Ltmp0, $4  }
0xae: {  	[sflag:s19] =	ssyncadd.s32 $0xFFFFFF00  }
0xaf: {  	[tilespmem:s0], [sflag:$0x2] =	stream.indirect.gather [spmem:s2], $0x40, s29, s22, $0xb8;
	[tilespmem:$0x1C800] =	vst v63  }
0xb0: {  	_ =	swait.ge [sflag:s3], $0x4000  }
0xb1: {  	p1 =	seq.s32 s11, $0x0;
	[sflag:s3] =	ssyncset.done $0x0  }
0xb2: {  	s6 =	simm.s32 @!p1 $0x3;
	[sflag:s3] =	ssyncadd.s32 $0xFFFFC000  }
0xb3: {  	[spmem:s1] =	stream.indirect.scatter.add.f32 [tilespmem:s0], [sflag:$0x4], $0x40, s30, s22, $0xb8;
	[tilespmem:$0x1C800] =	vst v63  }
0xb4: {  	_ =	swait.ge @!p1 [sflag:s6], $0x4000  }
0xb5: {  	s12 =	sadd.s32 s11, s14;
	[sflag:s6] =	ssyncset.done @!p1 $0x0  }
0xb6: {  	s17 =	sadd.s32 $0x40, s12;
	[sflag:s6] =	ssyncadd.s32 @!p1 $0xFFFFC000  }
0xb7: {  	[tilespmem:s24], [sflag:$0x7] =	stream.linear.gather [hbm4b:s17+s4], $0x100, $0x38;
	[tilespmem:$0x1C800] =	vst v63  }
0xb8: {  	s20 =	sadd.s32 $0xA040, s12  }
0xb9: {  	[tilespmem:s25], [sflag:$0x7] =	stream.linear.gather [hbm4b:s20+s4], $0x100, $0x38;
	[tilespmem:$0x1C800] =	vst v63  }
0xba: {  	_ =	swait.ge [sflag:s26], $0x100  }
0xbb: {  	[sflag:s26] =	ssyncset.done $0x0  }
0xbc: {  	[sflag:s26] =	ssyncadd.s32 $0xFFFFFF00  }
0xbd: {  	_ =	swait.ge [sflag:s26], $0x100  }
0xbe: {  	[sflag:s26] =	ssyncset.done $0x0  }
0xbf: {  	[sflag:s26] =	ssyncadd.s32 $0xFFFFFF00  }
0xc0: {  	[tilespmem:s28], [sflag:$0x1] =	stream.indirect.gather [spmem:s2], $0x40, s4, s22, $0xb8;
	[tilespmem:$0x1C800] =	vst v63  }
0xc1: {  	_ =	swait.ge [sflag:s18], $0x4000  }
0xc2: {  	[sflag:s18] =	ssyncset.done $0x0  }
0xc3: {  	s6 =	simm.s32 @!p1 $0x4;
	[sflag:s18] =	ssyncadd.s32 $0xFFFFC000  }
0xc4: {  	[spmem:s1] =	stream.indirect.scatter.add.f32 [tilespmem:s28], [sflag:$0x3], $0x40, s21, s22, $0xb8;
	[tilespmem:$0x1C800] =	vst v63  }
0xc5: {  	_ =	swait.ge @!p1 [sflag:s6], $0x4000  }
0xc6: {  	[sflag:s6] =	ssyncset.done @!p1 $0x0  }
0xc7: {  	s13 =	sadd.s32 $0x60, s12;
	[sflag:s6] =	ssyncadd.s32 @!p1 $0xFFFFC000  }
0xc8: {  	[tilespmem:s29], [sflag:$0x8] =	stream.linear.gather [hbm4b:s13+s4], $0x100, $0x38;
	[tilespmem:$0x1C800] =	vst v63  }
0xc9: {  	s15 =	sadd.s32 $0xA060, s12  }
0xca: {  	[tilespmem:s30], [sflag:$0x8] =	stream.linear.gather [hbm4b:s15+s4], $0x100, $0x38;
	[tilespmem:$0x1C800] =	vst v63  }
0xcb: {  	_ =	swait.ge [sflag:s31], $0x100  }
0xcc: {  	[sflag:s31] =	ssyncset.done $0x0  }
0xcd: {  	[sflag:s31] =	ssyncadd.s32 $0xFFFFFF00  }
0xce: {  	_ =	swait.ge [sflag:s31], $0x100  }
0xcf: {  	[sflag:s31] =	ssyncset.done $0x0  }
0xd0: {  	[sflag:s31] =	ssyncadd.s32 $0xFFFFFF00  }
0xd1: {  	[tilespmem:s0], [sflag:$0x2] =	stream.indirect.gather [spmem:s2], $0x40, s22, s22, $0xb8;
	[tilespmem:$0x1C800] =	vst v63  }
0xd2: {  	_ =	swait.ge [sflag:s3], $0x4000  }
0xd3: {  	[sflag:s3] =	ssyncset.done $0x0  }
0xd4: {  	[sflag:s3] =	ssyncadd.s32 $0xFFFFC000  }
0xd5: {  	[spmem:s1] =	stream.indirect.scatter.add.f32 [tilespmem:s0], [sflag:$0x4], $0x40, s23, s22, $0xb8;
	[tilespmem:$0x1C800] =	vst v63  }
0xd6: {  	p0 =	seq.s32 s11, $0x980;
	_ =	swait.ge [sflag:s5], $0x4000  }
0xd7: {  	s6 =	sadd.s32 @!p0 s11, s14;
	[sflag:s5] =	ssyncset.done $0x0  }
0xd8: {  	s12 =	simm.s32 @!p0 $0x0;
	s11 =	sadd.s32 @!p0 $0x80, s6;
	[sflag:s5] =	ssyncadd.s32 $0xFFFFC000  }
0xd9: {  	[tilespmem:s12], [sflag:$0x5] =	stream.linear.gather @!p0 [hbm4b:s11+s12], $0x100, $0x38;
	[tilespmem:$0x1C800] =	vst v63  }
0xda: {  	s13 =	simm.s32 @!p0 $0x400;
	s11 =	sadd.s32 @!p0 $0xA080, s6  }
0xdb: {  	[tilespmem:s13], [sflag:$0x5] =	stream.linear.gather @!p0 [hbm4b:s11+s12], $0x100, $0x38;
	[tilespmem:$0x1C800] =	vst v63  }
0xdc: {  	_ =	swait.ge [sflag:s8], $0x100  }
0xdd: {  	[sflag:s8] =	ssyncset.done $0x0  }
0xde: {  	[sflag:s8] =	ssyncadd.s32 $0xFFFFFF00  }
0xdf: {  	_ =	swait.ge [sflag:s8], $0x100  }
0xe0: {  	[sflag:s8] =	ssyncset.done $0x0  }
0xe1: {  	[sflag:s8] =	ssyncadd.s32 $0xFFFFFF00  }
0xe2: {  	[tilespmem:s28], [sflag:$0x1] =	stream.indirect.gather [spmem:s2], $0x40, s24, s22, $0xb8;
	[tilespmem:$0x1C800] =	vst v63  }
0xe3: {  	_ =	swait.ge [sflag:s18], $0x4000  }
0xe4: {  	[sflag:s18] =	ssyncset.done $0x0  }
0xe5: {  	[sflag:s18] =	ssyncadd.s32 $0xFFFFC000  }
0xe6: {  	[spmem:s1] =	stream.indirect.scatter.add.f32 [tilespmem:s28], [sflag:$0x3], $0x40, s25, s22, $0xb8;
	[tilespmem:$0x1C800] =	vst v63  }
0xe7: {  	_ =	swait.ge [sflag:s9], $0x4000  }
0xe8: {  	[sflag:s9] =	ssyncset.done $0x0  }
0xe9: {  	s11 =	sadd.s32 @!p0 $0xA0, s6;
	s13 =	simm.s32 @!p0 $0x100;
	[sflag:s9] =	ssyncadd.s32 $0xFFFFC000  }
0xea: {  	[tilespmem:s13], [sflag:$0x6] =	stream.linear.gather @!p0 [hbm4b:s11+s12], $0x100, $0x38;
	[tilespmem:$0x1C800] =	vst v63  }
0xeb: {  	s6 =	sadd.s32 @!p0 $0xA0A0, s6;
	s11 =	simm.s32 @!p0 $0x500  }
0xec: {  	[tilespmem:s11], [sflag:$0x6] =	stream.linear.gather @!p0 [hbm4b:s6+s12], $0x100, $0x38;
	[tilespmem:$0x1C800] =	vst v63  }
0xed: {  	_ =	swait.ge [sflag:s19], $0x100  }
0xee: {  	[sflag:s19] =	ssyncset.done $0x0  }
0xef: {  	[sflag:s19] =	ssyncadd.s32 $0xFFFFFF00  }
0xf0: {  	_ =	swait.ge [sflag:s19], $0x100  }
0xf1: {  	[sflag:s19] =	ssyncset.done $0x0  }
0xf2: {  	[sflag:s19] =	ssyncadd.s32 $0xFFFFFF00  }
0xf3: {  	[tilespmem:s0], [sflag:$0x2] =	stream.indirect.gather [spmem:s2], $0x40, s29, s22, $0xb8;
	[tilespmem:$0x1C800] =	vst v63  }
0xf4: {  	_ =	swait.ge [sflag:s3], $0x4000  }
0xf5: {  	[sflag:s3] =	ssyncset.done $0x0  }
0xf6: {  	[sflag:s3] =	ssyncadd.s32 $0xFFFFC000  }
0xf7: {  	[spmem:s1] =	stream.indirect.scatter.add.f32 [tilespmem:s0], [sflag:$0x4], $0x40, s30, s22, $0xb8;
	[tilespmem:$0x1C800] =	vst v63  }
0xf8: {  	_ =	swait.ge [sflag:s5], $0x4000  }
0xf9: {  	[sflag:s5] =	ssyncset.done $0x0  }
0xfa: {  	[sflag:s5] =	ssyncadd.s32 $0xFFFFC000  }
0xfb: {  	_ =	swait.ge [sflag:s9], $0x4000  }
0xfc: {  	[sflag:s9] =	ssyncset.done $0x0  }
0xfd: {  	[sflag:s9] =	ssyncadd.s32 $0xFFFFC000  }
0xfe: {  	[bflag:$0x0] =	sbarrier.arrive $0xFFFF  }
0xff: {  	s17 =	rddreg [dreg:$0xb]  }
0x100: {  	s12 =	simm.s32 $0x10;
	s11 =	rddreg [dreg:$0xc]  }
0x101: {  	[hbm:s17@s12], [sflag:s7] =	dma.strided [spmem:s11@s19], $0x1400, s18, $0x8   }
0x102: {  	_ =	swait.ge [sflag:s16], $0x1400  }
0x103: {  	s10 =	sadd.s32 $0x1, s10;
	s20 =	rddreg [dreg:$0x9]  }
0x104: {  	p0 =	sne.s32 s10, s20  }
.Ltmp1:
0x105: {  	_ = 	snop;
	(pc) =	sbr.rel @p0 .LBB2_1-.Ltmp1, $3  }
0x106: {  	_ =	sdelay $0x1  }
0x107: {  	[sflag:s16] =	ssyncset.done $0x0  }
0x108: {  	[sflag:s16] =	ssyncadd.s32 $0xFFFFEC00  }
0x109: {  	_ =	sfence.sel $0x180000  }
0x10a: {  	[bflag:$0x0] =	sbarrier.arrive $0xFFFF  }
0x10b: {  	_ =	strace $0x9000004A  }
0x10c: {  	s0 =	stileid.u32;
	[bflag:$0x2] =	sbarrier.arrive $0xFFFF  }
0x10d: {  	p0 =	sne.s32 s0, $0x0;
	s0 =	rddreg [dreg:$0x3]  }
0x10e: {  	s0 =	sadd.s32 @!p0 $0x100000, s0  }
0x10f: {  	[sflag:s0] =	ssyncadd.tile.s32 @!p0 $0x1;
	_ =	shalt  }
.Lfunc_end2:
_tile_overlayer_lowered:
.L_overlay_start_2:
0x110: {  	(tag) =	ssettag $0x2  }
0x111: {  	s0 =	rddreg [dreg:$0x0];
	s2 =	stileid.u32  }
0x112: {  	s1 =	rddreg [dreg:$0x1];
	p0 =	sne.s32 s2, $0x0  }
0x113: {  	s3 =	rddreg [dreg:$0x2];
	[bflag:$0x3] =	sbarrier.arrive $0xFFFF;
	s2 =	simm.s32 @!p0 $0x1C09  }
0x114: {  	[timem:s3], [sflag:s2] =	dma.local @!p0 [hbm:s0], s1  }
0x115: {  	s0 =	simm.s32 @!p0 $0x9  }
0x116: {  	_ =	swait.ge @!p0 [sflag:s0], s1  }
0x117: {  	s1 =	ssub.s32 @!p0 $0x0, s1;
	[sflag:s0] =	ssyncset.done @!p0 $0x0  }
0x118: {  	[sflag:s0] =	ssyncadd.s32 @!p0 s1  }
0x119: {  	[bflag:$0x3] =	sbarrier.arrive $0xFFFF  }
0x11a: {  	_ =	shalt  }

// kernel: kernel.18.cloned.1.call-start
scs
__scs_entry_jumppad:
0x0: {  	(pc) =	sbr.rel $0x88, $3  }
0x1: {  	(tag) =	ssettag $0x0;
	lr =	simm.s32 $0x1  }
0x2: {  	[smem:$0x3F96] =	sst lr;
	_ =	strace $0xD0000000  }
0x3: {  	_ = 	snop  }
0x4: {  	_ = 	snop  }
0x5: {  	_ = 	snop  }
0x6: {  	_ = 	snop  }
0x7: {  	_ = 	snop  }
__scs_overlays_trampoline_lowered:
0x8: {  	[smem:$0x3FA5] =	sst s0  }
0x9: {  	[smem:$0x3FA6] =	sst s1  }
0xa: {  	[smem:$0x3FA7] =	sst s2  }
0xb: {  	[smem:$0x3FA8] =	sst s3  }
0xc: {  	[smem:$0x3FA9] =	sst s4  }
0xd: {  	[smem:$0x3FAA] =	sst s5  }
0xe: {  	[smem:$0x3FAB] =	sst s6  }
0xf: {  	[smem:$0x3FAC] =	sst s7  }
0x10: {  	[smem:$0x3FAD] =	sst s8  }
0x11: {  	[smem:$0x3FAE] =	sst s9;
	s0 =	simm.s32 @!p0 $0x0  }
0x12: {  	s1 =	sld [smem:$0x3F94];
	s0 =	simm.s32 @p0 $0x1  }
0x13: {  	[smem:$0x3FAF] =	sst s0;
	s0 =	simm.s32 @!p1 $0x0  }
0x14: {  	s2 =	sld [smem:$0x3F93];
	s0 =	simm.s32 @p1 $0x1  }
0x15: {  	[smem:$0x3FB0] =	sst s0;
	s0 =	simm.s32 @!p2 $0x0  }
0x16: {  	s3 =	sld [smem:$0x3FDB];
	s0 =	simm.s32 @p2 $0x1  }
0x17: {  	s4 =	simm.s32 $0x1BF5;
	[smem:$0x3FB2] =	sst s0  }
0x18: {  	s0 =	sld [smem:$0x3F95];
	_ =	swait.ge [sflag:s4], $0x0  }
0x19: {  	s7 =	sld [smem:$0x3F96]  }
0x1a: {  	s8 =	sadd.s32 $0xFFFFE003, lr  }
0x1b: {  	s9 =	sadd.s32 $0xFFFFFEF7, lr;
	s5 =	simm.s32 $0xFFFFFFFF;
	p2 =	slt.u32 s8, $0xFFFFF086  }
0x1c: {  	p1 =	slt.u32 s9, $0xF7A;
	s5 =	simm.s32 @!p2 $0x0  }
0x1d: {  	s5 =	simm.s32 @p1 $0x1;
	p0 =	seq.s32 s7, s2  }
0x1e: {  	s7 =	smul.u32 @!p0 $0xF7A, s2;
	p2 =	seq.s32 @!p0 s5, $0x0  }
0x1f: {  	s9 =	smul.u32 $0xF7A, s1;
	s8 =	simm.s32 @!p0 $0x1BF5;
	p2 =	por !p2, p0  }
0x20: {  	[sflag:s8] =	ssyncset.s32 @!p0 $0xFFFFF086;
	s6 =	sadd.s32 @!p0 s3, s7;
	s7 =	simm.s32 @!p0 $0x108  }
0x21: {  	s3 =	sadd.s32 s3, s9;
	s6 =	sadd.s32 @!p0 $0x88, s6;
	s7 =	simm.s32 @p2 $0x1082  }
0x22: {  	[simem:s7], [sflag:s8] =	dma.local @!p0 [hbm:s6], $0xF7A  }
0x23: {  	s9 =	sor.u32 $0xD0000000, s2;
	s6 =	simm.s32 $0x108;
	_ =	swait.ge @!p0 [sflag:s8], $0x0  }
0x24: {  	s3 =	sadd.s32 $0x88, s3;
	s6 =	simm.s32 @!p1 $0x1082;
	[sflag:s4] =	ssyncset.s32 $0xFFFFF086  }
0x25: {  	[simem:s6], [sflag:s4] =	dma.local [hbm:s3], $0xF7A  }
0x26: {  	[smem:$0x3F96] =	sst s1;
	(tag) =	ssettag s2;
	_ =	strace s9  }
0x27: {  	s1 =	sld [smem:$0x3FA6]  }
0x28: {  	s2 =	sld [smem:$0x3FA7]  }
0x29: {  	s4 =	sld [smem:$0x3FA9]  }
0x2a: {  	p0 =	seq.s32 s5, $0x0;
	s5 =	sld [smem:$0x3FAA]  }
0x2b: {  	s6 =	sld [smem:$0x3FAB]  }
0x2c: {  	s7 =	sld [smem:$0x3FAC]  }
0x2d: {  	s3 =	simm.s32 $0x108;
	s8 =	sld [smem:$0x3FAD]  }
0x2e: {  	s3 =	simm.s32 @!p0 $0x1082;
	s9 =	sld [smem:$0x3FAE]  }
0x2f: {  	lr =	sadd.s32 s0, s3;
	s0 =	sld [smem:$0x3FA5]  }
0x30: {  	s3 =	sld [smem:$0x3FA8]  }
0x31: {  	[smem:$0x3FB1] =	sst s10  }
0x32: {  	s10 =	sld [smem:$0x3FAF];
	_ =	sdelay $0x3  }
0x33: {  	p0 =	seq.s32 s10, $0x1;
	s10 =	sld [smem:$0x3FB1];
	_ =	sdelay $0x3  }
0x34: {  	[smem:$0x3FB1] =	sst s10  }
0x35: {  	s10 =	sld [smem:$0x3FB0];
	_ =	sdelay $0x3  }
0x36: {  	p1 =	seq.s32 s10, $0x1;
	s10 =	sld [smem:$0x3FB1];
	_ =	sdelay $0x3  }
0x37: {  	[smem:$0x3FB1] =	sst s10  }
0x38: {  	s10 =	sld [smem:$0x3FB2]  }
0x39: {  	_ = 	snop;
	(pc) =	sbr.ind lr, $3  }
0x3a: {  	_ = 	snop  }
0x3b: {  	_ = 	snop  }
0x3c: {  	p2 =	seq.s32 s10, $0x1;
	s10 =	sld [smem:$0x3FB1]  }
0x3d: {  	_ =	shalt  }
0x3e: {  	_ =	shalt  }
0x3f: {  	_ =	shalt  }
0x40: {  	_ =	shalt  }
0x41: {  	_ =	shalt  }
0x42: {  	_ =	shalt  }
0x43: {  	_ =	shalt  }
0x44: {  	_ =	shalt  }
0x45: {  	_ =	shalt  }
0x46: {  	_ =	shalt  }
0x47: {  	_ =	shalt  }
0x48: {  	_ =	shalt  }
0x49: {  	_ =	shalt  }
0x4a: {  	_ =	shalt  }
0x4b: {  	_ =	shalt  }
0x4c: {  	_ =	shalt  }
0x4d: {  	_ =	shalt  }
0x4e: {  	_ =	shalt  }
0x4f: {  	_ =	shalt  }
0x50: {  	_ =	shalt  }
0x51: {  	_ =	shalt  }
0x52: {  	_ =	shalt  }
0x53: {  	_ =	shalt  }
0x54: {  	_ =	shalt  }
0x55: {  	_ =	shalt  }
0x56: {  	_ =	shalt  }
0x57: {  	_ =	shalt  }
0x58: {  	_ =	shalt  }
0x59: {  	_ =	shalt  }
0x5a: {  	_ =	shalt  }
0x5b: {  	_ =	shalt  }
0x5c: {  	_ =	shalt  }
0x5d: {  	_ =	shalt  }
0x5e: {  	_ =	shalt  }
0x5f: {  	_ =	shalt  }
0x60: {  	_ =	shalt  }
0x61: {  	_ =	shalt  }
0x62: {  	_ =	shalt  }
0x63: {  	_ =	shalt  }
0x64: {  	_ =	shalt  }
0x65: {  	_ =	shalt  }
0x66: {  	_ =	shalt  }
0x67: {  	_ =	shalt  }
0x68: {  	_ =	shalt  }
0x69: {  	_ =	shalt  }
0x6a: {  	_ =	shalt  }
0x6b: {  	_ =	shalt  }
0x6c: {  	_ =	shalt  }
0x6d: {  	_ =	shalt  }
0x6e: {  	_ =	shalt  }
0x6f: {  	_ =	shalt  }
0x70: {  	_ =	shalt  }
0x71: {  	_ =	shalt  }
0x72: {  	_ =	shalt  }
0x73: {  	_ =	shalt  }
0x74: {  	_ =	shalt  }
0x75: {  	_ =	shalt  }
0x76: {  	_ =	shalt  }
0x77: {  	_ =	shalt  }
0x78: {  	_ =	shalt  }
0x79: {  	_ =	shalt  }
0x7a: {  	_ =	shalt  }
0x7b: {  	_ =	shalt  }
0x7c: {  	_ =	shalt  }
0x7d: {  	_ =	shalt  }
0x7e: {  	_ =	shalt  }
0x7f: {  	_ =	shalt  }
0x80: {  	_ =	shalt  }
0x81: {  	_ =	shalt  }
0x82: {  	_ =	shalt  }
0x83: {  	_ =	shalt  }
0x84: {  	_ =	shalt  }
0x85: {  	_ =	shalt  }
0x86: {  	_ =	shalt  }
0x87: {  	_ =	shalt  }
.Lfunc_end0:
.L_simem_size_0:
called_computation.2_lowered:
.L_overlay_start_0:
0x88: {  	s2 =	sld [smem:$0x3FD9]  }
0x89: {  	s3 =	sld [smem:$0x3FFE];
	_ =	sdelay $0x1  }
0x8a: {  	s1 =	srdreg.scid  }
0x8b: {  	s0 =	sand.u32 $0x1, s1  }
0x8c: {  	s16 =	sshll.u32 s0, $0xA;
	s2 =	sadd.s32 s3, s2  }
0x8d: {  	s2 =	sadd.s32 s2, s16  }
0x8e: {  	[smem:$0x3FBD] =	sst s2  }
0x8f: {  	_ = 	snop  }
0x90: {  	(tm) =	ssettm $0x1  }
0x91: {  	s17 =	sld [smem:$0x3FFB];
	_ =	sdelay $0x3  }
0x92: {  	_ =	strace s17  }
0x93: {  	s2 =	sld [smem:$0x3FFC];
	_ =	sdelay $0x3  }
0x94: {  	_ =	strace s2  }
0x95: {  	s2 =	sld [smem:$0x3FFD];
	_ =	sdelay $0x3  }
0x96: {  	_ =	strace s2  }
0x97: {  	_ =	strace $0x8FFFFFFF  }
0x98: {  	s18 =	sld [smem:$0x3FDB];
	_ =	sdelay $0x1  }
0x99: {  	s19 =	simm.s32 $_scs_section_size  }
0x9a: {  	s4 =	simm.s32 $_size__tile_overlayer_lowered;
	s5 =	simm.s32 $_tile_overlayer_lowered  }
0x9b: {  	s22 =	simm.s32 $0x1BFF;
	s21 =	sshll.u32 s5, $0x1;
	s2 =	sadd.s32 s19, s18  }
0x9c: {  	s6 =	simm.s32 $0x0;
	s20 =	sshll.u32 s4, $0x1;
	s4 =	sadd.s32 s21, s2  }
0x9d: {  	[timem:s6], [sflag:s22] =	dma.local [hbm:s4], s20  }
0x9e: {  	_ =	swait.ge [sflag:s22], s20  }
0x9f: {  	s3 =	ssub.s32 $0x0, s20;
	[sflag:s22] =	ssyncset.done $0x0  }
0xa0: {  	[sflag:s22] =	ssyncadd.s32 s3;
	_ =	sdelay $0x1  }
0xa1: {  	s23 =	simm.s32 $0x1B8B  }
0xa2: {  	_ =	swait.ge [sflag:s23], $0x1  }
0xa3: {  	[sflag:s23] =	ssyncset.done $0x0  }
0xa4: {  	s25 =	simm.s32 $0x1B8E;
	s24 =	sld [smem:$0x3FFE];
	[sflag:s23] =	ssyncadd.s32 $0xFFFFFFFF  }
0xa5: {  	s26 =	simm.s32 $execute0_lowered;
	[smem:$0x3FD2] =	sst s25  }
0xa6: {  	s4 =	sshll.u32 s26, $0x1;
	_ =	strace $0x8000004C;
	[dreg:$0x1] =	wrdreg $0xFFFFFFFF  }
0xa7: {  	s28 =	simm.s32 $_size_execute0_lowered;
	s2 =	sadd.s32 s2, s4;
	[dreg:$0x0] =	wrdreg $0x0  }
0xa8: {  	s4 =	sshll.u32 s28, $0x1;
	[dreg:$0x2] =	wrdreg s2  }
0xa9: {  	[dreg:$0x3] =	wrdreg s4  }
0xaa: {  	[dreg:$0x4] =	wrdreg $0xC0  }
0xab: {  	_ =	task [dreg:s6], $0x5FFFF  }
0xac: {  	[dreg:$0x1] =	wrdreg $0xFFFFFFFF  }
0xad: {  	[dreg:$0x0] =	wrdreg $0x60  }
0xae: {  	[dreg:$0x2] =	wrdreg s24  }
0xaf: {  	[dreg:$0x3] =	wrdreg $0x128000  }
0xb0: {  	[dreg:$0x4] =	wrdreg $0x88000  }
0xb1: {  	[dreg:$0x5] =	wrdreg $0x9  }
0xb2: {  	_ =	task.clear_ibuf [dreg:s6], $0x6FFFF;
	_ =	strace $0x9000004C  }
0xb3: {  	s29 =	simm.s32 $0x9;
	_ =	strace $0x8000004E  }
0xb4: {  	_ =	swait.ge [sflag:s29], $0x1  }
0xb5: {  	[sflag:s29] =	ssyncadd.s32 $0xFFFFFFFF  }
0xb6: {  	_ =	strace $0x9000004E  }
0xb7: {  	_ =	sfence  }
0xb8: {  	s30 =	sld [smem:$0x0];
	_ =	sdelay $0x2  }
0xb9: {  	s31 =	sshll.u32 s1, $0xD;
	s1 =	sshrl.u32 s1, $0x2  }
0xba: {  	s3 =	sand.u32 $0x4000, s31;
	s1 =	sadd.s32 s1, s30  }
0xbb: {  	s0 =	sor.u32 s3, s0;
	s1 =	sshll.u32 s1, $0x11  }
0xbc: {  	s0 =	sor.u32 s1, s0  }
0xbd: {  	s0 =	sadd.s32 $0x8F2B, s0  }
0xbe: {  	[sflag:s0] =	ssyncadd.remote.s32 $0x1  }
0xbf: {  	_ =	sfence.sel $0xFFFF  }
0xc0: {  	[dreg:$0x0] =	wrdreg $0xFFFFFFFF;
	(pc) =	sbr.abs _section_cstart, $3  }
0xc1: {  	[dreg:$0x1] =	wrdreg $0xFFFFFFFF  }
0xc2: {  	_ =	task.clear_ibuf [dreg:s6], $0x2FFFF;
	_ =	strace $0x9FFFFFFF  }
0xc3: {  	(tm) =	ssettm $0x7FFFFFFF  }
tec
execute0_lowered:
.L_overlay_start_1:
0x0: {  	(tag) =	ssettag $0x1  }
0x1: {  	s0 =	rddreg [dreg:$0x0]  }
0x2: {  	s1 =	rddreg [dreg:$0x1]  }
0x3: {  	s2 =	rddreg [dreg:$0x2]  }
0x4: {  	s4 =	simm.s32 $0x0;
	s3 =	srdreg.scid;
	s11 =	stileid.u32  }
0x5: {  	s16 =	simm.s32 $0x9;
	s18 =	simm.s32 $0x1;
	s28 =	simm.s32 $0x800  }
0x6: {  	s29 =	simm.s32 $0x300;
	s30 =	simm.s32 $0x700;
	s8 =	smul.u32 $0xA000, s11  }
0x7: {  	s31 =	simm.s32 $0x6;
	[smem:$0x7FF] =	sst s4;
	s7 =	smul.u32 $0x5000, s11  }
0x8: {  	s5 =	sadd.s32 $0x4000, s0;
	s3 =	sand.u32 $0x1, s3;
	s10 =	smul.u32 $0x2800, s11  }
0x9: {  	s9 =	sadd.s32 $0x40000, s0;
	s22 =	sshll.u32 s11, $0x6;
	s24 =	smul.u32 $0xA00, s11  }
0xa: {  	_ =	strace $0x8000004D;
	s6 =	sshll.u32 s3, $0x3;
	s3 =	ssub.s32 $0x2, s3  }
0xb: {  	[dreg:$0x4] =	wrdreg s9;
	s9 =	simm.s32 $0x4;
	s0 =	sadd.s32 s6, s0  }
0xc: {  	s19 =	sshrl.u32 s3, $0x1;
	s20 =	sadd.s32 s8, s1;
	s21 =	sshrl.u32 s7, $0x3  }
0xd: {  	s7 =	sor.u32 $0x1C09, s22;
	s8 =	sadd.s32 s8, s2;
	s14 =	sadd.s32 s24, s5  }
0xe: {  	s22 =	simm.s32 $0x100;
	s24 =	simm.s32 $0x200;
	s6 =	sadd.s32 s5, s21  }
0xf: {  	s3 =	ssub.s32 s3, s19;
	s26 =	sshrl.u32 s8, $0x3;
	[dreg:$0x5] =	wrdreg s6  }
0x10: {  	s0 =	sadd.s32 s10, s0;
	s11 =	sshrl.u32 s20, $0x3;
	[dreg:$0xd] =	wrdreg s26  }
0x11: {  	s19 =	simm.s32 $0x8;
	s12 =	sadd.s32 $0xA000, s6;
	[dreg:$0xc] =	wrdreg s11  }
0x12: {  	s21 =	simm.s32 $0x400;
	s23 =	sadd.s32 $0x20, s6;
	[dreg:$0x6] =	wrdreg s12  }
0x13: {  	s5 =	simm.s32 $0x3;
	s6 =	sadd.s32 $0xA020, s6;
	[dreg:$0x7] =	wrdreg s23  }
0x14: {  	s8 =	simm.s32 $0x7;
	s3 =	smax.u32 s3, $0x1;
	[dreg:$0x8] =	wrdreg s6  }
0x15: {  	s10 =	simm.s32 $0x0;
	s25 =	sadd.s32 $0x18000, s0;
	[dreg:$0x9] =	wrdreg s3  }
0x16: {  	s0 =	sadd.s32 $0x41400, s0;
	s26 =	simm.s32 $0x5;
	[dreg:$0xa] =	wrdreg s25  }
0x17: {  	[dreg:$0xb] =	wrdreg s0;
	s12 =	simm.s32 $0x10;
	s23 =	simm.s32 $0x500  }
0x18: {  	s25 =	simm.s32 $0x600;
	s0 =	simm.s32 $0x4800;
	s3 =	simm.s32 $0x2  }
.LBB2_1:
0x19: {  	s6 =	rddreg [dreg:$0x4]  }
0x1a: {  	[spmem:s11], [sflag:s7] =	dma.local [hbm:s6], $0x1400  }
0x1b: {  	_ =	swait.ge [sflag:s16], $0x1400  }
0x1c: {  	[sflag:s16] =	ssyncset.done $0x0;
	s17 =	rddreg [dreg:$0xa]  }
0x1d: {  	s20 =	rddreg [dreg:$0xd];
	[sflag:s16] =	ssyncadd.s32 $0xFFFFEC00  }
0x1e: {  	[spmem:s20@s19], [sflag:s7] =	dma.strided [hbm:s17@s12], $0x1400, s18, $0x8   }
0x1f: {  	_ =	swait.ge [sflag:s16], $0x1400  }
0x20: {  	[sflag:s16] =	ssyncset.done $0x0  }
0x21: {  	[sflag:s16] =	ssyncadd.s32 $0xFFFFEC00  }
0x22: {  	[bflag:$0x0] =	sbarrier.arrive $0xFFFF  }
0x23: {  	s13 =	rddreg [dreg:$0x5]  }
0x24: {  	[tilespmem:s4], [sflag:$0x5] =	stream.linear.gather [hbm4b:s13+s4], $0x100, $0x38;
	[tilespmem:$0x1C800] =	vst v63  }
0x25: {  	s15 =	rddreg [dreg:$0x6]  }
0x26: {  	[tilespmem:s21], [sflag:$0x5] =	stream.linear.gather [hbm4b:s15+s4], $0x100, $0x38;
	[tilespmem:$0x1C800] =	vst v63  }
0x27: {  	p0 =	por $0x1, $0x1;
	s17 =	rddreg [dreg:$0x7]  }
0x28: {  	[tilespmem:s22], [sflag:$0x6] =	stream.linear.gather [hbm4b:s17+s4], $0x100, $0x38;
	[tilespmem:$0x1C800] =	vst v63  }
0x29: {  	s11 =	simm.s32 @!p0 $0x3;
	s20 =	rddreg [dreg:$0x8]  }
0x2a: {  	[tilespmem:s23], [sflag:$0x6] =	stream.linear.gather [hbm4b:s20+s4], $0x100, $0x38;
	[tilespmem:$0x1C800] =	vst v63  }
0x2b: {  	_ =	swait.ge @!p0 [sflag:s11], $0x4000  }
0x2c: {  	s6 =	sadd.s32 $0x0, s14;
	[sflag:s11] =	ssyncset.done @!p0 $0x0  }
0x2d: {  	s13 =	sadd.s32 $0x40, s6;
	[sflag:s11] =	ssyncadd.s32 @!p0 $0xFFFFC000  }
0x2e: {  	[tilespmem:s24], [sflag:$0x7] =	stream.linear.gather [hbm4b:s13+s4], $0x100, $0x38;
	[tilespmem:$0x1C800] =	vst v63  }
0x2f: {  	s15 =	sadd.s32 $0xA040, s6  }
0x30: {  	[tilespmem:s25], [sflag:$0x7] =	stream.linear.gather [hbm4b:s15+s4], $0x100, $0x38;
	[tilespmem:$0x1C800] =	vst v63  }
0x31: {  	_ =	swait.ge [sflag:s26], $0x100  }
0x32: {  	[sflag:s26] =	ssyncset.done $0x0  }
0x33: {  	[sflag:s26] =	ssyncadd.s32 $0xFFFFFF00  }
0x34: {  	_ =	swait.ge [sflag:s26], $0x100  }
0x35: {  	[sflag:s26] =	ssyncset.done $0x0  }
0x36: {  	[sflag:s26] =	ssyncadd.s32 $0xFFFFFF00  }
0x37: {  	[tilespmem:s28], [sflag:$0x1] =	stream.indirect.gather [spmem:s2], $0x40, s4, s22, $0xb8;
	[tilespmem:$0x1C800] =	vst v63  }
0x38: {  	_ =	swait.ge [sflag:s18], $0x4000  }
0x39: {  	[sflag:s18] =	ssyncset.done $0x0  }
0x3a: {  	s11 =	simm.s32 @!p0 $0x4;
	[sflag:s18] =	ssyncadd.s32 $0xFFFFC000  }
0x3b: {  	[spmem:s1] =	stream.indirect.scatter.add.f32 [tilespmem:s28], [sflag:$0x3], $0x40, s21, s22, $0xb8;
	[tilespmem:$0x1C800] =	vst v63  }
0x3c: {  	_ =	swait.ge @!p0 [sflag:s11], $0x4000  }
0x3d: {  	[sflag:s11] =	ssyncset.done @!p0 $0x0  }
0x3e: {  	s17 =	sadd.s32 $0x60, s6;
	[sflag:s11] =	ssyncadd.s32 @!p0 $0xFFFFC000  }
0x3f: {  	[tilespmem:s29], [sflag:$0x8] =	stream.linear.gather [hbm4b:s17+s4], $0x100, $0x38;
	[tilespmem:$0x1C800] =	vst v63  }
0x40: {  	s20 =	sadd.s32 $0xA060, s6  }
0x41: {  	[tilespmem:s30], [sflag:$0x8] =	stream.linear.gather [hbm4b:s20+s4], $0x100, $0x38;
	[tilespmem:$0x1C800] =	vst v63  }
0x42: {  	_ =	swait.ge [sflag:s31], $0x100  }
0x43: {  	[sflag:s31] =	ssyncset.done $0x0  }
0x44: {  	[sflag:s31] =	ssyncadd.s32 $0xFFFFFF00  }
0x45: {  	_ =	swait.ge [sflag:s31], $0x100  }
0x46: {  	[sflag:s31] =	ssyncset.done $0x0  }
0x47: {  	[sflag:s31] =	ssyncadd.s32 $0xFFFFFF00  }
0x48: {  	[tilespmem:s0], [sflag:$0x2] =	stream.indirect.gather [spmem:s2], $0x40, s22, s22, $0xb8;
	[tilespmem:$0x1C800] =	vst v63  }
0x49: {  	_ =	swait.ge [sflag:s3], $0x4000  }
0x4a: {  	[sflag:s3] =	ssyncset.done $0x0  }
0x4b: {  	[sflag:s3] =	ssyncadd.s32 $0xFFFFC000  }
0x4c: {  	[spmem:s1] =	stream.indirect.scatter.add.f32 [tilespmem:s0], [sflag:$0x4], $0x40, s23, s22, $0xb8;
	[tilespmem:$0x1C800] =	vst v63  }
0x4d: {  	p0 =	por $0x0, $0x0;
	_ =	swait.ge [sflag:s5], $0x4000  }
0x4e: {  	s11 =	sadd.s32 @!p0 $0x0, s14;
	[sflag:s5] =	ssyncset.done $0x0  }
0x4f: {  	s13 =	simm.s32 @!p0 $0x0;
	s12 =	sadd.s32 @!p0 $0x80, s11;
	[sflag:s5] =	ssyncadd.s32 $0xFFFFC000  }
0x50: {  	[tilespmem:s13], [sflag:$0x5] =	stream.linear.gather @!p0 [hbm4b:s12+s13], $0x100, $0x38;
	[tilespmem:$0x1C800] =	vst v63  }
0x51: {  	s20 =	simm.s32 @!p0 $0x400;
	s12 =	sadd.s32 @!p0 $0xA080, s11  }
0x52: {  	[tilespmem:s20], [sflag:$0x5] =	stream.linear.gather @!p0 [hbm4b:s12+s13], $0x100, $0x38;
	[tilespmem:$0x1C800] =	vst v63  }
0x53: {  	_ =	swait.ge [sflag:s8], $0x100  }
0x54: {  	[sflag:s8] =	ssyncset.done $0x0  }
0x55: {  	[sflag:s8] =	ssyncadd.s32 $0xFFFFFF00  }
0x56: {  	_ =	swait.ge [sflag:s8], $0x100  }
0x57: {  	[sflag:s8] =	ssyncset.done $0x0  }
0x58: {  	[sflag:s8] =	ssyncadd.s32 $0xFFFFFF00  }
0x59: {  	[tilespmem:s28], [sflag:$0x1] =	stream.indirect.gather [spmem:s2], $0x40, s24, s22, $0xb8;
	[tilespmem:$0x1C800] =	vst v63  }
0x5a: {  	_ =	swait.ge [sflag:s18], $0x4000  }
0x5b: {  	[sflag:s18] =	ssyncset.done $0x0  }
0x5c: {  	[sflag:s18] =	ssyncadd.s32 $0xFFFFC000  }
0x5d: {  	[spmem:s1] =	stream.indirect.scatter.add.f32 [tilespmem:s28], [sflag:$0x3], $0x40, s25, s22, $0xb8;
	[tilespmem:$0x1C800] =	vst v63  }
0x5e: {  	_ =	swait.ge [sflag:s9], $0x4000  }
0x5f: {  	[sflag:s9] =	ssyncset.done $0x0  }
0x60: {  	s12 =	sadd.s32 @!p0 $0xA0, s11;
	s20 =	simm.s32 @!p0 $0x100;
	[sflag:s9] =	ssyncadd.s32 $0xFFFFC000  }
0x61: {  	[tilespmem:s20], [sflag:$0x6] =	stream.linear.gather @!p0 [hbm4b:s12+s13], $0x100, $0x38;
	[tilespmem:$0x1C800] =	vst v63  }
0x62: {  	s11 =	sadd.s32 @!p0 $0xA0A0, s11;
	s12 =	simm.s32 @!p0 $0x500  }
0x63: {  	[tilespmem:s12], [sflag:$0x6] =	stream.linear.gather @!p0 [hbm4b:s11+s13], $0x100, $0x38;
	[tilespmem:$0x1C800] =	vst v63  }
0x64: {  	_ =	swait.ge [sflag:s19], $0x100  }
0x65: {  	[sflag:s19] =	ssyncset.done $0x0  }
0x66: {  	[sflag:s19] =	ssyncadd.s32 $0xFFFFFF00  }
0x67: {  	_ =	swait.ge [sflag:s19], $0x100  }
0x68: {  	[sflag:s19] =	ssyncset.done $0x0  }
0x69: {  	[sflag:s19] =	ssyncadd.s32 $0xFFFFFF00  }
0x6a: {  	[tilespmem:s0], [sflag:$0x2] =	stream.indirect.gather [spmem:s2], $0x40, s29, s22, $0xb8;
	[tilespmem:$0x1C800] =	vst v63  }
0x6b: {  	p1 =	por $0x0, $0x0;
	_ =	swait.ge [sflag:s3], $0x4000  }
0x6c: {  	s11 =	simm.s32 $0x80;
	s12 =	simm.s32 $0x100;
	[sflag:s3] =	ssyncset.done $0x0  }
.LBB2_2:
0x6d: {  	s20 =	simm.s32 @!p1 $0x3  }
0x6e: {  	[sflag:s3] =	ssyncadd.s32 $0xFFFFC000;
	s13 =	smov.u32 s12;
	s12 =	sadd.s32 $0x80, s12  }
0x6f: {  	[spmem:s1] =	stream.indirect.scatter.add.f32 [tilespmem:s0], [sflag:$0x4], $0x40, s30, s22, $0xb8;
	[tilespmem:$0x1C800] =	vst v63  }
0x70: {  	p0 =	sne.s32 s12, $0xA00;
	_ =	swait.ge @!p1 [sflag:s20], $0x4000  }
0x71: {  	s17 =	sadd.s32 s11, s14;
	[sflag:s20] =	ssyncset.done @!p1 $0x0  }
0x72: {  	[sflag:s20] =	ssyncadd.s32 @!p1 $0xFFFFC000;
	s20 =	sadd.s32 $0x40, s17  }
0x73: {  	[tilespmem:s24], [sflag:$0x7] =	stream.linear.gather [hbm4b:s20+s4], $0x100, $0x38;
	[tilespmem:$0x1C800] =	vst v63  }
0x74: {  	s20 =	sadd.s32 $0xA040, s17  }
0x75: {  	[tilespmem:s25], [sflag:$0x7] =	stream.linear.gather [hbm4b:s20+s4], $0x100, $0x38;
	[tilespmem:$0x1C800] =	vst v63  }
0x76: {  	_ =	swait.ge [sflag:s26], $0x100  }
0x77: {  	[sflag:s26] =	ssyncset.done $0x0  }
0x78: {  	[sflag:s26] =	ssyncadd.s32 $0xFFFFFF00  }
0x79: {  	_ =	swait.ge [sflag:s26], $0x100  }
0x7a: {  	[sflag:s26] =	ssyncset.done $0x0  }
0x7b: {  	[sflag:s26] =	ssyncadd.s32 $0xFFFFFF00  }
0x7c: {  	[tilespmem:s28], [sflag:$0x1] =	stream.indirect.gather [spmem:s2], $0x40, s4, s22, $0xb8;
	[tilespmem:$0x1C800] =	vst v63  }
0x7d: {  	_ =	swait.ge [sflag:s18], $0x4000  }
0x7e: {  	[sflag:s18] =	ssyncset.done $0x0  }
0x7f: {  	s20 =	simm.s32 @!p1 $0x4;
	[sflag:s18] =	ssyncadd.s32 $0xFFFFC000  }
0x80: {  	[spmem:s1] =	stream.indirect.scatter.add.f32 [tilespmem:s28], [sflag:$0x3], $0x40, s21, s22, $0xb8;
	[tilespmem:$0x1C800] =	vst v63  }
0x81: {  	_ =	swait.ge @!p1 [sflag:s20], $0x4000  }
0x82: {  	[sflag:s20] =	ssyncset.done @!p1 $0x0  }
0x83: {  	[sflag:s20] =	ssyncadd.s32 @!p1 $0xFFFFC000;
	s20 =	sadd.s32 $0x60, s17  }
0x84: {  	[tilespmem:s29], [sflag:$0x8] =	stream.linear.gather [hbm4b:s20+s4], $0x100, $0x38;
	[tilespmem:$0x1C800] =	vst v63  }
0x85: {  	s17 =	sadd.s32 $0xA060, s17  }
0x86: {  	[tilespmem:s30], [sflag:$0x8] =	stream.linear.gather [hbm4b:s17+s4], $0x100, $0x38;
	[tilespmem:$0x1C800] =	vst v63  }
0x87: {  	_ =	swait.ge [sflag:s31], $0x100  }
0x88: {  	[sflag:s31] =	ssyncset.done $0x0  }
0x89: {  	[sflag:s31] =	ssyncadd.s32 $0xFFFFFF00  }
0x8a: {  	_ =	swait.ge [sflag:s31], $0x100  }
0x8b: {  	[sflag:s31] =	ssyncset.done $0x0  }
0x8c: {  	[sflag:s31] =	ssyncadd.s32 $0xFFFFFF00  }
0x8d: {  	[tilespmem:s0], [sflag:$0x2] =	stream.indirect.gather [spmem:s2], $0x40, s22, s22, $0xb8;
	[tilespmem:$0x1C800] =	vst v63  }
0x8e: {  	_ =	swait.ge [sflag:s3], $0x4000  }
0x8f: {  	[sflag:s3] =	ssyncset.done $0x0  }
0x90: {  	[sflag:s3] =	ssyncadd.s32 $0xFFFFC000  }
0x91: {  	[spmem:s1] =	stream.indirect.scatter.add.f32 [tilespmem:s0], [sflag:$0x4], $0x40, s23, s22, $0xb8;
	[tilespmem:$0x1C800] =	vst v63  }
0x92: {  	p1 =	seq.s32 s11, $0x980;
	_ =	swait.ge [sflag:s5], $0x4000  }
0x93: {  	s17 =	sadd.s32 @!p1 s11, s14;
	s11 =	smov.u32 s13;
	[sflag:s5] =	ssyncset.done $0x0  }
0x94: {  	s20 =	simm.s32 @!p1 $0x0;
	s13 =	sadd.s32 @!p1 $0x80, s17;
	[sflag:s5] =	ssyncadd.s32 $0xFFFFC000  }
0x95: {  	[tilespmem:s20], [sflag:$0x5] =	stream.linear.gather @!p1 [hbm4b:s13+s20], $0x100, $0x38;
	[tilespmem:$0x1C800] =	vst v63  }
0x96: {  	s6 =	simm.s32 @!p1 $0x400;
	s15 =	sadd.s32 @!p1 $0xA0, s17;
	s13 =	sadd.s32 @!p1 $0xA080, s17  }
0x97: {  	[tilespmem:s6], [sflag:$0x5] =	stream.linear.gather @!p1 [hbm4b:s13+s20], $0x100, $0x38;
	[tilespmem:$0x1C800] =	vst v63  }
0x98: {  	s6 =	sadd.s32 @!p1 $0xA0A0, s17;
	_ =	swait.ge [sflag:s8], $0x100  }
0x99: {  	[sflag:s8] =	ssyncset.done $0x0  }
0x9a: {  	[sflag:s8] =	ssyncadd.s32 $0xFFFFFF00  }
0x9b: {  	_ =	swait.ge [sflag:s8], $0x100  }
0x9c: {  	[sflag:s8] =	ssyncset.done $0x0  }
0x9d: {  	[sflag:s8] =	ssyncadd.s32 $0xFFFFFF00  }
0x9e: {  	[tilespmem:s28], [sflag:$0x1] =	stream.indirect.gather [spmem:s2], $0x40, s24, s22, $0xb8;
	[tilespmem:$0x1C800] =	vst v63  }
0x9f: {  	_ =	swait.ge [sflag:s18], $0x4000  }
0xa0: {  	[sflag:s18] =	ssyncset.done $0x0  }
0xa1: {  	[sflag:s18] =	ssyncadd.s32 $0xFFFFC000  }
0xa2: {  	[spmem:s1] =	stream.indirect.scatter.add.f32 [tilespmem:s28], [sflag:$0x3], $0x40, s25, s22, $0xb8;
	[tilespmem:$0x1C800] =	vst v63  }
0xa3: {  	_ =	swait.ge [sflag:s9], $0x4000  }
0xa4: {  	[sflag:s9] =	ssyncset.done $0x0  }
0xa5: {  	s13 =	simm.s32 @!p1 $0x100;
	[sflag:s9] =	ssyncadd.s32 $0xFFFFC000  }
0xa6: {  	[tilespmem:s13], [sflag:$0x6] =	stream.linear.gather @!p1 [hbm4b:s15+s20], $0x100, $0x38;
	[tilespmem:$0x1C800] =	vst v63  }
0xa7: {  	s13 =	simm.s32 @!p1 $0x500  }
0xa8: {  	[tilespmem:s13], [sflag:$0x6] =	stream.linear.gather @!p1 [hbm4b:s6+s20], $0x100, $0x38;
	[tilespmem:$0x1C800] =	vst v63  }
0xa9: {  	_ =	swait.ge [sflag:s19], $0x100  }
0xaa: {  	[sflag:s19] =	ssyncset.done $0x0  }
0xab: {  	[sflag:s19] =	ssyncadd.s32 $0xFFFFFF00  }
0xac: {  	_ =	swait.ge [sflag:s19], $0x100  }
.Ltmp0:
0xad: {  	[sflag:s19] =	ssyncset.done $0x0;
	(pc) =	sbr.rel @p0 .LBB2_2-.Ltmp0, $4  }
0xae: {  	[sflag:s19] =	ssyncadd.s32 $0xFFFFFF00  }
0xaf: {  	[tilespmem:s0], [sflag:$0x2] =	stream.indirect.gather [spmem:s2], $0x40, s29, s22, $0xb8;
	[tilespmem:$0x1C800] =	vst v63  }
0xb0: {  	_ =	swait.ge [sflag:s3], $0x4000  }
0xb1: {  	p1 =	seq.s32 s11, $0x0;
	[sflag:s3] =	ssyncset.done $0x0  }
0xb2: {  	s6 =	simm.s32 @!p1 $0x3;
	[sflag:s3] =	ssyncadd.s32 $0xFFFFC000  }
0xb3: {  	[spmem:s1] =	stream.indirect.scatter.add.f32 [tilespmem:s0], [sflag:$0x4], $0x40, s30, s22, $0xb8;
	[tilespmem:$0x1C800] =	vst v63  }
0xb4: {  	_ =	swait.ge @!p1 [sflag:s6], $0x4000  }
0xb5: {  	s12 =	sadd.s32 s11, s14;
	[sflag:s6] =	ssyncset.done @!p1 $0x0  }
0xb6: {  	s17 =	sadd.s32 $0x40, s12;
	[sflag:s6] =	ssyncadd.s32 @!p1 $0xFFFFC000  }
0xb7: {  	[tilespmem:s24], [sflag:$0x7] =	stream.linear.gather [hbm4b:s17+s4], $0x100, $0x38;
	[tilespmem:$0x1C800] =	vst v63  }
0xb8: {  	s20 =	sadd.s32 $0xA040, s12  }
0xb9: {  	[tilespmem:s25], [sflag:$0x7] =	stream.linear.gather [hbm4b:s20+s4], $0x100, $0x38;
	[tilespmem:$0x1C800] =	vst v63  }
0xba: {  	_ =	swait.ge [sflag:s26], $0x100  }
0xbb: {  	[sflag:s26] =	ssyncset.done $0x0  }
0xbc: {  	[sflag:s26] =	ssyncadd.s32 $0xFFFFFF00  }
0xbd: {  	_ =	swait.ge [sflag:s26], $0x100  }
0xbe: {  	[sflag:s26] =	ssyncset.done $0x0  }
0xbf: {  	[sflag:s26] =	ssyncadd.s32 $0xFFFFFF00  }
0xc0: {  	[tilespmem:s28], [sflag:$0x1] =	stream.indirect.gather [spmem:s2], $0x40, s4, s22, $0xb8;
	[tilespmem:$0x1C800] =	vst v63  }
0xc1: {  	_ =	swait.ge [sflag:s18], $0x4000  }
0xc2: {  	[sflag:s18] =	ssyncset.done $0x0  }
0xc3: {  	s6 =	simm.s32 @!p1 $0x4;
	[sflag:s18] =	ssyncadd.s32 $0xFFFFC000  }
0xc4: {  	[spmem:s1] =	stream.indirect.scatter.add.f32 [tilespmem:s28], [sflag:$0x3], $0x40, s21, s22, $0xb8;
	[tilespmem:$0x1C800] =	vst v63  }
0xc5: {  	_ =	swait.ge @!p1 [sflag:s6], $0x4000  }
0xc6: {  	[sflag:s6] =	ssyncset.done @!p1 $0x0  }
0xc7: {  	s13 =	sadd.s32 $0x60, s12;
	[sflag:s6] =	ssyncadd.s32 @!p1 $0xFFFFC000  }
0xc8: {  	[tilespmem:s29], [sflag:$0x8] =	stream.linear.gather [hbm4b:s13+s4], $0x100, $0x38;
	[tilespmem:$0x1C800] =	vst v63  }
0xc9: {  	s15 =	sadd.s32 $0xA060, s12  }
0xca: {  	[tilespmem:s30], [sflag:$0x8] =	stream.linear.gather [hbm4b:s15+s4], $0x100, $0x38;
	[tilespmem:$0x1C800] =	vst v63  }
0xcb: {  	_ =	swait.ge [sflag:s31], $0x100  }
0xcc: {  	[sflag:s31] =	ssyncset.done $0x0  }
0xcd: {  	[sflag:s31] =	ssyncadd.s32 $0xFFFFFF00  }
0xce: {  	_ =	swait.ge [sflag:s31], $0x100  }
0xcf: {  	[sflag:s31] =	ssyncset.done $0x0  }
0xd0: {  	[sflag:s31] =	ssyncadd.s32 $0xFFFFFF00  }
0xd1: {  	[tilespmem:s0], [sflag:$0x2] =	stream.indirect.gather [spmem:s2], $0x40, s22, s22, $0xb8;
	[tilespmem:$0x1C800] =	vst v63  }
0xd2: {  	_ =	swait.ge [sflag:s3], $0x4000  }
0xd3: {  	[sflag:s3] =	ssyncset.done $0x0  }
0xd4: {  	[sflag:s3] =	ssyncadd.s32 $0xFFFFC000  }
0xd5: {  	[spmem:s1] =	stream.indirect.scatter.add.f32 [tilespmem:s0], [sflag:$0x4], $0x40, s23, s22, $0xb8;
	[tilespmem:$0x1C800] =	vst v63  }
0xd6: {  	p0 =	seq.s32 s11, $0x980;
	_ =	swait.ge [sflag:s5], $0x4000  }
0xd7: {  	s6 =	sadd.s32 @!p0 s11, s14;
	[sflag:s5] =	ssyncset.done $0x0  }
0xd8: {  	s12 =	simm.s32 @!p0 $0x0;
	s11 =	sadd.s32 @!p0 $0x80, s6;
	[sflag:s5] =	ssyncadd.s32 $0xFFFFC000  }
0xd9: {  	[tilespmem:s12], [sflag:$0x5] =	stream.linear.gather @!p0 [hbm4b:s11+s12], $0x100, $0x38;
	[tilespmem:$0x1C800] =	vst v63  }
0xda: {  	s13 =	simm.s32 @!p0 $0x400;
	s11 =	sadd.s32 @!p0 $0xA080, s6  }
0xdb: {  	[tilespmem:s13], [sflag:$0x5] =	stream.linear.gather @!p0 [hbm4b:s11+s12], $0x100, $0x38;
	[tilespmem:$0x1C800] =	vst v63  }
0xdc: {  	_ =	swait.ge [sflag:s8], $0x100  }
0xdd: {  	[sflag:s8] =	ssyncset.done $0x0  }
0xde: {  	[sflag:s8] =	ssyncadd.s32 $0xFFFFFF00  }
0xdf: {  	_ =	swait.ge [sflag:s8], $0x100  }
0xe0: {  	[sflag:s8] =	ssyncset.done $0x0  }
0xe1: {  	[sflag:s8] =	ssyncadd.s32 $0xFFFFFF00  }
0xe2: {  	[tilespmem:s28], [sflag:$0x1] =	stream.indirect.gather [spmem:s2], $0x40, s24, s22, $0xb8;
	[tilespmem:$0x1C800] =	vst v63  }
0xe3: {  	_ =	swait.ge [sflag:s18], $0x4000  }
0xe4: {  	[sflag:s18] =	ssyncset.done $0x0  }
0xe5: {  	[sflag:s18] =	ssyncadd.s32 $0xFFFFC000  }
0xe6: {  	[spmem:s1] =	stream.indirect.scatter.add.f32 [tilespmem:s28], [sflag:$0x3], $0x40, s25, s22, $0xb8;
	[tilespmem:$0x1C800] =	vst v63  }
0xe7: {  	_ =	swait.ge [sflag:s9], $0x4000  }
0xe8: {  	[sflag:s9] =	ssyncset.done $0x0  }
0xe9: {  	s11 =	sadd.s32 @!p0 $0xA0, s6;
	s13 =	simm.s32 @!p0 $0x100;
	[sflag:s9] =	ssyncadd.s32 $0xFFFFC000  }
0xea: {  	[tilespmem:s13], [sflag:$0x6] =	stream.linear.gather @!p0 [hbm4b:s11+s12], $0x100, $0x38;
	[tilespmem:$0x1C800] =	vst v63  }
0xeb: {  	s6 =	sadd.s32 @!p0 $0xA0A0, s6;
	s11 =	simm.s32 @!p0 $0x500  }
0xec: {  	[tilespmem:s11], [sflag:$0x6] =	stream.linear.gather @!p0 [hbm4b:s6+s12], $0x100, $0x38;
	[tilespmem:$0x1C800] =	vst v63  }
0xed: {  	_ =	swait.ge [sflag:s19], $0x100  }
0xee: {  	[sflag:s19] =	ssyncset.done $0x0  }
0xef: {  	[sflag:s19] =	ssyncadd.s32 $0xFFFFFF00  }
0xf0: {  	_ =	swait.ge [sflag:s19], $0x100  }
0xf1: {  	[sflag:s19] =	ssyncset.done $0x0  }
0xf2: {  	[sflag:s19] =	ssyncadd.s32 $0xFFFFFF00  }
0xf3: {  	[tilespmem:s0], [sflag:$0x2] =	stream.indirect.gather [spmem:s2], $0x40, s29, s22, $0xb8;
	[tilespmem:$0x1C800] =	vst v63  }
0xf4: {  	_ =	swait.ge [sflag:s3], $0x4000  }
0xf5: {  	[sflag:s3] =	ssyncset.done $0x0  }
0xf6: {  	[sflag:s3] =	ssyncadd.s32 $0xFFFFC000  }
0xf7: {  	[spmem:s1] =	stream.indirect.scatter.add.f32 [tilespmem:s0], [sflag:$0x4], $0x40, s30, s22, $0xb8;
	[tilespmem:$0x1C800] =	vst v63  }
0xf8: {  	_ =	swait.ge [sflag:s5], $0x4000  }
0xf9: {  	[sflag:s5] =	ssyncset.done $0x0  }
0xfa: {  	[sflag:s5] =	ssyncadd.s32 $0xFFFFC000  }
0xfb: {  	_ =	swait.ge [sflag:s9], $0x4000  }
0xfc: {  	[sflag:s9] =	ssyncset.done $0x0  }
0xfd: {  	[sflag:s9] =	ssyncadd.s32 $0xFFFFC000  }
0xfe: {  	[bflag:$0x0] =	sbarrier.arrive $0xFFFF  }
0xff: {  	s17 =	rddreg [dreg:$0xb]  }
0x100: {  	s12 =	simm.s32 $0x10;
	s11 =	rddreg [dreg:$0xc]  }
0x101: {  	[hbm:s17@s12], [sflag:s7] =	dma.strided [spmem:s11@s19], $0x1400, s18, $0x8   }
0x102: {  	_ =	swait.ge [sflag:s16], $0x1400  }
0x103: {  	s10 =	sadd.s32 $0x1, s10;
	s20 =	rddreg [dreg:$0x9]  }
0x104: {  	p0 =	sne.s32 s10, s20  }
.Ltmp1:
0x105: {  	_ = 	snop;
	(pc) =	sbr.rel @p0 .LBB2_1-.Ltmp1, $3  }
0x106: {  	_ =	sdelay $0x1  }
0x107: {  	[sflag:s16] =	ssyncset.done $0x0  }
0x108: {  	[sflag:s16] =	ssyncadd.s32 $0xFFFFEC00  }
0x109: {  	_ =	sfence.sel $0x180000  }
0x10a: {  	[bflag:$0x0] =	sbarrier.arrive $0xFFFF  }
0x10b: {  	_ =	strace $0x9000004D  }
0x10c: {  	s0 =	stileid.u32;
	[bflag:$0x2] =	sbarrier.arrive $0xFFFF  }
0x10d: {  	p0 =	sne.s32 s0, $0x0;
	s0 =	rddreg [dreg:$0x3]  }
0x10e: {  	s0 =	sadd.s32 @!p0 $0x100000, s0  }
0x10f: {  	[sflag:s0] =	ssyncadd.tile.s32 @!p0 $0x1;
	_ =	shalt  }
.Lfunc_end2:
_tile_overlayer_lowered:
.L_overlay_start_2:
0x110: {  	(tag) =	ssettag $0x2  }
0x111: {  	s0 =	rddreg [dreg:$0x0];
	s2 =	stileid.u32  }
0x112: {  	s1 =	rddreg [dreg:$0x1];
	p0 =	sne.s32 s2, $0x0  }
0x113: {  	s3 =	rddreg [dreg:$0x2];
	[bflag:$0x3] =	sbarrier.arrive $0xFFFF;
	s2 =	simm.s32 @!p0 $0x1C09  }
0x114: {  	[timem:s3], [sflag:s2] =	dma.local @!p0 [hbm:s0], s1  }
0x115: {  	s0 =	simm.s32 @!p0 $0x9  }
0x116: {  	_ =	swait.ge @!p0 [sflag:s0], s1  }
0x117: {  	s1 =	ssub.s32 @!p0 $0x0, s1;
	[sflag:s0] =	ssyncset.done @!p0 $0x0  }
0x118: {  	[sflag:s0] =	ssyncadd.s32 @!p0 s1  }
0x119: {  	[bflag:$0x3] =	sbarrier.arrive $0xFFFF  }
0x11a: {  	_ =	shalt  }

// kernel: kernel.21.cloned.1.call-start
scs
__scs_entry_jumppad:
0x0: {  	(pc) =	sbr.rel $0x88, $3  }
0x1: {  	(tag) =	ssettag $0x0;
	lr =	simm.s32 $0x1  }
0x2: {  	[smem:$0x3F96] =	sst lr;
	_ =	strace $0xD0000000  }
0x3: {  	_ = 	snop  }
0x4: {  	_ = 	snop  }
0x5: {  	_ = 	snop  }
0x6: {  	_ = 	snop  }
0x7: {  	_ = 	snop  }
__scs_overlays_trampoline_lowered:
0x8: {  	[smem:$0x3FA5] =	sst s0  }
0x9: {  	[smem:$0x3FA6] =	sst s1  }
0xa: {  	[smem:$0x3FA7] =	sst s2  }
0xb: {  	[smem:$0x3FA8] =	sst s3  }
0xc: {  	[smem:$0x3FA9] =	sst s4  }
0xd: {  	[smem:$0x3FAA] =	sst s5  }
0xe: {  	[smem:$0x3FAB] =	sst s6  }
0xf: {  	[smem:$0x3FAC] =	sst s7  }
0x10: {  	[smem:$0x3FAD] =	sst s8  }
0x11: {  	[smem:$0x3FAE] =	sst s9;
	s0 =	simm.s32 @!p0 $0x0  }
0x12: {  	s1 =	sld [smem:$0x3F94];
	s0 =	simm.s32 @p0 $0x1  }
0x13: {  	[smem:$0x3FAF] =	sst s0;
	s0 =	simm.s32 @!p1 $0x0  }
0x14: {  	s2 =	sld [smem:$0x3F93];
	s0 =	simm.s32 @p1 $0x1  }
0x15: {  	[smem:$0x3FB0] =	sst s0;
	s0 =	simm.s32 @!p2 $0x0  }
0x16: {  	s3 =	sld [smem:$0x3FDB];
	s0 =	simm.s32 @p2 $0x1  }
0x17: {  	s4 =	simm.s32 $0x1BF5;
	[smem:$0x3FB2] =	sst s0  }
0x18: {  	s0 =	sld [smem:$0x3F95];
	_ =	swait.ge [sflag:s4], $0x0  }
0x19: {  	s7 =	sld [smem:$0x3F96]  }
0x1a: {  	s8 =	sadd.s32 $0xFFFFE003, lr  }
0x1b: {  	s9 =	sadd.s32 $0xFFFFFEF7, lr;
	s5 =	simm.s32 $0xFFFFFFFF;
	p2 =	slt.u32 s8, $0xFFFFF086  }
0x1c: {  	p1 =	slt.u32 s9, $0xF7A;
	s5 =	simm.s32 @!p2 $0x0  }
0x1d: {  	s5 =	simm.s32 @p1 $0x1;
	p0 =	seq.s32 s7, s2  }
0x1e: {  	s7 =	smul.u32 @!p0 $0xF7A, s2;
	p2 =	seq.s32 @!p0 s5, $0x0  }
0x1f: {  	s9 =	smul.u32 $0xF7A, s1;
	s8 =	simm.s32 @!p0 $0x1BF5;
	p2 =	por !p2, p0  }
0x20: {  	[sflag:s8] =	ssyncset.s32 @!p0 $0xFFFFF086;
	s6 =	sadd.s32 @!p0 s3, s7;
	s7 =	simm.s32 @!p0 $0x108  }
0x21: {  	s3 =	sadd.s32 s3, s9;
	s6 =	sadd.s32 @!p0 $0x88, s6;
	s7 =	simm.s32 @p2 $0x1082  }
0x22: {  	[simem:s7], [sflag:s8] =	dma.local @!p0 [hbm:s6], $0xF7A  }
0x23: {  	s9 =	sor.u32 $0xD0000000, s2;
	s6 =	simm.s32 $0x108;
	_ =	swait.ge @!p0 [sflag:s8], $0x0  }
0x24: {  	s3 =	sadd.s32 $0x88, s3;
	s6 =	simm.s32 @!p1 $0x1082;
	[sflag:s4] =	ssyncset.s32 $0xFFFFF086  }
0x25: {  	[simem:s6], [sflag:s4] =	dma.local [hbm:s3], $0xF7A  }
0x26: {  	[smem:$0x3F96] =	sst s1;
	(tag) =	ssettag s2;
	_ =	strace s9  }
0x27: {  	s1 =	sld [smem:$0x3FA6]  }
0x28: {  	s2 =	sld [smem:$0x3FA7]  }
0x29: {  	s4 =	sld [smem:$0x3FA9]  }
0x2a: {  	p0 =	seq.s32 s5, $0x0;
	s5 =	sld [smem:$0x3FAA]  }
0x2b: {  	s6 =	sld [smem:$0x3FAB]  }
0x2c: {  	s7 =	sld [smem:$0x3FAC]  }
0x2d: {  	s3 =	simm.s32 $0x108;
	s8 =	sld [smem:$0x3FAD]  }
0x2e: {  	s3 =	simm.s32 @!p0 $0x1082;
	s9 =	sld [smem:$0x3FAE]  }
0x2f: {  	lr =	sadd.s32 s0, s3;
	s0 =	sld [smem:$0x3FA5]  }
0x30: {  	s3 =	sld [smem:$0x3FA8]  }
0x31: {  	[smem:$0x3FB1] =	sst s10  }
0x32: {  	s10 =	sld [smem:$0x3FAF];
	_ =	sdelay $0x3  }
0x33: {  	p0 =	seq.s32 s10, $0x1;
	s10 =	sld [smem:$0x3FB1];
	_ =	sdelay $0x3  }
0x34: {  	[smem:$0x3FB1] =	sst s10  }
0x35: {  	s10 =	sld [smem:$0x3FB0];
	_ =	sdelay $0x3  }
0x36: {  	p1 =	seq.s32 s10, $0x1;
	s10 =	sld [smem:$0x3FB1];
	_ =	sdelay $0x3  }
0x37: {  	[smem:$0x3FB1] =	sst s10  }
0x38: {  	s10 =	sld [smem:$0x3FB2]  }
0x39: {  	_ = 	snop;
	(pc) =	sbr.ind lr, $3  }
0x3a: {  	_ = 	snop  }
0x3b: {  	_ = 	snop  }
0x3c: {  	p2 =	seq.s32 s10, $0x1;
	s10 =	sld [smem:$0x3FB1]  }
0x3d: {  	_ =	shalt  }
0x3e: {  	_ =	shalt  }
0x3f: {  	_ =	shalt  }
0x40: {  	_ =	shalt  }
0x41: {  	_ =	shalt  }
0x42: {  	_ =	shalt  }
0x43: {  	_ =	shalt  }
0x44: {  	_ =	shalt  }
0x45: {  	_ =	shalt  }
0x46: {  	_ =	shalt  }
0x47: {  	_ =	shalt  }
0x48: {  	_ =	shalt  }
0x49: {  	_ =	shalt  }
0x4a: {  	_ =	shalt  }
0x4b: {  	_ =	shalt  }
0x4c: {  	_ =	shalt  }
0x4d: {  	_ =	shalt  }
0x4e: {  	_ =	shalt  }
0x4f: {  	_ =	shalt  }
0x50: {  	_ =	shalt  }
0x51: {  	_ =	shalt  }
0x52: {  	_ =	shalt  }
0x53: {  	_ =	shalt  }
0x54: {  	_ =	shalt  }
0x55: {  	_ =	shalt  }
0x56: {  	_ =	shalt  }
0x57: {  	_ =	shalt  }
0x58: {  	_ =	shalt  }
0x59: {  	_ =	shalt  }
0x5a: {  	_ =	shalt  }
0x5b: {  	_ =	shalt  }
0x5c: {  	_ =	shalt  }
0x5d: {  	_ =	shalt  }
0x5e: {  	_ =	shalt  }
0x5f: {  	_ =	shalt  }
0x60: {  	_ =	shalt  }
0x61: {  	_ =	shalt  }
0x62: {  	_ =	shalt  }
0x63: {  	_ =	shalt  }
0x64: {  	_ =	shalt  }
0x65: {  	_ =	shalt  }
0x66: {  	_ =	shalt  }
0x67: {  	_ =	shalt  }
0x68: {  	_ =	shalt  }
0x69: {  	_ =	shalt  }
0x6a: {  	_ =	shalt  }
0x6b: {  	_ =	shalt  }
0x6c: {  	_ =	shalt  }
0x6d: {  	_ =	shalt  }
0x6e: {  	_ =	shalt  }
0x6f: {  	_ =	shalt  }
0x70: {  	_ =	shalt  }
0x71: {  	_ =	shalt  }
0x72: {  	_ =	shalt  }
0x73: {  	_ =	shalt  }
0x74: {  	_ =	shalt  }
0x75: {  	_ =	shalt  }
0x76: {  	_ =	shalt  }
0x77: {  	_ =	shalt  }
0x78: {  	_ =	shalt  }
0x79: {  	_ =	shalt  }
0x7a: {  	_ =	shalt  }
0x7b: {  	_ =	shalt  }
0x7c: {  	_ =	shalt  }
0x7d: {  	_ =	shalt  }
0x7e: {  	_ =	shalt  }
0x7f: {  	_ =	shalt  }
0x80: {  	_ =	shalt  }
0x81: {  	_ =	shalt  }
0x82: {  	_ =	shalt  }
0x83: {  	_ =	shalt  }
0x84: {  	_ =	shalt  }
0x85: {  	_ =	shalt  }
0x86: {  	_ =	shalt  }
0x87: {  	_ =	shalt  }
.Lfunc_end0:
.L_simem_size_0:
called_computation.3_lowered:
.L_overlay_start_0:
0x88: {  	s2 =	sld [smem:$0x3FD9]  }
0x89: {  	s3 =	sld [smem:$0x3FFE];
	_ =	sdelay $0x1  }
0x8a: {  	s1 =	srdreg.scid  }
0x8b: {  	s0 =	sand.u32 $0x1, s1  }
0x8c: {  	s16 =	sshll.u32 s0, $0xA;
	s2 =	sadd.s32 s3, s2  }
0x8d: {  	s2 =	sadd.s32 s2, s16  }
0x8e: {  	[smem:$0x3FBD] =	sst s2  }
0x8f: {  	_ = 	snop  }
0x90: {  	(tm) =	ssettm $0x1  }
0x91: {  	s17 =	sld [smem:$0x3FFB];
	_ =	sdelay $0x3  }
0x92: {  	_ =	strace s17  }
0x93: {  	s2 =	sld [smem:$0x3FFC];
	_ =	sdelay $0x3  }
0x94: {  	_ =	strace s2  }
0x95: {  	s2 =	sld [smem:$0x3FFD];
	_ =	sdelay $0x3  }
0x96: {  	_ =	strace s2  }
0x97: {  	_ =	strace $0x8FFFFFFF  }
0x98: {  	s18 =	sld [smem:$0x3FDB];
	_ =	sdelay $0x1  }
0x99: {  	s19 =	simm.s32 $_scs_section_size  }
0x9a: {  	s4 =	simm.s32 $_size__tile_overlayer_lowered;
	s5 =	simm.s32 $_tile_overlayer_lowered  }
0x9b: {  	s22 =	simm.s32 $0x1BFF;
	s21 =	sshll.u32 s5, $0x1;
	s2 =	sadd.s32 s19, s18  }
0x9c: {  	s6 =	simm.s32 $0x0;
	s20 =	sshll.u32 s4, $0x1;
	s4 =	sadd.s32 s21, s2  }
0x9d: {  	[timem:s6], [sflag:s22] =	dma.local [hbm:s4], s20  }
0x9e: {  	_ =	swait.ge [sflag:s22], s20  }
0x9f: {  	s3 =	ssub.s32 $0x0, s20;
	[sflag:s22] =	ssyncset.done $0x0  }
0xa0: {  	[sflag:s22] =	ssyncadd.s32 s3;
	_ =	sdelay $0x1  }
0xa1: {  	s23 =	simm.s32 $0x1B8B  }
0xa2: {  	_ =	swait.ge [sflag:s23], $0x1  }
0xa3: {  	[sflag:s23] =	ssyncset.done $0x0  }
0xa4: {  	s25 =	simm.s32 $0x1B8E;
	s24 =	sld [smem:$0x3FFE];
	[sflag:s23] =	ssyncadd.s32 $0xFFFFFFFF  }
0xa5: {  	s26 =	simm.s32 $execute0_lowered;
	[smem:$0x3FD2] =	sst s25  }
0xa6: {  	s4 =	sshll.u32 s26, $0x1;
	_ =	strace $0x8000004F;
	[dreg:$0x1] =	wrdreg $0xFFFFFFFF  }
0xa7: {  	s28 =	simm.s32 $_size_execute0_lowered;
	s2 =	sadd.s32 s2, s4;
	[dreg:$0x0] =	wrdreg $0x0  }
0xa8: {  	s4 =	sshll.u32 s28, $0x1;
	[dreg:$0x2] =	wrdreg s2  }
0xa9: {  	[dreg:$0x3] =	wrdreg s4  }
0xaa: {  	[dreg:$0x4] =	wrdreg $0xC0  }
0xab: {  	_ =	task [dreg:s6], $0x5FFFF  }
0xac: {  	[dreg:$0x1] =	wrdreg $0xFFFFFFFF  }
0xad: {  	[dreg:$0x0] =	wrdreg $0x60  }
0xae: {  	[dreg:$0x2] =	wrdreg s24  }
0xaf: {  	[dreg:$0x3] =	wrdreg $0x128000  }
0xb0: {  	[dreg:$0x4] =	wrdreg $0x88000  }
0xb1: {  	[dreg:$0x5] =	wrdreg $0x9  }
0xb2: {  	_ =	task.clear_ibuf [dreg:s6], $0x6FFFF;
	_ =	strace $0x9000004F  }
0xb3: {  	s29 =	simm.s32 $0x9;
	_ =	strace $0x80000051  }
0xb4: {  	_ =	swait.ge [sflag:s29], $0x1  }
0xb5: {  	[sflag:s29] =	ssyncadd.s32 $0xFFFFFFFF  }
0xb6: {  	_ =	strace $0x90000051  }
0xb7: {  	_ =	sfence  }
0xb8: {  	s30 =	sld [smem:$0x0];
	_ =	sdelay $0x2  }
0xb9: {  	s31 =	sshll.u32 s1, $0xD;
	s1 =	sshrl.u32 s1, $0x2  }
0xba: {  	s3 =	sand.u32 $0x4000, s31;
	s1 =	sadd.s32 s1, s30  }
0xbb: {  	s0 =	sor.u32 s3, s0;
	s1 =	sshll.u32 s1, $0x11  }
0xbc: {  	s0 =	sor.u32 s1, s0  }
0xbd: {  	s0 =	sadd.s32 $0x8F2B, s0  }
0xbe: {  	[sflag:s0] =	ssyncadd.remote.s32 $0x1  }
0xbf: {  	_ =	sfence.sel $0xFFFF  }
0xc0: {  	[dreg:$0x0] =	wrdreg $0xFFFFFFFF;
	(pc) =	sbr.abs _section_cstart, $3  }
0xc1: {  	[dreg:$0x1] =	wrdreg $0xFFFFFFFF  }
0xc2: {  	_ =	task.clear_ibuf [dreg:s6], $0x2FFFF;
	_ =	strace $0x9FFFFFFF  }
0xc3: {  	(tm) =	ssettm $0x7FFFFFFF  }
tec
execute0_lowered:
.L_overlay_start_1:
0x0: {  	(tag) =	ssettag $0x1  }
0x1: {  	s0 =	rddreg [dreg:$0x0]  }
0x2: {  	s1 =	rddreg [dreg:$0x1]  }
0x3: {  	s2 =	rddreg [dreg:$0x2]  }
0x4: {  	s4 =	simm.s32 $0x0;
	s3 =	srdreg.scid;
	s11 =	stileid.u32  }
0x5: {  	s16 =	simm.s32 $0x9;
	s18 =	simm.s32 $0x1;
	s28 =	simm.s32 $0x800  }
0x6: {  	s29 =	simm.s32 $0x300;
	s30 =	simm.s32 $0x700;
	s8 =	smul.u32 $0xA000, s11  }
0x7: {  	s31 =	simm.s32 $0x6;
	[smem:$0x7FF] =	sst s4;
	s7 =	smul.u32 $0x5000, s11  }
0x8: {  	s5 =	sadd.s32 $0x4000, s0;
	s3 =	sand.u32 $0x1, s3;
	s10 =	smul.u32 $0x2800, s11  }
0x9: {  	s9 =	sadd.s32 $0x40000, s0;
	s22 =	sshll.u32 s11, $0x6;
	s24 =	smul.u32 $0xA00, s11  }
0xa: {  	_ =	strace $0x80000050;
	s6 =	sshll.u32 s3, $0x3;
	s3 =	ssub.s32 $0x2, s3  }
0xb: {  	[dreg:$0x4] =	wrdreg s9;
	s9 =	simm.s32 $0x4;
	s0 =	sadd.s32 s6, s0  }
0xc: {  	s19 =	sshrl.u32 s3, $0x1;
	s20 =	sadd.s32 s8, s1;
	s21 =	sshrl.u32 s7, $0x3  }
0xd: {  	s7 =	sor.u32 $0x1C09, s22;
	s8 =	sadd.s32 s8, s2;
	s14 =	sadd.s32 s24, s5  }
0xe: {  	s22 =	simm.s32 $0x100;
	s24 =	simm.s32 $0x200;
	s6 =	sadd.s32 s5, s21  }
0xf: {  	s3 =	ssub.s32 s3, s19;
	s26 =	sshrl.u32 s8, $0x3;
	[dreg:$0x5] =	wrdreg s6  }
0x10: {  	s0 =	sadd.s32 s10, s0;
	s11 =	sshrl.u32 s20, $0x3;
	[dreg:$0xd] =	wrdreg s26  }
0x11: {  	s19 =	simm.s32 $0x8;
	s12 =	sadd.s32 $0xA000, s6;
	[dreg:$0xc] =	wrdreg s11  }
0x12: {  	s21 =	simm.s32 $0x400;
	s23 =	sadd.s32 $0x20, s6;
	[dreg:$0x6] =	wrdreg s12  }
0x13: {  	s5 =	simm.s32 $0x3;
	s6 =	sadd.s32 $0xA020, s6;
	[dreg:$0x7] =	wrdreg s23  }
0x14: {  	s8 =	simm.s32 $0x7;
	s3 =	smax.u32 s3, $0x1;
	[dreg:$0x8] =	wrdreg s6  }
0x15: {  	s10 =	simm.s32 $0x0;
	s25 =	sadd.s32 $0x18000, s0;
	[dreg:$0x9] =	wrdreg s3  }
0x16: {  	s0 =	sadd.s32 $0x41400, s0;
	s26 =	simm.s32 $0x5;
	[dreg:$0xa] =	wrdreg s25  }
0x17: {  	[dreg:$0xb] =	wrdreg s0;
	s12 =	simm.s32 $0x10;
	s23 =	simm.s32 $0x500  }
0x18: {  	s25 =	simm.s32 $0x600;
	s0 =	simm.s32 $0x4800;
	s3 =	simm.s32 $0x2  }
.LBB2_1:
0x19: {  	s6 =	rddreg [dreg:$0x4]  }
0x1a: {  	[spmem:s11], [sflag:s7] =	dma.local [hbm:s6], $0x1400  }
0x1b: {  	_ =	swait.ge [sflag:s16], $0x1400  }
0x1c: {  	[sflag:s16] =	ssyncset.done $0x0;
	s17 =	rddreg [dreg:$0xa]  }
0x1d: {  	s20 =	rddreg [dreg:$0xd];
	[sflag:s16] =	ssyncadd.s32 $0xFFFFEC00  }
0x1e: {  	[spmem:s20@s19], [sflag:s7] =	dma.strided [hbm:s17@s12], $0x1400, s18, $0x8   }
0x1f: {  	_ =	swait.ge [sflag:s16], $0x1400  }
0x20: {  	[sflag:s16] =	ssyncset.done $0x0  }
0x21: {  	[sflag:s16] =	ssyncadd.s32 $0xFFFFEC00  }
0x22: {  	[bflag:$0x0] =	sbarrier.arrive $0xFFFF  }
0x23: {  	s13 =	rddreg [dreg:$0x5]  }
0x24: {  	[tilespmem:s4], [sflag:$0x5] =	stream.linear.gather [hbm4b:s13+s4], $0x100, $0x38;
	[tilespmem:$0x1C800] =	vst v63  }
0x25: {  	s15 =	rddreg [dreg:$0x6]  }
0x26: {  	[tilespmem:s21], [sflag:$0x5] =	stream.linear.gather [hbm4b:s15+s4], $0x100, $0x38;
	[tilespmem:$0x1C800] =	vst v63  }
0x27: {  	p0 =	por $0x1, $0x1;
	s17 =	rddreg [dreg:$0x7]  }
0x28: {  	[tilespmem:s22], [sflag:$0x6] =	stream.linear.gather [hbm4b:s17+s4], $0x100, $0x38;
	[tilespmem:$0x1C800] =	vst v63  }
0x29: {  	s11 =	simm.s32 @!p0 $0x3;
	s20 =	rddreg [dreg:$0x8]  }
0x2a: {  	[tilespmem:s23], [sflag:$0x6] =	stream.linear.gather [hbm4b:s20+s4], $0x100, $0x38;
	[tilespmem:$0x1C800] =	vst v63  }
0x2b: {  	_ =	swait.ge @!p0 [sflag:s11], $0x4000  }
0x2c: {  	s6 =	sadd.s32 $0x0, s14;
	[sflag:s11] =	ssyncset.done @!p0 $0x0  }
0x2d: {  	s13 =	sadd.s32 $0x40, s6;
	[sflag:s11] =	ssyncadd.s32 @!p0 $0xFFFFC000  }
0x2e: {  	[tilespmem:s24], [sflag:$0x7] =	stream.linear.gather [hbm4b:s13+s4], $0x100, $0x38;
	[tilespmem:$0x1C800] =	vst v63  }
0x2f: {  	s15 =	sadd.s32 $0xA040, s6  }
0x30: {  	[tilespmem:s25], [sflag:$0x7] =	stream.linear.gather [hbm4b:s15+s4], $0x100, $0x38;
	[tilespmem:$0x1C800] =	vst v63  }
0x31: {  	_ =	swait.ge [sflag:s26], $0x100  }
0x32: {  	[sflag:s26] =	ssyncset.done $0x0  }
0x33: {  	[sflag:s26] =	ssyncadd.s32 $0xFFFFFF00  }
0x34: {  	_ =	swait.ge [sflag:s26], $0x100  }
0x35: {  	[sflag:s26] =	ssyncset.done $0x0  }
0x36: {  	[sflag:s26] =	ssyncadd.s32 $0xFFFFFF00  }
0x37: {  	[tilespmem:s28], [sflag:$0x1] =	stream.indirect.gather [spmem:s2], $0x40, s4, s22, $0xb8;
	[tilespmem:$0x1C800] =	vst v63  }
0x38: {  	_ =	swait.ge [sflag:s18], $0x4000  }
0x39: {  	[sflag:s18] =	ssyncset.done $0x0  }
0x3a: {  	s11 =	simm.s32 @!p0 $0x4;
	[sflag:s18] =	ssyncadd.s32 $0xFFFFC000  }
0x3b: {  	[spmem:s1] =	stream.indirect.scatter.add.f32 [tilespmem:s28], [sflag:$0x3], $0x40, s21, s22, $0xb8;
	[tilespmem:$0x1C800] =	vst v63  }
0x3c: {  	_ =	swait.ge @!p0 [sflag:s11], $0x4000  }
0x3d: {  	[sflag:s11] =	ssyncset.done @!p0 $0x0  }
0x3e: {  	s17 =	sadd.s32 $0x60, s6;
	[sflag:s11] =	ssyncadd.s32 @!p0 $0xFFFFC000  }
0x3f: {  	[tilespmem:s29], [sflag:$0x8] =	stream.linear.gather [hbm4b:s17+s4], $0x100, $0x38;
	[tilespmem:$0x1C800] =	vst v63  }
0x40: {  	s20 =	sadd.s32 $0xA060, s6  }
0x41: {  	[tilespmem:s30], [sflag:$0x8] =	stream.linear.gather [hbm4b:s20+s4], $0x100, $0x38;
	[tilespmem:$0x1C800] =	vst v63  }
0x42: {  	_ =	swait.ge [sflag:s31], $0x100  }
0x43: {  	[sflag:s31] =	ssyncset.done $0x0  }
0x44: {  	[sflag:s31] =	ssyncadd.s32 $0xFFFFFF00  }
0x45: {  	_ =	swait.ge [sflag:s31], $0x100  }
0x46: {  	[sflag:s31] =	ssyncset.done $0x0  }
0x47: {  	[sflag:s31] =	ssyncadd.s32 $0xFFFFFF00  }
0x48: {  	[tilespmem:s0], [sflag:$0x2] =	stream.indirect.gather [spmem:s2], $0x40, s22, s22, $0xb8;
	[tilespmem:$0x1C800] =	vst v63  }
0x49: {  	_ =	swait.ge [sflag:s3], $0x4000  }
0x4a: {  	[sflag:s3] =	ssyncset.done $0x0  }
0x4b: {  	[sflag:s3] =	ssyncadd.s32 $0xFFFFC000  }
0x4c: {  	[spmem:s1] =	stream.indirect.scatter.add.f32 [tilespmem:s0], [sflag:$0x4], $0x40, s23, s22, $0xb8;
	[tilespmem:$0x1C800] =	vst v63  }
0x4d: {  	p0 =	por $0x0, $0x0;
	_ =	swait.ge [sflag:s5], $0x4000  }
0x4e: {  	s11 =	sadd.s32 @!p0 $0x0, s14;
	[sflag:s5] =	ssyncset.done $0x0  }
0x4f: {  	s13 =	simm.s32 @!p0 $0x0;
	s12 =	sadd.s32 @!p0 $0x80, s11;
	[sflag:s5] =	ssyncadd.s32 $0xFFFFC000  }
0x50: {  	[tilespmem:s13], [sflag:$0x5] =	stream.linear.gather @!p0 [hbm4b:s12+s13], $0x100, $0x38;
	[tilespmem:$0x1C800] =	vst v63  }
0x51: {  	s20 =	simm.s32 @!p0 $0x400;
	s12 =	sadd.s32 @!p0 $0xA080, s11  }
0x52: {  	[tilespmem:s20], [sflag:$0x5] =	stream.linear.gather @!p0 [hbm4b:s12+s13], $0x100, $0x38;
	[tilespmem:$0x1C800] =	vst v63  }
0x53: {  	_ =	swait.ge [sflag:s8], $0x100  }
0x54: {  	[sflag:s8] =	ssyncset.done $0x0  }
0x55: {  	[sflag:s8] =	ssyncadd.s32 $0xFFFFFF00  }
0x56: {  	_ =	swait.ge [sflag:s8], $0x100  }
0x57: {  	[sflag:s8] =	ssyncset.done $0x0  }
0x58: {  	[sflag:s8] =	ssyncadd.s32 $0xFFFFFF00  }
0x59: {  	[tilespmem:s28], [sflag:$0x1] =	stream.indirect.gather [spmem:s2], $0x40, s24, s22, $0xb8;
	[tilespmem:$0x1C800] =	vst v63  }
0x5a: {  	_ =	swait.ge [sflag:s18], $0x4000  }
0x5b: {  	[sflag:s18] =	ssyncset.done $0x0  }
0x5c: {  	[sflag:s18] =	ssyncadd.s32 $0xFFFFC000  }
0x5d: {  	[spmem:s1] =	stream.indirect.scatter.add.f32 [tilespmem:s28], [sflag:$0x3], $0x40, s25, s22, $0xb8;
	[tilespmem:$0x1C800] =	vst v63  }
0x5e: {  	_ =	swait.ge [sflag:s9], $0x4000  }
0x5f: {  	[sflag:s9] =	ssyncset.done $0x0  }
0x60: {  	s12 =	sadd.s32 @!p0 $0xA0, s11;
	s20 =	simm.s32 @!p0 $0x100;
	[sflag:s9] =	ssyncadd.s32 $0xFFFFC000  }
0x61: {  	[tilespmem:s20], [sflag:$0x6] =	stream.linear.gather @!p0 [hbm4b:s12+s13], $0x100, $0x38;
	[tilespmem:$0x1C800] =	vst v63  }
0x62: {  	s11 =	sadd.s32 @!p0 $0xA0A0, s11;
	s12 =	simm.s32 @!p0 $0x500  }
0x63: {  	[tilespmem:s12], [sflag:$0x6] =	stream.linear.gather @!p0 [hbm4b:s11+s13], $0x100, $0x38;
	[tilespmem:$0x1C800] =	vst v63  }
0x64: {  	_ =	swait.ge [sflag:s19], $0x100  }
0x65: {  	[sflag:s19] =	ssyncset.done $0x0  }
0x66: {  	[sflag:s19] =	ssyncadd.s32 $0xFFFFFF00  }
0x67: {  	_ =	swait.ge [sflag:s19], $0x100  }
0x68: {  	[sflag:s19] =	ssyncset.done $0x0  }
0x69: {  	[sflag:s19] =	ssyncadd.s32 $0xFFFFFF00  }
0x6a: {  	[tilespmem:s0], [sflag:$0x2] =	stream.indirect.gather [spmem:s2], $0x40, s29, s22, $0xb8;
	[tilespmem:$0x1C800] =	vst v63  }
0x6b: {  	p1 =	por $0x0, $0x0;
	_ =	swait.ge [sflag:s3], $0x4000  }
0x6c: {  	s11 =	simm.s32 $0x80;
	s12 =	simm.s32 $0x100;
	[sflag:s3] =	ssyncset.done $0x0  }
.LBB2_2:
0x6d: {  	s20 =	simm.s32 @!p1 $0x3  }
0x6e: {  	[sflag:s3] =	ssyncadd.s32 $0xFFFFC000;
	s13 =	smov.u32 s12;
	s12 =	sadd.s32 $0x80, s12  }
0x6f: {  	[spmem:s1] =	stream.indirect.scatter.add.f32 [tilespmem:s0], [sflag:$0x4], $0x40, s30, s22, $0xb8;
	[tilespmem:$0x1C800] =	vst v63  }
0x70: {  	p0 =	sne.s32 s12, $0xA00;
	_ =	swait.ge @!p1 [sflag:s20], $0x4000  }
0x71: {  	s17 =	sadd.s32 s11, s14;
	[sflag:s20] =	ssyncset.done @!p1 $0x0  }
0x72: {  	[sflag:s20] =	ssyncadd.s32 @!p1 $0xFFFFC000;
	s20 =	sadd.s32 $0x40, s17  }
0x73: {  	[tilespmem:s24], [sflag:$0x7] =	stream.linear.gather [hbm4b:s20+s4], $0x100, $0x38;
	[tilespmem:$0x1C800] =	vst v63  }
0x74: {  	s20 =	sadd.s32 $0xA040, s17  }
0x75: {  	[tilespmem:s25], [sflag:$0x7] =	stream.linear.gather [hbm4b:s20+s4], $0x100, $0x38;
	[tilespmem:$0x1C800] =	vst v63  }
0x76: {  	_ =	swait.ge [sflag:s26], $0x100  }
0x77: {  	[sflag:s26] =	ssyncset.done $0x0  }
0x78: {  	[sflag:s26] =	ssyncadd.s32 $0xFFFFFF00  }
0x79: {  	_ =	swait.ge [sflag:s26], $0x100  }
0x7a: {  	[sflag:s26] =	ssyncset.done $0x0  }
0x7b: {  	[sflag:s26] =	ssyncadd.s32 $0xFFFFFF00  }
0x7c: {  	[tilespmem:s28], [sflag:$0x1] =	stream.indirect.gather [spmem:s2], $0x40, s4, s22, $0xb8;
	[tilespmem:$0x1C800] =	vst v63  }
0x7d: {  	_ =	swait.ge [sflag:s18], $0x4000  }
0x7e: {  	[sflag:s18] =	ssyncset.done $0x0  }
0x7f: {  	s20 =	simm.s32 @!p1 $0x4;
	[sflag:s18] =	ssyncadd.s32 $0xFFFFC000  }
0x80: {  	[spmem:s1] =	stream.indirect.scatter.add.f32 [tilespmem:s28], [sflag:$0x3], $0x40, s21, s22, $0xb8;
	[tilespmem:$0x1C800] =	vst v63  }
0x81: {  	_ =	swait.ge @!p1 [sflag:s20], $0x4000  }
0x82: {  	[sflag:s20] =	ssyncset.done @!p1 $0x0  }
0x83: {  	[sflag:s20] =	ssyncadd.s32 @!p1 $0xFFFFC000;
	s20 =	sadd.s32 $0x60, s17  }
0x84: {  	[tilespmem:s29], [sflag:$0x8] =	stream.linear.gather [hbm4b:s20+s4], $0x100, $0x38;
	[tilespmem:$0x1C800] =	vst v63  }
0x85: {  	s17 =	sadd.s32 $0xA060, s17  }
0x86: {  	[tilespmem:s30], [sflag:$0x8] =	stream.linear.gather [hbm4b:s17+s4], $0x100, $0x38;
	[tilespmem:$0x1C800] =	vst v63  }
0x87: {  	_ =	swait.ge [sflag:s31], $0x100  }
0x88: {  	[sflag:s31] =	ssyncset.done $0x0  }
0x89: {  	[sflag:s31] =	ssyncadd.s32 $0xFFFFFF00  }
0x8a: {  	_ =	swait.ge [sflag:s31], $0x100  }
0x8b: {  	[sflag:s31] =	ssyncset.done $0x0  }
0x8c: {  	[sflag:s31] =	ssyncadd.s32 $0xFFFFFF00  }
0x8d: {  	[tilespmem:s0], [sflag:$0x2] =	stream.indirect.gather [spmem:s2], $0x40, s22, s22, $0xb8;
	[tilespmem:$0x1C800] =	vst v63  }
0x8e: {  	_ =	swait.ge [sflag:s3], $0x4000  }
0x8f: {  	[sflag:s3] =	ssyncset.done $0x0  }
0x90: {  	[sflag:s3] =	ssyncadd.s32 $0xFFFFC000  }
0x91: {  	[spmem:s1] =	stream.indirect.scatter.add.f32 [tilespmem:s0], [sflag:$0x4], $0x40, s23, s22, $0xb8;
	[tilespmem:$0x1C800] =	vst v63  }
0x92: {  	p1 =	seq.s32 s11, $0x980;
	_ =	swait.ge [sflag:s5], $0x4000  }
0x93: {  	s17 =	sadd.s32 @!p1 s11, s14;
	s11 =	smov.u32 s13;
	[sflag:s5] =	ssyncset.done $0x0  }
0x94: {  	s20 =	simm.s32 @!p1 $0x0;
	s13 =	sadd.s32 @!p1 $0x80, s17;
	[sflag:s5] =	ssyncadd.s32 $0xFFFFC000  }
0x95: {  	[tilespmem:s20], [sflag:$0x5] =	stream.linear.gather @!p1 [hbm4b:s13+s20], $0x100, $0x38;
	[tilespmem:$0x1C800] =	vst v63  }
0x96: {  	s6 =	simm.s32 @!p1 $0x400;
	s15 =	sadd.s32 @!p1 $0xA0, s17;
	s13 =	sadd.s32 @!p1 $0xA080, s17  }
0x97: {  	[tilespmem:s6], [sflag:$0x5] =	stream.linear.gather @!p1 [hbm4b:s13+s20], $0x100, $0x38;
	[tilespmem:$0x1C800] =	vst v63  }
0x98: {  	s6 =	sadd.s32 @!p1 $0xA0A0, s17;
	_ =	swait.ge [sflag:s8], $0x100  }
0x99: {  	[sflag:s8] =	ssyncset.done $0x0  }
0x9a: {  	[sflag:s8] =	ssyncadd.s32 $0xFFFFFF00  }
0x9b: {  	_ =	swait.ge [sflag:s8], $0x100  }
0x9c: {  	[sflag:s8] =	ssyncset.done $0x0  }
0x9d: {  	[sflag:s8] =	ssyncadd.s32 $0xFFFFFF00  }
0x9e: {  	[tilespmem:s28], [sflag:$0x1] =	stream.indirect.gather [spmem:s2], $0x40, s24, s22, $0xb8;
	[tilespmem:$0x1C800] =	vst v63  }
0x9f: {  	_ =	swait.ge [sflag:s18], $0x4000  }
0xa0: {  	[sflag:s18] =	ssyncset.done $0x0  }
0xa1: {  	[sflag:s18] =	ssyncadd.s32 $0xFFFFC000  }
0xa2: {  	[spmem:s1] =	stream.indirect.scatter.add.f32 [tilespmem:s28], [sflag:$0x3], $0x40, s25, s22, $0xb8;
	[tilespmem:$0x1C800] =	vst v63  }
0xa3: {  	_ =	swait.ge [sflag:s9], $0x4000  }
0xa4: {  	[sflag:s9] =	ssyncset.done $0x0  }
0xa5: {  	s13 =	simm.s32 @!p1 $0x100;
	[sflag:s9] =	ssyncadd.s32 $0xFFFFC000  }
0xa6: {  	[tilespmem:s13], [sflag:$0x6] =	stream.linear.gather @!p1 [hbm4b:s15+s20], $0x100, $0x38;
	[tilespmem:$0x1C800] =	vst v63  }
0xa7: {  	s13 =	simm.s32 @!p1 $0x500  }
0xa8: {  	[tilespmem:s13], [sflag:$0x6] =	stream.linear.gather @!p1 [hbm4b:s6+s20], $0x100, $0x38;
	[tilespmem:$0x1C800] =	vst v63  }
0xa9: {  	_ =	swait.ge [sflag:s19], $0x100  }
0xaa: {  	[sflag:s19] =	ssyncset.done $0x0  }
0xab: {  	[sflag:s19] =	ssyncadd.s32 $0xFFFFFF00  }
0xac: {  	_ =	swait.ge [sflag:s19], $0x100  }
.Ltmp0:
0xad: {  	[sflag:s19] =	ssyncset.done $0x0;
	(pc) =	sbr.rel @p0 .LBB2_2-.Ltmp0, $4  }
0xae: {  	[sflag:s19] =	ssyncadd.s32 $0xFFFFFF00  }
0xaf: {  	[tilespmem:s0], [sflag:$0x2] =	stream.indirect.gather [spmem:s2], $0x40, s29, s22, $0xb8;
	[tilespmem:$0x1C800] =	vst v63  }
0xb0: {  	_ =	swait.ge [sflag:s3], $0x4000  }
0xb1: {  	p1 =	seq.s32 s11, $0x0;
	[sflag:s3] =	ssyncset.done $0x0  }
0xb2: {  	s6 =	simm.s32 @!p1 $0x3;
	[sflag:s3] =	ssyncadd.s32 $0xFFFFC000  }
0xb3: {  	[spmem:s1] =	stream.indirect.scatter.add.f32 [tilespmem:s0], [sflag:$0x4], $0x40, s30, s22, $0xb8;
	[tilespmem:$0x1C800] =	vst v63  }
0xb4: {  	_ =	swait.ge @!p1 [sflag:s6], $0x4000  }
0xb5: {  	s12 =	sadd.s32 s11, s14;
	[sflag:s6] =	ssyncset.done @!p1 $0x0  }
0xb6: {  	s17 =	sadd.s32 $0x40, s12;
	[sflag:s6] =	ssyncadd.s32 @!p1 $0xFFFFC000  }
0xb7: {  	[tilespmem:s24], [sflag:$0x7] =	stream.linear.gather [hbm4b:s17+s4], $0x100, $0x38;
	[tilespmem:$0x1C800] =	vst v63  }
0xb8: {  	s20 =	sadd.s32 $0xA040, s12  }
0xb9: {  	[tilespmem:s25], [sflag:$0x7] =	stream.linear.gather [hbm4b:s20+s4], $0x100, $0x38;
	[tilespmem:$0x1C800] =	vst v63  }
0xba: {  	_ =	swait.ge [sflag:s26], $0x100  }
0xbb: {  	[sflag:s26] =	ssyncset.done $0x0  }
0xbc: {  	[sflag:s26] =	ssyncadd.s32 $0xFFFFFF00  }
0xbd: {  	_ =	swait.ge [sflag:s26], $0x100  }
0xbe: {  	[sflag:s26] =	ssyncset.done $0x0  }
0xbf: {  	[sflag:s26] =	ssyncadd.s32 $0xFFFFFF00  }
0xc0: {  	[tilespmem:s28], [sflag:$0x1] =	stream.indirect.gather [spmem:s2], $0x40, s4, s22, $0xb8;
	[tilespmem:$0x1C800] =	vst v63  }
0xc1: {  	_ =	swait.ge [sflag:s18], $0x4000  }
0xc2: {  	[sflag:s18] =	ssyncset.done $0x0  }
0xc3: {  	s6 =	simm.s32 @!p1 $0x4;
	[sflag:s18] =	ssyncadd.s32 $0xFFFFC000  }
0xc4: {  	[spmem:s1] =	stream.indirect.scatter.add.f32 [tilespmem:s28], [sflag:$0x3], $0x40, s21, s22, $0xb8;
	[tilespmem:$0x1C800] =	vst v63  }
0xc5: {  	_ =	swait.ge @!p1 [sflag:s6], $0x4000  }
0xc6: {  	[sflag:s6] =	ssyncset.done @!p1 $0x0  }
0xc7: {  	s13 =	sadd.s32 $0x60, s12;
	[sflag:s6] =	ssyncadd.s32 @!p1 $0xFFFFC000  }
0xc8: {  	[tilespmem:s29], [sflag:$0x8] =	stream.linear.gather [hbm4b:s13+s4], $0x100, $0x38;
	[tilespmem:$0x1C800] =	vst v63  }
0xc9: {  	s15 =	sadd.s32 $0xA060, s12  }
0xca: {  	[tilespmem:s30], [sflag:$0x8] =	stream.linear.gather [hbm4b:s15+s4], $0x100, $0x38;
	[tilespmem:$0x1C800] =	vst v63  }
0xcb: {  	_ =	swait.ge [sflag:s31], $0x100  }
0xcc: {  	[sflag:s31] =	ssyncset.done $0x0  }
0xcd: {  	[sflag:s31] =	ssyncadd.s32 $0xFFFFFF00  }
0xce: {  	_ =	swait.ge [sflag:s31], $0x100  }
0xcf: {  	[sflag:s31] =	ssyncset.done $0x0  }
0xd0: {  	[sflag:s31] =	ssyncadd.s32 $0xFFFFFF00  }
0xd1: {  	[tilespmem:s0], [sflag:$0x2] =	stream.indirect.gather [spmem:s2], $0x40, s22, s22, $0xb8;
	[tilespmem:$0x1C800] =	vst v63  }
0xd2: {  	_ =	swait.ge [sflag:s3], $0x4000  }
0xd3: {  	[sflag:s3] =	ssyncset.done $0x0  }
0xd4: {  	[sflag:s3] =	ssyncadd.s32 $0xFFFFC000  }
0xd5: {  	[spmem:s1] =	stream.indirect.scatter.add.f32 [tilespmem:s0], [sflag:$0x4], $0x40, s23, s22, $0xb8;
	[tilespmem:$0x1C800] =	vst v63  }
0xd6: {  	p0 =	seq.s32 s11, $0x980;
	_ =	swait.ge [sflag:s5], $0x4000  }
0xd7: {  	s6 =	sadd.s32 @!p0 s11, s14;
	[sflag:s5] =	ssyncset.done $0x0  }
0xd8: {  	s12 =	simm.s32 @!p0 $0x0;
	s11 =	sadd.s32 @!p0 $0x80, s6;
	[sflag:s5] =	ssyncadd.s32 $0xFFFFC000  }
0xd9: {  	[tilespmem:s12], [sflag:$0x5] =	stream.linear.gather @!p0 [hbm4b:s11+s12], $0x100, $0x38;
	[tilespmem:$0x1C800] =	vst v63  }
0xda: {  	s13 =	simm.s32 @!p0 $0x400;
	s11 =	sadd.s32 @!p0 $0xA080, s6  }
0xdb: {  	[tilespmem:s13], [sflag:$0x5] =	stream.linear.gather @!p0 [hbm4b:s11+s12], $0x100, $0x38;
	[tilespmem:$0x1C800] =	vst v63  }
0xdc: {  	_ =	swait.ge [sflag:s8], $0x100  }
0xdd: {  	[sflag:s8] =	ssyncset.done $0x0  }
0xde: {  	[sflag:s8] =	ssyncadd.s32 $0xFFFFFF00  }
0xdf: {  	_ =	swait.ge [sflag:s8], $0x100  }
0xe0: {  	[sflag:s8] =	ssyncset.done $0x0  }
0xe1: {  	[sflag:s8] =	ssyncadd.s32 $0xFFFFFF00  }
0xe2: {  	[tilespmem:s28], [sflag:$0x1] =	stream.indirect.gather [spmem:s2], $0x40, s24, s22, $0xb8;
	[tilespmem:$0x1C800] =	vst v63  }
0xe3: {  	_ =	swait.ge [sflag:s18], $0x4000  }
0xe4: {  	[sflag:s18] =	ssyncset.done $0x0  }
0xe5: {  	[sflag:s18] =	ssyncadd.s32 $0xFFFFC000  }
0xe6: {  	[spmem:s1] =	stream.indirect.scatter.add.f32 [tilespmem:s28], [sflag:$0x3], $0x40, s25, s22, $0xb8;
	[tilespmem:$0x1C800] =	vst v63  }
0xe7: {  	_ =	swait.ge [sflag:s9], $0x4000  }
0xe8: {  	[sflag:s9] =	ssyncset.done $0x0  }
0xe9: {  	s11 =	sadd.s32 @!p0 $0xA0, s6;
	s13 =	simm.s32 @!p0 $0x100;
	[sflag:s9] =	ssyncadd.s32 $0xFFFFC000  }
0xea: {  	[tilespmem:s13], [sflag:$0x6] =	stream.linear.gather @!p0 [hbm4b:s11+s12], $0x100, $0x38;
	[tilespmem:$0x1C800] =	vst v63  }
0xeb: {  	s6 =	sadd.s32 @!p0 $0xA0A0, s6;
	s11 =	simm.s32 @!p0 $0x500  }
0xec: {  	[tilespmem:s11], [sflag:$0x6] =	stream.linear.gather @!p0 [hbm4b:s6+s12], $0x100, $0x38;
	[tilespmem:$0x1C800] =	vst v63  }
0xed: {  	_ =	swait.ge [sflag:s19], $0x100  }
0xee: {  	[sflag:s19] =	ssyncset.done $0x0  }
0xef: {  	[sflag:s19] =	ssyncadd.s32 $0xFFFFFF00  }
0xf0: {  	_ =	swait.ge [sflag:s19], $0x100  }
0xf1: {  	[sflag:s19] =	ssyncset.done $0x0  }
0xf2: {  	[sflag:s19] =	ssyncadd.s32 $0xFFFFFF00  }
0xf3: {  	[tilespmem:s0], [sflag:$0x2] =	stream.indirect.gather [spmem:s2], $0x40, s29, s22, $0xb8;
	[tilespmem:$0x1C800] =	vst v63  }
0xf4: {  	_ =	swait.ge [sflag:s3], $0x4000  }
0xf5: {  	[sflag:s3] =	ssyncset.done $0x0  }
0xf6: {  	[sflag:s3] =	ssyncadd.s32 $0xFFFFC000  }
0xf7: {  	[spmem:s1] =	stream.indirect.scatter.add.f32 [tilespmem:s0], [sflag:$0x4], $0x40, s30, s22, $0xb8;
	[tilespmem:$0x1C800] =	vst v63  }
0xf8: {  	_ =	swait.ge [sflag:s5], $0x4000  }
0xf9: {  	[sflag:s5] =	ssyncset.done $0x0  }
0xfa: {  	[sflag:s5] =	ssyncadd.s32 $0xFFFFC000  }
0xfb: {  	_ =	swait.ge [sflag:s9], $0x4000  }
0xfc: {  	[sflag:s9] =	ssyncset.done $0x0  }
0xfd: {  	[sflag:s9] =	ssyncadd.s32 $0xFFFFC000  }
0xfe: {  	[bflag:$0x0] =	sbarrier.arrive $0xFFFF  }
0xff: {  	s17 =	rddreg [dreg:$0xb]  }
0x100: {  	s12 =	simm.s32 $0x10;
	s11 =	rddreg [dreg:$0xc]  }
0x101: {  	[hbm:s17@s12], [sflag:s7] =	dma.strided [spmem:s11@s19], $0x1400, s18, $0x8   }
0x102: {  	_ =	swait.ge [sflag:s16], $0x1400  }
0x103: {  	s10 =	sadd.s32 $0x1, s10;
	s20 =	rddreg [dreg:$0x9]  }
0x104: {  	p0 =	sne.s32 s10, s20  }
.Ltmp1:
0x105: {  	_ = 	snop;
	(pc) =	sbr.rel @p0 .LBB2_1-.Ltmp1, $3  }
0x106: {  	_ =	sdelay $0x1  }
0x107: {  	[sflag:s16] =	ssyncset.done $0x0  }
0x108: {  	[sflag:s16] =	ssyncadd.s32 $0xFFFFEC00  }
0x109: {  	_ =	sfence.sel $0x180000  }
0x10a: {  	[bflag:$0x0] =	sbarrier.arrive $0xFFFF  }
0x10b: {  	_ =	strace $0x90000050  }
0x10c: {  	s0 =	stileid.u32;
	[bflag:$0x2] =	sbarrier.arrive $0xFFFF  }
0x10d: {  	p0 =	sne.s32 s0, $0x0;
	s0 =	rddreg [dreg:$0x3]  }
0x10e: {  	s0 =	sadd.s32 @!p0 $0x100000, s0  }
0x10f: {  	[sflag:s0] =	ssyncadd.tile.s32 @!p0 $0x1;
	_ =	shalt  }
.Lfunc_end2:
_tile_overlayer_lowered:
.L_overlay_start_2:
0x110: {  	(tag) =	ssettag $0x2  }
0x111: {  	s0 =	rddreg [dreg:$0x0];
	s2 =	stileid.u32  }
0x112: {  	s1 =	rddreg [dreg:$0x1];
	p0 =	sne.s32 s2, $0x0  }
0x113: {  	s3 =	rddreg [dreg:$0x2];
	[bflag:$0x3] =	sbarrier.arrive $0xFFFF;
	s2 =	simm.s32 @!p0 $0x1C09  }
0x114: {  	[timem:s3], [sflag:s2] =	dma.local @!p0 [hbm:s0], s1  }
0x115: {  	s0 =	simm.s32 @!p0 $0x9  }
0x116: {  	_ =	swait.ge @!p0 [sflag:s0], s1  }
0x117: {  	s1 =	ssub.s32 @!p0 $0x0, s1;
	[sflag:s0] =	ssyncset.done @!p0 $0x0  }
0x118: {  	[sflag:s0] =	ssyncadd.s32 @!p0 s1  }
0x119: {  	[bflag:$0x3] =	sbarrier.arrive $0xFFFF  }
0x11a: {  	_ =	shalt  }

</sc_bundles>
